<compile_context>
chip_gen: v7x
topology: tpu7x:2x2x1
jax: 0.10.2.dev20260603
libtpu: 0.0.44.dev20260713+nightly
codegen_flags: <defaults>
</compile_context>

<pallas_src>
import functools

import jax
import jax.numpy as jnp
from jax import lax
from jax.experimental import pallas as pl
from jax.experimental.pallas import tpu as pltpu
from jax.experimental.pallas import tpu_sc as plsc

_NUM = 13
_CAT = 26
_V = 100000
_D = 32
_F = _NUM + _CAT

_NC = 2
_NS = 16
_NW = _NC * _NS
_NB = 128


def _gather_body(x_hbm, tab_hbm, out_hbm, xb, idx_v, gbuf, outb, sem):
  wid = lax.axis_index("s") * _NC + lax.axis_index("c")
  b = x_hbm.shape[0]
  b_per_w = b // _NW
  nblk = b_per_w // _NB

  def blk_body(blk, _):
    base = wid * b_per_w + blk * _NB
    pltpu.sync_copy(x_hbm.at[pl.ds(base, _NB), :], xb)
    lanes = lax.iota(jnp.int32, 16)
    for c in range(_CAT):
      col = jnp.full((16,), _NUM + c, jnp.int32)
      for j in range(_NB // 16):
        v = plsc.load_gather(xb, [lanes + (j * 16), col])
        idx_v[c, pl.ds(j * 16, 16)] = v.astype(jnp.int32)
    descs = []
    for c in range(_CAT):
      descs.append(
          pltpu.async_copy(tab_hbm.at[c].at[idx_v.at[c]], gbuf.at[c], sem))
    for d in descs:
      d.wait()
    def row_body(r, _):
      a0 = gbuf[0, r, pl.ds(0, 16)]
      a1 = gbuf[0, r, pl.ds(16, 16)]
      for c in range(1, _CAT):
        a0 = a0 + gbuf[c, r, pl.ds(0, 16)]
        a1 = a1 + gbuf[c, r, pl.ds(16, 16)]
      outb[r, pl.ds(0, 16)] = a0
      outb[r, pl.ds(16, 16)] = a1
      return 0
    lax.fori_loop(0, _NB, row_body, 0)
    pltpu.sync_copy(outb, out_hbm.at[pl.ds(base, _NB)])
    return 0

  lax.fori_loop(0, nblk, blk_body, 0)


def _sc_gather_sum(x, tables):
  b = x.shape[0]
  mesh = plsc.VectorSubcoreMesh(core_axis_name="c", subcore_axis_name="s")
  return pl.kernel(
      _gather_body,
      out_type=jax.ShapeDtypeStruct((b, _D), jnp.float32),
      mesh=mesh,
      scratch_types=[
          pltpu.VMEM((_NB, _F), jnp.float32),
          pltpu.VMEM((_CAT, _NB), jnp.int32),
          pltpu.VMEM((_CAT, _NB, _D), jnp.float32),
          pltpu.VMEM((_NB, _D), jnp.float32),
          pltpu.SemaphoreType.DMA,
      ],
      compiler_params=pltpu.CompilerParams(
          use_tc_tiling_on_sc=False, needs_layout_passes=False),
  )(x, tables)


def _tc_body(xn_ref, w_ref, b_ref, cs_ref, o_ref):
  xn = xn_ref[...]
  w = w_ref[...]
  bias_sum = jnp.sum(b_ref[...], axis=0, keepdims=True)
  num = jnp.dot(xn, w, preferred_element_type=jnp.float32)
  o_ref[...] = (num + bias_sum + cs_ref[...]) * (1.0 / _F)


def _tc_finalize(x_num, num_weights, num_biases, cat_sum):
  b = x_num.shape[0]
  bt = 4096
  grid = b // bt
  return pl.pallas_call(
      _tc_body,
      grid=(grid,),
      in_specs=[
          pl.BlockSpec((bt, _NUM), lambda i: (i, 0)),
          pl.BlockSpec((_NUM, _D), lambda i: (0, 0)),
          pl.BlockSpec((_NUM, _D), lambda i: (0, 0)),
          pl.BlockSpec((bt, _D), lambda i: (i, 0)),
      ],
      out_specs=pl.BlockSpec((bt, _D), lambda i: (i, 0)),
      out_shape=jax.ShapeDtypeStruct((b, _D), jnp.float32),
  )(x_num, num_weights, num_biases, cat_sum)


@jax.jit
def kernel(x, tables, num_weights, num_biases):
  x_num = x[:, :_NUM]
  cat_sum = _sc_gather_sum(x, tables)
  return _tc_finalize(x_num, num_weights, num_biases, cat_sum)

# --- scband reference (transcript-rebuilt; emitter-appended) ---
"""Pipeline reference for scband-flat-preprocessor-18021682774100 (READ-ONLY COPY).

The authoritative reference and input builder live on the scoring server;
editing this copy changes nothing except your own understanding.
"""

import jax, jax.numpy as jnp
import numpy as np

B = 16384
NUM = 13
CAT = 26
V = 100000
D = 32

def setup_inputs(seed: int = 0) -> dict:
    key = jax.random.key(seed)
    k1, k2, k3, k4, k5 = jax.random.split(key, 5)
    # forward input x: columns 0..12 numerical (floats), 13..38 categorical (indices stored as float)
    x_num = jax.random.normal(k1, (B, NUM), dtype=jnp.float32)
    x_cat = jax.random.randint(k2, (B, CAT), 0, V).astype(jnp.float32)
    x = jnp.concatenate([x_num, x_cat], axis=1)
    # learned parameters
    tables = jax.random.normal(k3, (CAT, V, D), dtype=jnp.float32) * 0.02  # 26 embedding tables
    num_weights = jax.random.normal(k4, (NUM, D), dtype=jnp.float32)       # FlatNumEmbeddingModel.weights
    num_biases = jax.random.normal(k5, (NUM, D), dtype=jnp.float32) * 0.01 # FlatNumEmbeddingModel.biases
    return {"x": x, "tables": tables, "num_weights": num_weights, "num_biases": num_biases}

def reference(x, tables, num_weights, num_biases):
    # FlatPreprocessor.forward with embeddings enabled, embedding_reduction='mean'
    x_num = x[:, :NUM]                       # x[:, numer_flat_idx]
    x_cat = x[:, NUM:].astype(jnp.int32)     # x[:, categ_flat_idx] -> long
    # FlatNumEmbeddingModel: rearrange(x,'b n -> b n 1') * weights + biases
    num_emb = x_num[:, :, None] * num_weights[None, :, :] + num_biases[None, :, :]  # [B, NUM, D]
    # FlatCatEmbeddingModel: per-field nn.Embedding lookup, then stack on dim=1
    cat_embs = [jnp.take(tables[i], x_cat[:, i], axis=0) for i in range(CAT)]
    cat_emb = jnp.stack(cat_embs, axis=1)    # [B, CAT, D]
    out = jnp.concatenate([num_emb, cat_emb], axis=1)  # [B, NUM+CAT, D]
    # mean reduction over the feature axis
    out = jnp.mean(out, axis=1)              # [B, D]
    return out

if __name__ == "__main__":
    import jax
    _d = setup_inputs()
    print(jax.jit(kernel)(*tuple(_d.values())))

</pallas_src>

<mosaic_0001>
#map = affine_map<(d0, d1) -> (0, 0)>
#map1 = affine_map<(d0, d1) -> (0, 0, 0)>
module attributes {stable_mosaic.version = 14 : i64} {
  func.func @_gather_body(%arg0: i32, %arg1: i32, %arg2: memref<16384x39xf32, #tpu.memory_space<hbm>>, %arg3: memref<26x100000x32xf32, #tpu.memory_space<hbm>>, %arg4: memref<16384x32xf32, #tpu.memory_space<hbm>>, %arg5: memref<128x39xf32, #tpu.memory_space<vmem>>, %arg6: memref<26x128xi32, #tpu.memory_space<vmem>>, %arg7: memref<26x128x32xf32, #tpu.memory_space<vmem>>, %arg8: memref<128x32xf32, #tpu.memory_space<vmem>>, %arg9: memref<!tpu.dma_semaphore, #tpu.memory_space<semaphore_mem>>) attributes {dimension_semantics = [#tpu.dimension_semantics<core_parallel>, #tpu.dimension_semantics<subcore_parallel>], iteration_bounds = array<i64: 2, 16>, scalar_prefetch = 0 : i64, scratch_operands = 5 : i64, tpu.core_type = #tpu.core_type<sc_vector_subcore>, window_params = [{transform_indices = #map}, {transform_indices = #map1}, {transform_indices = #map}]} {
    %mul3A = arith.constant 2 : i32
    %mul3A_0 = arith.muli %arg1, %mul3A : i32
    %add3A = arith.addi %mul3A_0, %arg0 : i32
    %scan3A = arith.constant 0 : i32
    %scan3A_1 = arith.constant 0 : i32
    %scan3A_2 = arith.constant 4 : i32
    %scan3A_3 = arith.addi %scan3A_1, %scan3A_2 : i32
    %scan3A_4 = arith.constant 1 : i32
    %scan3A_5 = scf.for %scan3A_7 = %scan3A_1 to %scan3A_3 step %scan3A_4 iter_args(%scan3A_8 = %scan3A) -> (i32)  : i32 {
      %mul3A_9 = arith.constant 512 : i32
      %mul3A_10 = arith.muli %add3A, %mul3A_9 : i32
      %mul3A_11 = arith.constant 128 : i32
      %mul3A_12 = arith.muli %scan3A_7, %mul3A_11 : i32
      %add3A_13 = arith.addi %mul3A_10, %mul3A_12 : i32
      "tpu.region"() ({
        %run_scoped3A = tpu.sem_alloc : memref<!tpu.dma_semaphore, #tpu.memory_space<semaphore_mem>>
        %dma_start3A_2824 = arith.constant 0 : i32
        %dma_start3A_2825 = tpu.memref_slice %arg2[%add3A_13, %dma_start3A_2824] : memref<16384x39xf32, #tpu.memory_space<hbm>> -> memref<128x39xf32, #tpu.memory_space<hbm>>
        %dma_start3A_2826 = arith.constant 0 : i32
        %dma_start3A_2827 = tpu.memref_slice %arg2[%add3A_13, %dma_start3A_2826] : memref<16384x39xf32, #tpu.memory_space<hbm>> -> memref<128x39xf32, #tpu.memory_space<hbm>>
        tpu.enqueue_dma source(%dma_start3A_2827 : memref<128x39xf32, #tpu.memory_space<hbm>>) target(%arg5 : memref<128x39xf32, #tpu.memory_space<vmem>>) target_semaphore(%run_scoped3A : memref<!tpu.dma_semaphore, #tpu.memory_space<semaphore_mem>>)
        %dma_wait3A_2828 = arith.constant 0 : i32
        %dma_wait3A_2829 = tpu.memref_slice %arg2[%add3A_13, %dma_wait3A_2828] : memref<16384x39xf32, #tpu.memory_space<hbm>> -> memref<128x39xf32, #tpu.memory_space<hbm>>
        %dma_wait3A_2830 = arith.constant 0 : i32
        %dma_wait3A_2831 = tpu.memref_slice %arg2[%add3A_13, %dma_wait3A_2830] : memref<16384x39xf32, #tpu.memory_space<hbm>> -> memref<128x39xf32, #tpu.memory_space<hbm>>
        tpu.wait_dma2 semaphore(%run_scoped3A : memref<!tpu.dma_semaphore, #tpu.memory_space<semaphore_mem>>) src(%dma_wait3A_2831 : memref<128x39xf32, #tpu.memory_space<hbm>>) dst(%arg5 : memref<128x39xf32, #tpu.memory_space<vmem>>)
        tpu.yield
      }) : () -> ()
      %iota3A = tpu.iota {dimensions = array<i32: 0>} : vector<16xi32>
      %broadcast_in_dim3A = arith.constant 13 : i32
      %broadcast_in_dim3A_14 = vector.broadcast %broadcast_in_dim3A : i32 to vector<16xi32>
      %add3A_15 = arith.constant 0 : i32
      %add3A_16 = vector.broadcast %add3A_15 : i32 to vector<16xi32>
      %add3A_17 = arith.addi %iota3A, %add3A_16 : vector<16xi32>
      %gather3A = tpu.vector_load_idx %arg5[%add3A_17, %broadcast_in_dim3A_14] : memref<128x39xf32, #tpu.memory_space<vmem>>[vector<16xi32>, vector<16xi32>], vector<16xf32>,
      %convert_element_type3A = arith.fptosi %gather3A : vector<16xf32> to vector<16xi32>
      %swap3A = arith.constant 0 : i32
      %swap3A_18 = arith.index_cast %swap3A : i32 to index
      %swap3A_19 = arith.constant 0 : index
      %swap3A_20 = tpu.vector_load %arg6[%swap3A_18, %swap3A_19] {strides = array<i32>} : memref<26x128xi32, #tpu.memory_space<vmem>>, vector<16xi32>,
      tpu.vector_store %arg6[%swap3A_18, %swap3A_19], %convert_element_type3A {strides = array<i32>} : memref<26x128xi32, #tpu.memory_space<vmem>>, vector<16xi32>,
      %add3A_21 = arith.constant 16 : i32
      %add3A_22 = vector.broadcast %add3A_21 : i32 to vector<16xi32>
      %add3A_23 = arith.addi %iota3A, %add3A_22 : vector<16xi32>
      %gather3A_24 = tpu.vector_load_idx %arg5[%add3A_23, %broadcast_in_dim3A_14] : memref<128x39xf32, #tpu.memory_space<vmem>>[vector<16xi32>, vector<16xi32>], vector<16xf32>,
      %convert_element_type3A_25 = arith.fptosi %gather3A_24 : vector<16xf32> to vector<16xi32>
      %swap3A_26 = arith.constant 0 : i32
      %swap3A_27 = arith.index_cast %swap3A_26 : i32 to index
      %swap3A_28 = arith.constant 16 : index
      %swap3A_29 = tpu.vector_load %arg6[%swap3A_27, %swap3A_28] {strides = array<i32>} : memref<26x128xi32, #tpu.memory_space<vmem>>, vector<16xi32>,
      tpu.vector_store %arg6[%swap3A_27, %swap3A_28], %convert_element_type3A_25 {strides = array<i32>} : memref<26x128xi32, #tpu.memory_space<vmem>>, vector<16xi32>,
      %add3A_30 = arith.constant 32 : i32
      %add3A_31 = vector.broadcast %add3A_30 : i32 to vector<16xi32>
      %add3A_32 = arith.addi %iota3A, %add3A_31 : vector<16xi32>
      %gather3A_33 = tpu.vector_load_idx %arg5[%add3A_32, %broadcast_in_dim3A_14] : memref<128x39xf32, #tpu.memory_space<vmem>>[vector<16xi32>, vector<16xi32>], vector<16xf32>,
      %convert_element_type3A_34 = arith.fptosi %gather3A_33 : vector<16xf32> to vector<16xi32>
      %swap3A_35 = arith.constant 0 : i32
      %swap3A_36 = arith.index_cast %swap3A_35 : i32 to index
      %swap3A_37 = arith.constant 32 : index
      %swap3A_38 = tpu.vector_load %arg6[%swap3A_36, %swap3A_37] {strides = array<i32>} : memref<26x128xi32, #tpu.memory_space<vmem>>, vector<16xi32>,
      tpu.vector_store %arg6[%swap3A_36, %swap3A_37], %convert_element_type3A_34 {strides = array<i32>} : memref<26x128xi32, #tpu.memory_space<vmem>>, vector<16xi32>,
      %add3A_39 = arith.constant 48 : i32
      %add3A_40 = vector.broadcast %add3A_39 : i32 to vector<16xi32>
      %add3A_41 = arith.addi %iota3A, %add3A_40 : vector<16xi32>
      %gather3A_42 = tpu.vector_load_idx %arg5[%add3A_41, %broadcast_in_dim3A_14] : memref<128x39xf32, #tpu.memory_space<vmem>>[vector<16xi32>, vector<16xi32>], vector<16xf32>,
      %convert_element_type3A_43 = arith.fptosi %gather3A_42 : vector<16xf32> to vector<16xi32>
      %swap3A_44 = arith.constant 0 : i32
      %swap3A_45 = arith.index_cast %swap3A_44 : i32 to index
      %swap3A_46 = arith.constant 48 : index
      %swap3A_47 = tpu.vector_load %arg6[%swap3A_45, %swap3A_46] {strides = array<i32>} : memref<26x128xi32, #tpu.memory_space<vmem>>, vector<16xi32>,
      tpu.vector_store %arg6[%swap3A_45, %swap3A_46], %convert_element_type3A_43 {strides = array<i32>} : memref<26x128xi32, #tpu.memory_space<vmem>>, vector<16xi32>,
      %add3A_48 = arith.constant 64 : i32
      %add3A_49 = vector.broadcast %add3A_48 : i32 to vector<16xi32>
      %add3A_50 = arith.addi %iota3A, %add3A_49 : vector<16xi32>
      %gather3A_51 = tpu.vector_load_idx %arg5[%add3A_50, %broadcast_in_dim3A_14] : memref<128x39xf32, #tpu.memory_space<vmem>>[vector<16xi32>, vector<16xi32>], vector<16xf32>,
      %convert_element_type3A_52 = arith.fptosi %gather3A_51 : vector<16xf32> to vector<16xi32>
      %swap3A_53 = arith.constant 0 : i32
      %swap3A_54 = arith.index_cast %swap3A_53 : i32 to index
      %swap3A_55 = arith.constant 64 : index
      %swap3A_56 = tpu.vector_load %arg6[%swap3A_54, %swap3A_55] {strides = array<i32>} : memref<26x128xi32, #tpu.memory_space<vmem>>, vector<16xi32>,
      tpu.vector_store %arg6[%swap3A_54, %swap3A_55], %convert_element_type3A_52 {strides = array<i32>} : memref<26x128xi32, #tpu.memory_space<vmem>>, vector<16xi32>,
      %add3A_57 = arith.constant 80 : i32
      %add3A_58 = vector.broadcast %add3A_57 : i32 to vector<16xi32>
      %add3A_59 = arith.addi %iota3A, %add3A_58 : vector<16xi32>
      %gather3A_60 = tpu.vector_load_idx %arg5[%add3A_59, %broadcast_in_dim3A_14] : memref<128x39xf32, #tpu.memory_space<vmem>>[vector<16xi32>, vector<16xi32>], vector<16xf32>,
      %convert_element_type3A_61 = arith.fptosi %gather3A_60 : vector<16xf32> to vector<16xi32>
      %swap3A_62 = arith.constant 0 : i32
      %swap3A_63 = arith.index_cast %swap3A_62 : i32 to index
      %swap3A_64 = arith.constant 80 : index
      %swap3A_65 = tpu.vector_load %arg6[%swap3A_63, %swap3A_64] {strides = array<i32>} : memref<26x128xi32, #tpu.memory_space<vmem>>, vector<16xi32>,
      tpu.vector_store %arg6[%swap3A_63, %swap3A_64], %convert_element_type3A_61 {strides = array<i32>} : memref<26x128xi32, #tpu.memory_space<vmem>>, vector<16xi32>,
      %add3A_66 = arith.constant 96 : i32
      %add3A_67 = vector.broadcast %add3A_66 : i32 to vector<16xi32>
      %add3A_68 = arith.addi %iota3A, %add3A_67 : vector<16xi32>
      %gather3A_69 = tpu.vector_load_idx %arg5[%add3A_68, %broadcast_in_dim3A_14] : memref<128x39xf32, #tpu.memory_space<vmem>>[vector<16xi32>, vector<16xi32>], vector<16xf32>,
      %convert_element_type3A_70 = arith.fptosi %gather3A_69 : vector<16xf32> to vector<16xi32>
      %swap3A_71 = arith.constant 0 : i32
      %swap3A_72 = arith.index_cast %swap3A_71 : i32 to index
      %swap3A_73 = arith.constant 96 : index
      %swap3A_74 = tpu.vector_load %arg6[%swap3A_72, %swap3A_73] {strides = array<i32>} : memref<26x128xi32, #tpu.memory_space<vmem>>, vector<16xi32>,
      tpu.vector_store %arg6[%swap3A_72, %swap3A_73], %convert_element_type3A_70 {strides = array<i32>} : memref<26x128xi32, #tpu.memory_space<vmem>>, vector<16xi32>,
      %add3A_75 = arith.constant 112 : i32
      %add3A_76 = vector.broadcast %add3A_75 : i32 to vector<16xi32>
      %add3A_77 = arith.addi %iota3A, %add3A_76 : vector<16xi32>
      %gather3A_78 = tpu.vector_load_idx %arg5[%add3A_77, %broadcast_in_dim3A_14] : memref<128x39xf32, #tpu.memory_space<vmem>>[vector<16xi32>, vector<16xi32>], vector<16xf32>,
      %convert_element_type3A_79 = arith.fptosi %gather3A_78 : vector<16xf32> to vector<16xi32>
      %swap3A_80 = arith.constant 0 : i32
      %swap3A_81 = arith.index_cast %swap3A_80 : i32 to index
      %swap3A_82 = arith.constant 112 : index
      %swap3A_83 = tpu.vector_load %arg6[%swap3A_81, %swap3A_82] {strides = array<i32>} : memref<26x128xi32, #tpu.memory_space<vmem>>, vector<16xi32>,
      tpu.vector_store %arg6[%swap3A_81, %swap3A_82], %convert_element_type3A_79 {strides = array<i32>} : memref<26x128xi32, #tpu.memory_space<vmem>>, vector<16xi32>,
      %broadcast_in_dim3A_84 = arith.constant 14 : i32
      %broadcast_in_dim3A_85 = vector.broadcast %broadcast_in_dim3A_84 : i32 to vector<16xi32>
      %add3A_86 = arith.constant 0 : i32
      %add3A_87 = vector.broadcast %add3A_86 : i32 to vector<16xi32>
      %add3A_88 = arith.addi %iota3A, %add3A_87 : vector<16xi32>
      %gather3A_89 = tpu.vector_load_idx %arg5[%add3A_88, %broadcast_in_dim3A_85] : memref<128x39xf32, #tpu.memory_space<vmem>>[vector<16xi32>, vector<16xi32>], vector<16xf32>,
      %convert_element_type3A_90 = arith.fptosi %gather3A_89 : vector<16xf32> to vector<16xi32>
      %swap3A_91 = arith.constant 1 : i32
      %swap3A_92 = arith.index_cast %swap3A_91 : i32 to index
      %swap3A_93 = arith.constant 0 : index
      %swap3A_94 = tpu.vector_load %arg6[%swap3A_92, %swap3A_93] {strides = array<i32>} : memref<26x128xi32, #tpu.memory_space<vmem>>, vector<16xi32>,
      tpu.vector_store %arg6[%swap3A_92, %swap3A_93], %convert_element_type3A_90 {strides = array<i32>} : memref<26x128xi32, #tpu.memory_space<vmem>>, vector<16xi32>,
      %add3A_95 = arith.constant 16 : i32
      %add3A_96 = vector.broadcast %add3A_95 : i32 to vector<16xi32>
      %add3A_97 = arith.addi %iota3A, %add3A_96 : vector<16xi32>
      %gather3A_98 = tpu.vector_load_idx %arg5[%add3A_97, %broadcast_in_dim3A_85] : memref<128x39xf32, #tpu.memory_space<vmem>>[vector<16xi32>, vector<16xi32>], vector<16xf32>,
      %convert_element_type3A_99 = arith.fptosi %gather3A_98 : vector<16xf32> to vector<16xi32>
      %swap3A_100 = arith.constant 1 : i32
      %swap3A_101 = arith.index_cast %swap3A_100 : i32 to index
      %swap3A_102 = arith.constant 16 : index
      %swap3A_103 = tpu.vector_load %arg6[%swap3A_101, %swap3A_102] {strides = array<i32>} : memref<26x128xi32, #tpu.memory_space<vmem>>, vector<16xi32>,
      tpu.vector_store %arg6[%swap3A_101, %swap3A_102], %convert_element_type3A_99 {strides = array<i32>} : memref<26x128xi32, #tpu.memory_space<vmem>>, vector<16xi32>,
      %add3A_104 = arith.constant 32 : i32
      %add3A_105 = vector.broadcast %add3A_104 : i32 to vector<16xi32>
      %add3A_106 = arith.addi %iota3A, %add3A_105 : vector<16xi32>
      %gather3A_107 = tpu.vector_load_idx %arg5[%add3A_106, %broadcast_in_dim3A_85] : memref<128x39xf32, #tpu.memory_space<vmem>>[vector<16xi32>, vector<16xi32>], vector<16xf32>,
      %convert_element_type3A_108 = arith.fptosi %gather3A_107 : vector<16xf32> to vector<16xi32>
      %swap3A_109 = arith.constant 1 : i32
      %swap3A_110 = arith.index_cast %swap3A_109 : i32 to index
      %swap3A_111 = arith.constant 32 : index
      %swap3A_112 = tpu.vector_load %arg6[%swap3A_110, %swap3A_111] {strides = array<i32>} : memref<26x128xi32, #tpu.memory_space<vmem>>, vector<16xi32>,
      tpu.vector_store %arg6[%swap3A_110, %swap3A_111], %convert_element_type3A_108 {strides = array<i32>} : memref<26x128xi32, #tpu.memory_space<vmem>>, vector<16xi32>,
      %add3A_113 = arith.constant 48 : i32
      %add3A_114 = vector.broadcast %add3A_113 : i32 to vector<16xi32>
      %add3A_115 = arith.addi %iota3A, %add3A_114 : vector<16xi32>
      %gather3A_116 = tpu.vector_load_idx %arg5[%add3A_115, %broadcast_in_dim3A_85] : memref<128x39xf32, #tpu.memory_space<vmem>>[vector<16xi32>, vector<16xi32>], vector<16xf32>,
      %convert_element_type3A_117 = arith.fptosi %gather3A_116 : vector<16xf32> to vector<16xi32>
      %swap3A_118 = arith.constant 1 : i32
      %swap3A_119 = arith.index_cast %swap3A_118 : i32 to index
      %swap3A_120 = arith.constant 48 : index
      %swap3A_121 = tpu.vector_load %arg6[%swap3A_119, %swap3A_120] {strides = array<i32>} : memref<26x128xi32, #tpu.memory_space<vmem>>, vector<16xi32>,
      tpu.vector_store %arg6[%swap3A_119, %swap3A_120], %convert_element_type3A_117 {strides = array<i32>} : memref<26x128xi32, #tpu.memory_space<vmem>>, vector<16xi32>,
      %add3A_122 = arith.constant 64 : i32
      %add3A_123 = vector.broadcast %add3A_122 : i32 to vector<16xi32>
      %add3A_124 = arith.addi %iota3A, %add3A_123 : vector<16xi32>
      %gather3A_125 = tpu.vector_load_idx %arg5[%add3A_124, %broadcast_in_dim3A_85] : memref<128x39xf32, #tpu.memory_space<vmem>>[vector<16xi32>, vector<16xi32>], vector<16xf32>,
      %convert_element_type3A_126 = arith.fptosi %gather3A_125 : vector<16xf32> to vector<16xi32>
      %swap3A_127 = arith.constant 1 : i32
      %swap3A_128 = arith.index_cast %swap3A_127 : i32 to index
      %swap3A_129 = arith.constant 64 : index
      %swap3A_130 = tpu.vector_load %arg6[%swap3A_128, %swap3A_129] {strides = array<i32>} : memref<26x128xi32, #tpu.memory_space<vmem>>, vector<16xi32>,
      tpu.vector_store %arg6[%swap3A_128, %swap3A_129], %convert_element_type3A_126 {strides = array<i32>} : memref<26x128xi32, #tpu.memory_space<vmem>>, vector<16xi32>,
      %add3A_131 = arith.constant 80 : i32
      %add3A_132 = vector.broadcast %add3A_131 : i32 to vector<16xi32>
      %add3A_133 = arith.addi %iota3A, %add3A_132 : vector<16xi32>
      %gather3A_134 = tpu.vector_load_idx %arg5[%add3A_133, %broadcast_in_dim3A_85] : memref<128x39xf32, #tpu.memory_space<vmem>>[vector<16xi32>, vector<16xi32>], vector<16xf32>,
      %convert_element_type3A_135 = arith.fptosi %gather3A_134 : vector<16xf32> to vector<16xi32>
      %swap3A_136 = arith.constant 1 : i32
      %swap3A_137 = arith.index_cast %swap3A_136 : i32 to index
      %swap3A_138 = arith.constant 80 : index
      %swap3A_139 = tpu.vector_load %arg6[%swap3A_137, %swap3A_138] {strides = array<i32>} : memref<26x128xi32, #tpu.memory_space<vmem>>, vector<16xi32>,
      tpu.vector_store %arg6[%swap3A_137, %swap3A_138], %convert_element_type3A_135 {strides = array<i32>} : memref<26x128xi32, #tpu.memory_space<vmem>>, vector<16xi32>,
      %add3A_140 = arith.constant 96 : i32
      %add3A_141 = vector.broadcast %add3A_140 : i32 to vector<16xi32>
      %add3A_142 = arith.addi %iota3A, %add3A_141 : vector<16xi32>
      %gather3A_143 = tpu.vector_load_idx %arg5[%add3A_142, %broadcast_in_dim3A_85] : memref<128x39xf32, #tpu.memory_space<vmem>>[vector<16xi32>, vector<16xi32>], vector<16xf32>,
      %convert_element_type3A_144 = arith.fptosi %gather3A_143 : vector<16xf32> to vector<16xi32>
      %swap3A_145 = arith.constant 1 : i32
      %swap3A_146 = arith.index_cast %swap3A_145 : i32 to index
      %swap3A_147 = arith.constant 96 : index
      %swap3A_148 = tpu.vector_load %arg6[%swap3A_146, %swap3A_147] {strides = array<i32>} : memref<26x128xi32, #tpu.memory_space<vmem>>, vector<16xi32>,
      tpu.vector_store %arg6[%swap3A_146, %swap3A_147], %convert_element_type3A_144 {strides = array<i32>} : memref<26x128xi32, #tpu.memory_space<vmem>>, vector<16xi32>,
      %add3A_149 = arith.constant 112 : i32
      %add3A_150 = vector.broadcast %add3A_149 : i32 to vector<16xi32>
      %add3A_151 = arith.addi %iota3A, %add3A_150 : vector<16xi32>
      %gather3A_152 = tpu.vector_load_idx %arg5[%add3A_151, %broadcast_in_dim3A_85] : memref<128x39xf32, #tpu.memory_space<vmem>>[vector<16xi32>, vector<16xi32>], vector<16xf32>,
      %convert_element_type3A_153 = arith.fptosi %gather3A_152 : vector<16xf32> to vector<16xi32>
      %swap3A_154 = arith.constant 1 : i32
      %swap3A_155 = arith.index_cast %swap3A_154 : i32 to index
      %swap3A_156 = arith.constant 112 : index
      %swap3A_157 = tpu.vector_load %arg6[%swap3A_155, %swap3A_156] {strides = array<i32>} : memref<26x128xi32, #tpu.memory_space<vmem>>, vector<16xi32>,
      tpu.vector_store %arg6[%swap3A_155, %swap3A_156], %convert_element_type3A_153 {strides = array<i32>} : memref<26x128xi32, #tpu.memory_space<vmem>>, vector<16xi32>,
      %broadcast_in_dim3A_158 = arith.constant 15 : i32
      %broadcast_in_dim3A_159 = vector.broadcast %broadcast_in_dim3A_158 : i32 to vector<16xi32>
      %add3A_160 = arith.constant 0 : i32
      %add3A_161 = vector.broadcast %add3A_160 : i32 to vector<16xi32>
      %add3A_162 = arith.addi %iota3A, %add3A_161 : vector<16xi32>
      %gather3A_163 = tpu.vector_load_idx %arg5[%add3A_162, %broadcast_in_dim3A_159] : memref<128x39xf32, #tpu.memory_space<vmem>>[vector<16xi32>, vector<16xi32>], vector<16xf32>,
      %convert_element_type3A_164 = arith.fptosi %gather3A_163 : vector<16xf32> to vector<16xi32>
      %swap3A_165 = arith.constant 2 : i32
      %swap3A_166 = arith.index_cast %swap3A_165 : i32 to index
      %swap3A_167 = arith.constant 0 : index
      %swap3A_168 = tpu.vector_load %arg6[%swap3A_166, %swap3A_167] {strides = array<i32>} : memref<26x128xi32, #tpu.memory_space<vmem>>, vector<16xi32>,
      tpu.vector_store %arg6[%swap3A_166, %swap3A_167], %convert_element_type3A_164 {strides = array<i32>} : memref<26x128xi32, #tpu.memory_space<vmem>>, vector<16xi32>,
      %add3A_169 = arith.constant 16 : i32
      %add3A_170 = vector.broadcast %add3A_169 : i32 to vector<16xi32>
      %add3A_171 = arith.addi %iota3A, %add3A_170 : vector<16xi32>
      %gather3A_172 = tpu.vector_load_idx %arg5[%add3A_171, %broadcast_in_dim3A_159] : memref<128x39xf32, #tpu.memory_space<vmem>>[vector<16xi32>, vector<16xi32>], vector<16xf32>,
      %convert_element_type3A_173 = arith.fptosi %gather3A_172 : vector<16xf32> to vector<16xi32>
      %swap3A_174 = arith.constant 2 : i32
      %swap3A_175 = arith.index_cast %swap3A_174 : i32 to index
      %swap3A_176 = arith.constant 16 : index
      %swap3A_177 = tpu.vector_load %arg6[%swap3A_175, %swap3A_176] {strides = array<i32>} : memref<26x128xi32, #tpu.memory_space<vmem>>, vector<16xi32>,
      tpu.vector_store %arg6[%swap3A_175, %swap3A_176], %convert_element_type3A_173 {strides = array<i32>} : memref<26x128xi32, #tpu.memory_space<vmem>>, vector<16xi32>,
      %add3A_178 = arith.constant 32 : i32
      %add3A_179 = vector.broadcast %add3A_178 : i32 to vector<16xi32>
      %add3A_180 = arith.addi %iota3A, %add3A_179 : vector<16xi32>
      %gather3A_181 = tpu.vector_load_idx %arg5[%add3A_180, %broadcast_in_dim3A_159] : memref<128x39xf32, #tpu.memory_space<vmem>>[vector<16xi32>, vector<16xi32>], vector<16xf32>,
      %convert_element_type3A_182 = arith.fptosi %gather3A_181 : vector<16xf32> to vector<16xi32>
      %swap3A_183 = arith.constant 2 : i32
      %swap3A_184 = arith.index_cast %swap3A_183 : i32 to index
      %swap3A_185 = arith.constant 32 : index
      %swap3A_186 = tpu.vector_load %arg6[%swap3A_184, %swap3A_185] {strides = array<i32>} : memref<26x128xi32, #tpu.memory_space<vmem>>, vector<16xi32>,
      tpu.vector_store %arg6[%swap3A_184, %swap3A_185], %convert_element_type3A_182 {strides = array<i32>} : memref<26x128xi32, #tpu.memory_space<vmem>>, vector<16xi32>,
      %add3A_187 = arith.constant 48 : i32
      %add3A_188 = vector.broadcast %add3A_187 : i32 to vector<16xi32>
      %add3A_189 = arith.addi %iota3A, %add3A_188 : vector<16xi32>
      %gather3A_190 = tpu.vector_load_idx %arg5[%add3A_189, %broadcast_in_dim3A_159] : memref<128x39xf32, #tpu.memory_space<vmem>>[vector<16xi32>, vector<16xi32>], vector<16xf32>,
      %convert_element_type3A_191 = arith.fptosi %gather3A_190 : vector<16xf32> to vector<16xi32>
      %swap3A_192 = arith.constant 2 : i32
      %swap3A_193 = arith.index_cast %swap3A_192 : i32 to index
      %swap3A_194 = arith.constant 48 : index
      %swap3A_195 = tpu.vector_load %arg6[%swap3A_193, %swap3A_194] {strides = array<i32>} : memref<26x128xi32, #tpu.memory_space<vmem>>, vector<16xi32>,
      tpu.vector_store %arg6[%swap3A_193, %swap3A_194], %convert_element_type3A_191 {strides = array<i32>} : memref<26x128xi32, #tpu.memory_space<vmem>>, vector<16xi32>,
      %add3A_196 = arith.constant 64 : i32
      %add3A_197 = vector.broadcast %add3A_196 : i32 to vector<16xi32>
      %add3A_198 = arith.addi %iota3A, %add3A_197 : vector<16xi32>
      %gather3A_199 = tpu.vector_load_idx %arg5[%add3A_198, %broadcast_in_dim3A_159] : memref<128x39xf32, #tpu.memory_space<vmem>>[vector<16xi32>, vector<16xi32>], vector<16xf32>,
      %convert_element_type3A_200 = arith.fptosi %gather3A_199 : vector<16xf32> to vector<16xi32>
      %swap3A_201 = arith.constant 2 : i32
      %swap3A_202 = arith.index_cast %swap3A_201 : i32 to index
      %swap3A_203 = arith.constant 64 : index
      %swap3A_204 = tpu.vector_load %arg6[%swap3A_202, %swap3A_203] {strides = array<i32>} : memref<26x128xi32, #tpu.memory_space<vmem>>, vector<16xi32>,
      tpu.vector_store %arg6[%swap3A_202, %swap3A_203], %convert_element_type3A_200 {strides = array<i32>} : memref<26x128xi32, #tpu.memory_space<vmem>>, vector<16xi32>,
      %add3A_205 = arith.constant 80 : i32
      %add3A_206 = vector.broadcast %add3A_205 : i32 to vector<16xi32>
      %add3A_207 = arith.addi %iota3A, %add3A_206 : vector<16xi32>
      %gather3A_208 = tpu.vector_load_idx %arg5[%add3A_207, %broadcast_in_dim3A_159] : memref<128x39xf32, #tpu.memory_space<vmem>>[vector<16xi32>, vector<16xi32>], vector<16xf32>,
      %convert_element_type3A_209 = arith.fptosi %gather3A_208 : vector<16xf32> to vector<16xi32>
      %swap3A_210 = arith.constant 2 : i32
      %swap3A_211 = arith.index_cast %swap3A_210 : i32 to index
      %swap3A_212 = arith.constant 80 : index
      %swap3A_213 = tpu.vector_load %arg6[%swap3A_211, %swap3A_212] {strides = array<i32>} : memref<26x128xi32, #tpu.memory_space<vmem>>, vector<16xi32>,
      tpu.vector_store %arg6[%swap3A_211, %swap3A_212], %convert_element_type3A_209 {strides = array<i32>} : memref<26x128xi32, #tpu.memory_space<vmem>>, vector<16xi32>,
      %add3A_214 = arith.constant 96 : i32
      %add3A_215 = vector.broadcast %add3A_214 : i32 to vector<16xi32>
      %add3A_216 = arith.addi %iota3A, %add3A_215 : vector<16xi32>
      %gather3A_217 = tpu.vector_load_idx %arg5[%add3A_216, %broadcast_in_dim3A_159] : memref<128x39xf32, #tpu.memory_space<vmem>>[vector<16xi32>, vector<16xi32>], vector<16xf32>,
      %convert_element_type3A_218 = arith.fptosi %gather3A_217 : vector<16xf32> to vector<16xi32>
      %swap3A_219 = arith.constant 2 : i32
      %swap3A_220 = arith.index_cast %swap3A_219 : i32 to index
      %swap3A_221 = arith.constant 96 : index
      %swap3A_222 = tpu.vector_load %arg6[%swap3A_220, %swap3A_221] {strides = array<i32>} : memref<26x128xi32, #tpu.memory_space<vmem>>, vector<16xi32>,
      tpu.vector_store %arg6[%swap3A_220, %swap3A_221], %convert_element_type3A_218 {strides = array<i32>} : memref<26x128xi32, #tpu.memory_space<vmem>>, vector<16xi32>,
      %add3A_223 = arith.constant 112 : i32
      %add3A_224 = vector.broadcast %add3A_223 : i32 to vector<16xi32>
      %add3A_225 = arith.addi %iota3A, %add3A_224 : vector<16xi32>
      %gather3A_226 = tpu.vector_load_idx %arg5[%add3A_225, %broadcast_in_dim3A_159] : memref<128x39xf32, #tpu.memory_space<vmem>>[vector<16xi32>, vector<16xi32>], vector<16xf32>,
      %convert_element_type3A_227 = arith.fptosi %gather3A_226 : vector<16xf32> to vector<16xi32>
      %swap3A_228 = arith.constant 2 : i32
      %swap3A_229 = arith.index_cast %swap3A_228 : i32 to index
      %swap3A_230 = arith.constant 112 : index
      %swap3A_231 = tpu.vector_load %arg6[%swap3A_229, %swap3A_230] {strides = array<i32>} : memref<26x128xi32, #tpu.memory_space<vmem>>, vector<16xi32>,
      tpu.vector_store %arg6[%swap3A_229, %swap3A_230], %convert_element_type3A_227 {strides = array<i32>} : memref<26x128xi32, #tpu.memory_space<vmem>>, vector<16xi32>,
      %broadcast_in_dim3A_232 = arith.constant 16 : i32
      %broadcast_in_dim3A_233 = vector.broadcast %broadcast_in_dim3A_232 : i32 to vector<16xi32>
      %add3A_234 = arith.constant 0 : i32
      %add3A_235 = vector.broadcast %add3A_234 : i32 to vector<16xi32>
      %add3A_236 = arith.addi %iota3A, %add3A_235 : vector<16xi32>
      %gather3A_237 = tpu.vector_load_idx %arg5[%add3A_236, %broadcast_in_dim3A_233] : memref<128x39xf32, #tpu.memory_space<vmem>>[vector<16xi32>, vector<16xi32>], vector<16xf32>,
      %convert_element_type3A_238 = arith.fptosi %gather3A_237 : vector<16xf32> to vector<16xi32>
      %swap3A_239 = arith.constant 3 : i32
      %swap3A_240 = arith.index_cast %swap3A_239 : i32 to index
      %swap3A_241 = arith.constant 0 : index
      %swap3A_242 = tpu.vector_load %arg6[%swap3A_240, %swap3A_241] {strides = array<i32>} : memref<26x128xi32, #tpu.memory_space<vmem>>, vector<16xi32>,
      tpu.vector_store %arg6[%swap3A_240, %swap3A_241], %convert_element_type3A_238 {strides = array<i32>} : memref<26x128xi32, #tpu.memory_space<vmem>>, vector<16xi32>,
      %add3A_243 = arith.constant 16 : i32
      %add3A_244 = vector.broadcast %add3A_243 : i32 to vector<16xi32>
      %add3A_245 = arith.addi %iota3A, %add3A_244 : vector<16xi32>
      %gather3A_246 = tpu.vector_load_idx %arg5[%add3A_245, %broadcast_in_dim3A_233] : memref<128x39xf32, #tpu.memory_space<vmem>>[vector<16xi32>, vector<16xi32>], vector<16xf32>,
      %convert_element_type3A_247 = arith.fptosi %gather3A_246 : vector<16xf32> to vector<16xi32>
      %swap3A_248 = arith.constant 3 : i32
      %swap3A_249 = arith.index_cast %swap3A_248 : i32 to index
      %swap3A_250 = arith.constant 16 : index
      %swap3A_251 = tpu.vector_load %arg6[%swap3A_249, %swap3A_250] {strides = array<i32>} : memref<26x128xi32, #tpu.memory_space<vmem>>, vector<16xi32>,
      tpu.vector_store %arg6[%swap3A_249, %swap3A_250], %convert_element_type3A_247 {strides = array<i32>} : memref<26x128xi32, #tpu.memory_space<vmem>>, vector<16xi32>,
      %add3A_252 = arith.constant 32 : i32
      %add3A_253 = vector.broadcast %add3A_252 : i32 to vector<16xi32>
      %add3A_254 = arith.addi %iota3A, %add3A_253 : vector<16xi32>
      %gather3A_255 = tpu.vector_load_idx %arg5[%add3A_254, %broadcast_in_dim3A_233] : memref<128x39xf32, #tpu.memory_space<vmem>>[vector<16xi32>, vector<16xi32>], vector<16xf32>,
      %convert_element_type3A_256 = arith.fptosi %gather3A_255 : vector<16xf32> to vector<16xi32>
      %swap3A_257 = arith.constant 3 : i32
      %swap3A_258 = arith.index_cast %swap3A_257 : i32 to index
      %swap3A_259 = arith.constant 32 : index
      %swap3A_260 = tpu.vector_load %arg6[%swap3A_258, %swap3A_259] {strides = array<i32>} : memref<26x128xi32, #tpu.memory_space<vmem>>, vector<16xi32>,
      tpu.vector_store %arg6[%swap3A_258, %swap3A_259], %convert_element_type3A_256 {strides = array<i32>} : memref<26x128xi32, #tpu.memory_space<vmem>>, vector<16xi32>,
      %add3A_261 = arith.constant 48 : i32
      %add3A_262 = vector.broadcast %add3A_261 : i32 to vector<16xi32>
      %add3A_263 = arith.addi %iota3A, %add3A_262 : vector<16xi32>
      %gather3A_264 = tpu.vector_load_idx %arg5[%add3A_263, %broadcast_in_dim3A_233] : memref<128x39xf32, #tpu.memory_space<vmem>>[vector<16xi32>, vector<16xi32>], vector<16xf32>,
      %convert_element_type3A_265 = arith.fptosi %gather3A_264 : vector<16xf32> to vector<16xi32>
      %swap3A_266 = arith.constant 3 : i32
      %swap3A_267 = arith.index_cast %swap3A_266 : i32 to index
      %swap3A_268 = arith.constant 48 : index
      %swap3A_269 = tpu.vector_load %arg6[%swap3A_267, %swap3A_268] {strides = array<i32>} : memref<26x128xi32, #tpu.memory_space<vmem>>, vector<16xi32>,
      tpu.vector_store %arg6[%swap3A_267, %swap3A_268], %convert_element_type3A_265 {strides = array<i32>} : memref<26x128xi32, #tpu.memory_space<vmem>>, vector<16xi32>,
      %add3A_270 = arith.constant 64 : i32
      %add3A_271 = vector.broadcast %add3A_270 : i32 to vector<16xi32>
      %add3A_272 = arith.addi %iota3A, %add3A_271 : vector<16xi32>
      %gather3A_273 = tpu.vector_load_idx %arg5[%add3A_272, %broadcast_in_dim3A_233] : memref<128x39xf32, #tpu.memory_space<vmem>>[vector<16xi32>, vector<16xi32>], vector<16xf32>,
      %convert_element_type3A_274 = arith.fptosi %gather3A_273 : vector<16xf32> to vector<16xi32>
      %swap3A_275 = arith.constant 3 : i32
      %swap3A_276 = arith.index_cast %swap3A_275 : i32 to index
      %swap3A_277 = arith.constant 64 : index
      %swap3A_278 = tpu.vector_load %arg6[%swap3A_276, %swap3A_277] {strides = array<i32>} : memref<26x128xi32, #tpu.memory_space<vmem>>, vector<16xi32>,
      tpu.vector_store %arg6[%swap3A_276, %swap3A_277], %convert_element_type3A_274 {strides = array<i32>} : memref<26x128xi32, #tpu.memory_space<vmem>>, vector<16xi32>,
      %add3A_279 = arith.constant 80 : i32
      %add3A_280 = vector.broadcast %add3A_279 : i32 to vector<16xi32>
      %add3A_281 = arith.addi %iota3A, %add3A_280 : vector<16xi32>
      %gather3A_282 = tpu.vector_load_idx %arg5[%add3A_281, %broadcast_in_dim3A_233] : memref<128x39xf32, #tpu.memory_space<vmem>>[vector<16xi32>, vector<16xi32>], vector<16xf32>,
      %convert_element_type3A_283 = arith.fptosi %gather3A_282 : vector<16xf32> to vector<16xi32>
      %swap3A_284 = arith.constant 3 : i32
      %swap3A_285 = arith.index_cast %swap3A_284 : i32 to index
      %swap3A_286 = arith.constant 80 : index
      %swap3A_287 = tpu.vector_load %arg6[%swap3A_285, %swap3A_286] {strides = array<i32>} : memref<26x128xi32, #tpu.memory_space<vmem>>, vector<16xi32>,
      tpu.vector_store %arg6[%swap3A_285, %swap3A_286], %convert_element_type3A_283 {strides = array<i32>} : memref<26x128xi32, #tpu.memory_space<vmem>>, vector<16xi32>,
      %add3A_288 = arith.constant 96 : i32
      %add3A_289 = vector.broadcast %add3A_288 : i32 to vector<16xi32>
      %add3A_290 = arith.addi %iota3A, %add3A_289 : vector<16xi32>
      %gather3A_291 = tpu.vector_load_idx %arg5[%add3A_290, %broadcast_in_dim3A_233] : memref<128x39xf32, #tpu.memory_space<vmem>>[vector<16xi32>, vector<16xi32>], vector<16xf32>,
      %convert_element_type3A_292 = arith.fptosi %gather3A_291 : vector<16xf32> to vector<16xi32>
      %swap3A_293 = arith.constant 3 : i32
      %swap3A_294 = arith.index_cast %swap3A_293 : i32 to index
      %swap3A_295 = arith.constant 96 : index
      %swap3A_296 = tpu.vector_load %arg6[%swap3A_294, %swap3A_295] {strides = array<i32>} : memref<26x128xi32, #tpu.memory_space<vmem>>, vector<16xi32>,
      tpu.vector_store %arg6[%swap3A_294, %swap3A_295], %convert_element_type3A_292 {strides = array<i32>} : memref<26x128xi32, #tpu.memory_space<vmem>>, vector<16xi32>,
      %add3A_297 = arith.constant 112 : i32
      %add3A_298 = vector.broadcast %add3A_297 : i32 to vector<16xi32>
      %add3A_299 = arith.addi %iota3A, %add3A_298 : vector<16xi32>
      %gather3A_300 = tpu.vector_load_idx %arg5[%add3A_299, %broadcast_in_dim3A_233] : memref<128x39xf32, #tpu.memory_space<vmem>>[vector<16xi32>, vector<16xi32>], vector<16xf32>,
      %convert_element_type3A_301 = arith.fptosi %gather3A_300 : vector<16xf32> to vector<16xi32>
      %swap3A_302 = arith.constant 3 : i32
      %swap3A_303 = arith.index_cast %swap3A_302 : i32 to index
      %swap3A_304 = arith.constant 112 : index
      %swap3A_305 = tpu.vector_load %arg6[%swap3A_303, %swap3A_304] {strides = array<i32>} : memref<26x128xi32, #tpu.memory_space<vmem>>, vector<16xi32>,
      tpu.vector_store %arg6[%swap3A_303, %swap3A_304], %convert_element_type3A_301 {strides = array<i32>} : memref<26x128xi32, #tpu.memory_space<vmem>>, vector<16xi32>,
      %broadcast_in_dim3A_306 = arith.constant 17 : i32
      %broadcast_in_dim3A_307 = vector.broadcast %broadcast_in_dim3A_306 : i32 to vector<16xi32>
      %add3A_308 = arith.constant 0 : i32
      %add3A_309 = vector.broadcast %add3A_308 : i32 to vector<16xi32>
      %add3A_310 = arith.addi %iota3A, %add3A_309 : vector<16xi32>
      %gather3A_311 = tpu.vector_load_idx %arg5[%add3A_310, %broadcast_in_dim3A_307] : memref<128x39xf32, #tpu.memory_space<vmem>>[vector<16xi32>, vector<16xi32>], vector<16xf32>,
      %convert_element_type3A_312 = arith.fptosi %gather3A_311 : vector<16xf32> to vector<16xi32>
      %swap3A_313 = arith.constant 4 : i32
      %swap3A_314 = arith.index_cast %swap3A_313 : i32 to index
      %swap3A_315 = arith.constant 0 : index
      %swap3A_316 = tpu.vector_load %arg6[%swap3A_314, %swap3A_315] {strides = array<i32>} : memref<26x128xi32, #tpu.memory_space<vmem>>, vector<16xi32>,
      tpu.vector_store %arg6[%swap3A_314, %swap3A_315], %convert_element_type3A_312 {strides = array<i32>} : memref<26x128xi32, #tpu.memory_space<vmem>>, vector<16xi32>,
      %add3A_317 = arith.constant 16 : i32
      %add3A_318 = vector.broadcast %add3A_317 : i32 to vector<16xi32>
      %add3A_319 = arith.addi %iota3A, %add3A_318 : vector<16xi32>
      %gather3A_320 = tpu.vector_load_idx %arg5[%add3A_319, %broadcast_in_dim3A_307] : memref<128x39xf32, #tpu.memory_space<vmem>>[vector<16xi32>, vector<16xi32>], vector<16xf32>,
      %convert_element_type3A_321 = arith.fptosi %gather3A_320 : vector<16xf32> to vector<16xi32>
      %swap3A_322 = arith.constant 4 : i32
      %swap3A_323 = arith.index_cast %swap3A_322 : i32 to index
      %swap3A_324 = arith.constant 16 : index
      %swap3A_325 = tpu.vector_load %arg6[%swap3A_323, %swap3A_324] {strides = array<i32>} : memref<26x128xi32, #tpu.memory_space<vmem>>, vector<16xi32>,
      tpu.vector_store %arg6[%swap3A_323, %swap3A_324], %convert_element_type3A_321 {strides = array<i32>} : memref<26x128xi32, #tpu.memory_space<vmem>>, vector<16xi32>,
      %add3A_326 = arith.constant 32 : i32
      %add3A_327 = vector.broadcast %add3A_326 : i32 to vector<16xi32>
      %add3A_328 = arith.addi %iota3A, %add3A_327 : vector<16xi32>
      %gather3A_329 = tpu.vector_load_idx %arg5[%add3A_328, %broadcast_in_dim3A_307] : memref<128x39xf32, #tpu.memory_space<vmem>>[vector<16xi32>, vector<16xi32>], vector<16xf32>,
      %convert_element_type3A_330 = arith.fptosi %gather3A_329 : vector<16xf32> to vector<16xi32>
      %swap3A_331 = arith.constant 4 : i32
      %swap3A_332 = arith.index_cast %swap3A_331 : i32 to index
      %swap3A_333 = arith.constant 32 : index
      %swap3A_334 = tpu.vector_load %arg6[%swap3A_332, %swap3A_333] {strides = array<i32>} : memref<26x128xi32, #tpu.memory_space<vmem>>, vector<16xi32>,
      tpu.vector_store %arg6[%swap3A_332, %swap3A_333], %convert_element_type3A_330 {strides = array<i32>} : memref<26x128xi32, #tpu.memory_space<vmem>>, vector<16xi32>,
      %add3A_335 = arith.constant 48 : i32
      %add3A_336 = vector.broadcast %add3A_335 : i32 to vector<16xi32>
      %add3A_337 = arith.addi %iota3A, %add3A_336 : vector<16xi32>
      %gather3A_338 = tpu.vector_load_idx %arg5[%add3A_337, %broadcast_in_dim3A_307] : memref<128x39xf32, #tpu.memory_space<vmem>>[vector<16xi32>, vector<16xi32>], vector<16xf32>,
      %convert_element_type3A_339 = arith.fptosi %gather3A_338 : vector<16xf32> to vector<16xi32>
      %swap3A_340 = arith.constant 4 : i32
      %swap3A_341 = arith.index_cast %swap3A_340 : i32 to index
      %swap3A_342 = arith.constant 48 : index
      %swap3A_343 = tpu.vector_load %arg6[%swap3A_341, %swap3A_342] {strides = array<i32>} : memref<26x128xi32, #tpu.memory_space<vmem>>, vector<16xi32>,
      tpu.vector_store %arg6[%swap3A_341, %swap3A_342], %convert_element_type3A_339 {strides = array<i32>} : memref<26x128xi32, #tpu.memory_space<vmem>>, vector<16xi32>,
      %add3A_344 = arith.constant 64 : i32
      %add3A_345 = vector.broadcast %add3A_344 : i32 to vector<16xi32>
      %add3A_346 = arith.addi %iota3A, %add3A_345 : vector<16xi32>
      %gather3A_347 = tpu.vector_load_idx %arg5[%add3A_346, %broadcast_in_dim3A_307] : memref<128x39xf32, #tpu.memory_space<vmem>>[vector<16xi32>, vector<16xi32>], vector<16xf32>,
      %convert_element_type3A_348 = arith.fptosi %gather3A_347 : vector<16xf32> to vector<16xi32>
      %swap3A_349 = arith.constant 4 : i32
      %swap3A_350 = arith.index_cast %swap3A_349 : i32 to index
      %swap3A_351 = arith.constant 64 : index
      %swap3A_352 = tpu.vector_load %arg6[%swap3A_350, %swap3A_351] {strides = array<i32>} : memref<26x128xi32, #tpu.memory_space<vmem>>, vector<16xi32>,
      tpu.vector_store %arg6[%swap3A_350, %swap3A_351], %convert_element_type3A_348 {strides = array<i32>} : memref<26x128xi32, #tpu.memory_space<vmem>>, vector<16xi32>,
      %add3A_353 = arith.constant 80 : i32
      %add3A_354 = vector.broadcast %add3A_353 : i32 to vector<16xi32>
      %add3A_355 = arith.addi %iota3A, %add3A_354 : vector<16xi32>
      %gather3A_356 = tpu.vector_load_idx %arg5[%add3A_355, %broadcast_in_dim3A_307] : memref<128x39xf32, #tpu.memory_space<vmem>>[vector<16xi32>, vector<16xi32>], vector<16xf32>,
      %convert_element_type3A_357 = arith.fptosi %gather3A_356 : vector<16xf32> to vector<16xi32>
      %swap3A_358 = arith.constant 4 : i32
      %swap3A_359 = arith.index_cast %swap3A_358 : i32 to index
      %swap3A_360 = arith.constant 80 : index
      %swap3A_361 = tpu.vector_load %arg6[%swap3A_359, %swap3A_360] {strides = array<i32>} : memref<26x128xi32, #tpu.memory_space<vmem>>, vector<16xi32>,
      tpu.vector_store %arg6[%swap3A_359, %swap3A_360], %convert_element_type3A_357 {strides = array<i32>} : memref<26x128xi32, #tpu.memory_space<vmem>>, vector<16xi32>,
      %add3A_362 = arith.constant 96 : i32
      %add3A_363 = vector.broadcast %add3A_362 : i32 to vector<16xi32>
      %add3A_364 = arith.addi %iota3A, %add3A_363 : vector<16xi32>
      %gather3A_365 = tpu.vector_load_idx %arg5[%add3A_364, %broadcast_in_dim3A_307] : memref<128x39xf32, #tpu.memory_space<vmem>>[vector<16xi32>, vector<16xi32>], vector<16xf32>,
      %convert_element_type3A_366 = arith.fptosi %gather3A_365 : vector<16xf32> to vector<16xi32>
      %swap3A_367 = arith.constant 4 : i32
      %swap3A_368 = arith.index_cast %swap3A_367 : i32 to index
      %swap3A_369 = arith.constant 96 : index
      %swap3A_370 = tpu.vector_load %arg6[%swap3A_368, %swap3A_369] {strides = array<i32>} : memref<26x128xi32, #tpu.memory_space<vmem>>, vector<16xi32>,
      tpu.vector_store %arg6[%swap3A_368, %swap3A_369], %convert_element_type3A_366 {strides = array<i32>} : memref<26x128xi32, #tpu.memory_space<vmem>>, vector<16xi32>,
      %add3A_371 = arith.constant 112 : i32
      %add3A_372 = vector.broadcast %add3A_371 : i32 to vector<16xi32>
      %add3A_373 = arith.addi %iota3A, %add3A_372 : vector<16xi32>
      %gather3A_374 = tpu.vector_load_idx %arg5[%add3A_373, %broadcast_in_dim3A_307] : memref<128x39xf32, #tpu.memory_space<vmem>>[vector<16xi32>, vector<16xi32>], vector<16xf32>,
      %convert_element_type3A_375 = arith.fptosi %gather3A_374 : vector<16xf32> to vector<16xi32>
      %swap3A_376 = arith.constant 4 : i32
      %swap3A_377 = arith.index_cast %swap3A_376 : i32 to index
      %swap3A_378 = arith.constant 112 : index
      %swap3A_379 = tpu.vector_load %arg6[%swap3A_377, %swap3A_378] {strides = array<i32>} : memref<26x128xi32, #tpu.memory_space<vmem>>, vector<16xi32>,
      tpu.vector_store %arg6[%swap3A_377, %swap3A_378], %convert_element_type3A_375 {strides = array<i32>} : memref<26x128xi32, #tpu.memory_space<vmem>>, vector<16xi32>,
      %broadcast_in_dim3A_380 = arith.constant 18 : i32
      %broadcast_in_dim3A_381 = vector.broadcast %broadcast_in_dim3A_380 : i32 to vector<16xi32>
      %add3A_382 = arith.constant 0 : i32
      %add3A_383 = vector.broadcast %add3A_382 : i32 to vector<16xi32>
      %add3A_384 = arith.addi %iota3A, %add3A_383 : vector<16xi32>
      %gather3A_385 = tpu.vector_load_idx %arg5[%add3A_384, %broadcast_in_dim3A_381] : memref<128x39xf32, #tpu.memory_space<vmem>>[vector<16xi32>, vector<16xi32>], vector<16xf32>,
      %convert_element_type3A_386 = arith.fptosi %gather3A_385 : vector<16xf32> to vector<16xi32>
      %swap3A_387 = arith.constant 5 : i32
      %swap3A_388 = arith.index_cast %swap3A_387 : i32 to index
      %swap3A_389 = arith.constant 0 : index
      %swap3A_390 = tpu.vector_load %arg6[%swap3A_388, %swap3A_389] {strides = array<i32>} : memref<26x128xi32, #tpu.memory_space<vmem>>, vector<16xi32>,
      tpu.vector_store %arg6[%swap3A_388, %swap3A_389], %convert_element_type3A_386 {strides = array<i32>} : memref<26x128xi32, #tpu.memory_space<vmem>>, vector<16xi32>,
      %add3A_391 = arith.constant 16 : i32
      %add3A_392 = vector.broadcast %add3A_391 : i32 to vector<16xi32>
      %add3A_393 = arith.addi %iota3A, %add3A_392 : vector<16xi32>
      %gather3A_394 = tpu.vector_load_idx %arg5[%add3A_393, %broadcast_in_dim3A_381] : memref<128x39xf32, #tpu.memory_space<vmem>>[vector<16xi32>, vector<16xi32>], vector<16xf32>,
      %convert_element_type3A_395 = arith.fptosi %gather3A_394 : vector<16xf32> to vector<16xi32>
      %swap3A_396 = arith.constant 5 : i32
      %swap3A_397 = arith.index_cast %swap3A_396 : i32 to index
      %swap3A_398 = arith.constant 16 : index
      %swap3A_399 = tpu.vector_load %arg6[%swap3A_397, %swap3A_398] {strides = array<i32>} : memref<26x128xi32, #tpu.memory_space<vmem>>, vector<16xi32>,
      tpu.vector_store %arg6[%swap3A_397, %swap3A_398], %convert_element_type3A_395 {strides = array<i32>} : memref<26x128xi32, #tpu.memory_space<vmem>>, vector<16xi32>,
      %add3A_400 = arith.constant 32 : i32
      %add3A_401 = vector.broadcast %add3A_400 : i32 to vector<16xi32>
      %add3A_402 = arith.addi %iota3A, %add3A_401 : vector<16xi32>
      %gather3A_403 = tpu.vector_load_idx %arg5[%add3A_402, %broadcast_in_dim3A_381] : memref<128x39xf32, #tpu.memory_space<vmem>>[vector<16xi32>, vector<16xi32>], vector<16xf32>,
      %convert_element_type3A_404 = arith.fptosi %gather3A_403 : vector<16xf32> to vector<16xi32>
      %swap3A_405 = arith.constant 5 : i32
      %swap3A_406 = arith.index_cast %swap3A_405 : i32 to index
      %swap3A_407 = arith.constant 32 : index
      %swap3A_408 = tpu.vector_load %arg6[%swap3A_406, %swap3A_407] {strides = array<i32>} : memref<26x128xi32, #tpu.memory_space<vmem>>, vector<16xi32>,
      tpu.vector_store %arg6[%swap3A_406, %swap3A_407], %convert_element_type3A_404 {strides = array<i32>} : memref<26x128xi32, #tpu.memory_space<vmem>>, vector<16xi32>,
      %add3A_409 = arith.constant 48 : i32
      %add3A_410 = vector.broadcast %add3A_409 : i32 to vector<16xi32>
      %add3A_411 = arith.addi %iota3A, %add3A_410 : vector<16xi32>
      %gather3A_412 = tpu.vector_load_idx %arg5[%add3A_411, %broadcast_in_dim3A_381] : memref<128x39xf32, #tpu.memory_space<vmem>>[vector<16xi32>, vector<16xi32>], vector<16xf32>,
      %convert_element_type3A_413 = arith.fptosi %gather3A_412 : vector<16xf32> to vector<16xi32>
      %swap3A_414 = arith.constant 5 : i32
      %swap3A_415 = arith.index_cast %swap3A_414 : i32 to index
      %swap3A_416 = arith.constant 48 : index
      %swap3A_417 = tpu.vector_load %arg6[%swap3A_415, %swap3A_416] {strides = array<i32>} : memref<26x128xi32, #tpu.memory_space<vmem>>, vector<16xi32>,
      tpu.vector_store %arg6[%swap3A_415, %swap3A_416], %convert_element_type3A_413 {strides = array<i32>} : memref<26x128xi32, #tpu.memory_space<vmem>>, vector<16xi32>,
      %add3A_418 = arith.constant 64 : i32
      %add3A_419 = vector.broadcast %add3A_418 : i32 to vector<16xi32>
      %add3A_420 = arith.addi %iota3A, %add3A_419 : vector<16xi32>
      %gather3A_421 = tpu.vector_load_idx %arg5[%add3A_420, %broadcast_in_dim3A_381] : memref<128x39xf32, #tpu.memory_space<vmem>>[vector<16xi32>, vector<16xi32>], vector<16xf32>,
      %convert_element_type3A_422 = arith.fptosi %gather3A_421 : vector<16xf32> to vector<16xi32>
      %swap3A_423 = arith.constant 5 : i32
      %swap3A_424 = arith.index_cast %swap3A_423 : i32 to index
      %swap3A_425 = arith.constant 64 : index
      %swap3A_426 = tpu.vector_load %arg6[%swap3A_424, %swap3A_425] {strides = array<i32>} : memref<26x128xi32, #tpu.memory_space<vmem>>, vector<16xi32>,
      tpu.vector_store %arg6[%swap3A_424, %swap3A_425], %convert_element_type3A_422 {strides = array<i32>} : memref<26x128xi32, #tpu.memory_space<vmem>>, vector<16xi32>,
      %add3A_427 = arith.constant 80 : i32
      %add3A_428 = vector.broadcast %add3A_427 : i32 to vector<16xi32>
      %add3A_429 = arith.addi %iota3A, %add3A_428 : vector<16xi32>
      %gather3A_430 = tpu.vector_load_idx %arg5[%add3A_429, %broadcast_in_dim3A_381] : memref<128x39xf32, #tpu.memory_space<vmem>>[vector<16xi32>, vector<16xi32>], vector<16xf32>,
      %convert_element_type3A_431 = arith.fptosi %gather3A_430 : vector<16xf32> to vector<16xi32>
      %swap3A_432 = arith.constant 5 : i32
      %swap3A_433 = arith.index_cast %swap3A_432 : i32 to index
      %swap3A_434 = arith.constant 80 : index
      %swap3A_435 = tpu.vector_load %arg6[%swap3A_433, %swap3A_434] {strides = array<i32>} : memref<26x128xi32, #tpu.memory_space<vmem>>, vector<16xi32>,
      tpu.vector_store %arg6[%swap3A_433, %swap3A_434], %convert_element_type3A_431 {strides = array<i32>} : memref<26x128xi32, #tpu.memory_space<vmem>>, vector<16xi32>,
      %add3A_436 = arith.constant 96 : i32
      %add3A_437 = vector.broadcast %add3A_436 : i32 to vector<16xi32>
      %add3A_438 = arith.addi %iota3A, %add3A_437 : vector<16xi32>
      %gather3A_439 = tpu.vector_load_idx %arg5[%add3A_438, %broadcast_in_dim3A_381] : memref<128x39xf32, #tpu.memory_space<vmem>>[vector<16xi32>, vector<16xi32>], vector<16xf32>,
      %convert_element_type3A_440 = arith.fptosi %gather3A_439 : vector<16xf32> to vector<16xi32>
      %swap3A_441 = arith.constant 5 : i32
      %swap3A_442 = arith.index_cast %swap3A_441 : i32 to index
      %swap3A_443 = arith.constant 96 : index
      %swap3A_444 = tpu.vector_load %arg6[%swap3A_442, %swap3A_443] {strides = array<i32>} : memref<26x128xi32, #tpu.memory_space<vmem>>, vector<16xi32>,
      tpu.vector_store %arg6[%swap3A_442, %swap3A_443], %convert_element_type3A_440 {strides = array<i32>} : memref<26x128xi32, #tpu.memory_space<vmem>>, vector<16xi32>,
      %add3A_445 = arith.constant 112 : i32
      %add3A_446 = vector.broadcast %add3A_445 : i32 to vector<16xi32>
      %add3A_447 = arith.addi %iota3A, %add3A_446 : vector<16xi32>
      %gather3A_448 = tpu.vector_load_idx %arg5[%add3A_447, %broadcast_in_dim3A_381] : memref<128x39xf32, #tpu.memory_space<vmem>>[vector<16xi32>, vector<16xi32>], vector<16xf32>,
      %convert_element_type3A_449 = arith.fptosi %gather3A_448 : vector<16xf32> to vector<16xi32>
      %swap3A_450 = arith.constant 5 : i32
      %swap3A_451 = arith.index_cast %swap3A_450 : i32 to index
      %swap3A_452 = arith.constant 112 : index
      %swap3A_453 = tpu.vector_load %arg6[%swap3A_451, %swap3A_452] {strides = array<i32>} : memref<26x128xi32, #tpu.memory_space<vmem>>, vector<16xi32>,
      tpu.vector_store %arg6[%swap3A_451, %swap3A_452], %convert_element_type3A_449 {strides = array<i32>} : memref<26x128xi32, #tpu.memory_space<vmem>>, vector<16xi32>,
      %broadcast_in_dim3A_454 = arith.constant 19 : i32
      %broadcast_in_dim3A_455 = vector.broadcast %broadcast_in_dim3A_454 : i32 to vector<16xi32>
      %add3A_456 = arith.constant 0 : i32
      %add3A_457 = vector.broadcast %add3A_456 : i32 to vector<16xi32>
      %add3A_458 = arith.addi %iota3A, %add3A_457 : vector<16xi32>
      %gather3A_459 = tpu.vector_load_idx %arg5[%add3A_458, %broadcast_in_dim3A_455] : memref<128x39xf32, #tpu.memory_space<vmem>>[vector<16xi32>, vector<16xi32>], vector<16xf32>,
      %convert_element_type3A_460 = arith.fptosi %gather3A_459 : vector<16xf32> to vector<16xi32>
      %swap3A_461 = arith.constant 6 : i32
      %swap3A_462 = arith.index_cast %swap3A_461 : i32 to index
      %swap3A_463 = arith.constant 0 : index
      %swap3A_464 = tpu.vector_load %arg6[%swap3A_462, %swap3A_463] {strides = array<i32>} : memref<26x128xi32, #tpu.memory_space<vmem>>, vector<16xi32>,
      tpu.vector_store %arg6[%swap3A_462, %swap3A_463], %convert_element_type3A_460 {strides = array<i32>} : memref<26x128xi32, #tpu.memory_space<vmem>>, vector<16xi32>,
      %add3A_465 = arith.constant 16 : i32
      %add3A_466 = vector.broadcast %add3A_465 : i32 to vector<16xi32>
      %add3A_467 = arith.addi %iota3A, %add3A_466 : vector<16xi32>
      %gather3A_468 = tpu.vector_load_idx %arg5[%add3A_467, %broadcast_in_dim3A_455] : memref<128x39xf32, #tpu.memory_space<vmem>>[vector<16xi32>, vector<16xi32>], vector<16xf32>,
      %convert_element_type3A_469 = arith.fptosi %gather3A_468 : vector<16xf32> to vector<16xi32>
      %swap3A_470 = arith.constant 6 : i32
      %swap3A_471 = arith.index_cast %swap3A_470 : i32 to index
      %swap3A_472 = arith.constant 16 : index
      %swap3A_473 = tpu.vector_load %arg6[%swap3A_471, %swap3A_472] {strides = array<i32>} : memref<26x128xi32, #tpu.memory_space<vmem>>, vector<16xi32>,
      tpu.vector_store %arg6[%swap3A_471, %swap3A_472], %convert_element_type3A_469 {strides = array<i32>} : memref<26x128xi32, #tpu.memory_space<vmem>>, vector<16xi32>,
      %add3A_474 = arith.constant 32 : i32
      %add3A_475 = vector.broadcast %add3A_474 : i32 to vector<16xi32>
      %add3A_476 = arith.addi %iota3A, %add3A_475 : vector<16xi32>
      %gather3A_477 = tpu.vector_load_idx %arg5[%add3A_476, %broadcast_in_dim3A_455] : memref<128x39xf32, #tpu.memory_space<vmem>>[vector<16xi32>, vector<16xi32>], vector<16xf32>,
      %convert_element_type3A_478 = arith.fptosi %gather3A_477 : vector<16xf32> to vector<16xi32>
      %swap3A_479 = arith.constant 6 : i32
      %swap3A_480 = arith.index_cast %swap3A_479 : i32 to index
      %swap3A_481 = arith.constant 32 : index
      %swap3A_482 = tpu.vector_load %arg6[%swap3A_480, %swap3A_481] {strides = array<i32>} : memref<26x128xi32, #tpu.memory_space<vmem>>, vector<16xi32>,
      tpu.vector_store %arg6[%swap3A_480, %swap3A_481], %convert_element_type3A_478 {strides = array<i32>} : memref<26x128xi32, #tpu.memory_space<vmem>>, vector<16xi32>,
      %add3A_483 = arith.constant 48 : i32
      %add3A_484 = vector.broadcast %add3A_483 : i32 to vector<16xi32>
      %add3A_485 = arith.addi %iota3A, %add3A_484 : vector<16xi32>
      %gather3A_486 = tpu.vector_load_idx %arg5[%add3A_485, %broadcast_in_dim3A_455] : memref<128x39xf32, #tpu.memory_space<vmem>>[vector<16xi32>, vector<16xi32>], vector<16xf32>,
      %convert_element_type3A_487 = arith.fptosi %gather3A_486 : vector<16xf32> to vector<16xi32>
      %swap3A_488 = arith.constant 6 : i32
      %swap3A_489 = arith.index_cast %swap3A_488 : i32 to index
      %swap3A_490 = arith.constant 48 : index
      %swap3A_491 = tpu.vector_load %arg6[%swap3A_489, %swap3A_490] {strides = array<i32>} : memref<26x128xi32, #tpu.memory_space<vmem>>, vector<16xi32>,
      tpu.vector_store %arg6[%swap3A_489, %swap3A_490], %convert_element_type3A_487 {strides = array<i32>} : memref<26x128xi32, #tpu.memory_space<vmem>>, vector<16xi32>,
      %add3A_492 = arith.constant 64 : i32
      %add3A_493 = vector.broadcast %add3A_492 : i32 to vector<16xi32>
      %add3A_494 = arith.addi %iota3A, %add3A_493 : vector<16xi32>
      %gather3A_495 = tpu.vector_load_idx %arg5[%add3A_494, %broadcast_in_dim3A_455] : memref<128x39xf32, #tpu.memory_space<vmem>>[vector<16xi32>, vector<16xi32>], vector<16xf32>,
      %convert_element_type3A_496 = arith.fptosi %gather3A_495 : vector<16xf32> to vector<16xi32>
      %swap3A_497 = arith.constant 6 : i32
      %swap3A_498 = arith.index_cast %swap3A_497 : i32 to index
      %swap3A_499 = arith.constant 64 : index
      %swap3A_500 = tpu.vector_load %arg6[%swap3A_498, %swap3A_499] {strides = array<i32>} : memref<26x128xi32, #tpu.memory_space<vmem>>, vector<16xi32>,
      tpu.vector_store %arg6[%swap3A_498, %swap3A_499], %convert_element_type3A_496 {strides = array<i32>} : memref<26x128xi32, #tpu.memory_space<vmem>>, vector<16xi32>,
      %add3A_501 = arith.constant 80 : i32
      %add3A_502 = vector.broadcast %add3A_501 : i32 to vector<16xi32>
      %add3A_503 = arith.addi %iota3A, %add3A_502 : vector<16xi32>
      %gather3A_504 = tpu.vector_load_idx %arg5[%add3A_503, %broadcast_in_dim3A_455] : memref<128x39xf32, #tpu.memory_space<vmem>>[vector<16xi32>, vector<16xi32>], vector<16xf32>,
      %convert_element_type3A_505 = arith.fptosi %gather3A_504 : vector<16xf32> to vector<16xi32>
      %swap3A_506 = arith.constant 6 : i32
      %swap3A_507 = arith.index_cast %swap3A_506 : i32 to index
      %swap3A_508 = arith.constant 80 : index
      %swap3A_509 = tpu.vector_load %arg6[%swap3A_507, %swap3A_508] {strides = array<i32>} : memref<26x128xi32, #tpu.memory_space<vmem>>, vector<16xi32>,
      tpu.vector_store %arg6[%swap3A_507, %swap3A_508], %convert_element_type3A_505 {strides = array<i32>} : memref<26x128xi32, #tpu.memory_space<vmem>>, vector<16xi32>,
      %add3A_510 = arith.constant 96 : i32
      %add3A_511 = vector.broadcast %add3A_510 : i32 to vector<16xi32>
      %add3A_512 = arith.addi %iota3A, %add3A_511 : vector<16xi32>
      %gather3A_513 = tpu.vector_load_idx %arg5[%add3A_512, %broadcast_in_dim3A_455] : memref<128x39xf32, #tpu.memory_space<vmem>>[vector<16xi32>, vector<16xi32>], vector<16xf32>,
      %convert_element_type3A_514 = arith.fptosi %gather3A_513 : vector<16xf32> to vector<16xi32>
      %swap3A_515 = arith.constant 6 : i32
      %swap3A_516 = arith.index_cast %swap3A_515 : i32 to index
      %swap3A_517 = arith.constant 96 : index
      %swap3A_518 = tpu.vector_load %arg6[%swap3A_516, %swap3A_517] {strides = array<i32>} : memref<26x128xi32, #tpu.memory_space<vmem>>, vector<16xi32>,
      tpu.vector_store %arg6[%swap3A_516, %swap3A_517], %convert_element_type3A_514 {strides = array<i32>} : memref<26x128xi32, #tpu.memory_space<vmem>>, vector<16xi32>,
      %add3A_519 = arith.constant 112 : i32
      %add3A_520 = vector.broadcast %add3A_519 : i32 to vector<16xi32>
      %add3A_521 = arith.addi %iota3A, %add3A_520 : vector<16xi32>
      %gather3A_522 = tpu.vector_load_idx %arg5[%add3A_521, %broadcast_in_dim3A_455] : memref<128x39xf32, #tpu.memory_space<vmem>>[vector<16xi32>, vector<16xi32>], vector<16xf32>,
      %convert_element_type3A_523 = arith.fptosi %gather3A_522 : vector<16xf32> to vector<16xi32>
      %swap3A_524 = arith.constant 6 : i32
      %swap3A_525 = arith.index_cast %swap3A_524 : i32 to index
      %swap3A_526 = arith.constant 112 : index
      %swap3A_527 = tpu.vector_load %arg6[%swap3A_525, %swap3A_526] {strides = array<i32>} : memref<26x128xi32, #tpu.memory_space<vmem>>, vector<16xi32>,
      tpu.vector_store %arg6[%swap3A_525, %swap3A_526], %convert_element_type3A_523 {strides = array<i32>} : memref<26x128xi32, #tpu.memory_space<vmem>>, vector<16xi32>,
      %broadcast_in_dim3A_528 = arith.constant 20 : i32
      %broadcast_in_dim3A_529 = vector.broadcast %broadcast_in_dim3A_528 : i32 to vector<16xi32>
      %add3A_530 = arith.constant 0 : i32
      %add3A_531 = vector.broadcast %add3A_530 : i32 to vector<16xi32>
      %add3A_532 = arith.addi %iota3A, %add3A_531 : vector<16xi32>
      %gather3A_533 = tpu.vector_load_idx %arg5[%add3A_532, %broadcast_in_dim3A_529] : memref<128x39xf32, #tpu.memory_space<vmem>>[vector<16xi32>, vector<16xi32>], vector<16xf32>,
      %convert_element_type3A_534 = arith.fptosi %gather3A_533 : vector<16xf32> to vector<16xi32>
      %swap3A_535 = arith.constant 7 : i32
      %swap3A_536 = arith.index_cast %swap3A_535 : i32 to index
      %swap3A_537 = arith.constant 0 : index
      %swap3A_538 = tpu.vector_load %arg6[%swap3A_536, %swap3A_537] {strides = array<i32>} : memref<26x128xi32, #tpu.memory_space<vmem>>, vector<16xi32>,
      tpu.vector_store %arg6[%swap3A_536, %swap3A_537], %convert_element_type3A_534 {strides = array<i32>} : memref<26x128xi32, #tpu.memory_space<vmem>>, vector<16xi32>,
      %add3A_539 = arith.constant 16 : i32
      %add3A_540 = vector.broadcast %add3A_539 : i32 to vector<16xi32>
      %add3A_541 = arith.addi %iota3A, %add3A_540 : vector<16xi32>
      %gather3A_542 = tpu.vector_load_idx %arg5[%add3A_541, %broadcast_in_dim3A_529] : memref<128x39xf32, #tpu.memory_space<vmem>>[vector<16xi32>, vector<16xi32>], vector<16xf32>,
      %convert_element_type3A_543 = arith.fptosi %gather3A_542 : vector<16xf32> to vector<16xi32>
      %swap3A_544 = arith.constant 7 : i32
      %swap3A_545 = arith.index_cast %swap3A_544 : i32 to index
      %swap3A_546 = arith.constant 16 : index
      %swap3A_547 = tpu.vector_load %arg6[%swap3A_545, %swap3A_546] {strides = array<i32>} : memref<26x128xi32, #tpu.memory_space<vmem>>, vector<16xi32>,
      tpu.vector_store %arg6[%swap3A_545, %swap3A_546], %convert_element_type3A_543 {strides = array<i32>} : memref<26x128xi32, #tpu.memory_space<vmem>>, vector<16xi32>,
      %add3A_548 = arith.constant 32 : i32
      %add3A_549 = vector.broadcast %add3A_548 : i32 to vector<16xi32>
      %add3A_550 = arith.addi %iota3A, %add3A_549 : vector<16xi32>
      %gather3A_551 = tpu.vector_load_idx %arg5[%add3A_550, %broadcast_in_dim3A_529] : memref<128x39xf32, #tpu.memory_space<vmem>>[vector<16xi32>, vector<16xi32>], vector<16xf32>,
      %convert_element_type3A_552 = arith.fptosi %gather3A_551 : vector<16xf32> to vector<16xi32>
      %swap3A_553 = arith.constant 7 : i32
      %swap3A_554 = arith.index_cast %swap3A_553 : i32 to index
      %swap3A_555 = arith.constant 32 : index
      %swap3A_556 = tpu.vector_load %arg6[%swap3A_554, %swap3A_555] {strides = array<i32>} : memref<26x128xi32, #tpu.memory_space<vmem>>, vector<16xi32>,
      tpu.vector_store %arg6[%swap3A_554, %swap3A_555], %convert_element_type3A_552 {strides = array<i32>} : memref<26x128xi32, #tpu.memory_space<vmem>>, vector<16xi32>,
      %add3A_557 = arith.constant 48 : i32
      %add3A_558 = vector.broadcast %add3A_557 : i32 to vector<16xi32>
      %add3A_559 = arith.addi %iota3A, %add3A_558 : vector<16xi32>
      %gather3A_560 = tpu.vector_load_idx %arg5[%add3A_559, %broadcast_in_dim3A_529] : memref<128x39xf32, #tpu.memory_space<vmem>>[vector<16xi32>, vector<16xi32>], vector<16xf32>,
      %convert_element_type3A_561 = arith.fptosi %gather3A_560 : vector<16xf32> to vector<16xi32>
      %swap3A_562 = arith.constant 7 : i32
      %swap3A_563 = arith.index_cast %swap3A_562 : i32 to index
      %swap3A_564 = arith.constant 48 : index
      %swap3A_565 = tpu.vector_load %arg6[%swap3A_563, %swap3A_564] {strides = array<i32>} : memref<26x128xi32, #tpu.memory_space<vmem>>, vector<16xi32>,
      tpu.vector_store %arg6[%swap3A_563, %swap3A_564], %convert_element_type3A_561 {strides = array<i32>} : memref<26x128xi32, #tpu.memory_space<vmem>>, vector<16xi32>,
      %add3A_566 = arith.constant 64 : i32
      %add3A_567 = vector.broadcast %add3A_566 : i32 to vector<16xi32>
      %add3A_568 = arith.addi %iota3A, %add3A_567 : vector<16xi32>
      %gather3A_569 = tpu.vector_load_idx %arg5[%add3A_568, %broadcast_in_dim3A_529] : memref<128x39xf32, #tpu.memory_space<vmem>>[vector<16xi32>, vector<16xi32>], vector<16xf32>,
      %convert_element_type3A_570 = arith.fptosi %gather3A_569 : vector<16xf32> to vector<16xi32>
      %swap3A_571 = arith.constant 7 : i32
      %swap3A_572 = arith.index_cast %swap3A_571 : i32 to index
      %swap3A_573 = arith.constant 64 : index
      %swap3A_574 = tpu.vector_load %arg6[%swap3A_572, %swap3A_573] {strides = array<i32>} : memref<26x128xi32, #tpu.memory_space<vmem>>, vector<16xi32>,
      tpu.vector_store %arg6[%swap3A_572, %swap3A_573], %convert_element_type3A_570 {strides = array<i32>} : memref<26x128xi32, #tpu.memory_space<vmem>>, vector<16xi32>,
      %add3A_575 = arith.constant 80 : i32
      %add3A_576 = vector.broadcast %add3A_575 : i32 to vector<16xi32>
      %add3A_577 = arith.addi %iota3A, %add3A_576 : vector<16xi32>
      %gather3A_578 = tpu.vector_load_idx %arg5[%add3A_577, %broadcast_in_dim3A_529] : memref<128x39xf32, #tpu.memory_space<vmem>>[vector<16xi32>, vector<16xi32>], vector<16xf32>,
      %convert_element_type3A_579 = arith.fptosi %gather3A_578 : vector<16xf32> to vector<16xi32>
      %swap3A_580 = arith.constant 7 : i32
      %swap3A_581 = arith.index_cast %swap3A_580 : i32 to index
      %swap3A_582 = arith.constant 80 : index
      %swap3A_583 = tpu.vector_load %arg6[%swap3A_581, %swap3A_582] {strides = array<i32>} : memref<26x128xi32, #tpu.memory_space<vmem>>, vector<16xi32>,
      tpu.vector_store %arg6[%swap3A_581, %swap3A_582], %convert_element_type3A_579 {strides = array<i32>} : memref<26x128xi32, #tpu.memory_space<vmem>>, vector<16xi32>,
      %add3A_584 = arith.constant 96 : i32
      %add3A_585 = vector.broadcast %add3A_584 : i32 to vector<16xi32>
      %add3A_586 = arith.addi %iota3A, %add3A_585 : vector<16xi32>
      %gather3A_587 = tpu.vector_load_idx %arg5[%add3A_586, %broadcast_in_dim3A_529] : memref<128x39xf32, #tpu.memory_space<vmem>>[vector<16xi32>, vector<16xi32>], vector<16xf32>,
      %convert_element_type3A_588 = arith.fptosi %gather3A_587 : vector<16xf32> to vector<16xi32>
      %swap3A_589 = arith.constant 7 : i32
      %swap3A_590 = arith.index_cast %swap3A_589 : i32 to index
      %swap3A_591 = arith.constant 96 : index
      %swap3A_592 = tpu.vector_load %arg6[%swap3A_590, %swap3A_591] {strides = array<i32>} : memref<26x128xi32, #tpu.memory_space<vmem>>, vector<16xi32>,
      tpu.vector_store %arg6[%swap3A_590, %swap3A_591], %convert_element_type3A_588 {strides = array<i32>} : memref<26x128xi32, #tpu.memory_space<vmem>>, vector<16xi32>,
      %add3A_593 = arith.constant 112 : i32
      %add3A_594 = vector.broadcast %add3A_593 : i32 to vector<16xi32>
      %add3A_595 = arith.addi %iota3A, %add3A_594 : vector<16xi32>
      %gather3A_596 = tpu.vector_load_idx %arg5[%add3A_595, %broadcast_in_dim3A_529] : memref<128x39xf32, #tpu.memory_space<vmem>>[vector<16xi32>, vector<16xi32>], vector<16xf32>,
      %convert_element_type3A_597 = arith.fptosi %gather3A_596 : vector<16xf32> to vector<16xi32>
      %swap3A_598 = arith.constant 7 : i32
      %swap3A_599 = arith.index_cast %swap3A_598 : i32 to index
      %swap3A_600 = arith.constant 112 : index
      %swap3A_601 = tpu.vector_load %arg6[%swap3A_599, %swap3A_600] {strides = array<i32>} : memref<26x128xi32, #tpu.memory_space<vmem>>, vector<16xi32>,
      tpu.vector_store %arg6[%swap3A_599, %swap3A_600], %convert_element_type3A_597 {strides = array<i32>} : memref<26x128xi32, #tpu.memory_space<vmem>>, vector<16xi32>,
      %broadcast_in_dim3A_602 = arith.constant 21 : i32
      %broadcast_in_dim3A_603 = vector.broadcast %broadcast_in_dim3A_602 : i32 to vector<16xi32>
      %add3A_604 = arith.constant 0 : i32
      %add3A_605 = vector.broadcast %add3A_604 : i32 to vector<16xi32>
      %add3A_606 = arith.addi %iota3A, %add3A_605 : vector<16xi32>
      %gather3A_607 = tpu.vector_load_idx %arg5[%add3A_606, %broadcast_in_dim3A_603] : memref<128x39xf32, #tpu.memory_space<vmem>>[vector<16xi32>, vector<16xi32>], vector<16xf32>,
      %convert_element_type3A_608 = arith.fptosi %gather3A_607 : vector<16xf32> to vector<16xi32>
      %swap3A_609 = arith.constant 8 : i32
      %swap3A_610 = arith.index_cast %swap3A_609 : i32 to index
      %swap3A_611 = arith.constant 0 : index
      %swap3A_612 = tpu.vector_load %arg6[%swap3A_610, %swap3A_611] {strides = array<i32>} : memref<26x128xi32, #tpu.memory_space<vmem>>, vector<16xi32>,
      tpu.vector_store %arg6[%swap3A_610, %swap3A_611], %convert_element_type3A_608 {strides = array<i32>} : memref<26x128xi32, #tpu.memory_space<vmem>>, vector<16xi32>,
      %add3A_613 = arith.constant 16 : i32
      %add3A_614 = vector.broadcast %add3A_613 : i32 to vector<16xi32>
      %add3A_615 = arith.addi %iota3A, %add3A_614 : vector<16xi32>
      %gather3A_616 = tpu.vector_load_idx %arg5[%add3A_615, %broadcast_in_dim3A_603] : memref<128x39xf32, #tpu.memory_space<vmem>>[vector<16xi32>, vector<16xi32>], vector<16xf32>,
      %convert_element_type3A_617 = arith.fptosi %gather3A_616 : vector<16xf32> to vector<16xi32>
      %swap3A_618 = arith.constant 8 : i32
      %swap3A_619 = arith.index_cast %swap3A_618 : i32 to index
      %swap3A_620 = arith.constant 16 : index
      %swap3A_621 = tpu.vector_load %arg6[%swap3A_619, %swap3A_620] {strides = array<i32>} : memref<26x128xi32, #tpu.memory_space<vmem>>, vector<16xi32>,
      tpu.vector_store %arg6[%swap3A_619, %swap3A_620], %convert_element_type3A_617 {strides = array<i32>} : memref<26x128xi32, #tpu.memory_space<vmem>>, vector<16xi32>,
      %add3A_622 = arith.constant 32 : i32
      %add3A_623 = vector.broadcast %add3A_622 : i32 to vector<16xi32>
      %add3A_624 = arith.addi %iota3A, %add3A_623 : vector<16xi32>
      %gather3A_625 = tpu.vector_load_idx %arg5[%add3A_624, %broadcast_in_dim3A_603] : memref<128x39xf32, #tpu.memory_space<vmem>>[vector<16xi32>, vector<16xi32>], vector<16xf32>,
      %convert_element_type3A_626 = arith.fptosi %gather3A_625 : vector<16xf32> to vector<16xi32>
      %swap3A_627 = arith.constant 8 : i32
      %swap3A_628 = arith.index_cast %swap3A_627 : i32 to index
      %swap3A_629 = arith.constant 32 : index
      %swap3A_630 = tpu.vector_load %arg6[%swap3A_628, %swap3A_629] {strides = array<i32>} : memref<26x128xi32, #tpu.memory_space<vmem>>, vector<16xi32>,
      tpu.vector_store %arg6[%swap3A_628, %swap3A_629], %convert_element_type3A_626 {strides = array<i32>} : memref<26x128xi32, #tpu.memory_space<vmem>>, vector<16xi32>,
      %add3A_631 = arith.constant 48 : i32
      %add3A_632 = vector.broadcast %add3A_631 : i32 to vector<16xi32>
      %add3A_633 = arith.addi %iota3A, %add3A_632 : vector<16xi32>
      %gather3A_634 = tpu.vector_load_idx %arg5[%add3A_633, %broadcast_in_dim3A_603] : memref<128x39xf32, #tpu.memory_space<vmem>>[vector<16xi32>, vector<16xi32>], vector<16xf32>,
      %convert_element_type3A_635 = arith.fptosi %gather3A_634 : vector<16xf32> to vector<16xi32>
      %swap3A_636 = arith.constant 8 : i32
      %swap3A_637 = arith.index_cast %swap3A_636 : i32 to index
      %swap3A_638 = arith.constant 48 : index
      %swap3A_639 = tpu.vector_load %arg6[%swap3A_637, %swap3A_638] {strides = array<i32>} : memref<26x128xi32, #tpu.memory_space<vmem>>, vector<16xi32>,
      tpu.vector_store %arg6[%swap3A_637, %swap3A_638], %convert_element_type3A_635 {strides = array<i32>} : memref<26x128xi32, #tpu.memory_space<vmem>>, vector<16xi32>,
      %add3A_640 = arith.constant 64 : i32
      %add3A_641 = vector.broadcast %add3A_640 : i32 to vector<16xi32>
      %add3A_642 = arith.addi %iota3A, %add3A_641 : vector<16xi32>
      %gather3A_643 = tpu.vector_load_idx %arg5[%add3A_642, %broadcast_in_dim3A_603] : memref<128x39xf32, #tpu.memory_space<vmem>>[vector<16xi32>, vector<16xi32>], vector<16xf32>,
      %convert_element_type3A_644 = arith.fptosi %gather3A_643 : vector<16xf32> to vector<16xi32>
      %swap3A_645 = arith.constant 8 : i32
      %swap3A_646 = arith.index_cast %swap3A_645 : i32 to index
      %swap3A_647 = arith.constant 64 : index
      %swap3A_648 = tpu.vector_load %arg6[%swap3A_646, %swap3A_647] {strides = array<i32>} : memref<26x128xi32, #tpu.memory_space<vmem>>, vector<16xi32>,
      tpu.vector_store %arg6[%swap3A_646, %swap3A_647], %convert_element_type3A_644 {strides = array<i32>} : memref<26x128xi32, #tpu.memory_space<vmem>>, vector<16xi32>,
      %add3A_649 = arith.constant 80 : i32
      %add3A_650 = vector.broadcast %add3A_649 : i32 to vector<16xi32>
      %add3A_651 = arith.addi %iota3A, %add3A_650 : vector<16xi32>
      %gather3A_652 = tpu.vector_load_idx %arg5[%add3A_651, %broadcast_in_dim3A_603] : memref<128x39xf32, #tpu.memory_space<vmem>>[vector<16xi32>, vector<16xi32>], vector<16xf32>,
      %convert_element_type3A_653 = arith.fptosi %gather3A_652 : vector<16xf32> to vector<16xi32>
      %swap3A_654 = arith.constant 8 : i32
      %swap3A_655 = arith.index_cast %swap3A_654 : i32 to index
      %swap3A_656 = arith.constant 80 : index
      %swap3A_657 = tpu.vector_load %arg6[%swap3A_655, %swap3A_656] {strides = array<i32>} : memref<26x128xi32, #tpu.memory_space<vmem>>, vector<16xi32>,
      tpu.vector_store %arg6[%swap3A_655, %swap3A_656], %convert_element_type3A_653 {strides = array<i32>} : memref<26x128xi32, #tpu.memory_space<vmem>>, vector<16xi32>,
      %add3A_658 = arith.constant 96 : i32
      %add3A_659 = vector.broadcast %add3A_658 : i32 to vector<16xi32>
      %add3A_660 = arith.addi %iota3A, %add3A_659 : vector<16xi32>
      %gather3A_661 = tpu.vector_load_idx %arg5[%add3A_660, %broadcast_in_dim3A_603] : memref<128x39xf32, #tpu.memory_space<vmem>>[vector<16xi32>, vector<16xi32>], vector<16xf32>,
      %convert_element_type3A_662 = arith.fptosi %gather3A_661 : vector<16xf32> to vector<16xi32>
      %swap3A_663 = arith.constant 8 : i32
      %swap3A_664 = arith.index_cast %swap3A_663 : i32 to index
      %swap3A_665 = arith.constant 96 : index
      %swap3A_666 = tpu.vector_load %arg6[%swap3A_664, %swap3A_665] {strides = array<i32>} : memref<26x128xi32, #tpu.memory_space<vmem>>, vector<16xi32>,
      tpu.vector_store %arg6[%swap3A_664, %swap3A_665], %convert_element_type3A_662 {strides = array<i32>} : memref<26x128xi32, #tpu.memory_space<vmem>>, vector<16xi32>,
      %add3A_667 = arith.constant 112 : i32
      %add3A_668 = vector.broadcast %add3A_667 : i32 to vector<16xi32>
      %add3A_669 = arith.addi %iota3A, %add3A_668 : vector<16xi32>
      %gather3A_670 = tpu.vector_load_idx %arg5[%add3A_669, %broadcast_in_dim3A_603] : memref<128x39xf32, #tpu.memory_space<vmem>>[vector<16xi32>, vector<16xi32>], vector<16xf32>,
      %convert_element_type3A_671 = arith.fptosi %gather3A_670 : vector<16xf32> to vector<16xi32>
      %swap3A_672 = arith.constant 8 : i32
      %swap3A_673 = arith.index_cast %swap3A_672 : i32 to index
      %swap3A_674 = arith.constant 112 : index
      %swap3A_675 = tpu.vector_load %arg6[%swap3A_673, %swap3A_674] {strides = array<i32>} : memref<26x128xi32, #tpu.memory_space<vmem>>, vector<16xi32>,
      tpu.vector_store %arg6[%swap3A_673, %swap3A_674], %convert_element_type3A_671 {strides = array<i32>} : memref<26x128xi32, #tpu.memory_space<vmem>>, vector<16xi32>,
      %broadcast_in_dim3A_676 = arith.constant 22 : i32
      %broadcast_in_dim3A_677 = vector.broadcast %broadcast_in_dim3A_676 : i32 to vector<16xi32>
      %add3A_678 = arith.constant 0 : i32
      %add3A_679 = vector.broadcast %add3A_678 : i32 to vector<16xi32>
      %add3A_680 = arith.addi %iota3A, %add3A_679 : vector<16xi32>
      %gather3A_681 = tpu.vector_load_idx %arg5[%add3A_680, %broadcast_in_dim3A_677] : memref<128x39xf32, #tpu.memory_space<vmem>>[vector<16xi32>, vector<16xi32>], vector<16xf32>,
      %convert_element_type3A_682 = arith.fptosi %gather3A_681 : vector<16xf32> to vector<16xi32>
      %swap3A_683 = arith.constant 9 : i32
      %swap3A_684 = arith.index_cast %swap3A_683 : i32 to index
      %swap3A_685 = arith.constant 0 : index
      %swap3A_686 = tpu.vector_load %arg6[%swap3A_684, %swap3A_685] {strides = array<i32>} : memref<26x128xi32, #tpu.memory_space<vmem>>, vector<16xi32>,
      tpu.vector_store %arg6[%swap3A_684, %swap3A_685], %convert_element_type3A_682 {strides = array<i32>} : memref<26x128xi32, #tpu.memory_space<vmem>>, vector<16xi32>,
      %add3A_687 = arith.constant 16 : i32
      %add3A_688 = vector.broadcast %add3A_687 : i32 to vector<16xi32>
      %add3A_689 = arith.addi %iota3A, %add3A_688 : vector<16xi32>
      %gather3A_690 = tpu.vector_load_idx %arg5[%add3A_689, %broadcast_in_dim3A_677] : memref<128x39xf32, #tpu.memory_space<vmem>>[vector<16xi32>, vector<16xi32>], vector<16xf32>,
      %convert_element_type3A_691 = arith.fptosi %gather3A_690 : vector<16xf32> to vector<16xi32>
      %swap3A_692 = arith.constant 9 : i32
      %swap3A_693 = arith.index_cast %swap3A_692 : i32 to index
      %swap3A_694 = arith.constant 16 : index
      %swap3A_695 = tpu.vector_load %arg6[%swap3A_693, %swap3A_694] {strides = array<i32>} : memref<26x128xi32, #tpu.memory_space<vmem>>, vector<16xi32>,
      tpu.vector_store %arg6[%swap3A_693, %swap3A_694], %convert_element_type3A_691 {strides = array<i32>} : memref<26x128xi32, #tpu.memory_space<vmem>>, vector<16xi32>,
      %add3A_696 = arith.constant 32 : i32
      %add3A_697 = vector.broadcast %add3A_696 : i32 to vector<16xi32>
      %add3A_698 = arith.addi %iota3A, %add3A_697 : vector<16xi32>
      %gather3A_699 = tpu.vector_load_idx %arg5[%add3A_698, %broadcast_in_dim3A_677] : memref<128x39xf32, #tpu.memory_space<vmem>>[vector<16xi32>, vector<16xi32>], vector<16xf32>,
      %convert_element_type3A_700 = arith.fptosi %gather3A_699 : vector<16xf32> to vector<16xi32>
      %swap3A_701 = arith.constant 9 : i32
      %swap3A_702 = arith.index_cast %swap3A_701 : i32 to index
      %swap3A_703 = arith.constant 32 : index
      %swap3A_704 = tpu.vector_load %arg6[%swap3A_702, %swap3A_703] {strides = array<i32>} : memref<26x128xi32, #tpu.memory_space<vmem>>, vector<16xi32>,
      tpu.vector_store %arg6[%swap3A_702, %swap3A_703], %convert_element_type3A_700 {strides = array<i32>} : memref<26x128xi32, #tpu.memory_space<vmem>>, vector<16xi32>,
      %add3A_705 = arith.constant 48 : i32
      %add3A_706 = vector.broadcast %add3A_705 : i32 to vector<16xi32>
      %add3A_707 = arith.addi %iota3A, %add3A_706 : vector<16xi32>
      %gather3A_708 = tpu.vector_load_idx %arg5[%add3A_707, %broadcast_in_dim3A_677] : memref<128x39xf32, #tpu.memory_space<vmem>>[vector<16xi32>, vector<16xi32>], vector<16xf32>,
      %convert_element_type3A_709 = arith.fptosi %gather3A_708 : vector<16xf32> to vector<16xi32>
      %swap3A_710 = arith.constant 9 : i32
      %swap3A_711 = arith.index_cast %swap3A_710 : i32 to index
      %swap3A_712 = arith.constant 48 : index
      %swap3A_713 = tpu.vector_load %arg6[%swap3A_711, %swap3A_712] {strides = array<i32>} : memref<26x128xi32, #tpu.memory_space<vmem>>, vector<16xi32>,
      tpu.vector_store %arg6[%swap3A_711, %swap3A_712], %convert_element_type3A_709 {strides = array<i32>} : memref<26x128xi32, #tpu.memory_space<vmem>>, vector<16xi32>,
      %add3A_714 = arith.constant 64 : i32
      %add3A_715 = vector.broadcast %add3A_714 : i32 to vector<16xi32>
      %add3A_716 = arith.addi %iota3A, %add3A_715 : vector<16xi32>
      %gather3A_717 = tpu.vector_load_idx %arg5[%add3A_716, %broadcast_in_dim3A_677] : memref<128x39xf32, #tpu.memory_space<vmem>>[vector<16xi32>, vector<16xi32>], vector<16xf32>,
      %convert_element_type3A_718 = arith.fptosi %gather3A_717 : vector<16xf32> to vector<16xi32>
      %swap3A_719 = arith.constant 9 : i32
      %swap3A_720 = arith.index_cast %swap3A_719 : i32 to index
      %swap3A_721 = arith.constant 64 : index
      %swap3A_722 = tpu.vector_load %arg6[%swap3A_720, %swap3A_721] {strides = array<i32>} : memref<26x128xi32, #tpu.memory_space<vmem>>, vector<16xi32>,
      tpu.vector_store %arg6[%swap3A_720, %swap3A_721], %convert_element_type3A_718 {strides = array<i32>} : memref<26x128xi32, #tpu.memory_space<vmem>>, vector<16xi32>,
      %add3A_723 = arith.constant 80 : i32
      %add3A_724 = vector.broadcast %add3A_723 : i32 to vector<16xi32>
      %add3A_725 = arith.addi %iota3A, %add3A_724 : vector<16xi32>
      %gather3A_726 = tpu.vector_load_idx %arg5[%add3A_725, %broadcast_in_dim3A_677] : memref<128x39xf32, #tpu.memory_space<vmem>>[vector<16xi32>, vector<16xi32>], vector<16xf32>,
      %convert_element_type3A_727 = arith.fptosi %gather3A_726 : vector<16xf32> to vector<16xi32>
      %swap3A_728 = arith.constant 9 : i32
      %swap3A_729 = arith.index_cast %swap3A_728 : i32 to index
      %swap3A_730 = arith.constant 80 : index
      %swap3A_731 = tpu.vector_load %arg6[%swap3A_729, %swap3A_730] {strides = array<i32>} : memref<26x128xi32, #tpu.memory_space<vmem>>, vector<16xi32>,
      tpu.vector_store %arg6[%swap3A_729, %swap3A_730], %convert_element_type3A_727 {strides = array<i32>} : memref<26x128xi32, #tpu.memory_space<vmem>>, vector<16xi32>,
      %add3A_732 = arith.constant 96 : i32
      %add3A_733 = vector.broadcast %add3A_732 : i32 to vector<16xi32>
      %add3A_734 = arith.addi %iota3A, %add3A_733 : vector<16xi32>
      %gather3A_735 = tpu.vector_load_idx %arg5[%add3A_734, %broadcast_in_dim3A_677] : memref<128x39xf32, #tpu.memory_space<vmem>>[vector<16xi32>, vector<16xi32>], vector<16xf32>,
      %convert_element_type3A_736 = arith.fptosi %gather3A_735 : vector<16xf32> to vector<16xi32>
      %swap3A_737 = arith.constant 9 : i32
      %swap3A_738 = arith.index_cast %swap3A_737 : i32 to index
      %swap3A_739 = arith.constant 96 : index
      %swap3A_740 = tpu.vector_load %arg6[%swap3A_738, %swap3A_739] {strides = array<i32>} : memref<26x128xi32, #tpu.memory_space<vmem>>, vector<16xi32>,
      tpu.vector_store %arg6[%swap3A_738, %swap3A_739], %convert_element_type3A_736 {strides = array<i32>} : memref<26x128xi32, #tpu.memory_space<vmem>>, vector<16xi32>,
      %add3A_741 = arith.constant 112 : i32
      %add3A_742 = vector.broadcast %add3A_741 : i32 to vector<16xi32>
      %add3A_743 = arith.addi %iota3A, %add3A_742 : vector<16xi32>
      %gather3A_744 = tpu.vector_load_idx %arg5[%add3A_743, %broadcast_in_dim3A_677] : memref<128x39xf32, #tpu.memory_space<vmem>>[vector<16xi32>, vector<16xi32>], vector<16xf32>,
      %convert_element_type3A_745 = arith.fptosi %gather3A_744 : vector<16xf32> to vector<16xi32>
      %swap3A_746 = arith.constant 9 : i32
      %swap3A_747 = arith.index_cast %swap3A_746 : i32 to index
      %swap3A_748 = arith.constant 112 : index
      %swap3A_749 = tpu.vector_load %arg6[%swap3A_747, %swap3A_748] {strides = array<i32>} : memref<26x128xi32, #tpu.memory_space<vmem>>, vector<16xi32>,
      tpu.vector_store %arg6[%swap3A_747, %swap3A_748], %convert_element_type3A_745 {strides = array<i32>} : memref<26x128xi32, #tpu.memory_space<vmem>>, vector<16xi32>,
      %broadcast_in_dim3A_750 = arith.constant 23 : i32
      %broadcast_in_dim3A_751 = vector.broadcast %broadcast_in_dim3A_750 : i32 to vector<16xi32>
      %add3A_752 = arith.constant 0 : i32
      %add3A_753 = vector.broadcast %add3A_752 : i32 to vector<16xi32>
      %add3A_754 = arith.addi %iota3A, %add3A_753 : vector<16xi32>
      %gather3A_755 = tpu.vector_load_idx %arg5[%add3A_754, %broadcast_in_dim3A_751] : memref<128x39xf32, #tpu.memory_space<vmem>>[vector<16xi32>, vector<16xi32>], vector<16xf32>,
      %convert_element_type3A_756 = arith.fptosi %gather3A_755 : vector<16xf32> to vector<16xi32>
      %swap3A_757 = arith.constant 10 : i32
      %swap3A_758 = arith.index_cast %swap3A_757 : i32 to index
      %swap3A_759 = arith.constant 0 : index
      %swap3A_760 = tpu.vector_load %arg6[%swap3A_758, %swap3A_759] {strides = array<i32>} : memref<26x128xi32, #tpu.memory_space<vmem>>, vector<16xi32>,
      tpu.vector_store %arg6[%swap3A_758, %swap3A_759], %convert_element_type3A_756 {strides = array<i32>} : memref<26x128xi32, #tpu.memory_space<vmem>>, vector<16xi32>,
      %add3A_761 = arith.constant 16 : i32
      %add3A_762 = vector.broadcast %add3A_761 : i32 to vector<16xi32>
      %add3A_763 = arith.addi %iota3A, %add3A_762 : vector<16xi32>
      %gather3A_764 = tpu.vector_load_idx %arg5[%add3A_763, %broadcast_in_dim3A_751] : memref<128x39xf32, #tpu.memory_space<vmem>>[vector<16xi32>, vector<16xi32>], vector<16xf32>,
      %convert_element_type3A_765 = arith.fptosi %gather3A_764 : vector<16xf32> to vector<16xi32>
      %swap3A_766 = arith.constant 10 : i32
      %swap3A_767 = arith.index_cast %swap3A_766 : i32 to index
      %swap3A_768 = arith.constant 16 : index
      %swap3A_769 = tpu.vector_load %arg6[%swap3A_767, %swap3A_768] {strides = array<i32>} : memref<26x128xi32, #tpu.memory_space<vmem>>, vector<16xi32>,
      tpu.vector_store %arg6[%swap3A_767, %swap3A_768], %convert_element_type3A_765 {strides = array<i32>} : memref<26x128xi32, #tpu.memory_space<vmem>>, vector<16xi32>,
      %add3A_770 = arith.constant 32 : i32
      %add3A_771 = vector.broadcast %add3A_770 : i32 to vector<16xi32>
      %add3A_772 = arith.addi %iota3A, %add3A_771 : vector<16xi32>
      %gather3A_773 = tpu.vector_load_idx %arg5[%add3A_772, %broadcast_in_dim3A_751] : memref<128x39xf32, #tpu.memory_space<vmem>>[vector<16xi32>, vector<16xi32>], vector<16xf32>,
      %convert_element_type3A_774 = arith.fptosi %gather3A_773 : vector<16xf32> to vector<16xi32>
      %swap3A_775 = arith.constant 10 : i32
      %swap3A_776 = arith.index_cast %swap3A_775 : i32 to index
      %swap3A_777 = arith.constant 32 : index
      %swap3A_778 = tpu.vector_load %arg6[%swap3A_776, %swap3A_777] {strides = array<i32>} : memref<26x128xi32, #tpu.memory_space<vmem>>, vector<16xi32>,
      tpu.vector_store %arg6[%swap3A_776, %swap3A_777], %convert_element_type3A_774 {strides = array<i32>} : memref<26x128xi32, #tpu.memory_space<vmem>>, vector<16xi32>,
      %add3A_779 = arith.constant 48 : i32
      %add3A_780 = vector.broadcast %add3A_779 : i32 to vector<16xi32>
      %add3A_781 = arith.addi %iota3A, %add3A_780 : vector<16xi32>
      %gather3A_782 = tpu.vector_load_idx %arg5[%add3A_781, %broadcast_in_dim3A_751] : memref<128x39xf32, #tpu.memory_space<vmem>>[vector<16xi32>, vector<16xi32>], vector<16xf32>,
      %convert_element_type3A_783 = arith.fptosi %gather3A_782 : vector<16xf32> to vector<16xi32>
      %swap3A_784 = arith.constant 10 : i32
      %swap3A_785 = arith.index_cast %swap3A_784 : i32 to index
      %swap3A_786 = arith.constant 48 : index
      %swap3A_787 = tpu.vector_load %arg6[%swap3A_785, %swap3A_786] {strides = array<i32>} : memref<26x128xi32, #tpu.memory_space<vmem>>, vector<16xi32>,
      tpu.vector_store %arg6[%swap3A_785, %swap3A_786], %convert_element_type3A_783 {strides = array<i32>} : memref<26x128xi32, #tpu.memory_space<vmem>>, vector<16xi32>,
      %add3A_788 = arith.constant 64 : i32
      %add3A_789 = vector.broadcast %add3A_788 : i32 to vector<16xi32>
      %add3A_790 = arith.addi %iota3A, %add3A_789 : vector<16xi32>
      %gather3A_791 = tpu.vector_load_idx %arg5[%add3A_790, %broadcast_in_dim3A_751] : memref<128x39xf32, #tpu.memory_space<vmem>>[vector<16xi32>, vector<16xi32>], vector<16xf32>,
      %convert_element_type3A_792 = arith.fptosi %gather3A_791 : vector<16xf32> to vector<16xi32>
      %swap3A_793 = arith.constant 10 : i32
      %swap3A_794 = arith.index_cast %swap3A_793 : i32 to index
      %swap3A_795 = arith.constant 64 : index
      %swap3A_796 = tpu.vector_load %arg6[%swap3A_794, %swap3A_795] {strides = array<i32>} : memref<26x128xi32, #tpu.memory_space<vmem>>, vector<16xi32>,
      tpu.vector_store %arg6[%swap3A_794, %swap3A_795], %convert_element_type3A_792 {strides = array<i32>} : memref<26x128xi32, #tpu.memory_space<vmem>>, vector<16xi32>,
      %add3A_797 = arith.constant 80 : i32
      %add3A_798 = vector.broadcast %add3A_797 : i32 to vector<16xi32>
      %add3A_799 = arith.addi %iota3A, %add3A_798 : vector<16xi32>
      %gather3A_800 = tpu.vector_load_idx %arg5[%add3A_799, %broadcast_in_dim3A_751] : memref<128x39xf32, #tpu.memory_space<vmem>>[vector<16xi32>, vector<16xi32>], vector<16xf32>,
      %convert_element_type3A_801 = arith.fptosi %gather3A_800 : vector<16xf32> to vector<16xi32>
      %swap3A_802 = arith.constant 10 : i32
      %swap3A_803 = arith.index_cast %swap3A_802 : i32 to index
      %swap3A_804 = arith.constant 80 : index
      %swap3A_805 = tpu.vector_load %arg6[%swap3A_803, %swap3A_804] {strides = array<i32>} : memref<26x128xi32, #tpu.memory_space<vmem>>, vector<16xi32>,
      tpu.vector_store %arg6[%swap3A_803, %swap3A_804], %convert_element_type3A_801 {strides = array<i32>} : memref<26x128xi32, #tpu.memory_space<vmem>>, vector<16xi32>,
      %add3A_806 = arith.constant 96 : i32
      %add3A_807 = vector.broadcast %add3A_806 : i32 to vector<16xi32>
      %add3A_808 = arith.addi %iota3A, %add3A_807 : vector<16xi32>
      %gather3A_809 = tpu.vector_load_idx %arg5[%add3A_808, %broadcast_in_dim3A_751] : memref<128x39xf32, #tpu.memory_space<vmem>>[vector<16xi32>, vector<16xi32>], vector<16xf32>,
      %convert_element_type3A_810 = arith.fptosi %gather3A_809 : vector<16xf32> to vector<16xi32>
      %swap3A_811 = arith.constant 10 : i32
      %swap3A_812 = arith.index_cast %swap3A_811 : i32 to index
      %swap3A_813 = arith.constant 96 : index
      %swap3A_814 = tpu.vector_load %arg6[%swap3A_812, %swap3A_813] {strides = array<i32>} : memref<26x128xi32, #tpu.memory_space<vmem>>, vector<16xi32>,
      tpu.vector_store %arg6[%swap3A_812, %swap3A_813], %convert_element_type3A_810 {strides = array<i32>} : memref<26x128xi32, #tpu.memory_space<vmem>>, vector<16xi32>,
      %add3A_815 = arith.constant 112 : i32
      %add3A_816 = vector.broadcast %add3A_815 : i32 to vector<16xi32>
      %add3A_817 = arith.addi %iota3A, %add3A_816 : vector<16xi32>
      %gather3A_818 = tpu.vector_load_idx %arg5[%add3A_817, %broadcast_in_dim3A_751] : memref<128x39xf32, #tpu.memory_space<vmem>>[vector<16xi32>, vector<16xi32>], vector<16xf32>,
      %convert_element_type3A_819 = arith.fptosi %gather3A_818 : vector<16xf32> to vector<16xi32>
      %swap3A_820 = arith.constant 10 : i32
      %swap3A_821 = arith.index_cast %swap3A_820 : i32 to index
      %swap3A_822 = arith.constant 112 : index
      %swap3A_823 = tpu.vector_load %arg6[%swap3A_821, %swap3A_822] {strides = array<i32>} : memref<26x128xi32, #tpu.memory_space<vmem>>, vector<16xi32>,
      tpu.vector_store %arg6[%swap3A_821, %swap3A_822], %convert_element_type3A_819 {strides = array<i32>} : memref<26x128xi32, #tpu.memory_space<vmem>>, vector<16xi32>,
      %broadcast_in_dim3A_824 = arith.constant 24 : i32
      %broadcast_in_dim3A_825 = vector.broadcast %broadcast_in_dim3A_824 : i32 to vector<16xi32>
      %add3A_826 = arith.constant 0 : i32
      %add3A_827 = vector.broadcast %add3A_826 : i32 to vector<16xi32>
      %add3A_828 = arith.addi %iota3A, %add3A_827 : vector<16xi32>
      %gather3A_829 = tpu.vector_load_idx %arg5[%add3A_828, %broadcast_in_dim3A_825] : memref<128x39xf32, #tpu.memory_space<vmem>>[vector<16xi32>, vector<16xi32>], vector<16xf32>,
      %convert_element_type3A_830 = arith.fptosi %gather3A_829 : vector<16xf32> to vector<16xi32>
      %swap3A_831 = arith.constant 11 : i32
      %swap3A_832 = arith.index_cast %swap3A_831 : i32 to index
      %swap3A_833 = arith.constant 0 : index
      %swap3A_834 = tpu.vector_load %arg6[%swap3A_832, %swap3A_833] {strides = array<i32>} : memref<26x128xi32, #tpu.memory_space<vmem>>, vector<16xi32>,
      tpu.vector_store %arg6[%swap3A_832, %swap3A_833], %convert_element_type3A_830 {strides = array<i32>} : memref<26x128xi32, #tpu.memory_space<vmem>>, vector<16xi32>,
      %add3A_835 = arith.constant 16 : i32
      %add3A_836 = vector.broadcast %add3A_835 : i32 to vector<16xi32>
      %add3A_837 = arith.addi %iota3A, %add3A_836 : vector<16xi32>
      %gather3A_838 = tpu.vector_load_idx %arg5[%add3A_837, %broadcast_in_dim3A_825] : memref<128x39xf32, #tpu.memory_space<vmem>>[vector<16xi32>, vector<16xi32>], vector<16xf32>,
      %convert_element_type3A_839 = arith.fptosi %gather3A_838 : vector<16xf32> to vector<16xi32>
      %swap3A_840 = arith.constant 11 : i32
      %swap3A_841 = arith.index_cast %swap3A_840 : i32 to index
      %swap3A_842 = arith.constant 16 : index
      %swap3A_843 = tpu.vector_load %arg6[%swap3A_841, %swap3A_842] {strides = array<i32>} : memref<26x128xi32, #tpu.memory_space<vmem>>, vector<16xi32>,
      tpu.vector_store %arg6[%swap3A_841, %swap3A_842], %convert_element_type3A_839 {strides = array<i32>} : memref<26x128xi32, #tpu.memory_space<vmem>>, vector<16xi32>,
      %add3A_844 = arith.constant 32 : i32
      %add3A_845 = vector.broadcast %add3A_844 : i32 to vector<16xi32>
      %add3A_846 = arith.addi %iota3A, %add3A_845 : vector<16xi32>
      %gather3A_847 = tpu.vector_load_idx %arg5[%add3A_846, %broadcast_in_dim3A_825] : memref<128x39xf32, #tpu.memory_space<vmem>>[vector<16xi32>, vector<16xi32>], vector<16xf32>,
      %convert_element_type3A_848 = arith.fptosi %gather3A_847 : vector<16xf32> to vector<16xi32>
      %swap3A_849 = arith.constant 11 : i32
      %swap3A_850 = arith.index_cast %swap3A_849 : i32 to index
      %swap3A_851 = arith.constant 32 : index
      %swap3A_852 = tpu.vector_load %arg6[%swap3A_850, %swap3A_851] {strides = array<i32>} : memref<26x128xi32, #tpu.memory_space<vmem>>, vector<16xi32>,
      tpu.vector_store %arg6[%swap3A_850, %swap3A_851], %convert_element_type3A_848 {strides = array<i32>} : memref<26x128xi32, #tpu.memory_space<vmem>>, vector<16xi32>,
      %add3A_853 = arith.constant 48 : i32
      %add3A_854 = vector.broadcast %add3A_853 : i32 to vector<16xi32>
      %add3A_855 = arith.addi %iota3A, %add3A_854 : vector<16xi32>
      %gather3A_856 = tpu.vector_load_idx %arg5[%add3A_855, %broadcast_in_dim3A_825] : memref<128x39xf32, #tpu.memory_space<vmem>>[vector<16xi32>, vector<16xi32>], vector<16xf32>,
      %convert_element_type3A_857 = arith.fptosi %gather3A_856 : vector<16xf32> to vector<16xi32>
      %swap3A_858 = arith.constant 11 : i32
      %swap3A_859 = arith.index_cast %swap3A_858 : i32 to index
      %swap3A_860 = arith.constant 48 : index
      %swap3A_861 = tpu.vector_load %arg6[%swap3A_859, %swap3A_860] {strides = array<i32>} : memref<26x128xi32, #tpu.memory_space<vmem>>, vector<16xi32>,
      tpu.vector_store %arg6[%swap3A_859, %swap3A_860], %convert_element_type3A_857 {strides = array<i32>} : memref<26x128xi32, #tpu.memory_space<vmem>>, vector<16xi32>,
      %add3A_862 = arith.constant 64 : i32
      %add3A_863 = vector.broadcast %add3A_862 : i32 to vector<16xi32>
      %add3A_864 = arith.addi %iota3A, %add3A_863 : vector<16xi32>
      %gather3A_865 = tpu.vector_load_idx %arg5[%add3A_864, %broadcast_in_dim3A_825] : memref<128x39xf32, #tpu.memory_space<vmem>>[vector<16xi32>, vector<16xi32>], vector<16xf32>,
      %convert_element_type3A_866 = arith.fptosi %gather3A_865 : vector<16xf32> to vector<16xi32>
      %swap3A_867 = arith.constant 11 : i32
      %swap3A_868 = arith.index_cast %swap3A_867 : i32 to index
      %swap3A_869 = arith.constant 64 : index
      %swap3A_870 = tpu.vector_load %arg6[%swap3A_868, %swap3A_869] {strides = array<i32>} : memref<26x128xi32, #tpu.memory_space<vmem>>, vector<16xi32>,
      tpu.vector_store %arg6[%swap3A_868, %swap3A_869], %convert_element_type3A_866 {strides = array<i32>} : memref<26x128xi32, #tpu.memory_space<vmem>>, vector<16xi32>,
      %add3A_871 = arith.constant 80 : i32
      %add3A_872 = vector.broadcast %add3A_871 : i32 to vector<16xi32>
      %add3A_873 = arith.addi %iota3A, %add3A_872 : vector<16xi32>
      %gather3A_874 = tpu.vector_load_idx %arg5[%add3A_873, %broadcast_in_dim3A_825] : memref<128x39xf32, #tpu.memory_space<vmem>>[vector<16xi32>, vector<16xi32>], vector<16xf32>,
      %convert_element_type3A_875 = arith.fptosi %gather3A_874 : vector<16xf32> to vector<16xi32>
      %swap3A_876 = arith.constant 11 : i32
      %swap3A_877 = arith.index_cast %swap3A_876 : i32 to index
      %swap3A_878 = arith.constant 80 : index
      %swap3A_879 = tpu.vector_load %arg6[%swap3A_877, %swap3A_878] {strides = array<i32>} : memref<26x128xi32, #tpu.memory_space<vmem>>, vector<16xi32>,
      tpu.vector_store %arg6[%swap3A_877, %swap3A_878], %convert_element_type3A_875 {strides = array<i32>} : memref<26x128xi32, #tpu.memory_space<vmem>>, vector<16xi32>,
      %add3A_880 = arith.constant 96 : i32
      %add3A_881 = vector.broadcast %add3A_880 : i32 to vector<16xi32>
      %add3A_882 = arith.addi %iota3A, %add3A_881 : vector<16xi32>
      %gather3A_883 = tpu.vector_load_idx %arg5[%add3A_882, %broadcast_in_dim3A_825] : memref<128x39xf32, #tpu.memory_space<vmem>>[vector<16xi32>, vector<16xi32>], vector<16xf32>,
      %convert_element_type3A_884 = arith.fptosi %gather3A_883 : vector<16xf32> to vector<16xi32>
      %swap3A_885 = arith.constant 11 : i32
      %swap3A_886 = arith.index_cast %swap3A_885 : i32 to index
      %swap3A_887 = arith.constant 96 : index
      %swap3A_888 = tpu.vector_load %arg6[%swap3A_886, %swap3A_887] {strides = array<i32>} : memref<26x128xi32, #tpu.memory_space<vmem>>, vector<16xi32>,
      tpu.vector_store %arg6[%swap3A_886, %swap3A_887], %convert_element_type3A_884 {strides = array<i32>} : memref<26x128xi32, #tpu.memory_space<vmem>>, vector<16xi32>,
      %add3A_889 = arith.constant 112 : i32
      %add3A_890 = vector.broadcast %add3A_889 : i32 to vector<16xi32>
      %add3A_891 = arith.addi %iota3A, %add3A_890 : vector<16xi32>
      %gather3A_892 = tpu.vector_load_idx %arg5[%add3A_891, %broadcast_in_dim3A_825] : memref<128x39xf32, #tpu.memory_space<vmem>>[vector<16xi32>, vector<16xi32>], vector<16xf32>,
      %convert_element_type3A_893 = arith.fptosi %gather3A_892 : vector<16xf32> to vector<16xi32>
      %swap3A_894 = arith.constant 11 : i32
      %swap3A_895 = arith.index_cast %swap3A_894 : i32 to index
      %swap3A_896 = arith.constant 112 : index
      %swap3A_897 = tpu.vector_load %arg6[%swap3A_895, %swap3A_896] {strides = array<i32>} : memref<26x128xi32, #tpu.memory_space<vmem>>, vector<16xi32>,
      tpu.vector_store %arg6[%swap3A_895, %swap3A_896], %convert_element_type3A_893 {strides = array<i32>} : memref<26x128xi32, #tpu.memory_space<vmem>>, vector<16xi32>,
      %broadcast_in_dim3A_898 = arith.constant 25 : i32
      %broadcast_in_dim3A_899 = vector.broadcast %broadcast_in_dim3A_898 : i32 to vector<16xi32>
      %add3A_900 = arith.constant 0 : i32
      %add3A_901 = vector.broadcast %add3A_900 : i32 to vector<16xi32>
      %add3A_902 = arith.addi %iota3A, %add3A_901 : vector<16xi32>
      %gather3A_903 = tpu.vector_load_idx %arg5[%add3A_902, %broadcast_in_dim3A_899] : memref<128x39xf32, #tpu.memory_space<vmem>>[vector<16xi32>, vector<16xi32>], vector<16xf32>,
      %convert_element_type3A_904 = arith.fptosi %gather3A_903 : vector<16xf32> to vector<16xi32>
      %swap3A_905 = arith.constant 12 : i32
      %swap3A_906 = arith.index_cast %swap3A_905 : i32 to index
      %swap3A_907 = arith.constant 0 : index
      %swap3A_908 = tpu.vector_load %arg6[%swap3A_906, %swap3A_907] {strides = array<i32>} : memref<26x128xi32, #tpu.memory_space<vmem>>, vector<16xi32>,
      tpu.vector_store %arg6[%swap3A_906, %swap3A_907], %convert_element_type3A_904 {strides = array<i32>} : memref<26x128xi32, #tpu.memory_space<vmem>>, vector<16xi32>,
      %add3A_909 = arith.constant 16 : i32
      %add3A_910 = vector.broadcast %add3A_909 : i32 to vector<16xi32>
      %add3A_911 = arith.addi %iota3A, %add3A_910 : vector<16xi32>
      %gather3A_912 = tpu.vector_load_idx %arg5[%add3A_911, %broadcast_in_dim3A_899] : memref<128x39xf32, #tpu.memory_space<vmem>>[vector<16xi32>, vector<16xi32>], vector<16xf32>,
      %convert_element_type3A_913 = arith.fptosi %gather3A_912 : vector<16xf32> to vector<16xi32>
      %swap3A_914 = arith.constant 12 : i32
      %swap3A_915 = arith.index_cast %swap3A_914 : i32 to index
      %swap3A_916 = arith.constant 16 : index
      %swap3A_917 = tpu.vector_load %arg6[%swap3A_915, %swap3A_916] {strides = array<i32>} : memref<26x128xi32, #tpu.memory_space<vmem>>, vector<16xi32>,
      tpu.vector_store %arg6[%swap3A_915, %swap3A_916], %convert_element_type3A_913 {strides = array<i32>} : memref<26x128xi32, #tpu.memory_space<vmem>>, vector<16xi32>,
      %add3A_918 = arith.constant 32 : i32
      %add3A_919 = vector.broadcast %add3A_918 : i32 to vector<16xi32>
      %add3A_920 = arith.addi %iota3A, %add3A_919 : vector<16xi32>
      %gather3A_921 = tpu.vector_load_idx %arg5[%add3A_920, %broadcast_in_dim3A_899] : memref<128x39xf32, #tpu.memory_space<vmem>>[vector<16xi32>, vector<16xi32>], vector<16xf32>,
      %convert_element_type3A_922 = arith.fptosi %gather3A_921 : vector<16xf32> to vector<16xi32>
      %swap3A_923 = arith.constant 12 : i32
      %swap3A_924 = arith.index_cast %swap3A_923 : i32 to index
      %swap3A_925 = arith.constant 32 : index
      %swap3A_926 = tpu.vector_load %arg6[%swap3A_924, %swap3A_925] {strides = array<i32>} : memref<26x128xi32, #tpu.memory_space<vmem>>, vector<16xi32>,
      tpu.vector_store %arg6[%swap3A_924, %swap3A_925], %convert_element_type3A_922 {strides = array<i32>} : memref<26x128xi32, #tpu.memory_space<vmem>>, vector<16xi32>,
      %add3A_927 = arith.constant 48 : i32
      %add3A_928 = vector.broadcast %add3A_927 : i32 to vector<16xi32>
      %add3A_929 = arith.addi %iota3A, %add3A_928 : vector<16xi32>
      %gather3A_930 = tpu.vector_load_idx %arg5[%add3A_929, %broadcast_in_dim3A_899] : memref<128x39xf32, #tpu.memory_space<vmem>>[vector<16xi32>, vector<16xi32>], vector<16xf32>,
      %convert_element_type3A_931 = arith.fptosi %gather3A_930 : vector<16xf32> to vector<16xi32>
      %swap3A_932 = arith.constant 12 : i32
      %swap3A_933 = arith.index_cast %swap3A_932 : i32 to index
      %swap3A_934 = arith.constant 48 : index
      %swap3A_935 = tpu.vector_load %arg6[%swap3A_933, %swap3A_934] {strides = array<i32>} : memref<26x128xi32, #tpu.memory_space<vmem>>, vector<16xi32>,
      tpu.vector_store %arg6[%swap3A_933, %swap3A_934], %convert_element_type3A_931 {strides = array<i32>} : memref<26x128xi32, #tpu.memory_space<vmem>>, vector<16xi32>,
      %add3A_936 = arith.constant 64 : i32
      %add3A_937 = vector.broadcast %add3A_936 : i32 to vector<16xi32>
      %add3A_938 = arith.addi %iota3A, %add3A_937 : vector<16xi32>
      %gather3A_939 = tpu.vector_load_idx %arg5[%add3A_938, %broadcast_in_dim3A_899] : memref<128x39xf32, #tpu.memory_space<vmem>>[vector<16xi32>, vector<16xi32>], vector<16xf32>,
      %convert_element_type3A_940 = arith.fptosi %gather3A_939 : vector<16xf32> to vector<16xi32>
      %swap3A_941 = arith.constant 12 : i32
      %swap3A_942 = arith.index_cast %swap3A_941 : i32 to index
      %swap3A_943 = arith.constant 64 : index
      %swap3A_944 = tpu.vector_load %arg6[%swap3A_942, %swap3A_943] {strides = array<i32>} : memref<26x128xi32, #tpu.memory_space<vmem>>, vector<16xi32>,
      tpu.vector_store %arg6[%swap3A_942, %swap3A_943], %convert_element_type3A_940 {strides = array<i32>} : memref<26x128xi32, #tpu.memory_space<vmem>>, vector<16xi32>,
      %add3A_945 = arith.constant 80 : i32
      %add3A_946 = vector.broadcast %add3A_945 : i32 to vector<16xi32>
      %add3A_947 = arith.addi %iota3A, %add3A_946 : vector<16xi32>
      %gather3A_948 = tpu.vector_load_idx %arg5[%add3A_947, %broadcast_in_dim3A_899] : memref<128x39xf32, #tpu.memory_space<vmem>>[vector<16xi32>, vector<16xi32>], vector<16xf32>,
      %convert_element_type3A_949 = arith.fptosi %gather3A_948 : vector<16xf32> to vector<16xi32>
      %swap3A_950 = arith.constant 12 : i32
      %swap3A_951 = arith.index_cast %swap3A_950 : i32 to index
      %swap3A_952 = arith.constant 80 : index
      %swap3A_953 = tpu.vector_load %arg6[%swap3A_951, %swap3A_952] {strides = array<i32>} : memref<26x128xi32, #tpu.memory_space<vmem>>, vector<16xi32>,
      tpu.vector_store %arg6[%swap3A_951, %swap3A_952], %convert_element_type3A_949 {strides = array<i32>} : memref<26x128xi32, #tpu.memory_space<vmem>>, vector<16xi32>,
      %add3A_954 = arith.constant 96 : i32
      %add3A_955 = vector.broadcast %add3A_954 : i32 to vector<16xi32>
      %add3A_956 = arith.addi %iota3A, %add3A_955 : vector<16xi32>
      %gather3A_957 = tpu.vector_load_idx %arg5[%add3A_956, %broadcast_in_dim3A_899] : memref<128x39xf32, #tpu.memory_space<vmem>>[vector<16xi32>, vector<16xi32>], vector<16xf32>,
      %convert_element_type3A_958 = arith.fptosi %gather3A_957 : vector<16xf32> to vector<16xi32>
      %swap3A_959 = arith.constant 12 : i32
      %swap3A_960 = arith.index_cast %swap3A_959 : i32 to index
      %swap3A_961 = arith.constant 96 : index
      %swap3A_962 = tpu.vector_load %arg6[%swap3A_960, %swap3A_961] {strides = array<i32>} : memref<26x128xi32, #tpu.memory_space<vmem>>, vector<16xi32>,
      tpu.vector_store %arg6[%swap3A_960, %swap3A_961], %convert_element_type3A_958 {strides = array<i32>} : memref<26x128xi32, #tpu.memory_space<vmem>>, vector<16xi32>,
      %add3A_963 = arith.constant 112 : i32
      %add3A_964 = vector.broadcast %add3A_963 : i32 to vector<16xi32>
      %add3A_965 = arith.addi %iota3A, %add3A_964 : vector<16xi32>
      %gather3A_966 = tpu.vector_load_idx %arg5[%add3A_965, %broadcast_in_dim3A_899] : memref<128x39xf32, #tpu.memory_space<vmem>>[vector<16xi32>, vector<16xi32>], vector<16xf32>,
      %convert_element_type3A_967 = arith.fptosi %gather3A_966 : vector<16xf32> to vector<16xi32>
      %swap3A_968 = arith.constant 12 : i32
      %swap3A_969 = arith.index_cast %swap3A_968 : i32 to index
      %swap3A_970 = arith.constant 112 : index
      %swap3A_971 = tpu.vector_load %arg6[%swap3A_969, %swap3A_970] {strides = array<i32>} : memref<26x128xi32, #tpu.memory_space<vmem>>, vector<16xi32>,
      tpu.vector_store %arg6[%swap3A_969, %swap3A_970], %convert_element_type3A_967 {strides = array<i32>} : memref<26x128xi32, #tpu.memory_space<vmem>>, vector<16xi32>,
      %broadcast_in_dim3A_972 = arith.constant 26 : i32
      %broadcast_in_dim3A_973 = vector.broadcast %broadcast_in_dim3A_972 : i32 to vector<16xi32>
      %add3A_974 = arith.constant 0 : i32
      %add3A_975 = vector.broadcast %add3A_974 : i32 to vector<16xi32>
      %add3A_976 = arith.addi %iota3A, %add3A_975 : vector<16xi32>
      %gather3A_977 = tpu.vector_load_idx %arg5[%add3A_976, %broadcast_in_dim3A_973] : memref<128x39xf32, #tpu.memory_space<vmem>>[vector<16xi32>, vector<16xi32>], vector<16xf32>,
      %convert_element_type3A_978 = arith.fptosi %gather3A_977 : vector<16xf32> to vector<16xi32>
      %swap3A_979 = arith.constant 13 : i32
      %swap3A_980 = arith.index_cast %swap3A_979 : i32 to index
      %swap3A_981 = arith.constant 0 : index
      %swap3A_982 = tpu.vector_load %arg6[%swap3A_980, %swap3A_981] {strides = array<i32>} : memref<26x128xi32, #tpu.memory_space<vmem>>, vector<16xi32>,
      tpu.vector_store %arg6[%swap3A_980, %swap3A_981], %convert_element_type3A_978 {strides = array<i32>} : memref<26x128xi32, #tpu.memory_space<vmem>>, vector<16xi32>,
      %add3A_983 = arith.constant 16 : i32
      %add3A_984 = vector.broadcast %add3A_983 : i32 to vector<16xi32>
      %add3A_985 = arith.addi %iota3A, %add3A_984 : vector<16xi32>
      %gather3A_986 = tpu.vector_load_idx %arg5[%add3A_985, %broadcast_in_dim3A_973] : memref<128x39xf32, #tpu.memory_space<vmem>>[vector<16xi32>, vector<16xi32>], vector<16xf32>,
      %convert_element_type3A_987 = arith.fptosi %gather3A_986 : vector<16xf32> to vector<16xi32>
      %swap3A_988 = arith.constant 13 : i32
      %swap3A_989 = arith.index_cast %swap3A_988 : i32 to index
      %swap3A_990 = arith.constant 16 : index
      %swap3A_991 = tpu.vector_load %arg6[%swap3A_989, %swap3A_990] {strides = array<i32>} : memref<26x128xi32, #tpu.memory_space<vmem>>, vector<16xi32>,
      tpu.vector_store %arg6[%swap3A_989, %swap3A_990], %convert_element_type3A_987 {strides = array<i32>} : memref<26x128xi32, #tpu.memory_space<vmem>>, vector<16xi32>,
      %add3A_992 = arith.constant 32 : i32
      %add3A_993 = vector.broadcast %add3A_992 : i32 to vector<16xi32>
      %add3A_994 = arith.addi %iota3A, %add3A_993 : vector<16xi32>
      %gather3A_995 = tpu.vector_load_idx %arg5[%add3A_994, %broadcast_in_dim3A_973] : memref<128x39xf32, #tpu.memory_space<vmem>>[vector<16xi32>, vector<16xi32>], vector<16xf32>,
      %convert_element_type3A_996 = arith.fptosi %gather3A_995 : vector<16xf32> to vector<16xi32>
      %swap3A_997 = arith.constant 13 : i32
      %swap3A_998 = arith.index_cast %swap3A_997 : i32 to index
      %swap3A_999 = arith.constant 32 : index
      %swap3A_1000 = tpu.vector_load %arg6[%swap3A_998, %swap3A_999] {strides = array<i32>} : memref<26x128xi32, #tpu.memory_space<vmem>>, vector<16xi32>,
      tpu.vector_store %arg6[%swap3A_998, %swap3A_999], %convert_element_type3A_996 {strides = array<i32>} : memref<26x128xi32, #tpu.memory_space<vmem>>, vector<16xi32>,
      %add3A_1001 = arith.constant 48 : i32
      %add3A_1002 = vector.broadcast %add3A_1001 : i32 to vector<16xi32>
      %add3A_1003 = arith.addi %iota3A, %add3A_1002 : vector<16xi32>
      %gather3A_1004 = tpu.vector_load_idx %arg5[%add3A_1003, %broadcast_in_dim3A_973] : memref<128x39xf32, #tpu.memory_space<vmem>>[vector<16xi32>, vector<16xi32>], vector<16xf32>,
      %convert_element_type3A_1005 = arith.fptosi %gather3A_1004 : vector<16xf32> to vector<16xi32>
      %swap3A_1006 = arith.constant 13 : i32
      %swap3A_1007 = arith.index_cast %swap3A_1006 : i32 to index
      %swap3A_1008 = arith.constant 48 : index
      %swap3A_1009 = tpu.vector_load %arg6[%swap3A_1007, %swap3A_1008] {strides = array<i32>} : memref<26x128xi32, #tpu.memory_space<vmem>>, vector<16xi32>,
      tpu.vector_store %arg6[%swap3A_1007, %swap3A_1008], %convert_element_type3A_1005 {strides = array<i32>} : memref<26x128xi32, #tpu.memory_space<vmem>>, vector<16xi32>,
      %add3A_1010 = arith.constant 64 : i32
      %add3A_1011 = vector.broadcast %add3A_1010 : i32 to vector<16xi32>
      %add3A_1012 = arith.addi %iota3A, %add3A_1011 : vector<16xi32>
      %gather3A_1013 = tpu.vector_load_idx %arg5[%add3A_1012, %broadcast_in_dim3A_973] : memref<128x39xf32, #tpu.memory_space<vmem>>[vector<16xi32>, vector<16xi32>], vector<16xf32>,
      %convert_element_type3A_1014 = arith.fptosi %gather3A_1013 : vector<16xf32> to vector<16xi32>
      %swap3A_1015 = arith.constant 13 : i32
      %swap3A_1016 = arith.index_cast %swap3A_1015 : i32 to index
      %swap3A_1017 = arith.constant 64 : index
      %swap3A_1018 = tpu.vector_load %arg6[%swap3A_1016, %swap3A_1017] {strides = array<i32>} : memref<26x128xi32, #tpu.memory_space<vmem>>, vector<16xi32>,
      tpu.vector_store %arg6[%swap3A_1016, %swap3A_1017], %convert_element_type3A_1014 {strides = array<i32>} : memref<26x128xi32, #tpu.memory_space<vmem>>, vector<16xi32>,
      %add3A_1019 = arith.constant 80 : i32
      %add3A_1020 = vector.broadcast %add3A_1019 : i32 to vector<16xi32>
      %add3A_1021 = arith.addi %iota3A, %add3A_1020 : vector<16xi32>
      %gather3A_1022 = tpu.vector_load_idx %arg5[%add3A_1021, %broadcast_in_dim3A_973] : memref<128x39xf32, #tpu.memory_space<vmem>>[vector<16xi32>, vector<16xi32>], vector<16xf32>,
      %convert_element_type3A_1023 = arith.fptosi %gather3A_1022 : vector<16xf32> to vector<16xi32>
      %swap3A_1024 = arith.constant 13 : i32
      %swap3A_1025 = arith.index_cast %swap3A_1024 : i32 to index
      %swap3A_1026 = arith.constant 80 : index
      %swap3A_1027 = tpu.vector_load %arg6[%swap3A_1025, %swap3A_1026] {strides = array<i32>} : memref<26x128xi32, #tpu.memory_space<vmem>>, vector<16xi32>,
      tpu.vector_store %arg6[%swap3A_1025, %swap3A_1026], %convert_element_type3A_1023 {strides = array<i32>} : memref<26x128xi32, #tpu.memory_space<vmem>>, vector<16xi32>,
      %add3A_1028 = arith.constant 96 : i32
      %add3A_1029 = vector.broadcast %add3A_1028 : i32 to vector<16xi32>
      %add3A_1030 = arith.addi %iota3A, %add3A_1029 : vector<16xi32>
      %gather3A_1031 = tpu.vector_load_idx %arg5[%add3A_1030, %broadcast_in_dim3A_973] : memref<128x39xf32, #tpu.memory_space<vmem>>[vector<16xi32>, vector<16xi32>], vector<16xf32>,
      %convert_element_type3A_1032 = arith.fptosi %gather3A_1031 : vector<16xf32> to vector<16xi32>
      %swap3A_1033 = arith.constant 13 : i32
      %swap3A_1034 = arith.index_cast %swap3A_1033 : i32 to index
      %swap3A_1035 = arith.constant 96 : index
      %swap3A_1036 = tpu.vector_load %arg6[%swap3A_1034, %swap3A_1035] {strides = array<i32>} : memref<26x128xi32, #tpu.memory_space<vmem>>, vector<16xi32>,
      tpu.vector_store %arg6[%swap3A_1034, %swap3A_1035], %convert_element_type3A_1032 {strides = array<i32>} : memref<26x128xi32, #tpu.memory_space<vmem>>, vector<16xi32>,
      %add3A_1037 = arith.constant 112 : i32
      %add3A_1038 = vector.broadcast %add3A_1037 : i32 to vector<16xi32>
      %add3A_1039 = arith.addi %iota3A, %add3A_1038 : vector<16xi32>
      %gather3A_1040 = tpu.vector_load_idx %arg5[%add3A_1039, %broadcast_in_dim3A_973] : memref<128x39xf32, #tpu.memory_space<vmem>>[vector<16xi32>, vector<16xi32>], vector<16xf32>,
      %convert_element_type3A_1041 = arith.fptosi %gather3A_1040 : vector<16xf32> to vector<16xi32>
      %swap3A_1042 = arith.constant 13 : i32
      %swap3A_1043 = arith.index_cast %swap3A_1042 : i32 to index
      %swap3A_1044 = arith.constant 112 : index
      %swap3A_1045 = tpu.vector_load %arg6[%swap3A_1043, %swap3A_1044] {strides = array<i32>} : memref<26x128xi32, #tpu.memory_space<vmem>>, vector<16xi32>,
      tpu.vector_store %arg6[%swap3A_1043, %swap3A_1044], %convert_element_type3A_1041 {strides = array<i32>} : memref<26x128xi32, #tpu.memory_space<vmem>>, vector<16xi32>,
      %broadcast_in_dim3A_1046 = arith.constant 27 : i32
      %broadcast_in_dim3A_1047 = vector.broadcast %broadcast_in_dim3A_1046 : i32 to vector<16xi32>
      %add3A_1048 = arith.constant 0 : i32
      %add3A_1049 = vector.broadcast %add3A_1048 : i32 to vector<16xi32>
      %add3A_1050 = arith.addi %iota3A, %add3A_1049 : vector<16xi32>
      %gather3A_1051 = tpu.vector_load_idx %arg5[%add3A_1050, %broadcast_in_dim3A_1047] : memref<128x39xf32, #tpu.memory_space<vmem>>[vector<16xi32>, vector<16xi32>], vector<16xf32>,
      %convert_element_type3A_1052 = arith.fptosi %gather3A_1051 : vector<16xf32> to vector<16xi32>
      %swap3A_1053 = arith.constant 14 : i32
      %swap3A_1054 = arith.index_cast %swap3A_1053 : i32 to index
      %swap3A_1055 = arith.constant 0 : index
      %swap3A_1056 = tpu.vector_load %arg6[%swap3A_1054, %swap3A_1055] {strides = array<i32>} : memref<26x128xi32, #tpu.memory_space<vmem>>, vector<16xi32>,
      tpu.vector_store %arg6[%swap3A_1054, %swap3A_1055], %convert_element_type3A_1052 {strides = array<i32>} : memref<26x128xi32, #tpu.memory_space<vmem>>, vector<16xi32>,
      %add3A_1057 = arith.constant 16 : i32
      %add3A_1058 = vector.broadcast %add3A_1057 : i32 to vector<16xi32>
      %add3A_1059 = arith.addi %iota3A, %add3A_1058 : vector<16xi32>
      %gather3A_1060 = tpu.vector_load_idx %arg5[%add3A_1059, %broadcast_in_dim3A_1047] : memref<128x39xf32, #tpu.memory_space<vmem>>[vector<16xi32>, vector<16xi32>], vector<16xf32>,
      %convert_element_type3A_1061 = arith.fptosi %gather3A_1060 : vector<16xf32> to vector<16xi32>
      %swap3A_1062 = arith.constant 14 : i32
      %swap3A_1063 = arith.index_cast %swap3A_1062 : i32 to index
      %swap3A_1064 = arith.constant 16 : index
      %swap3A_1065 = tpu.vector_load %arg6[%swap3A_1063, %swap3A_1064] {strides = array<i32>} : memref<26x128xi32, #tpu.memory_space<vmem>>, vector<16xi32>,
      tpu.vector_store %arg6[%swap3A_1063, %swap3A_1064], %convert_element_type3A_1061 {strides = array<i32>} : memref<26x128xi32, #tpu.memory_space<vmem>>, vector<16xi32>,
      %add3A_1066 = arith.constant 32 : i32
      %add3A_1067 = vector.broadcast %add3A_1066 : i32 to vector<16xi32>
      %add3A_1068 = arith.addi %iota3A, %add3A_1067 : vector<16xi32>
      %gather3A_1069 = tpu.vector_load_idx %arg5[%add3A_1068, %broadcast_in_dim3A_1047] : memref<128x39xf32, #tpu.memory_space<vmem>>[vector<16xi32>, vector<16xi32>], vector<16xf32>,
      %convert_element_type3A_1070 = arith.fptosi %gather3A_1069 : vector<16xf32> to vector<16xi32>
      %swap3A_1071 = arith.constant 14 : i32
      %swap3A_1072 = arith.index_cast %swap3A_1071 : i32 to index
      %swap3A_1073 = arith.constant 32 : index
      %swap3A_1074 = tpu.vector_load %arg6[%swap3A_1072, %swap3A_1073] {strides = array<i32>} : memref<26x128xi32, #tpu.memory_space<vmem>>, vector<16xi32>,
      tpu.vector_store %arg6[%swap3A_1072, %swap3A_1073], %convert_element_type3A_1070 {strides = array<i32>} : memref<26x128xi32, #tpu.memory_space<vmem>>, vector<16xi32>,
      %add3A_1075 = arith.constant 48 : i32
      %add3A_1076 = vector.broadcast %add3A_1075 : i32 to vector<16xi32>
      %add3A_1077 = arith.addi %iota3A, %add3A_1076 : vector<16xi32>
      %gather3A_1078 = tpu.vector_load_idx %arg5[%add3A_1077, %broadcast_in_dim3A_1047] : memref<128x39xf32, #tpu.memory_space<vmem>>[vector<16xi32>, vector<16xi32>], vector<16xf32>,
      %convert_element_type3A_1079 = arith.fptosi %gather3A_1078 : vector<16xf32> to vector<16xi32>
      %swap3A_1080 = arith.constant 14 : i32
      %swap3A_1081 = arith.index_cast %swap3A_1080 : i32 to index
      %swap3A_1082 = arith.constant 48 : index
      %swap3A_1083 = tpu.vector_load %arg6[%swap3A_1081, %swap3A_1082] {strides = array<i32>} : memref<26x128xi32, #tpu.memory_space<vmem>>, vector<16xi32>,
      tpu.vector_store %arg6[%swap3A_1081, %swap3A_1082], %convert_element_type3A_1079 {strides = array<i32>} : memref<26x128xi32, #tpu.memory_space<vmem>>, vector<16xi32>,
      %add3A_1084 = arith.constant 64 : i32
      %add3A_1085 = vector.broadcast %add3A_1084 : i32 to vector<16xi32>
      %add3A_1086 = arith.addi %iota3A, %add3A_1085 : vector<16xi32>
      %gather3A_1087 = tpu.vector_load_idx %arg5[%add3A_1086, %broadcast_in_dim3A_1047] : memref<128x39xf32, #tpu.memory_space<vmem>>[vector<16xi32>, vector<16xi32>], vector<16xf32>,
      %convert_element_type3A_1088 = arith.fptosi %gather3A_1087 : vector<16xf32> to vector<16xi32>
      %swap3A_1089 = arith.constant 14 : i32
      %swap3A_1090 = arith.index_cast %swap3A_1089 : i32 to index
      %swap3A_1091 = arith.constant 64 : index
      %swap3A_1092 = tpu.vector_load %arg6[%swap3A_1090, %swap3A_1091] {strides = array<i32>} : memref<26x128xi32, #tpu.memory_space<vmem>>, vector<16xi32>,
      tpu.vector_store %arg6[%swap3A_1090, %swap3A_1091], %convert_element_type3A_1088 {strides = array<i32>} : memref<26x128xi32, #tpu.memory_space<vmem>>, vector<16xi32>,
      %add3A_1093 = arith.constant 80 : i32
      %add3A_1094 = vector.broadcast %add3A_1093 : i32 to vector<16xi32>
      %add3A_1095 = arith.addi %iota3A, %add3A_1094 : vector<16xi32>
      %gather3A_1096 = tpu.vector_load_idx %arg5[%add3A_1095, %broadcast_in_dim3A_1047] : memref<128x39xf32, #tpu.memory_space<vmem>>[vector<16xi32>, vector<16xi32>], vector<16xf32>,
      %convert_element_type3A_1097 = arith.fptosi %gather3A_1096 : vector<16xf32> to vector<16xi32>
      %swap3A_1098 = arith.constant 14 : i32
      %swap3A_1099 = arith.index_cast %swap3A_1098 : i32 to index
      %swap3A_1100 = arith.constant 80 : index
      %swap3A_1101 = tpu.vector_load %arg6[%swap3A_1099, %swap3A_1100] {strides = array<i32>} : memref<26x128xi32, #tpu.memory_space<vmem>>, vector<16xi32>,
      tpu.vector_store %arg6[%swap3A_1099, %swap3A_1100], %convert_element_type3A_1097 {strides = array<i32>} : memref<26x128xi32, #tpu.memory_space<vmem>>, vector<16xi32>,
      %add3A_1102 = arith.constant 96 : i32
      %add3A_1103 = vector.broadcast %add3A_1102 : i32 to vector<16xi32>
      %add3A_1104 = arith.addi %iota3A, %add3A_1103 : vector<16xi32>
      %gather3A_1105 = tpu.vector_load_idx %arg5[%add3A_1104, %broadcast_in_dim3A_1047] : memref<128x39xf32, #tpu.memory_space<vmem>>[vector<16xi32>, vector<16xi32>], vector<16xf32>,
      %convert_element_type3A_1106 = arith.fptosi %gather3A_1105 : vector<16xf32> to vector<16xi32>
      %swap3A_1107 = arith.constant 14 : i32
      %swap3A_1108 = arith.index_cast %swap3A_1107 : i32 to index
      %swap3A_1109 = arith.constant 96 : index
      %swap3A_1110 = tpu.vector_load %arg6[%swap3A_1108, %swap3A_1109] {strides = array<i32>} : memref<26x128xi32, #tpu.memory_space<vmem>>, vector<16xi32>,
      tpu.vector_store %arg6[%swap3A_1108, %swap3A_1109], %convert_element_type3A_1106 {strides = array<i32>} : memref<26x128xi32, #tpu.memory_space<vmem>>, vector<16xi32>,
      %add3A_1111 = arith.constant 112 : i32
      %add3A_1112 = vector.broadcast %add3A_1111 : i32 to vector<16xi32>
      %add3A_1113 = arith.addi %iota3A, %add3A_1112 : vector<16xi32>
      %gather3A_1114 = tpu.vector_load_idx %arg5[%add3A_1113, %broadcast_in_dim3A_1047] : memref<128x39xf32, #tpu.memory_space<vmem>>[vector<16xi32>, vector<16xi32>], vector<16xf32>,
      %convert_element_type3A_1115 = arith.fptosi %gather3A_1114 : vector<16xf32> to vector<16xi32>
      %swap3A_1116 = arith.constant 14 : i32
      %swap3A_1117 = arith.index_cast %swap3A_1116 : i32 to index
      %swap3A_1118 = arith.constant 112 : index
      %swap3A_1119 = tpu.vector_load %arg6[%swap3A_1117, %swap3A_1118] {strides = array<i32>} : memref<26x128xi32, #tpu.memory_space<vmem>>, vector<16xi32>,
      tpu.vector_store %arg6[%swap3A_1117, %swap3A_1118], %convert_element_type3A_1115 {strides = array<i32>} : memref<26x128xi32, #tpu.memory_space<vmem>>, vector<16xi32>,
      %broadcast_in_dim3A_1120 = arith.constant 28 : i32
      %broadcast_in_dim3A_1121 = vector.broadcast %broadcast_in_dim3A_1120 : i32 to vector<16xi32>
      %add3A_1122 = arith.constant 0 : i32
      %add3A_1123 = vector.broadcast %add3A_1122 : i32 to vector<16xi32>
      %add3A_1124 = arith.addi %iota3A, %add3A_1123 : vector<16xi32>
      %gather3A_1125 = tpu.vector_load_idx %arg5[%add3A_1124, %broadcast_in_dim3A_1121] : memref<128x39xf32, #tpu.memory_space<vmem>>[vector<16xi32>, vector<16xi32>], vector<16xf32>,
      %convert_element_type3A_1126 = arith.fptosi %gather3A_1125 : vector<16xf32> to vector<16xi32>
      %swap3A_1127 = arith.constant 15 : i32
      %swap3A_1128 = arith.index_cast %swap3A_1127 : i32 to index
      %swap3A_1129 = arith.constant 0 : index
      %swap3A_1130 = tpu.vector_load %arg6[%swap3A_1128, %swap3A_1129] {strides = array<i32>} : memref<26x128xi32, #tpu.memory_space<vmem>>, vector<16xi32>,
      tpu.vector_store %arg6[%swap3A_1128, %swap3A_1129], %convert_element_type3A_1126 {strides = array<i32>} : memref<26x128xi32, #tpu.memory_space<vmem>>, vector<16xi32>,
      %add3A_1131 = arith.constant 16 : i32
      %add3A_1132 = vector.broadcast %add3A_1131 : i32 to vector<16xi32>
      %add3A_1133 = arith.addi %iota3A, %add3A_1132 : vector<16xi32>
      %gather3A_1134 = tpu.vector_load_idx %arg5[%add3A_1133, %broadcast_in_dim3A_1121] : memref<128x39xf32, #tpu.memory_space<vmem>>[vector<16xi32>, vector<16xi32>], vector<16xf32>,
      %convert_element_type3A_1135 = arith.fptosi %gather3A_1134 : vector<16xf32> to vector<16xi32>
      %swap3A_1136 = arith.constant 15 : i32
      %swap3A_1137 = arith.index_cast %swap3A_1136 : i32 to index
      %swap3A_1138 = arith.constant 16 : index
      %swap3A_1139 = tpu.vector_load %arg6[%swap3A_1137, %swap3A_1138] {strides = array<i32>} : memref<26x128xi32, #tpu.memory_space<vmem>>, vector<16xi32>,
      tpu.vector_store %arg6[%swap3A_1137, %swap3A_1138], %convert_element_type3A_1135 {strides = array<i32>} : memref<26x128xi32, #tpu.memory_space<vmem>>, vector<16xi32>,
      %add3A_1140 = arith.constant 32 : i32
      %add3A_1141 = vector.broadcast %add3A_1140 : i32 to vector<16xi32>
      %add3A_1142 = arith.addi %iota3A, %add3A_1141 : vector<16xi32>
      %gather3A_1143 = tpu.vector_load_idx %arg5[%add3A_1142, %broadcast_in_dim3A_1121] : memref<128x39xf32, #tpu.memory_space<vmem>>[vector<16xi32>, vector<16xi32>], vector<16xf32>,
      %convert_element_type3A_1144 = arith.fptosi %gather3A_1143 : vector<16xf32> to vector<16xi32>
      %swap3A_1145 = arith.constant 15 : i32
      %swap3A_1146 = arith.index_cast %swap3A_1145 : i32 to index
      %swap3A_1147 = arith.constant 32 : index
      %swap3A_1148 = tpu.vector_load %arg6[%swap3A_1146, %swap3A_1147] {strides = array<i32>} : memref<26x128xi32, #tpu.memory_space<vmem>>, vector<16xi32>,
      tpu.vector_store %arg6[%swap3A_1146, %swap3A_1147], %convert_element_type3A_1144 {strides = array<i32>} : memref<26x128xi32, #tpu.memory_space<vmem>>, vector<16xi32>,
      %add3A_1149 = arith.constant 48 : i32
      %add3A_1150 = vector.broadcast %add3A_1149 : i32 to vector<16xi32>
      %add3A_1151 = arith.addi %iota3A, %add3A_1150 : vector<16xi32>
      %gather3A_1152 = tpu.vector_load_idx %arg5[%add3A_1151, %broadcast_in_dim3A_1121] : memref<128x39xf32, #tpu.memory_space<vmem>>[vector<16xi32>, vector<16xi32>], vector<16xf32>,
      %convert_element_type3A_1153 = arith.fptosi %gather3A_1152 : vector<16xf32> to vector<16xi32>
      %swap3A_1154 = arith.constant 15 : i32
      %swap3A_1155 = arith.index_cast %swap3A_1154 : i32 to index
      %swap3A_1156 = arith.constant 48 : index
      %swap3A_1157 = tpu.vector_load %arg6[%swap3A_1155, %swap3A_1156] {strides = array<i32>} : memref<26x128xi32, #tpu.memory_space<vmem>>, vector<16xi32>,
      tpu.vector_store %arg6[%swap3A_1155, %swap3A_1156], %convert_element_type3A_1153 {strides = array<i32>} : memref<26x128xi32, #tpu.memory_space<vmem>>, vector<16xi32>,
      %add3A_1158 = arith.constant 64 : i32
      %add3A_1159 = vector.broadcast %add3A_1158 : i32 to vector<16xi32>
      %add3A_1160 = arith.addi %iota3A, %add3A_1159 : vector<16xi32>
      %gather3A_1161 = tpu.vector_load_idx %arg5[%add3A_1160, %broadcast_in_dim3A_1121] : memref<128x39xf32, #tpu.memory_space<vmem>>[vector<16xi32>, vector<16xi32>], vector<16xf32>,
      %convert_element_type3A_1162 = arith.fptosi %gather3A_1161 : vector<16xf32> to vector<16xi32>
      %swap3A_1163 = arith.constant 15 : i32
      %swap3A_1164 = arith.index_cast %swap3A_1163 : i32 to index
      %swap3A_1165 = arith.constant 64 : index
      %swap3A_1166 = tpu.vector_load %arg6[%swap3A_1164, %swap3A_1165] {strides = array<i32>} : memref<26x128xi32, #tpu.memory_space<vmem>>, vector<16xi32>,
      tpu.vector_store %arg6[%swap3A_1164, %swap3A_1165], %convert_element_type3A_1162 {strides = array<i32>} : memref<26x128xi32, #tpu.memory_space<vmem>>, vector<16xi32>,
      %add3A_1167 = arith.constant 80 : i32
      %add3A_1168 = vector.broadcast %add3A_1167 : i32 to vector<16xi32>
      %add3A_1169 = arith.addi %iota3A, %add3A_1168 : vector<16xi32>
      %gather3A_1170 = tpu.vector_load_idx %arg5[%add3A_1169, %broadcast_in_dim3A_1121] : memref<128x39xf32, #tpu.memory_space<vmem>>[vector<16xi32>, vector<16xi32>], vector<16xf32>,
      %convert_element_type3A_1171 = arith.fptosi %gather3A_1170 : vector<16xf32> to vector<16xi32>
      %swap3A_1172 = arith.constant 15 : i32
      %swap3A_1173 = arith.index_cast %swap3A_1172 : i32 to index
      %swap3A_1174 = arith.constant 80 : index
      %swap3A_1175 = tpu.vector_load %arg6[%swap3A_1173, %swap3A_1174] {strides = array<i32>} : memref<26x128xi32, #tpu.memory_space<vmem>>, vector<16xi32>,
      tpu.vector_store %arg6[%swap3A_1173, %swap3A_1174], %convert_element_type3A_1171 {strides = array<i32>} : memref<26x128xi32, #tpu.memory_space<vmem>>, vector<16xi32>,
      %add3A_1176 = arith.constant 96 : i32
      %add3A_1177 = vector.broadcast %add3A_1176 : i32 to vector<16xi32>
      %add3A_1178 = arith.addi %iota3A, %add3A_1177 : vector<16xi32>
      %gather3A_1179 = tpu.vector_load_idx %arg5[%add3A_1178, %broadcast_in_dim3A_1121] : memref<128x39xf32, #tpu.memory_space<vmem>>[vector<16xi32>, vector<16xi32>], vector<16xf32>,
      %convert_element_type3A_1180 = arith.fptosi %gather3A_1179 : vector<16xf32> to vector<16xi32>
      %swap3A_1181 = arith.constant 15 : i32
      %swap3A_1182 = arith.index_cast %swap3A_1181 : i32 to index
      %swap3A_1183 = arith.constant 96 : index
      %swap3A_1184 = tpu.vector_load %arg6[%swap3A_1182, %swap3A_1183] {strides = array<i32>} : memref<26x128xi32, #tpu.memory_space<vmem>>, vector<16xi32>,
      tpu.vector_store %arg6[%swap3A_1182, %swap3A_1183], %convert_element_type3A_1180 {strides = array<i32>} : memref<26x128xi32, #tpu.memory_space<vmem>>, vector<16xi32>,
      %add3A_1185 = arith.constant 112 : i32
      %add3A_1186 = vector.broadcast %add3A_1185 : i32 to vector<16xi32>
      %add3A_1187 = arith.addi %iota3A, %add3A_1186 : vector<16xi32>
      %gather3A_1188 = tpu.vector_load_idx %arg5[%add3A_1187, %broadcast_in_dim3A_1121] : memref<128x39xf32, #tpu.memory_space<vmem>>[vector<16xi32>, vector<16xi32>], vector<16xf32>,
      %convert_element_type3A_1189 = arith.fptosi %gather3A_1188 : vector<16xf32> to vector<16xi32>
      %swap3A_1190 = arith.constant 15 : i32
      %swap3A_1191 = arith.index_cast %swap3A_1190 : i32 to index
      %swap3A_1192 = arith.constant 112 : index
      %swap3A_1193 = tpu.vector_load %arg6[%swap3A_1191, %swap3A_1192] {strides = array<i32>} : memref<26x128xi32, #tpu.memory_space<vmem>>, vector<16xi32>,
      tpu.vector_store %arg6[%swap3A_1191, %swap3A_1192], %convert_element_type3A_1189 {strides = array<i32>} : memref<26x128xi32, #tpu.memory_space<vmem>>, vector<16xi32>,
      %broadcast_in_dim3A_1194 = arith.constant 29 : i32
      %broadcast_in_dim3A_1195 = vector.broadcast %broadcast_in_dim3A_1194 : i32 to vector<16xi32>
      %add3A_1196 = arith.constant 0 : i32
      %add3A_1197 = vector.broadcast %add3A_1196 : i32 to vector<16xi32>
      %add3A_1198 = arith.addi %iota3A, %add3A_1197 : vector<16xi32>
      %gather3A_1199 = tpu.vector_load_idx %arg5[%add3A_1198, %broadcast_in_dim3A_1195] : memref<128x39xf32, #tpu.memory_space<vmem>>[vector<16xi32>, vector<16xi32>], vector<16xf32>,
      %convert_element_type3A_1200 = arith.fptosi %gather3A_1199 : vector<16xf32> to vector<16xi32>
      %swap3A_1201 = arith.constant 16 : i32
      %swap3A_1202 = arith.index_cast %swap3A_1201 : i32 to index
      %swap3A_1203 = arith.constant 0 : index
      %swap3A_1204 = tpu.vector_load %arg6[%swap3A_1202, %swap3A_1203] {strides = array<i32>} : memref<26x128xi32, #tpu.memory_space<vmem>>, vector<16xi32>,
      tpu.vector_store %arg6[%swap3A_1202, %swap3A_1203], %convert_element_type3A_1200 {strides = array<i32>} : memref<26x128xi32, #tpu.memory_space<vmem>>, vector<16xi32>,
      %add3A_1205 = arith.constant 16 : i32
      %add3A_1206 = vector.broadcast %add3A_1205 : i32 to vector<16xi32>
      %add3A_1207 = arith.addi %iota3A, %add3A_1206 : vector<16xi32>
      %gather3A_1208 = tpu.vector_load_idx %arg5[%add3A_1207, %broadcast_in_dim3A_1195] : memref<128x39xf32, #tpu.memory_space<vmem>>[vector<16xi32>, vector<16xi32>], vector<16xf32>,
      %convert_element_type3A_1209 = arith.fptosi %gather3A_1208 : vector<16xf32> to vector<16xi32>
      %swap3A_1210 = arith.constant 16 : i32
      %swap3A_1211 = arith.index_cast %swap3A_1210 : i32 to index
      %swap3A_1212 = arith.constant 16 : index
      %swap3A_1213 = tpu.vector_load %arg6[%swap3A_1211, %swap3A_1212] {strides = array<i32>} : memref<26x128xi32, #tpu.memory_space<vmem>>, vector<16xi32>,
      tpu.vector_store %arg6[%swap3A_1211, %swap3A_1212], %convert_element_type3A_1209 {strides = array<i32>} : memref<26x128xi32, #tpu.memory_space<vmem>>, vector<16xi32>,
      %add3A_1214 = arith.constant 32 : i32
      %add3A_1215 = vector.broadcast %add3A_1214 : i32 to vector<16xi32>
      %add3A_1216 = arith.addi %iota3A, %add3A_1215 : vector<16xi32>
      %gather3A_1217 = tpu.vector_load_idx %arg5[%add3A_1216, %broadcast_in_dim3A_1195] : memref<128x39xf32, #tpu.memory_space<vmem>>[vector<16xi32>, vector<16xi32>], vector<16xf32>,
      %convert_element_type3A_1218 = arith.fptosi %gather3A_1217 : vector<16xf32> to vector<16xi32>
      %swap3A_1219 = arith.constant 16 : i32
      %swap3A_1220 = arith.index_cast %swap3A_1219 : i32 to index
      %swap3A_1221 = arith.constant 32 : index
      %swap3A_1222 = tpu.vector_load %arg6[%swap3A_1220, %swap3A_1221] {strides = array<i32>} : memref<26x128xi32, #tpu.memory_space<vmem>>, vector<16xi32>,
      tpu.vector_store %arg6[%swap3A_1220, %swap3A_1221], %convert_element_type3A_1218 {strides = array<i32>} : memref<26x128xi32, #tpu.memory_space<vmem>>, vector<16xi32>,
      %add3A_1223 = arith.constant 48 : i32
      %add3A_1224 = vector.broadcast %add3A_1223 : i32 to vector<16xi32>
      %add3A_1225 = arith.addi %iota3A, %add3A_1224 : vector<16xi32>
      %gather3A_1226 = tpu.vector_load_idx %arg5[%add3A_1225, %broadcast_in_dim3A_1195] : memref<128x39xf32, #tpu.memory_space<vmem>>[vector<16xi32>, vector<16xi32>], vector<16xf32>,
      %convert_element_type3A_1227 = arith.fptosi %gather3A_1226 : vector<16xf32> to vector<16xi32>
      %swap3A_1228 = arith.constant 16 : i32
      %swap3A_1229 = arith.index_cast %swap3A_1228 : i32 to index
      %swap3A_1230 = arith.constant 48 : index
      %swap3A_1231 = tpu.vector_load %arg6[%swap3A_1229, %swap3A_1230] {strides = array<i32>} : memref<26x128xi32, #tpu.memory_space<vmem>>, vector<16xi32>,
      tpu.vector_store %arg6[%swap3A_1229, %swap3A_1230], %convert_element_type3A_1227 {strides = array<i32>} : memref<26x128xi32, #tpu.memory_space<vmem>>, vector<16xi32>,
      %add3A_1232 = arith.constant 64 : i32
      %add3A_1233 = vector.broadcast %add3A_1232 : i32 to vector<16xi32>
      %add3A_1234 = arith.addi %iota3A, %add3A_1233 : vector<16xi32>
      %gather3A_1235 = tpu.vector_load_idx %arg5[%add3A_1234, %broadcast_in_dim3A_1195] : memref<128x39xf32, #tpu.memory_space<vmem>>[vector<16xi32>, vector<16xi32>], vector<16xf32>,
      %convert_element_type3A_1236 = arith.fptosi %gather3A_1235 : vector<16xf32> to vector<16xi32>
      %swap3A_1237 = arith.constant 16 : i32
      %swap3A_1238 = arith.index_cast %swap3A_1237 : i32 to index
      %swap3A_1239 = arith.constant 64 : index
      %swap3A_1240 = tpu.vector_load %arg6[%swap3A_1238, %swap3A_1239] {strides = array<i32>} : memref<26x128xi32, #tpu.memory_space<vmem>>, vector<16xi32>,
      tpu.vector_store %arg6[%swap3A_1238, %swap3A_1239], %convert_element_type3A_1236 {strides = array<i32>} : memref<26x128xi32, #tpu.memory_space<vmem>>, vector<16xi32>,
      %add3A_1241 = arith.constant 80 : i32
      %add3A_1242 = vector.broadcast %add3A_1241 : i32 to vector<16xi32>
      %add3A_1243 = arith.addi %iota3A, %add3A_1242 : vector<16xi32>
      %gather3A_1244 = tpu.vector_load_idx %arg5[%add3A_1243, %broadcast_in_dim3A_1195] : memref<128x39xf32, #tpu.memory_space<vmem>>[vector<16xi32>, vector<16xi32>], vector<16xf32>,
      %convert_element_type3A_1245 = arith.fptosi %gather3A_1244 : vector<16xf32> to vector<16xi32>
      %swap3A_1246 = arith.constant 16 : i32
      %swap3A_1247 = arith.index_cast %swap3A_1246 : i32 to index
      %swap3A_1248 = arith.constant 80 : index
      %swap3A_1249 = tpu.vector_load %arg6[%swap3A_1247, %swap3A_1248] {strides = array<i32>} : memref<26x128xi32, #tpu.memory_space<vmem>>, vector<16xi32>,
      tpu.vector_store %arg6[%swap3A_1247, %swap3A_1248], %convert_element_type3A_1245 {strides = array<i32>} : memref<26x128xi32, #tpu.memory_space<vmem>>, vector<16xi32>,
      %add3A_1250 = arith.constant 96 : i32
      %add3A_1251 = vector.broadcast %add3A_1250 : i32 to vector<16xi32>
      %add3A_1252 = arith.addi %iota3A, %add3A_1251 : vector<16xi32>
      %gather3A_1253 = tpu.vector_load_idx %arg5[%add3A_1252, %broadcast_in_dim3A_1195] : memref<128x39xf32, #tpu.memory_space<vmem>>[vector<16xi32>, vector<16xi32>], vector<16xf32>,
      %convert_element_type3A_1254 = arith.fptosi %gather3A_1253 : vector<16xf32> to vector<16xi32>
      %swap3A_1255 = arith.constant 16 : i32
      %swap3A_1256 = arith.index_cast %swap3A_1255 : i32 to index
      %swap3A_1257 = arith.constant 96 : index
      %swap3A_1258 = tpu.vector_load %arg6[%swap3A_1256, %swap3A_1257] {strides = array<i32>} : memref<26x128xi32, #tpu.memory_space<vmem>>, vector<16xi32>,
      tpu.vector_store %arg6[%swap3A_1256, %swap3A_1257], %convert_element_type3A_1254 {strides = array<i32>} : memref<26x128xi32, #tpu.memory_space<vmem>>, vector<16xi32>,
      %add3A_1259 = arith.constant 112 : i32
      %add3A_1260 = vector.broadcast %add3A_1259 : i32 to vector<16xi32>
      %add3A_1261 = arith.addi %iota3A, %add3A_1260 : vector<16xi32>
      %gather3A_1262 = tpu.vector_load_idx %arg5[%add3A_1261, %broadcast_in_dim3A_1195] : memref<128x39xf32, #tpu.memory_space<vmem>>[vector<16xi32>, vector<16xi32>], vector<16xf32>,
      %convert_element_type3A_1263 = arith.fptosi %gather3A_1262 : vector<16xf32> to vector<16xi32>
      %swap3A_1264 = arith.constant 16 : i32
      %swap3A_1265 = arith.index_cast %swap3A_1264 : i32 to index
      %swap3A_1266 = arith.constant 112 : index
      %swap3A_1267 = tpu.vector_load %arg6[%swap3A_1265, %swap3A_1266] {strides = array<i32>} : memref<26x128xi32, #tpu.memory_space<vmem>>, vector<16xi32>,
      tpu.vector_store %arg6[%swap3A_1265, %swap3A_1266], %convert_element_type3A_1263 {strides = array<i32>} : memref<26x128xi32, #tpu.memory_space<vmem>>, vector<16xi32>,
      %broadcast_in_dim3A_1268 = arith.constant 30 : i32
      %broadcast_in_dim3A_1269 = vector.broadcast %broadcast_in_dim3A_1268 : i32 to vector<16xi32>
      %add3A_1270 = arith.constant 0 : i32
      %add3A_1271 = vector.broadcast %add3A_1270 : i32 to vector<16xi32>
      %add3A_1272 = arith.addi %iota3A, %add3A_1271 : vector<16xi32>
      %gather3A_1273 = tpu.vector_load_idx %arg5[%add3A_1272, %broadcast_in_dim3A_1269] : memref<128x39xf32, #tpu.memory_space<vmem>>[vector<16xi32>, vector<16xi32>], vector<16xf32>,
      %convert_element_type3A_1274 = arith.fptosi %gather3A_1273 : vector<16xf32> to vector<16xi32>
      %swap3A_1275 = arith.constant 17 : i32
      %swap3A_1276 = arith.index_cast %swap3A_1275 : i32 to index
      %swap3A_1277 = arith.constant 0 : index
      %swap3A_1278 = tpu.vector_load %arg6[%swap3A_1276, %swap3A_1277] {strides = array<i32>} : memref<26x128xi32, #tpu.memory_space<vmem>>, vector<16xi32>,
      tpu.vector_store %arg6[%swap3A_1276, %swap3A_1277], %convert_element_type3A_1274 {strides = array<i32>} : memref<26x128xi32, #tpu.memory_space<vmem>>, vector<16xi32>,
      %add3A_1279 = arith.constant 16 : i32
      %add3A_1280 = vector.broadcast %add3A_1279 : i32 to vector<16xi32>
      %add3A_1281 = arith.addi %iota3A, %add3A_1280 : vector<16xi32>
      %gather3A_1282 = tpu.vector_load_idx %arg5[%add3A_1281, %broadcast_in_dim3A_1269] : memref<128x39xf32, #tpu.memory_space<vmem>>[vector<16xi32>, vector<16xi32>], vector<16xf32>,
      %convert_element_type3A_1283 = arith.fptosi %gather3A_1282 : vector<16xf32> to vector<16xi32>
      %swap3A_1284 = arith.constant 17 : i32
      %swap3A_1285 = arith.index_cast %swap3A_1284 : i32 to index
      %swap3A_1286 = arith.constant 16 : index
      %swap3A_1287 = tpu.vector_load %arg6[%swap3A_1285, %swap3A_1286] {strides = array<i32>} : memref<26x128xi32, #tpu.memory_space<vmem>>, vector<16xi32>,
      tpu.vector_store %arg6[%swap3A_1285, %swap3A_1286], %convert_element_type3A_1283 {strides = array<i32>} : memref<26x128xi32, #tpu.memory_space<vmem>>, vector<16xi32>,
      %add3A_1288 = arith.constant 32 : i32
      %add3A_1289 = vector.broadcast %add3A_1288 : i32 to vector<16xi32>
      %add3A_1290 = arith.addi %iota3A, %add3A_1289 : vector<16xi32>
      %gather3A_1291 = tpu.vector_load_idx %arg5[%add3A_1290, %broadcast_in_dim3A_1269] : memref<128x39xf32, #tpu.memory_space<vmem>>[vector<16xi32>, vector<16xi32>], vector<16xf32>,
      %convert_element_type3A_1292 = arith.fptosi %gather3A_1291 : vector<16xf32> to vector<16xi32>
      %swap3A_1293 = arith.constant 17 : i32
      %swap3A_1294 = arith.index_cast %swap3A_1293 : i32 to index
      %swap3A_1295 = arith.constant 32 : index
      %swap3A_1296 = tpu.vector_load %arg6[%swap3A_1294, %swap3A_1295] {strides = array<i32>} : memref<26x128xi32, #tpu.memory_space<vmem>>, vector<16xi32>,
      tpu.vector_store %arg6[%swap3A_1294, %swap3A_1295], %convert_element_type3A_1292 {strides = array<i32>} : memref<26x128xi32, #tpu.memory_space<vmem>>, vector<16xi32>,
      %add3A_1297 = arith.constant 48 : i32
      %add3A_1298 = vector.broadcast %add3A_1297 : i32 to vector<16xi32>
      %add3A_1299 = arith.addi %iota3A, %add3A_1298 : vector<16xi32>
      %gather3A_1300 = tpu.vector_load_idx %arg5[%add3A_1299, %broadcast_in_dim3A_1269] : memref<128x39xf32, #tpu.memory_space<vmem>>[vector<16xi32>, vector<16xi32>], vector<16xf32>,
      %convert_element_type3A_1301 = arith.fptosi %gather3A_1300 : vector<16xf32> to vector<16xi32>
      %swap3A_1302 = arith.constant 17 : i32
      %swap3A_1303 = arith.index_cast %swap3A_1302 : i32 to index
      %swap3A_1304 = arith.constant 48 : index
      %swap3A_1305 = tpu.vector_load %arg6[%swap3A_1303, %swap3A_1304] {strides = array<i32>} : memref<26x128xi32, #tpu.memory_space<vmem>>, vector<16xi32>,
      tpu.vector_store %arg6[%swap3A_1303, %swap3A_1304], %convert_element_type3A_1301 {strides = array<i32>} : memref<26x128xi32, #tpu.memory_space<vmem>>, vector<16xi32>,
      %add3A_1306 = arith.constant 64 : i32
      %add3A_1307 = vector.broadcast %add3A_1306 : i32 to vector<16xi32>
      %add3A_1308 = arith.addi %iota3A, %add3A_1307 : vector<16xi32>
      %gather3A_1309 = tpu.vector_load_idx %arg5[%add3A_1308, %broadcast_in_dim3A_1269] : memref<128x39xf32, #tpu.memory_space<vmem>>[vector<16xi32>, vector<16xi32>], vector<16xf32>,
      %convert_element_type3A_1310 = arith.fptosi %gather3A_1309 : vector<16xf32> to vector<16xi32>
      %swap3A_1311 = arith.constant 17 : i32
      %swap3A_1312 = arith.index_cast %swap3A_1311 : i32 to index
      %swap3A_1313 = arith.constant 64 : index
      %swap3A_1314 = tpu.vector_load %arg6[%swap3A_1312, %swap3A_1313] {strides = array<i32>} : memref<26x128xi32, #tpu.memory_space<vmem>>, vector<16xi32>,
      tpu.vector_store %arg6[%swap3A_1312, %swap3A_1313], %convert_element_type3A_1310 {strides = array<i32>} : memref<26x128xi32, #tpu.memory_space<vmem>>, vector<16xi32>,
      %add3A_1315 = arith.constant 80 : i32
      %add3A_1316 = vector.broadcast %add3A_1315 : i32 to vector<16xi32>
      %add3A_1317 = arith.addi %iota3A, %add3A_1316 : vector<16xi32>
      %gather3A_1318 = tpu.vector_load_idx %arg5[%add3A_1317, %broadcast_in_dim3A_1269] : memref<128x39xf32, #tpu.memory_space<vmem>>[vector<16xi32>, vector<16xi32>], vector<16xf32>,
      %convert_element_type3A_1319 = arith.fptosi %gather3A_1318 : vector<16xf32> to vector<16xi32>
      %swap3A_1320 = arith.constant 17 : i32
      %swap3A_1321 = arith.index_cast %swap3A_1320 : i32 to index
      %swap3A_1322 = arith.constant 80 : index
      %swap3A_1323 = tpu.vector_load %arg6[%swap3A_1321, %swap3A_1322] {strides = array<i32>} : memref<26x128xi32, #tpu.memory_space<vmem>>, vector<16xi32>,
      tpu.vector_store %arg6[%swap3A_1321, %swap3A_1322], %convert_element_type3A_1319 {strides = array<i32>} : memref<26x128xi32, #tpu.memory_space<vmem>>, vector<16xi32>,
      %add3A_1324 = arith.constant 96 : i32
      %add3A_1325 = vector.broadcast %add3A_1324 : i32 to vector<16xi32>
      %add3A_1326 = arith.addi %iota3A, %add3A_1325 : vector<16xi32>
      %gather3A_1327 = tpu.vector_load_idx %arg5[%add3A_1326, %broadcast_in_dim3A_1269] : memref<128x39xf32, #tpu.memory_space<vmem>>[vector<16xi32>, vector<16xi32>], vector<16xf32>,
      %convert_element_type3A_1328 = arith.fptosi %gather3A_1327 : vector<16xf32> to vector<16xi32>
      %swap3A_1329 = arith.constant 17 : i32
      %swap3A_1330 = arith.index_cast %swap3A_1329 : i32 to index
      %swap3A_1331 = arith.constant 96 : index
      %swap3A_1332 = tpu.vector_load %arg6[%swap3A_1330, %swap3A_1331] {strides = array<i32>} : memref<26x128xi32, #tpu.memory_space<vmem>>, vector<16xi32>,
      tpu.vector_store %arg6[%swap3A_1330, %swap3A_1331], %convert_element_type3A_1328 {strides = array<i32>} : memref<26x128xi32, #tpu.memory_space<vmem>>, vector<16xi32>,
      %add3A_1333 = arith.constant 112 : i32
      %add3A_1334 = vector.broadcast %add3A_1333 : i32 to vector<16xi32>
      %add3A_1335 = arith.addi %iota3A, %add3A_1334 : vector<16xi32>
      %gather3A_1336 = tpu.vector_load_idx %arg5[%add3A_1335, %broadcast_in_dim3A_1269] : memref<128x39xf32, #tpu.memory_space<vmem>>[vector<16xi32>, vector<16xi32>], vector<16xf32>,
      %convert_element_type3A_1337 = arith.fptosi %gather3A_1336 : vector<16xf32> to vector<16xi32>
      %swap3A_1338 = arith.constant 17 : i32
      %swap3A_1339 = arith.index_cast %swap3A_1338 : i32 to index
      %swap3A_1340 = arith.constant 112 : index
      %swap3A_1341 = tpu.vector_load %arg6[%swap3A_1339, %swap3A_1340] {strides = array<i32>} : memref<26x128xi32, #tpu.memory_space<vmem>>, vector<16xi32>,
      tpu.vector_store %arg6[%swap3A_1339, %swap3A_1340], %convert_element_type3A_1337 {strides = array<i32>} : memref<26x128xi32, #tpu.memory_space<vmem>>, vector<16xi32>,
      %broadcast_in_dim3A_1342 = arith.constant 31 : i32
      %broadcast_in_dim3A_1343 = vector.broadcast %broadcast_in_dim3A_1342 : i32 to vector<16xi32>
      %add3A_1344 = arith.constant 0 : i32
      %add3A_1345 = vector.broadcast %add3A_1344 : i32 to vector<16xi32>
      %add3A_1346 = arith.addi %iota3A, %add3A_1345 : vector<16xi32>
      %gather3A_1347 = tpu.vector_load_idx %arg5[%add3A_1346, %broadcast_in_dim3A_1343] : memref<128x39xf32, #tpu.memory_space<vmem>>[vector<16xi32>, vector<16xi32>], vector<16xf32>,
      %convert_element_type3A_1348 = arith.fptosi %gather3A_1347 : vector<16xf32> to vector<16xi32>
      %swap3A_1349 = arith.constant 18 : i32
      %swap3A_1350 = arith.index_cast %swap3A_1349 : i32 to index
      %swap3A_1351 = arith.constant 0 : index
      %swap3A_1352 = tpu.vector_load %arg6[%swap3A_1350, %swap3A_1351] {strides = array<i32>} : memref<26x128xi32, #tpu.memory_space<vmem>>, vector<16xi32>,
      tpu.vector_store %arg6[%swap3A_1350, %swap3A_1351], %convert_element_type3A_1348 {strides = array<i32>} : memref<26x128xi32, #tpu.memory_space<vmem>>, vector<16xi32>,
      %add3A_1353 = arith.constant 16 : i32
      %add3A_1354 = vector.broadcast %add3A_1353 : i32 to vector<16xi32>
      %add3A_1355 = arith.addi %iota3A, %add3A_1354 : vector<16xi32>
      %gather3A_1356 = tpu.vector_load_idx %arg5[%add3A_1355, %broadcast_in_dim3A_1343] : memref<128x39xf32, #tpu.memory_space<vmem>>[vector<16xi32>, vector<16xi32>], vector<16xf32>,
      %convert_element_type3A_1357 = arith.fptosi %gather3A_1356 : vector<16xf32> to vector<16xi32>
      %swap3A_1358 = arith.constant 18 : i32
      %swap3A_1359 = arith.index_cast %swap3A_1358 : i32 to index
      %swap3A_1360 = arith.constant 16 : index
      %swap3A_1361 = tpu.vector_load %arg6[%swap3A_1359, %swap3A_1360] {strides = array<i32>} : memref<26x128xi32, #tpu.memory_space<vmem>>, vector<16xi32>,
      tpu.vector_store %arg6[%swap3A_1359, %swap3A_1360], %convert_element_type3A_1357 {strides = array<i32>} : memref<26x128xi32, #tpu.memory_space<vmem>>, vector<16xi32>,
      %add3A_1362 = arith.constant 32 : i32
      %add3A_1363 = vector.broadcast %add3A_1362 : i32 to vector<16xi32>
      %add3A_1364 = arith.addi %iota3A, %add3A_1363 : vector<16xi32>
      %gather3A_1365 = tpu.vector_load_idx %arg5[%add3A_1364, %broadcast_in_dim3A_1343] : memref<128x39xf32, #tpu.memory_space<vmem>>[vector<16xi32>, vector<16xi32>], vector<16xf32>,
      %convert_element_type3A_1366 = arith.fptosi %gather3A_1365 : vector<16xf32> to vector<16xi32>
      %swap3A_1367 = arith.constant 18 : i32
      %swap3A_1368 = arith.index_cast %swap3A_1367 : i32 to index
      %swap3A_1369 = arith.constant 32 : index
      %swap3A_1370 = tpu.vector_load %arg6[%swap3A_1368, %swap3A_1369] {strides = array<i32>} : memref<26x128xi32, #tpu.memory_space<vmem>>, vector<16xi32>,
      tpu.vector_store %arg6[%swap3A_1368, %swap3A_1369], %convert_element_type3A_1366 {strides = array<i32>} : memref<26x128xi32, #tpu.memory_space<vmem>>, vector<16xi32>,
      %add3A_1371 = arith.constant 48 : i32
      %add3A_1372 = vector.broadcast %add3A_1371 : i32 to vector<16xi32>
      %add3A_1373 = arith.addi %iota3A, %add3A_1372 : vector<16xi32>
      %gather3A_1374 = tpu.vector_load_idx %arg5[%add3A_1373, %broadcast_in_dim3A_1343] : memref<128x39xf32, #tpu.memory_space<vmem>>[vector<16xi32>, vector<16xi32>], vector<16xf32>,
      %convert_element_type3A_1375 = arith.fptosi %gather3A_1374 : vector<16xf32> to vector<16xi32>
      %swap3A_1376 = arith.constant 18 : i32
      %swap3A_1377 = arith.index_cast %swap3A_1376 : i32 to index
      %swap3A_1378 = arith.constant 48 : index
      %swap3A_1379 = tpu.vector_load %arg6[%swap3A_1377, %swap3A_1378] {strides = array<i32>} : memref<26x128xi32, #tpu.memory_space<vmem>>, vector<16xi32>,
      tpu.vector_store %arg6[%swap3A_1377, %swap3A_1378], %convert_element_type3A_1375 {strides = array<i32>} : memref<26x128xi32, #tpu.memory_space<vmem>>, vector<16xi32>,
      %add3A_1380 = arith.constant 64 : i32
      %add3A_1381 = vector.broadcast %add3A_1380 : i32 to vector<16xi32>
      %add3A_1382 = arith.addi %iota3A, %add3A_1381 : vector<16xi32>
      %gather3A_1383 = tpu.vector_load_idx %arg5[%add3A_1382, %broadcast_in_dim3A_1343] : memref<128x39xf32, #tpu.memory_space<vmem>>[vector<16xi32>, vector<16xi32>], vector<16xf32>,
      %convert_element_type3A_1384 = arith.fptosi %gather3A_1383 : vector<16xf32> to vector<16xi32>
      %swap3A_1385 = arith.constant 18 : i32
      %swap3A_1386 = arith.index_cast %swap3A_1385 : i32 to index
      %swap3A_1387 = arith.constant 64 : index
      %swap3A_1388 = tpu.vector_load %arg6[%swap3A_1386, %swap3A_1387] {strides = array<i32>} : memref<26x128xi32, #tpu.memory_space<vmem>>, vector<16xi32>,
      tpu.vector_store %arg6[%swap3A_1386, %swap3A_1387], %convert_element_type3A_1384 {strides = array<i32>} : memref<26x128xi32, #tpu.memory_space<vmem>>, vector<16xi32>,
      %add3A_1389 = arith.constant 80 : i32
      %add3A_1390 = vector.broadcast %add3A_1389 : i32 to vector<16xi32>
      %add3A_1391 = arith.addi %iota3A, %add3A_1390 : vector<16xi32>
      %gather3A_1392 = tpu.vector_load_idx %arg5[%add3A_1391, %broadcast_in_dim3A_1343] : memref<128x39xf32, #tpu.memory_space<vmem>>[vector<16xi32>, vector<16xi32>], vector<16xf32>,
      %convert_element_type3A_1393 = arith.fptosi %gather3A_1392 : vector<16xf32> to vector<16xi32>
      %swap3A_1394 = arith.constant 18 : i32
      %swap3A_1395 = arith.index_cast %swap3A_1394 : i32 to index
      %swap3A_1396 = arith.constant 80 : index
      %swap3A_1397 = tpu.vector_load %arg6[%swap3A_1395, %swap3A_1396] {strides = array<i32>} : memref<26x128xi32, #tpu.memory_space<vmem>>, vector<16xi32>,
      tpu.vector_store %arg6[%swap3A_1395, %swap3A_1396], %convert_element_type3A_1393 {strides = array<i32>} : memref<26x128xi32, #tpu.memory_space<vmem>>, vector<16xi32>,
      %add3A_1398 = arith.constant 96 : i32
      %add3A_1399 = vector.broadcast %add3A_1398 : i32 to vector<16xi32>
      %add3A_1400 = arith.addi %iota3A, %add3A_1399 : vector<16xi32>
      %gather3A_1401 = tpu.vector_load_idx %arg5[%add3A_1400, %broadcast_in_dim3A_1343] : memref<128x39xf32, #tpu.memory_space<vmem>>[vector<16xi32>, vector<16xi32>], vector<16xf32>,
      %convert_element_type3A_1402 = arith.fptosi %gather3A_1401 : vector<16xf32> to vector<16xi32>
      %swap3A_1403 = arith.constant 18 : i32
      %swap3A_1404 = arith.index_cast %swap3A_1403 : i32 to index
      %swap3A_1405 = arith.constant 96 : index
      %swap3A_1406 = tpu.vector_load %arg6[%swap3A_1404, %swap3A_1405] {strides = array<i32>} : memref<26x128xi32, #tpu.memory_space<vmem>>, vector<16xi32>,
      tpu.vector_store %arg6[%swap3A_1404, %swap3A_1405], %convert_element_type3A_1402 {strides = array<i32>} : memref<26x128xi32, #tpu.memory_space<vmem>>, vector<16xi32>,
      %add3A_1407 = arith.constant 112 : i32
      %add3A_1408 = vector.broadcast %add3A_1407 : i32 to vector<16xi32>
      %add3A_1409 = arith.addi %iota3A, %add3A_1408 : vector<16xi32>
      %gather3A_1410 = tpu.vector_load_idx %arg5[%add3A_1409, %broadcast_in_dim3A_1343] : memref<128x39xf32, #tpu.memory_space<vmem>>[vector<16xi32>, vector<16xi32>], vector<16xf32>,
      %convert_element_type3A_1411 = arith.fptosi %gather3A_1410 : vector<16xf32> to vector<16xi32>
      %swap3A_1412 = arith.constant 18 : i32
      %swap3A_1413 = arith.index_cast %swap3A_1412 : i32 to index
      %swap3A_1414 = arith.constant 112 : index
      %swap3A_1415 = tpu.vector_load %arg6[%swap3A_1413, %swap3A_1414] {strides = array<i32>} : memref<26x128xi32, #tpu.memory_space<vmem>>, vector<16xi32>,
      tpu.vector_store %arg6[%swap3A_1413, %swap3A_1414], %convert_element_type3A_1411 {strides = array<i32>} : memref<26x128xi32, #tpu.memory_space<vmem>>, vector<16xi32>,
      %broadcast_in_dim3A_1416 = arith.constant 32 : i32
      %broadcast_in_dim3A_1417 = vector.broadcast %broadcast_in_dim3A_1416 : i32 to vector<16xi32>
      %add3A_1418 = arith.constant 0 : i32
      %add3A_1419 = vector.broadcast %add3A_1418 : i32 to vector<16xi32>
      %add3A_1420 = arith.addi %iota3A, %add3A_1419 : vector<16xi32>
      %gather3A_1421 = tpu.vector_load_idx %arg5[%add3A_1420, %broadcast_in_dim3A_1417] : memref<128x39xf32, #tpu.memory_space<vmem>>[vector<16xi32>, vector<16xi32>], vector<16xf32>,
      %convert_element_type3A_1422 = arith.fptosi %gather3A_1421 : vector<16xf32> to vector<16xi32>
      %swap3A_1423 = arith.constant 19 : i32
      %swap3A_1424 = arith.index_cast %swap3A_1423 : i32 to index
      %swap3A_1425 = arith.constant 0 : index
      %swap3A_1426 = tpu.vector_load %arg6[%swap3A_1424, %swap3A_1425] {strides = array<i32>} : memref<26x128xi32, #tpu.memory_space<vmem>>, vector<16xi32>,
      tpu.vector_store %arg6[%swap3A_1424, %swap3A_1425], %convert_element_type3A_1422 {strides = array<i32>} : memref<26x128xi32, #tpu.memory_space<vmem>>, vector<16xi32>,
      %add3A_1427 = arith.constant 16 : i32
      %add3A_1428 = vector.broadcast %add3A_1427 : i32 to vector<16xi32>
      %add3A_1429 = arith.addi %iota3A, %add3A_1428 : vector<16xi32>
      %gather3A_1430 = tpu.vector_load_idx %arg5[%add3A_1429, %broadcast_in_dim3A_1417] : memref<128x39xf32, #tpu.memory_space<vmem>>[vector<16xi32>, vector<16xi32>], vector<16xf32>,
      %convert_element_type3A_1431 = arith.fptosi %gather3A_1430 : vector<16xf32> to vector<16xi32>
      %swap3A_1432 = arith.constant 19 : i32
      %swap3A_1433 = arith.index_cast %swap3A_1432 : i32 to index
      %swap3A_1434 = arith.constant 16 : index
      %swap3A_1435 = tpu.vector_load %arg6[%swap3A_1433, %swap3A_1434] {strides = array<i32>} : memref<26x128xi32, #tpu.memory_space<vmem>>, vector<16xi32>,
      tpu.vector_store %arg6[%swap3A_1433, %swap3A_1434], %convert_element_type3A_1431 {strides = array<i32>} : memref<26x128xi32, #tpu.memory_space<vmem>>, vector<16xi32>,
      %add3A_1436 = arith.constant 32 : i32
      %add3A_1437 = vector.broadcast %add3A_1436 : i32 to vector<16xi32>
      %add3A_1438 = arith.addi %iota3A, %add3A_1437 : vector<16xi32>
      %gather3A_1439 = tpu.vector_load_idx %arg5[%add3A_1438, %broadcast_in_dim3A_1417] : memref<128x39xf32, #tpu.memory_space<vmem>>[vector<16xi32>, vector<16xi32>], vector<16xf32>,
      %convert_element_type3A_1440 = arith.fptosi %gather3A_1439 : vector<16xf32> to vector<16xi32>
      %swap3A_1441 = arith.constant 19 : i32
      %swap3A_1442 = arith.index_cast %swap3A_1441 : i32 to index
      %swap3A_1443 = arith.constant 32 : index
      %swap3A_1444 = tpu.vector_load %arg6[%swap3A_1442, %swap3A_1443] {strides = array<i32>} : memref<26x128xi32, #tpu.memory_space<vmem>>, vector<16xi32>,
      tpu.vector_store %arg6[%swap3A_1442, %swap3A_1443], %convert_element_type3A_1440 {strides = array<i32>} : memref<26x128xi32, #tpu.memory_space<vmem>>, vector<16xi32>,
      %add3A_1445 = arith.constant 48 : i32
      %add3A_1446 = vector.broadcast %add3A_1445 : i32 to vector<16xi32>
      %add3A_1447 = arith.addi %iota3A, %add3A_1446 : vector<16xi32>
      %gather3A_1448 = tpu.vector_load_idx %arg5[%add3A_1447, %broadcast_in_dim3A_1417] : memref<128x39xf32, #tpu.memory_space<vmem>>[vector<16xi32>, vector<16xi32>], vector<16xf32>,
      %convert_element_type3A_1449 = arith.fptosi %gather3A_1448 : vector<16xf32> to vector<16xi32>
      %swap3A_1450 = arith.constant 19 : i32
      %swap3A_1451 = arith.index_cast %swap3A_1450 : i32 to index
      %swap3A_1452 = arith.constant 48 : index
      %swap3A_1453 = tpu.vector_load %arg6[%swap3A_1451, %swap3A_1452] {strides = array<i32>} : memref<26x128xi32, #tpu.memory_space<vmem>>, vector<16xi32>,
      tpu.vector_store %arg6[%swap3A_1451, %swap3A_1452], %convert_element_type3A_1449 {strides = array<i32>} : memref<26x128xi32, #tpu.memory_space<vmem>>, vector<16xi32>,
      %add3A_1454 = arith.constant 64 : i32
      %add3A_1455 = vector.broadcast %add3A_1454 : i32 to vector<16xi32>
      %add3A_1456 = arith.addi %iota3A, %add3A_1455 : vector<16xi32>
      %gather3A_1457 = tpu.vector_load_idx %arg5[%add3A_1456, %broadcast_in_dim3A_1417] : memref<128x39xf32, #tpu.memory_space<vmem>>[vector<16xi32>, vector<16xi32>], vector<16xf32>,
      %convert_element_type3A_1458 = arith.fptosi %gather3A_1457 : vector<16xf32> to vector<16xi32>
      %swap3A_1459 = arith.constant 19 : i32
      %swap3A_1460 = arith.index_cast %swap3A_1459 : i32 to index
      %swap3A_1461 = arith.constant 64 : index
      %swap3A_1462 = tpu.vector_load %arg6[%swap3A_1460, %swap3A_1461] {strides = array<i32>} : memref<26x128xi32, #tpu.memory_space<vmem>>, vector<16xi32>,
      tpu.vector_store %arg6[%swap3A_1460, %swap3A_1461], %convert_element_type3A_1458 {strides = array<i32>} : memref<26x128xi32, #tpu.memory_space<vmem>>, vector<16xi32>,
      %add3A_1463 = arith.constant 80 : i32
      %add3A_1464 = vector.broadcast %add3A_1463 : i32 to vector<16xi32>
      %add3A_1465 = arith.addi %iota3A, %add3A_1464 : vector<16xi32>
      %gather3A_1466 = tpu.vector_load_idx %arg5[%add3A_1465, %broadcast_in_dim3A_1417] : memref<128x39xf32, #tpu.memory_space<vmem>>[vector<16xi32>, vector<16xi32>], vector<16xf32>,
      %convert_element_type3A_1467 = arith.fptosi %gather3A_1466 : vector<16xf32> to vector<16xi32>
      %swap3A_1468 = arith.constant 19 : i32
      %swap3A_1469 = arith.index_cast %swap3A_1468 : i32 to index
      %swap3A_1470 = arith.constant 80 : index
      %swap3A_1471 = tpu.vector_load %arg6[%swap3A_1469, %swap3A_1470] {strides = array<i32>} : memref<26x128xi32, #tpu.memory_space<vmem>>, vector<16xi32>,
      tpu.vector_store %arg6[%swap3A_1469, %swap3A_1470], %convert_element_type3A_1467 {strides = array<i32>} : memref<26x128xi32, #tpu.memory_space<vmem>>, vector<16xi32>,
      %add3A_1472 = arith.constant 96 : i32
      %add3A_1473 = vector.broadcast %add3A_1472 : i32 to vector<16xi32>
      %add3A_1474 = arith.addi %iota3A, %add3A_1473 : vector<16xi32>
      %gather3A_1475 = tpu.vector_load_idx %arg5[%add3A_1474, %broadcast_in_dim3A_1417] : memref<128x39xf32, #tpu.memory_space<vmem>>[vector<16xi32>, vector<16xi32>], vector<16xf32>,
      %convert_element_type3A_1476 = arith.fptosi %gather3A_1475 : vector<16xf32> to vector<16xi32>
      %swap3A_1477 = arith.constant 19 : i32
      %swap3A_1478 = arith.index_cast %swap3A_1477 : i32 to index
      %swap3A_1479 = arith.constant 96 : index
      %swap3A_1480 = tpu.vector_load %arg6[%swap3A_1478, %swap3A_1479] {strides = array<i32>} : memref<26x128xi32, #tpu.memory_space<vmem>>, vector<16xi32>,
      tpu.vector_store %arg6[%swap3A_1478, %swap3A_1479], %convert_element_type3A_1476 {strides = array<i32>} : memref<26x128xi32, #tpu.memory_space<vmem>>, vector<16xi32>,
      %add3A_1481 = arith.constant 112 : i32
      %add3A_1482 = vector.broadcast %add3A_1481 : i32 to vector<16xi32>
      %add3A_1483 = arith.addi %iota3A, %add3A_1482 : vector<16xi32>
      %gather3A_1484 = tpu.vector_load_idx %arg5[%add3A_1483, %broadcast_in_dim3A_1417] : memref<128x39xf32, #tpu.memory_space<vmem>>[vector<16xi32>, vector<16xi32>], vector<16xf32>,
      %convert_element_type3A_1485 = arith.fptosi %gather3A_1484 : vector<16xf32> to vector<16xi32>
      %swap3A_1486 = arith.constant 19 : i32
      %swap3A_1487 = arith.index_cast %swap3A_1486 : i32 to index
      %swap3A_1488 = arith.constant 112 : index
      %swap3A_1489 = tpu.vector_load %arg6[%swap3A_1487, %swap3A_1488] {strides = array<i32>} : memref<26x128xi32, #tpu.memory_space<vmem>>, vector<16xi32>,
      tpu.vector_store %arg6[%swap3A_1487, %swap3A_1488], %convert_element_type3A_1485 {strides = array<i32>} : memref<26x128xi32, #tpu.memory_space<vmem>>, vector<16xi32>,
      %broadcast_in_dim3A_1490 = arith.constant 33 : i32
      %broadcast_in_dim3A_1491 = vector.broadcast %broadcast_in_dim3A_1490 : i32 to vector<16xi32>
      %add3A_1492 = arith.constant 0 : i32
      %add3A_1493 = vector.broadcast %add3A_1492 : i32 to vector<16xi32>
      %add3A_1494 = arith.addi %iota3A, %add3A_1493 : vector<16xi32>
      %gather3A_1495 = tpu.vector_load_idx %arg5[%add3A_1494, %broadcast_in_dim3A_1491] : memref<128x39xf32, #tpu.memory_space<vmem>>[vector<16xi32>, vector<16xi32>], vector<16xf32>,
      %convert_element_type3A_1496 = arith.fptosi %gather3A_1495 : vector<16xf32> to vector<16xi32>
      %swap3A_1497 = arith.constant 20 : i32
      %swap3A_1498 = arith.index_cast %swap3A_1497 : i32 to index
      %swap3A_1499 = arith.constant 0 : index
      %swap3A_1500 = tpu.vector_load %arg6[%swap3A_1498, %swap3A_1499] {strides = array<i32>} : memref<26x128xi32, #tpu.memory_space<vmem>>, vector<16xi32>,
      tpu.vector_store %arg6[%swap3A_1498, %swap3A_1499], %convert_element_type3A_1496 {strides = array<i32>} : memref<26x128xi32, #tpu.memory_space<vmem>>, vector<16xi32>,
      %add3A_1501 = arith.constant 16 : i32
      %add3A_1502 = vector.broadcast %add3A_1501 : i32 to vector<16xi32>
      %add3A_1503 = arith.addi %iota3A, %add3A_1502 : vector<16xi32>
      %gather3A_1504 = tpu.vector_load_idx %arg5[%add3A_1503, %broadcast_in_dim3A_1491] : memref<128x39xf32, #tpu.memory_space<vmem>>[vector<16xi32>, vector<16xi32>], vector<16xf32>,
      %convert_element_type3A_1505 = arith.fptosi %gather3A_1504 : vector<16xf32> to vector<16xi32>
      %swap3A_1506 = arith.constant 20 : i32
      %swap3A_1507 = arith.index_cast %swap3A_1506 : i32 to index
      %swap3A_1508 = arith.constant 16 : index
      %swap3A_1509 = tpu.vector_load %arg6[%swap3A_1507, %swap3A_1508] {strides = array<i32>} : memref<26x128xi32, #tpu.memory_space<vmem>>, vector<16xi32>,
      tpu.vector_store %arg6[%swap3A_1507, %swap3A_1508], %convert_element_type3A_1505 {strides = array<i32>} : memref<26x128xi32, #tpu.memory_space<vmem>>, vector<16xi32>,
      %add3A_1510 = arith.constant 32 : i32
      %add3A_1511 = vector.broadcast %add3A_1510 : i32 to vector<16xi32>
      %add3A_1512 = arith.addi %iota3A, %add3A_1511 : vector<16xi32>
      %gather3A_1513 = tpu.vector_load_idx %arg5[%add3A_1512, %broadcast_in_dim3A_1491] : memref<128x39xf32, #tpu.memory_space<vmem>>[vector<16xi32>, vector<16xi32>], vector<16xf32>,
      %convert_element_type3A_1514 = arith.fptosi %gather3A_1513 : vector<16xf32> to vector<16xi32>
      %swap3A_1515 = arith.constant 20 : i32
      %swap3A_1516 = arith.index_cast %swap3A_1515 : i32 to index
      %swap3A_1517 = arith.constant 32 : index
      %swap3A_1518 = tpu.vector_load %arg6[%swap3A_1516, %swap3A_1517] {strides = array<i32>} : memref<26x128xi32, #tpu.memory_space<vmem>>, vector<16xi32>,
      tpu.vector_store %arg6[%swap3A_1516, %swap3A_1517], %convert_element_type3A_1514 {strides = array<i32>} : memref<26x128xi32, #tpu.memory_space<vmem>>, vector<16xi32>,
      %add3A_1519 = arith.constant 48 : i32
      %add3A_1520 = vector.broadcast %add3A_1519 : i32 to vector<16xi32>
      %add3A_1521 = arith.addi %iota3A, %add3A_1520 : vector<16xi32>
      %gather3A_1522 = tpu.vector_load_idx %arg5[%add3A_1521, %broadcast_in_dim3A_1491] : memref<128x39xf32, #tpu.memory_space<vmem>>[vector<16xi32>, vector<16xi32>], vector<16xf32>,
      %convert_element_type3A_1523 = arith.fptosi %gather3A_1522 : vector<16xf32> to vector<16xi32>
      %swap3A_1524 = arith.constant 20 : i32
      %swap3A_1525 = arith.index_cast %swap3A_1524 : i32 to index
      %swap3A_1526 = arith.constant 48 : index
      %swap3A_1527 = tpu.vector_load %arg6[%swap3A_1525, %swap3A_1526] {strides = array<i32>} : memref<26x128xi32, #tpu.memory_space<vmem>>, vector<16xi32>,
      tpu.vector_store %arg6[%swap3A_1525, %swap3A_1526], %convert_element_type3A_1523 {strides = array<i32>} : memref<26x128xi32, #tpu.memory_space<vmem>>, vector<16xi32>,
      %add3A_1528 = arith.constant 64 : i32
      %add3A_1529 = vector.broadcast %add3A_1528 : i32 to vector<16xi32>
      %add3A_1530 = arith.addi %iota3A, %add3A_1529 : vector<16xi32>
      %gather3A_1531 = tpu.vector_load_idx %arg5[%add3A_1530, %broadcast_in_dim3A_1491] : memref<128x39xf32, #tpu.memory_space<vmem>>[vector<16xi32>, vector<16xi32>], vector<16xf32>,
      %convert_element_type3A_1532 = arith.fptosi %gather3A_1531 : vector<16xf32> to vector<16xi32>
      %swap3A_1533 = arith.constant 20 : i32
      %swap3A_1534 = arith.index_cast %swap3A_1533 : i32 to index
      %swap3A_1535 = arith.constant 64 : index
      %swap3A_1536 = tpu.vector_load %arg6[%swap3A_1534, %swap3A_1535] {strides = array<i32>} : memref<26x128xi32, #tpu.memory_space<vmem>>, vector<16xi32>,
      tpu.vector_store %arg6[%swap3A_1534, %swap3A_1535], %convert_element_type3A_1532 {strides = array<i32>} : memref<26x128xi32, #tpu.memory_space<vmem>>, vector<16xi32>,
      %add3A_1537 = arith.constant 80 : i32
      %add3A_1538 = vector.broadcast %add3A_1537 : i32 to vector<16xi32>
      %add3A_1539 = arith.addi %iota3A, %add3A_1538 : vector<16xi32>
      %gather3A_1540 = tpu.vector_load_idx %arg5[%add3A_1539, %broadcast_in_dim3A_1491] : memref<128x39xf32, #tpu.memory_space<vmem>>[vector<16xi32>, vector<16xi32>], vector<16xf32>,
      %convert_element_type3A_1541 = arith.fptosi %gather3A_1540 : vector<16xf32> to vector<16xi32>
      %swap3A_1542 = arith.constant 20 : i32
      %swap3A_1543 = arith.index_cast %swap3A_1542 : i32 to index
      %swap3A_1544 = arith.constant 80 : index
      %swap3A_1545 = tpu.vector_load %arg6[%swap3A_1543, %swap3A_1544] {strides = array<i32>} : memref<26x128xi32, #tpu.memory_space<vmem>>, vector<16xi32>,
      tpu.vector_store %arg6[%swap3A_1543, %swap3A_1544], %convert_element_type3A_1541 {strides = array<i32>} : memref<26x128xi32, #tpu.memory_space<vmem>>, vector<16xi32>,
      %add3A_1546 = arith.constant 96 : i32
      %add3A_1547 = vector.broadcast %add3A_1546 : i32 to vector<16xi32>
      %add3A_1548 = arith.addi %iota3A, %add3A_1547 : vector<16xi32>
      %gather3A_1549 = tpu.vector_load_idx %arg5[%add3A_1548, %broadcast_in_dim3A_1491] : memref<128x39xf32, #tpu.memory_space<vmem>>[vector<16xi32>, vector<16xi32>], vector<16xf32>,
      %convert_element_type3A_1550 = arith.fptosi %gather3A_1549 : vector<16xf32> to vector<16xi32>
      %swap3A_1551 = arith.constant 20 : i32
      %swap3A_1552 = arith.index_cast %swap3A_1551 : i32 to index
      %swap3A_1553 = arith.constant 96 : index
      %swap3A_1554 = tpu.vector_load %arg6[%swap3A_1552, %swap3A_1553] {strides = array<i32>} : memref<26x128xi32, #tpu.memory_space<vmem>>, vector<16xi32>,
      tpu.vector_store %arg6[%swap3A_1552, %swap3A_1553], %convert_element_type3A_1550 {strides = array<i32>} : memref<26x128xi32, #tpu.memory_space<vmem>>, vector<16xi32>,
      %add3A_1555 = arith.constant 112 : i32
      %add3A_1556 = vector.broadcast %add3A_1555 : i32 to vector<16xi32>
      %add3A_1557 = arith.addi %iota3A, %add3A_1556 : vector<16xi32>
      %gather3A_1558 = tpu.vector_load_idx %arg5[%add3A_1557, %broadcast_in_dim3A_1491] : memref<128x39xf32, #tpu.memory_space<vmem>>[vector<16xi32>, vector<16xi32>], vector<16xf32>,
      %convert_element_type3A_1559 = arith.fptosi %gather3A_1558 : vector<16xf32> to vector<16xi32>
      %swap3A_1560 = arith.constant 20 : i32
      %swap3A_1561 = arith.index_cast %swap3A_1560 : i32 to index
      %swap3A_1562 = arith.constant 112 : index
      %swap3A_1563 = tpu.vector_load %arg6[%swap3A_1561, %swap3A_1562] {strides = array<i32>} : memref<26x128xi32, #tpu.memory_space<vmem>>, vector<16xi32>,
      tpu.vector_store %arg6[%swap3A_1561, %swap3A_1562], %convert_element_type3A_1559 {strides = array<i32>} : memref<26x128xi32, #tpu.memory_space<vmem>>, vector<16xi32>,
      %broadcast_in_dim3A_1564 = arith.constant 34 : i32
      %broadcast_in_dim3A_1565 = vector.broadcast %broadcast_in_dim3A_1564 : i32 to vector<16xi32>
      %add3A_1566 = arith.constant 0 : i32
      %add3A_1567 = vector.broadcast %add3A_1566 : i32 to vector<16xi32>
      %add3A_1568 = arith.addi %iota3A, %add3A_1567 : vector<16xi32>
      %gather3A_1569 = tpu.vector_load_idx %arg5[%add3A_1568, %broadcast_in_dim3A_1565] : memref<128x39xf32, #tpu.memory_space<vmem>>[vector<16xi32>, vector<16xi32>], vector<16xf32>,
      %convert_element_type3A_1570 = arith.fptosi %gather3A_1569 : vector<16xf32> to vector<16xi32>
      %swap3A_1571 = arith.constant 21 : i32
      %swap3A_1572 = arith.index_cast %swap3A_1571 : i32 to index
      %swap3A_1573 = arith.constant 0 : index
      %swap3A_1574 = tpu.vector_load %arg6[%swap3A_1572, %swap3A_1573] {strides = array<i32>} : memref<26x128xi32, #tpu.memory_space<vmem>>, vector<16xi32>,
      tpu.vector_store %arg6[%swap3A_1572, %swap3A_1573], %convert_element_type3A_1570 {strides = array<i32>} : memref<26x128xi32, #tpu.memory_space<vmem>>, vector<16xi32>,
      %add3A_1575 = arith.constant 16 : i32
      %add3A_1576 = vector.broadcast %add3A_1575 : i32 to vector<16xi32>
      %add3A_1577 = arith.addi %iota3A, %add3A_1576 : vector<16xi32>
      %gather3A_1578 = tpu.vector_load_idx %arg5[%add3A_1577, %broadcast_in_dim3A_1565] : memref<128x39xf32, #tpu.memory_space<vmem>>[vector<16xi32>, vector<16xi32>], vector<16xf32>,
      %convert_element_type3A_1579 = arith.fptosi %gather3A_1578 : vector<16xf32> to vector<16xi32>
      %swap3A_1580 = arith.constant 21 : i32
      %swap3A_1581 = arith.index_cast %swap3A_1580 : i32 to index
      %swap3A_1582 = arith.constant 16 : index
      %swap3A_1583 = tpu.vector_load %arg6[%swap3A_1581, %swap3A_1582] {strides = array<i32>} : memref<26x128xi32, #tpu.memory_space<vmem>>, vector<16xi32>,
      tpu.vector_store %arg6[%swap3A_1581, %swap3A_1582], %convert_element_type3A_1579 {strides = array<i32>} : memref<26x128xi32, #tpu.memory_space<vmem>>, vector<16xi32>,
      %add3A_1584 = arith.constant 32 : i32
      %add3A_1585 = vector.broadcast %add3A_1584 : i32 to vector<16xi32>
      %add3A_1586 = arith.addi %iota3A, %add3A_1585 : vector<16xi32>
      %gather3A_1587 = tpu.vector_load_idx %arg5[%add3A_1586, %broadcast_in_dim3A_1565] : memref<128x39xf32, #tpu.memory_space<vmem>>[vector<16xi32>, vector<16xi32>], vector<16xf32>,
      %convert_element_type3A_1588 = arith.fptosi %gather3A_1587 : vector<16xf32> to vector<16xi32>
      %swap3A_1589 = arith.constant 21 : i32
      %swap3A_1590 = arith.index_cast %swap3A_1589 : i32 to index
      %swap3A_1591 = arith.constant 32 : index
      %swap3A_1592 = tpu.vector_load %arg6[%swap3A_1590, %swap3A_1591] {strides = array<i32>} : memref<26x128xi32, #tpu.memory_space<vmem>>, vector<16xi32>,
      tpu.vector_store %arg6[%swap3A_1590, %swap3A_1591], %convert_element_type3A_1588 {strides = array<i32>} : memref<26x128xi32, #tpu.memory_space<vmem>>, vector<16xi32>,
      %add3A_1593 = arith.constant 48 : i32
      %add3A_1594 = vector.broadcast %add3A_1593 : i32 to vector<16xi32>
      %add3A_1595 = arith.addi %iota3A, %add3A_1594 : vector<16xi32>
      %gather3A_1596 = tpu.vector_load_idx %arg5[%add3A_1595, %broadcast_in_dim3A_1565] : memref<128x39xf32, #tpu.memory_space<vmem>>[vector<16xi32>, vector<16xi32>], vector<16xf32>,
      %convert_element_type3A_1597 = arith.fptosi %gather3A_1596 : vector<16xf32> to vector<16xi32>
      %swap3A_1598 = arith.constant 21 : i32
      %swap3A_1599 = arith.index_cast %swap3A_1598 : i32 to index
      %swap3A_1600 = arith.constant 48 : index
      %swap3A_1601 = tpu.vector_load %arg6[%swap3A_1599, %swap3A_1600] {strides = array<i32>} : memref<26x128xi32, #tpu.memory_space<vmem>>, vector<16xi32>,
      tpu.vector_store %arg6[%swap3A_1599, %swap3A_1600], %convert_element_type3A_1597 {strides = array<i32>} : memref<26x128xi32, #tpu.memory_space<vmem>>, vector<16xi32>,
      %add3A_1602 = arith.constant 64 : i32
      %add3A_1603 = vector.broadcast %add3A_1602 : i32 to vector<16xi32>
      %add3A_1604 = arith.addi %iota3A, %add3A_1603 : vector<16xi32>
      %gather3A_1605 = tpu.vector_load_idx %arg5[%add3A_1604, %broadcast_in_dim3A_1565] : memref<128x39xf32, #tpu.memory_space<vmem>>[vector<16xi32>, vector<16xi32>], vector<16xf32>,
      %convert_element_type3A_1606 = arith.fptosi %gather3A_1605 : vector<16xf32> to vector<16xi32>
      %swap3A_1607 = arith.constant 21 : i32
      %swap3A_1608 = arith.index_cast %swap3A_1607 : i32 to index
      %swap3A_1609 = arith.constant 64 : index
      %swap3A_1610 = tpu.vector_load %arg6[%swap3A_1608, %swap3A_1609] {strides = array<i32>} : memref<26x128xi32, #tpu.memory_space<vmem>>, vector<16xi32>,
      tpu.vector_store %arg6[%swap3A_1608, %swap3A_1609], %convert_element_type3A_1606 {strides = array<i32>} : memref<26x128xi32, #tpu.memory_space<vmem>>, vector<16xi32>,
      %add3A_1611 = arith.constant 80 : i32
      %add3A_1612 = vector.broadcast %add3A_1611 : i32 to vector<16xi32>
      %add3A_1613 = arith.addi %iota3A, %add3A_1612 : vector<16xi32>
      %gather3A_1614 = tpu.vector_load_idx %arg5[%add3A_1613, %broadcast_in_dim3A_1565] : memref<128x39xf32, #tpu.memory_space<vmem>>[vector<16xi32>, vector<16xi32>], vector<16xf32>,
      %convert_element_type3A_1615 = arith.fptosi %gather3A_1614 : vector<16xf32> to vector<16xi32>
      %swap3A_1616 = arith.constant 21 : i32
      %swap3A_1617 = arith.index_cast %swap3A_1616 : i32 to index
      %swap3A_1618 = arith.constant 80 : index
      %swap3A_1619 = tpu.vector_load %arg6[%swap3A_1617, %swap3A_1618] {strides = array<i32>} : memref<26x128xi32, #tpu.memory_space<vmem>>, vector<16xi32>,
      tpu.vector_store %arg6[%swap3A_1617, %swap3A_1618], %convert_element_type3A_1615 {strides = array<i32>} : memref<26x128xi32, #tpu.memory_space<vmem>>, vector<16xi32>,
      %add3A_1620 = arith.constant 96 : i32
      %add3A_1621 = vector.broadcast %add3A_1620 : i32 to vector<16xi32>
      %add3A_1622 = arith.addi %iota3A, %add3A_1621 : vector<16xi32>
      %gather3A_1623 = tpu.vector_load_idx %arg5[%add3A_1622, %broadcast_in_dim3A_1565] : memref<128x39xf32, #tpu.memory_space<vmem>>[vector<16xi32>, vector<16xi32>], vector<16xf32>,
      %convert_element_type3A_1624 = arith.fptosi %gather3A_1623 : vector<16xf32> to vector<16xi32>
      %swap3A_1625 = arith.constant 21 : i32
      %swap3A_1626 = arith.index_cast %swap3A_1625 : i32 to index
      %swap3A_1627 = arith.constant 96 : index
      %swap3A_1628 = tpu.vector_load %arg6[%swap3A_1626, %swap3A_1627] {strides = array<i32>} : memref<26x128xi32, #tpu.memory_space<vmem>>, vector<16xi32>,
      tpu.vector_store %arg6[%swap3A_1626, %swap3A_1627], %convert_element_type3A_1624 {strides = array<i32>} : memref<26x128xi32, #tpu.memory_space<vmem>>, vector<16xi32>,
      %add3A_1629 = arith.constant 112 : i32
      %add3A_1630 = vector.broadcast %add3A_1629 : i32 to vector<16xi32>
      %add3A_1631 = arith.addi %iota3A, %add3A_1630 : vector<16xi32>
      %gather3A_1632 = tpu.vector_load_idx %arg5[%add3A_1631, %broadcast_in_dim3A_1565] : memref<128x39xf32, #tpu.memory_space<vmem>>[vector<16xi32>, vector<16xi32>], vector<16xf32>,
      %convert_element_type3A_1633 = arith.fptosi %gather3A_1632 : vector<16xf32> to vector<16xi32>
      %swap3A_1634 = arith.constant 21 : i32
      %swap3A_1635 = arith.index_cast %swap3A_1634 : i32 to index
      %swap3A_1636 = arith.constant 112 : index
      %swap3A_1637 = tpu.vector_load %arg6[%swap3A_1635, %swap3A_1636] {strides = array<i32>} : memref<26x128xi32, #tpu.memory_space<vmem>>, vector<16xi32>,
      tpu.vector_store %arg6[%swap3A_1635, %swap3A_1636], %convert_element_type3A_1633 {strides = array<i32>} : memref<26x128xi32, #tpu.memory_space<vmem>>, vector<16xi32>,
      %broadcast_in_dim3A_1638 = arith.constant 35 : i32
      %broadcast_in_dim3A_1639 = vector.broadcast %broadcast_in_dim3A_1638 : i32 to vector<16xi32>
      %add3A_1640 = arith.constant 0 : i32
      %add3A_1641 = vector.broadcast %add3A_1640 : i32 to vector<16xi32>
      %add3A_1642 = arith.addi %iota3A, %add3A_1641 : vector<16xi32>
      %gather3A_1643 = tpu.vector_load_idx %arg5[%add3A_1642, %broadcast_in_dim3A_1639] : memref<128x39xf32, #tpu.memory_space<vmem>>[vector<16xi32>, vector<16xi32>], vector<16xf32>,
      %convert_element_type3A_1644 = arith.fptosi %gather3A_1643 : vector<16xf32> to vector<16xi32>
      %swap3A_1645 = arith.constant 22 : i32
      %swap3A_1646 = arith.index_cast %swap3A_1645 : i32 to index
      %swap3A_1647 = arith.constant 0 : index
      %swap3A_1648 = tpu.vector_load %arg6[%swap3A_1646, %swap3A_1647] {strides = array<i32>} : memref<26x128xi32, #tpu.memory_space<vmem>>, vector<16xi32>,
      tpu.vector_store %arg6[%swap3A_1646, %swap3A_1647], %convert_element_type3A_1644 {strides = array<i32>} : memref<26x128xi32, #tpu.memory_space<vmem>>, vector<16xi32>,
      %add3A_1649 = arith.constant 16 : i32
      %add3A_1650 = vector.broadcast %add3A_1649 : i32 to vector<16xi32>
      %add3A_1651 = arith.addi %iota3A, %add3A_1650 : vector<16xi32>
      %gather3A_1652 = tpu.vector_load_idx %arg5[%add3A_1651, %broadcast_in_dim3A_1639] : memref<128x39xf32, #tpu.memory_space<vmem>>[vector<16xi32>, vector<16xi32>], vector<16xf32>,
      %convert_element_type3A_1653 = arith.fptosi %gather3A_1652 : vector<16xf32> to vector<16xi32>
      %swap3A_1654 = arith.constant 22 : i32
      %swap3A_1655 = arith.index_cast %swap3A_1654 : i32 to index
      %swap3A_1656 = arith.constant 16 : index
      %swap3A_1657 = tpu.vector_load %arg6[%swap3A_1655, %swap3A_1656] {strides = array<i32>} : memref<26x128xi32, #tpu.memory_space<vmem>>, vector<16xi32>,
      tpu.vector_store %arg6[%swap3A_1655, %swap3A_1656], %convert_element_type3A_1653 {strides = array<i32>} : memref<26x128xi32, #tpu.memory_space<vmem>>, vector<16xi32>,
      %add3A_1658 = arith.constant 32 : i32
      %add3A_1659 = vector.broadcast %add3A_1658 : i32 to vector<16xi32>
      %add3A_1660 = arith.addi %iota3A, %add3A_1659 : vector<16xi32>
      %gather3A_1661 = tpu.vector_load_idx %arg5[%add3A_1660, %broadcast_in_dim3A_1639] : memref<128x39xf32, #tpu.memory_space<vmem>>[vector<16xi32>, vector<16xi32>], vector<16xf32>,
      %convert_element_type3A_1662 = arith.fptosi %gather3A_1661 : vector<16xf32> to vector<16xi32>
      %swap3A_1663 = arith.constant 22 : i32
      %swap3A_1664 = arith.index_cast %swap3A_1663 : i32 to index
      %swap3A_1665 = arith.constant 32 : index
      %swap3A_1666 = tpu.vector_load %arg6[%swap3A_1664, %swap3A_1665] {strides = array<i32>} : memref<26x128xi32, #tpu.memory_space<vmem>>, vector<16xi32>,
      tpu.vector_store %arg6[%swap3A_1664, %swap3A_1665], %convert_element_type3A_1662 {strides = array<i32>} : memref<26x128xi32, #tpu.memory_space<vmem>>, vector<16xi32>,
      %add3A_1667 = arith.constant 48 : i32
      %add3A_1668 = vector.broadcast %add3A_1667 : i32 to vector<16xi32>
      %add3A_1669 = arith.addi %iota3A, %add3A_1668 : vector<16xi32>
      %gather3A_1670 = tpu.vector_load_idx %arg5[%add3A_1669, %broadcast_in_dim3A_1639] : memref<128x39xf32, #tpu.memory_space<vmem>>[vector<16xi32>, vector<16xi32>], vector<16xf32>,
      %convert_element_type3A_1671 = arith.fptosi %gather3A_1670 : vector<16xf32> to vector<16xi32>
      %swap3A_1672 = arith.constant 22 : i32
      %swap3A_1673 = arith.index_cast %swap3A_1672 : i32 to index
      %swap3A_1674 = arith.constant 48 : index
      %swap3A_1675 = tpu.vector_load %arg6[%swap3A_1673, %swap3A_1674] {strides = array<i32>} : memref<26x128xi32, #tpu.memory_space<vmem>>, vector<16xi32>,
      tpu.vector_store %arg6[%swap3A_1673, %swap3A_1674], %convert_element_type3A_1671 {strides = array<i32>} : memref<26x128xi32, #tpu.memory_space<vmem>>, vector<16xi32>,
      %add3A_1676 = arith.constant 64 : i32
      %add3A_1677 = vector.broadcast %add3A_1676 : i32 to vector<16xi32>
      %add3A_1678 = arith.addi %iota3A, %add3A_1677 : vector<16xi32>
      %gather3A_1679 = tpu.vector_load_idx %arg5[%add3A_1678, %broadcast_in_dim3A_1639] : memref<128x39xf32, #tpu.memory_space<vmem>>[vector<16xi32>, vector<16xi32>], vector<16xf32>,
      %convert_element_type3A_1680 = arith.fptosi %gather3A_1679 : vector<16xf32> to vector<16xi32>
      %swap3A_1681 = arith.constant 22 : i32
      %swap3A_1682 = arith.index_cast %swap3A_1681 : i32 to index
      %swap3A_1683 = arith.constant 64 : index
      %swap3A_1684 = tpu.vector_load %arg6[%swap3A_1682, %swap3A_1683] {strides = array<i32>} : memref<26x128xi32, #tpu.memory_space<vmem>>, vector<16xi32>,
      tpu.vector_store %arg6[%swap3A_1682, %swap3A_1683], %convert_element_type3A_1680 {strides = array<i32>} : memref<26x128xi32, #tpu.memory_space<vmem>>, vector<16xi32>,
      %add3A_1685 = arith.constant 80 : i32
      %add3A_1686 = vector.broadcast %add3A_1685 : i32 to vector<16xi32>
      %add3A_1687 = arith.addi %iota3A, %add3A_1686 : vector<16xi32>
      %gather3A_1688 = tpu.vector_load_idx %arg5[%add3A_1687, %broadcast_in_dim3A_1639] : memref<128x39xf32, #tpu.memory_space<vmem>>[vector<16xi32>, vector<16xi32>], vector<16xf32>,
      %convert_element_type3A_1689 = arith.fptosi %gather3A_1688 : vector<16xf32> to vector<16xi32>
      %swap3A_1690 = arith.constant 22 : i32
      %swap3A_1691 = arith.index_cast %swap3A_1690 : i32 to index
      %swap3A_1692 = arith.constant 80 : index
      %swap3A_1693 = tpu.vector_load %arg6[%swap3A_1691, %swap3A_1692] {strides = array<i32>} : memref<26x128xi32, #tpu.memory_space<vmem>>, vector<16xi32>,
      tpu.vector_store %arg6[%swap3A_1691, %swap3A_1692], %convert_element_type3A_1689 {strides = array<i32>} : memref<26x128xi32, #tpu.memory_space<vmem>>, vector<16xi32>,
      %add3A_1694 = arith.constant 96 : i32
      %add3A_1695 = vector.broadcast %add3A_1694 : i32 to vector<16xi32>
      %add3A_1696 = arith.addi %iota3A, %add3A_1695 : vector<16xi32>
      %gather3A_1697 = tpu.vector_load_idx %arg5[%add3A_1696, %broadcast_in_dim3A_1639] : memref<128x39xf32, #tpu.memory_space<vmem>>[vector<16xi32>, vector<16xi32>], vector<16xf32>,
      %convert_element_type3A_1698 = arith.fptosi %gather3A_1697 : vector<16xf32> to vector<16xi32>
      %swap3A_1699 = arith.constant 22 : i32
      %swap3A_1700 = arith.index_cast %swap3A_1699 : i32 to index
      %swap3A_1701 = arith.constant 96 : index
      %swap3A_1702 = tpu.vector_load %arg6[%swap3A_1700, %swap3A_1701] {strides = array<i32>} : memref<26x128xi32, #tpu.memory_space<vmem>>, vector<16xi32>,
      tpu.vector_store %arg6[%swap3A_1700, %swap3A_1701], %convert_element_type3A_1698 {strides = array<i32>} : memref<26x128xi32, #tpu.memory_space<vmem>>, vector<16xi32>,
      %add3A_1703 = arith.constant 112 : i32
      %add3A_1704 = vector.broadcast %add3A_1703 : i32 to vector<16xi32>
      %add3A_1705 = arith.addi %iota3A, %add3A_1704 : vector<16xi32>
      %gather3A_1706 = tpu.vector_load_idx %arg5[%add3A_1705, %broadcast_in_dim3A_1639] : memref<128x39xf32, #tpu.memory_space<vmem>>[vector<16xi32>, vector<16xi32>], vector<16xf32>,
      %convert_element_type3A_1707 = arith.fptosi %gather3A_1706 : vector<16xf32> to vector<16xi32>
      %swap3A_1708 = arith.constant 22 : i32
      %swap3A_1709 = arith.index_cast %swap3A_1708 : i32 to index
      %swap3A_1710 = arith.constant 112 : index
      %swap3A_1711 = tpu.vector_load %arg6[%swap3A_1709, %swap3A_1710] {strides = array<i32>} : memref<26x128xi32, #tpu.memory_space<vmem>>, vector<16xi32>,
      tpu.vector_store %arg6[%swap3A_1709, %swap3A_1710], %convert_element_type3A_1707 {strides = array<i32>} : memref<26x128xi32, #tpu.memory_space<vmem>>, vector<16xi32>,
      %broadcast_in_dim3A_1712 = arith.constant 36 : i32
      %broadcast_in_dim3A_1713 = vector.broadcast %broadcast_in_dim3A_1712 : i32 to vector<16xi32>
      %add3A_1714 = arith.constant 0 : i32
      %add3A_1715 = vector.broadcast %add3A_1714 : i32 to vector<16xi32>
      %add3A_1716 = arith.addi %iota3A, %add3A_1715 : vector<16xi32>
      %gather3A_1717 = tpu.vector_load_idx %arg5[%add3A_1716, %broadcast_in_dim3A_1713] : memref<128x39xf32, #tpu.memory_space<vmem>>[vector<16xi32>, vector<16xi32>], vector<16xf32>,
      %convert_element_type3A_1718 = arith.fptosi %gather3A_1717 : vector<16xf32> to vector<16xi32>
      %swap3A_1719 = arith.constant 23 : i32
      %swap3A_1720 = arith.index_cast %swap3A_1719 : i32 to index
      %swap3A_1721 = arith.constant 0 : index
      %swap3A_1722 = tpu.vector_load %arg6[%swap3A_1720, %swap3A_1721] {strides = array<i32>} : memref<26x128xi32, #tpu.memory_space<vmem>>, vector<16xi32>,
      tpu.vector_store %arg6[%swap3A_1720, %swap3A_1721], %convert_element_type3A_1718 {strides = array<i32>} : memref<26x128xi32, #tpu.memory_space<vmem>>, vector<16xi32>,
      %add3A_1723 = arith.constant 16 : i32
      %add3A_1724 = vector.broadcast %add3A_1723 : i32 to vector<16xi32>
      %add3A_1725 = arith.addi %iota3A, %add3A_1724 : vector<16xi32>
      %gather3A_1726 = tpu.vector_load_idx %arg5[%add3A_1725, %broadcast_in_dim3A_1713] : memref<128x39xf32, #tpu.memory_space<vmem>>[vector<16xi32>, vector<16xi32>], vector<16xf32>,
      %convert_element_type3A_1727 = arith.fptosi %gather3A_1726 : vector<16xf32> to vector<16xi32>
      %swap3A_1728 = arith.constant 23 : i32
      %swap3A_1729 = arith.index_cast %swap3A_1728 : i32 to index
      %swap3A_1730 = arith.constant 16 : index
      %swap3A_1731 = tpu.vector_load %arg6[%swap3A_1729, %swap3A_1730] {strides = array<i32>} : memref<26x128xi32, #tpu.memory_space<vmem>>, vector<16xi32>,
      tpu.vector_store %arg6[%swap3A_1729, %swap3A_1730], %convert_element_type3A_1727 {strides = array<i32>} : memref<26x128xi32, #tpu.memory_space<vmem>>, vector<16xi32>,
      %add3A_1732 = arith.constant 32 : i32
      %add3A_1733 = vector.broadcast %add3A_1732 : i32 to vector<16xi32>
      %add3A_1734 = arith.addi %iota3A, %add3A_1733 : vector<16xi32>
      %gather3A_1735 = tpu.vector_load_idx %arg5[%add3A_1734, %broadcast_in_dim3A_1713] : memref<128x39xf32, #tpu.memory_space<vmem>>[vector<16xi32>, vector<16xi32>], vector<16xf32>,
      %convert_element_type3A_1736 = arith.fptosi %gather3A_1735 : vector<16xf32> to vector<16xi32>
      %swap3A_1737 = arith.constant 23 : i32
      %swap3A_1738 = arith.index_cast %swap3A_1737 : i32 to index
      %swap3A_1739 = arith.constant 32 : index
      %swap3A_1740 = tpu.vector_load %arg6[%swap3A_1738, %swap3A_1739] {strides = array<i32>} : memref<26x128xi32, #tpu.memory_space<vmem>>, vector<16xi32>,
      tpu.vector_store %arg6[%swap3A_1738, %swap3A_1739], %convert_element_type3A_1736 {strides = array<i32>} : memref<26x128xi32, #tpu.memory_space<vmem>>, vector<16xi32>,
      %add3A_1741 = arith.constant 48 : i32
      %add3A_1742 = vector.broadcast %add3A_1741 : i32 to vector<16xi32>
      %add3A_1743 = arith.addi %iota3A, %add3A_1742 : vector<16xi32>
      %gather3A_1744 = tpu.vector_load_idx %arg5[%add3A_1743, %broadcast_in_dim3A_1713] : memref<128x39xf32, #tpu.memory_space<vmem>>[vector<16xi32>, vector<16xi32>], vector<16xf32>,
      %convert_element_type3A_1745 = arith.fptosi %gather3A_1744 : vector<16xf32> to vector<16xi32>
      %swap3A_1746 = arith.constant 23 : i32
      %swap3A_1747 = arith.index_cast %swap3A_1746 : i32 to index
      %swap3A_1748 = arith.constant 48 : index
      %swap3A_1749 = tpu.vector_load %arg6[%swap3A_1747, %swap3A_1748] {strides = array<i32>} : memref<26x128xi32, #tpu.memory_space<vmem>>, vector<16xi32>,
      tpu.vector_store %arg6[%swap3A_1747, %swap3A_1748], %convert_element_type3A_1745 {strides = array<i32>} : memref<26x128xi32, #tpu.memory_space<vmem>>, vector<16xi32>,
      %add3A_1750 = arith.constant 64 : i32
      %add3A_1751 = vector.broadcast %add3A_1750 : i32 to vector<16xi32>
      %add3A_1752 = arith.addi %iota3A, %add3A_1751 : vector<16xi32>
      %gather3A_1753 = tpu.vector_load_idx %arg5[%add3A_1752, %broadcast_in_dim3A_1713] : memref<128x39xf32, #tpu.memory_space<vmem>>[vector<16xi32>, vector<16xi32>], vector<16xf32>,
      %convert_element_type3A_1754 = arith.fptosi %gather3A_1753 : vector<16xf32> to vector<16xi32>
      %swap3A_1755 = arith.constant 23 : i32
      %swap3A_1756 = arith.index_cast %swap3A_1755 : i32 to index
      %swap3A_1757 = arith.constant 64 : index
      %swap3A_1758 = tpu.vector_load %arg6[%swap3A_1756, %swap3A_1757] {strides = array<i32>} : memref<26x128xi32, #tpu.memory_space<vmem>>, vector<16xi32>,
      tpu.vector_store %arg6[%swap3A_1756, %swap3A_1757], %convert_element_type3A_1754 {strides = array<i32>} : memref<26x128xi32, #tpu.memory_space<vmem>>, vector<16xi32>,
      %add3A_1759 = arith.constant 80 : i32
      %add3A_1760 = vector.broadcast %add3A_1759 : i32 to vector<16xi32>
      %add3A_1761 = arith.addi %iota3A, %add3A_1760 : vector<16xi32>
      %gather3A_1762 = tpu.vector_load_idx %arg5[%add3A_1761, %broadcast_in_dim3A_1713] : memref<128x39xf32, #tpu.memory_space<vmem>>[vector<16xi32>, vector<16xi32>], vector<16xf32>,
      %convert_element_type3A_1763 = arith.fptosi %gather3A_1762 : vector<16xf32> to vector<16xi32>
      %swap3A_1764 = arith.constant 23 : i32
      %swap3A_1765 = arith.index_cast %swap3A_1764 : i32 to index
      %swap3A_1766 = arith.constant 80 : index
      %swap3A_1767 = tpu.vector_load %arg6[%swap3A_1765, %swap3A_1766] {strides = array<i32>} : memref<26x128xi32, #tpu.memory_space<vmem>>, vector<16xi32>,
      tpu.vector_store %arg6[%swap3A_1765, %swap3A_1766], %convert_element_type3A_1763 {strides = array<i32>} : memref<26x128xi32, #tpu.memory_space<vmem>>, vector<16xi32>,
      %add3A_1768 = arith.constant 96 : i32
      %add3A_1769 = vector.broadcast %add3A_1768 : i32 to vector<16xi32>
      %add3A_1770 = arith.addi %iota3A, %add3A_1769 : vector<16xi32>
      %gather3A_1771 = tpu.vector_load_idx %arg5[%add3A_1770, %broadcast_in_dim3A_1713] : memref<128x39xf32, #tpu.memory_space<vmem>>[vector<16xi32>, vector<16xi32>], vector<16xf32>,
      %convert_element_type3A_1772 = arith.fptosi %gather3A_1771 : vector<16xf32> to vector<16xi32>
      %swap3A_1773 = arith.constant 23 : i32
      %swap3A_1774 = arith.index_cast %swap3A_1773 : i32 to index
      %swap3A_1775 = arith.constant 96 : index
      %swap3A_1776 = tpu.vector_load %arg6[%swap3A_1774, %swap3A_1775] {strides = array<i32>} : memref<26x128xi32, #tpu.memory_space<vmem>>, vector<16xi32>,
      tpu.vector_store %arg6[%swap3A_1774, %swap3A_1775], %convert_element_type3A_1772 {strides = array<i32>} : memref<26x128xi32, #tpu.memory_space<vmem>>, vector<16xi32>,
      %add3A_1777 = arith.constant 112 : i32
      %add3A_1778 = vector.broadcast %add3A_1777 : i32 to vector<16xi32>
      %add3A_1779 = arith.addi %iota3A, %add3A_1778 : vector<16xi32>
      %gather3A_1780 = tpu.vector_load_idx %arg5[%add3A_1779, %broadcast_in_dim3A_1713] : memref<128x39xf32, #tpu.memory_space<vmem>>[vector<16xi32>, vector<16xi32>], vector<16xf32>,
      %convert_element_type3A_1781 = arith.fptosi %gather3A_1780 : vector<16xf32> to vector<16xi32>
      %swap3A_1782 = arith.constant 23 : i32
      %swap3A_1783 = arith.index_cast %swap3A_1782 : i32 to index
      %swap3A_1784 = arith.constant 112 : index
      %swap3A_1785 = tpu.vector_load %arg6[%swap3A_1783, %swap3A_1784] {strides = array<i32>} : memref<26x128xi32, #tpu.memory_space<vmem>>, vector<16xi32>,
      tpu.vector_store %arg6[%swap3A_1783, %swap3A_1784], %convert_element_type3A_1781 {strides = array<i32>} : memref<26x128xi32, #tpu.memory_space<vmem>>, vector<16xi32>,
      %broadcast_in_dim3A_1786 = arith.constant 37 : i32
      %broadcast_in_dim3A_1787 = vector.broadcast %broadcast_in_dim3A_1786 : i32 to vector<16xi32>
      %add3A_1788 = arith.constant 0 : i32
      %add3A_1789 = vector.broadcast %add3A_1788 : i32 to vector<16xi32>
      %add3A_1790 = arith.addi %iota3A, %add3A_1789 : vector<16xi32>
      %gather3A_1791 = tpu.vector_load_idx %arg5[%add3A_1790, %broadcast_in_dim3A_1787] : memref<128x39xf32, #tpu.memory_space<vmem>>[vector<16xi32>, vector<16xi32>], vector<16xf32>,
      %convert_element_type3A_1792 = arith.fptosi %gather3A_1791 : vector<16xf32> to vector<16xi32>
      %swap3A_1793 = arith.constant 24 : i32
      %swap3A_1794 = arith.index_cast %swap3A_1793 : i32 to index
      %swap3A_1795 = arith.constant 0 : index
      %swap3A_1796 = tpu.vector_load %arg6[%swap3A_1794, %swap3A_1795] {strides = array<i32>} : memref<26x128xi32, #tpu.memory_space<vmem>>, vector<16xi32>,
      tpu.vector_store %arg6[%swap3A_1794, %swap3A_1795], %convert_element_type3A_1792 {strides = array<i32>} : memref<26x128xi32, #tpu.memory_space<vmem>>, vector<16xi32>,
      %add3A_1797 = arith.constant 16 : i32
      %add3A_1798 = vector.broadcast %add3A_1797 : i32 to vector<16xi32>
      %add3A_1799 = arith.addi %iota3A, %add3A_1798 : vector<16xi32>
      %gather3A_1800 = tpu.vector_load_idx %arg5[%add3A_1799, %broadcast_in_dim3A_1787] : memref<128x39xf32, #tpu.memory_space<vmem>>[vector<16xi32>, vector<16xi32>], vector<16xf32>,
      %convert_element_type3A_1801 = arith.fptosi %gather3A_1800 : vector<16xf32> to vector<16xi32>
      %swap3A_1802 = arith.constant 24 : i32
      %swap3A_1803 = arith.index_cast %swap3A_1802 : i32 to index
      %swap3A_1804 = arith.constant 16 : index
      %swap3A_1805 = tpu.vector_load %arg6[%swap3A_1803, %swap3A_1804] {strides = array<i32>} : memref<26x128xi32, #tpu.memory_space<vmem>>, vector<16xi32>,
      tpu.vector_store %arg6[%swap3A_1803, %swap3A_1804], %convert_element_type3A_1801 {strides = array<i32>} : memref<26x128xi32, #tpu.memory_space<vmem>>, vector<16xi32>,
      %add3A_1806 = arith.constant 32 : i32
      %add3A_1807 = vector.broadcast %add3A_1806 : i32 to vector<16xi32>
      %add3A_1808 = arith.addi %iota3A, %add3A_1807 : vector<16xi32>
      %gather3A_1809 = tpu.vector_load_idx %arg5[%add3A_1808, %broadcast_in_dim3A_1787] : memref<128x39xf32, #tpu.memory_space<vmem>>[vector<16xi32>, vector<16xi32>], vector<16xf32>,
      %convert_element_type3A_1810 = arith.fptosi %gather3A_1809 : vector<16xf32> to vector<16xi32>
      %swap3A_1811 = arith.constant 24 : i32
      %swap3A_1812 = arith.index_cast %swap3A_1811 : i32 to index
      %swap3A_1813 = arith.constant 32 : index
      %swap3A_1814 = tpu.vector_load %arg6[%swap3A_1812, %swap3A_1813] {strides = array<i32>} : memref<26x128xi32, #tpu.memory_space<vmem>>, vector<16xi32>,
      tpu.vector_store %arg6[%swap3A_1812, %swap3A_1813], %convert_element_type3A_1810 {strides = array<i32>} : memref<26x128xi32, #tpu.memory_space<vmem>>, vector<16xi32>,
      %add3A_1815 = arith.constant 48 : i32
      %add3A_1816 = vector.broadcast %add3A_1815 : i32 to vector<16xi32>
      %add3A_1817 = arith.addi %iota3A, %add3A_1816 : vector<16xi32>
      %gather3A_1818 = tpu.vector_load_idx %arg5[%add3A_1817, %broadcast_in_dim3A_1787] : memref<128x39xf32, #tpu.memory_space<vmem>>[vector<16xi32>, vector<16xi32>], vector<16xf32>,
      %convert_element_type3A_1819 = arith.fptosi %gather3A_1818 : vector<16xf32> to vector<16xi32>
      %swap3A_1820 = arith.constant 24 : i32
      %swap3A_1821 = arith.index_cast %swap3A_1820 : i32 to index
      %swap3A_1822 = arith.constant 48 : index
      %swap3A_1823 = tpu.vector_load %arg6[%swap3A_1821, %swap3A_1822] {strides = array<i32>} : memref<26x128xi32, #tpu.memory_space<vmem>>, vector<16xi32>,
      tpu.vector_store %arg6[%swap3A_1821, %swap3A_1822], %convert_element_type3A_1819 {strides = array<i32>} : memref<26x128xi32, #tpu.memory_space<vmem>>, vector<16xi32>,
      %add3A_1824 = arith.constant 64 : i32
      %add3A_1825 = vector.broadcast %add3A_1824 : i32 to vector<16xi32>
      %add3A_1826 = arith.addi %iota3A, %add3A_1825 : vector<16xi32>
      %gather3A_1827 = tpu.vector_load_idx %arg5[%add3A_1826, %broadcast_in_dim3A_1787] : memref<128x39xf32, #tpu.memory_space<vmem>>[vector<16xi32>, vector<16xi32>], vector<16xf32>,
      %convert_element_type3A_1828 = arith.fptosi %gather3A_1827 : vector<16xf32> to vector<16xi32>
      %swap3A_1829 = arith.constant 24 : i32
      %swap3A_1830 = arith.index_cast %swap3A_1829 : i32 to index
      %swap3A_1831 = arith.constant 64 : index
      %swap3A_1832 = tpu.vector_load %arg6[%swap3A_1830, %swap3A_1831] {strides = array<i32>} : memref<26x128xi32, #tpu.memory_space<vmem>>, vector<16xi32>,
      tpu.vector_store %arg6[%swap3A_1830, %swap3A_1831], %convert_element_type3A_1828 {strides = array<i32>} : memref<26x128xi32, #tpu.memory_space<vmem>>, vector<16xi32>,
      %add3A_1833 = arith.constant 80 : i32
      %add3A_1834 = vector.broadcast %add3A_1833 : i32 to vector<16xi32>
      %add3A_1835 = arith.addi %iota3A, %add3A_1834 : vector<16xi32>
      %gather3A_1836 = tpu.vector_load_idx %arg5[%add3A_1835, %broadcast_in_dim3A_1787] : memref<128x39xf32, #tpu.memory_space<vmem>>[vector<16xi32>, vector<16xi32>], vector<16xf32>,
      %convert_element_type3A_1837 = arith.fptosi %gather3A_1836 : vector<16xf32> to vector<16xi32>
      %swap3A_1838 = arith.constant 24 : i32
      %swap3A_1839 = arith.index_cast %swap3A_1838 : i32 to index
      %swap3A_1840 = arith.constant 80 : index
      %swap3A_1841 = tpu.vector_load %arg6[%swap3A_1839, %swap3A_1840] {strides = array<i32>} : memref<26x128xi32, #tpu.memory_space<vmem>>, vector<16xi32>,
      tpu.vector_store %arg6[%swap3A_1839, %swap3A_1840], %convert_element_type3A_1837 {strides = array<i32>} : memref<26x128xi32, #tpu.memory_space<vmem>>, vector<16xi32>,
      %add3A_1842 = arith.constant 96 : i32
      %add3A_1843 = vector.broadcast %add3A_1842 : i32 to vector<16xi32>
      %add3A_1844 = arith.addi %iota3A, %add3A_1843 : vector<16xi32>
      %gather3A_1845 = tpu.vector_load_idx %arg5[%add3A_1844, %broadcast_in_dim3A_1787] : memref<128x39xf32, #tpu.memory_space<vmem>>[vector<16xi32>, vector<16xi32>], vector<16xf32>,
      %convert_element_type3A_1846 = arith.fptosi %gather3A_1845 : vector<16xf32> to vector<16xi32>
      %swap3A_1847 = arith.constant 24 : i32
      %swap3A_1848 = arith.index_cast %swap3A_1847 : i32 to index
      %swap3A_1849 = arith.constant 96 : index
      %swap3A_1850 = tpu.vector_load %arg6[%swap3A_1848, %swap3A_1849] {strides = array<i32>} : memref<26x128xi32, #tpu.memory_space<vmem>>, vector<16xi32>,
      tpu.vector_store %arg6[%swap3A_1848, %swap3A_1849], %convert_element_type3A_1846 {strides = array<i32>} : memref<26x128xi32, #tpu.memory_space<vmem>>, vector<16xi32>,
      %add3A_1851 = arith.constant 112 : i32
      %add3A_1852 = vector.broadcast %add3A_1851 : i32 to vector<16xi32>
      %add3A_1853 = arith.addi %iota3A, %add3A_1852 : vector<16xi32>
      %gather3A_1854 = tpu.vector_load_idx %arg5[%add3A_1853, %broadcast_in_dim3A_1787] : memref<128x39xf32, #tpu.memory_space<vmem>>[vector<16xi32>, vector<16xi32>], vector<16xf32>,
      %convert_element_type3A_1855 = arith.fptosi %gather3A_1854 : vector<16xf32> to vector<16xi32>
      %swap3A_1856 = arith.constant 24 : i32
      %swap3A_1857 = arith.index_cast %swap3A_1856 : i32 to index
      %swap3A_1858 = arith.constant 112 : index
      %swap3A_1859 = tpu.vector_load %arg6[%swap3A_1857, %swap3A_1858] {strides = array<i32>} : memref<26x128xi32, #tpu.memory_space<vmem>>, vector<16xi32>,
      tpu.vector_store %arg6[%swap3A_1857, %swap3A_1858], %convert_element_type3A_1855 {strides = array<i32>} : memref<26x128xi32, #tpu.memory_space<vmem>>, vector<16xi32>,
      %broadcast_in_dim3A_1860 = arith.constant 38 : i32
      %broadcast_in_dim3A_1861 = vector.broadcast %broadcast_in_dim3A_1860 : i32 to vector<16xi32>
      %add3A_1862 = arith.constant 0 : i32
      %add3A_1863 = vector.broadcast %add3A_1862 : i32 to vector<16xi32>
      %add3A_1864 = arith.addi %iota3A, %add3A_1863 : vector<16xi32>
      %gather3A_1865 = tpu.vector_load_idx %arg5[%add3A_1864, %broadcast_in_dim3A_1861] : memref<128x39xf32, #tpu.memory_space<vmem>>[vector<16xi32>, vector<16xi32>], vector<16xf32>,
      %convert_element_type3A_1866 = arith.fptosi %gather3A_1865 : vector<16xf32> to vector<16xi32>
      %swap3A_1867 = arith.constant 25 : i32
      %swap3A_1868 = arith.index_cast %swap3A_1867 : i32 to index
      %swap3A_1869 = arith.constant 0 : index
      %swap3A_1870 = tpu.vector_load %arg6[%swap3A_1868, %swap3A_1869] {strides = array<i32>} : memref<26x128xi32, #tpu.memory_space<vmem>>, vector<16xi32>,
      tpu.vector_store %arg6[%swap3A_1868, %swap3A_1869], %convert_element_type3A_1866 {strides = array<i32>} : memref<26x128xi32, #tpu.memory_space<vmem>>, vector<16xi32>,
      %add3A_1871 = arith.constant 16 : i32
      %add3A_1872 = vector.broadcast %add3A_1871 : i32 to vector<16xi32>
      %add3A_1873 = arith.addi %iota3A, %add3A_1872 : vector<16xi32>
      %gather3A_1874 = tpu.vector_load_idx %arg5[%add3A_1873, %broadcast_in_dim3A_1861] : memref<128x39xf32, #tpu.memory_space<vmem>>[vector<16xi32>, vector<16xi32>], vector<16xf32>,
      %convert_element_type3A_1875 = arith.fptosi %gather3A_1874 : vector<16xf32> to vector<16xi32>
      %swap3A_1876 = arith.constant 25 : i32
      %swap3A_1877 = arith.index_cast %swap3A_1876 : i32 to index
      %swap3A_1878 = arith.constant 16 : index
      %swap3A_1879 = tpu.vector_load %arg6[%swap3A_1877, %swap3A_1878] {strides = array<i32>} : memref<26x128xi32, #tpu.memory_space<vmem>>, vector<16xi32>,
      tpu.vector_store %arg6[%swap3A_1877, %swap3A_1878], %convert_element_type3A_1875 {strides = array<i32>} : memref<26x128xi32, #tpu.memory_space<vmem>>, vector<16xi32>,
      %add3A_1880 = arith.constant 32 : i32
      %add3A_1881 = vector.broadcast %add3A_1880 : i32 to vector<16xi32>
      %add3A_1882 = arith.addi %iota3A, %add3A_1881 : vector<16xi32>
      %gather3A_1883 = tpu.vector_load_idx %arg5[%add3A_1882, %broadcast_in_dim3A_1861] : memref<128x39xf32, #tpu.memory_space<vmem>>[vector<16xi32>, vector<16xi32>], vector<16xf32>,
      %convert_element_type3A_1884 = arith.fptosi %gather3A_1883 : vector<16xf32> to vector<16xi32>
      %swap3A_1885 = arith.constant 25 : i32
      %swap3A_1886 = arith.index_cast %swap3A_1885 : i32 to index
      %swap3A_1887 = arith.constant 32 : index
      %swap3A_1888 = tpu.vector_load %arg6[%swap3A_1886, %swap3A_1887] {strides = array<i32>} : memref<26x128xi32, #tpu.memory_space<vmem>>, vector<16xi32>,
      tpu.vector_store %arg6[%swap3A_1886, %swap3A_1887], %convert_element_type3A_1884 {strides = array<i32>} : memref<26x128xi32, #tpu.memory_space<vmem>>, vector<16xi32>,
      %add3A_1889 = arith.constant 48 : i32
      %add3A_1890 = vector.broadcast %add3A_1889 : i32 to vector<16xi32>
      %add3A_1891 = arith.addi %iota3A, %add3A_1890 : vector<16xi32>
      %gather3A_1892 = tpu.vector_load_idx %arg5[%add3A_1891, %broadcast_in_dim3A_1861] : memref<128x39xf32, #tpu.memory_space<vmem>>[vector<16xi32>, vector<16xi32>], vector<16xf32>,
      %convert_element_type3A_1893 = arith.fptosi %gather3A_1892 : vector<16xf32> to vector<16xi32>
      %swap3A_1894 = arith.constant 25 : i32
      %swap3A_1895 = arith.index_cast %swap3A_1894 : i32 to index
      %swap3A_1896 = arith.constant 48 : index
      %swap3A_1897 = tpu.vector_load %arg6[%swap3A_1895, %swap3A_1896] {strides = array<i32>} : memref<26x128xi32, #tpu.memory_space<vmem>>, vector<16xi32>,
      tpu.vector_store %arg6[%swap3A_1895, %swap3A_1896], %convert_element_type3A_1893 {strides = array<i32>} : memref<26x128xi32, #tpu.memory_space<vmem>>, vector<16xi32>,
      %add3A_1898 = arith.constant 64 : i32
      %add3A_1899 = vector.broadcast %add3A_1898 : i32 to vector<16xi32>
      %add3A_1900 = arith.addi %iota3A, %add3A_1899 : vector<16xi32>
      %gather3A_1901 = tpu.vector_load_idx %arg5[%add3A_1900, %broadcast_in_dim3A_1861] : memref<128x39xf32, #tpu.memory_space<vmem>>[vector<16xi32>, vector<16xi32>], vector<16xf32>,
      %convert_element_type3A_1902 = arith.fptosi %gather3A_1901 : vector<16xf32> to vector<16xi32>
      %swap3A_1903 = arith.constant 25 : i32
      %swap3A_1904 = arith.index_cast %swap3A_1903 : i32 to index
      %swap3A_1905 = arith.constant 64 : index
      %swap3A_1906 = tpu.vector_load %arg6[%swap3A_1904, %swap3A_1905] {strides = array<i32>} : memref<26x128xi32, #tpu.memory_space<vmem>>, vector<16xi32>,
      tpu.vector_store %arg6[%swap3A_1904, %swap3A_1905], %convert_element_type3A_1902 {strides = array<i32>} : memref<26x128xi32, #tpu.memory_space<vmem>>, vector<16xi32>,
      %add3A_1907 = arith.constant 80 : i32
      %add3A_1908 = vector.broadcast %add3A_1907 : i32 to vector<16xi32>
      %add3A_1909 = arith.addi %iota3A, %add3A_1908 : vector<16xi32>
      %gather3A_1910 = tpu.vector_load_idx %arg5[%add3A_1909, %broadcast_in_dim3A_1861] : memref<128x39xf32, #tpu.memory_space<vmem>>[vector<16xi32>, vector<16xi32>], vector<16xf32>,
      %convert_element_type3A_1911 = arith.fptosi %gather3A_1910 : vector<16xf32> to vector<16xi32>
      %swap3A_1912 = arith.constant 25 : i32
      %swap3A_1913 = arith.index_cast %swap3A_1912 : i32 to index
      %swap3A_1914 = arith.constant 80 : index
      %swap3A_1915 = tpu.vector_load %arg6[%swap3A_1913, %swap3A_1914] {strides = array<i32>} : memref<26x128xi32, #tpu.memory_space<vmem>>, vector<16xi32>,
      tpu.vector_store %arg6[%swap3A_1913, %swap3A_1914], %convert_element_type3A_1911 {strides = array<i32>} : memref<26x128xi32, #tpu.memory_space<vmem>>, vector<16xi32>,
      %add3A_1916 = arith.constant 96 : i32
      %add3A_1917 = vector.broadcast %add3A_1916 : i32 to vector<16xi32>
      %add3A_1918 = arith.addi %iota3A, %add3A_1917 : vector<16xi32>
      %gather3A_1919 = tpu.vector_load_idx %arg5[%add3A_1918, %broadcast_in_dim3A_1861] : memref<128x39xf32, #tpu.memory_space<vmem>>[vector<16xi32>, vector<16xi32>], vector<16xf32>,
      %convert_element_type3A_1920 = arith.fptosi %gather3A_1919 : vector<16xf32> to vector<16xi32>
      %swap3A_1921 = arith.constant 25 : i32
      %swap3A_1922 = arith.index_cast %swap3A_1921 : i32 to index
      %swap3A_1923 = arith.constant 96 : index
      %swap3A_1924 = tpu.vector_load %arg6[%swap3A_1922, %swap3A_1923] {strides = array<i32>} : memref<26x128xi32, #tpu.memory_space<vmem>>, vector<16xi32>,
      tpu.vector_store %arg6[%swap3A_1922, %swap3A_1923], %convert_element_type3A_1920 {strides = array<i32>} : memref<26x128xi32, #tpu.memory_space<vmem>>, vector<16xi32>,
      %add3A_1925 = arith.constant 112 : i32
      %add3A_1926 = vector.broadcast %add3A_1925 : i32 to vector<16xi32>
      %add3A_1927 = arith.addi %iota3A, %add3A_1926 : vector<16xi32>
      %gather3A_1928 = tpu.vector_load_idx %arg5[%add3A_1927, %broadcast_in_dim3A_1861] : memref<128x39xf32, #tpu.memory_space<vmem>>[vector<16xi32>, vector<16xi32>], vector<16xf32>,
      %convert_element_type3A_1929 = arith.fptosi %gather3A_1928 : vector<16xf32> to vector<16xi32>
      %swap3A_1930 = arith.constant 25 : i32
      %swap3A_1931 = arith.index_cast %swap3A_1930 : i32 to index
      %swap3A_1932 = arith.constant 112 : index
      %swap3A_1933 = tpu.vector_load %arg6[%swap3A_1931, %swap3A_1932] {strides = array<i32>} : memref<26x128xi32, #tpu.memory_space<vmem>>, vector<16xi32>,
      tpu.vector_store %arg6[%swap3A_1931, %swap3A_1932], %convert_element_type3A_1929 {strides = array<i32>} : memref<26x128xi32, #tpu.memory_space<vmem>>, vector<16xi32>,
      %dma_start3A = arith.constant 0 : i32
      %dma_start3A_1934 = arith.constant 0 : i32
      %dma_start3A_1935 = arith.constant 0 : i32
      %dma_start3A_1936 = arith.constant 0 : i32
      %dma_start3A_1937 = arith.constant 0 : i32
      %dma_start3A_1938 = tpu.memref_slice %arg7[%dma_start3A_1935, %dma_start3A_1936, %dma_start3A_1937] : memref<26x128x32xf32, #tpu.memory_space<vmem>> -> memref<1x128x32xf32, #tpu.memory_space<vmem>>
      %dma_start3A_1939 = tpu.memref_squeeze %dma_start3A_1938 : memref<1x128x32xf32, #tpu.memory_space<vmem>> -> memref<128x32xf32, #tpu.memory_space<vmem>>
      %dma_start3A_1940 = arith.constant 0 : i32
      %dma_start3A_1941 = tpu.memref_slice %arg6[%dma_start3A_1934, %dma_start3A_1940] : memref<26x128xi32, #tpu.memory_space<vmem>> -> memref<1x128xi32, #tpu.memory_space<vmem>>
      %dma_start3A_1942 = tpu.memref_squeeze %dma_start3A_1941 : memref<1x128xi32, #tpu.memory_space<vmem>> -> memref<128xi32, #tpu.memory_space<vmem>>
      %dma_start3A_1943 = arith.constant 0 : i32
      %dma_start3A_1944 = arith.constant 0 : i32
      %dma_start3A_1945 = tpu.memref_slice %arg3[%dma_start3A, %dma_start3A_1943, %dma_start3A_1944] : memref<26x100000x32xf32, #tpu.memory_space<hbm>> -> memref<1x100000x32xf32, #tpu.memory_space<hbm>>
      %dma_start3A_1946 = tpu.memref_squeeze %dma_start3A_1945 : memref<1x100000x32xf32, #tpu.memory_space<hbm>> -> memref<100000x32xf32, #tpu.memory_space<hbm>>
      %dma_start3A_1947 = arith.constant 0 : i32
      %dma_start3A_1948 = arith.constant 0 : i32
      %dma_start3A_1949 = tpu.memref_slice %dma_start3A_1946[%dma_start3A_1947, %dma_start3A_1948] : memref<100000x32xf32, #tpu.memory_space<hbm>> -> memref<100000x32xf32, #tpu.memory_space<hbm>>
      tpu.enqueue_indirect_dma source(%dma_start3A_1949 : memref<100000x32xf32, #tpu.memory_space<hbm>>) target(%dma_start3A_1939 : memref<128x32xf32, #tpu.memory_space<vmem>>) offsets(%dma_start3A_1942 : memref<128xi32, #tpu.memory_space<vmem>>) semaphore(%arg9 : memref<!tpu.dma_semaphore, #tpu.memory_space<semaphore_mem>>)
      %dma_start3A_1950 = arith.constant 1 : i32
      %dma_start3A_1951 = arith.constant 1 : i32
      %dma_start3A_1952 = arith.constant 1 : i32
      %dma_start3A_1953 = arith.constant 0 : i32
      %dma_start3A_1954 = arith.constant 0 : i32
      %dma_start3A_1955 = tpu.memref_slice %arg7[%dma_start3A_1952, %dma_start3A_1953, %dma_start3A_1954] : memref<26x128x32xf32, #tpu.memory_space<vmem>> -> memref<1x128x32xf32, #tpu.memory_space<vmem>>
      %dma_start3A_1956 = tpu.memref_squeeze %dma_start3A_1955 : memref<1x128x32xf32, #tpu.memory_space<vmem>> -> memref<128x32xf32, #tpu.memory_space<vmem>>
      %dma_start3A_1957 = arith.constant 0 : i32
      %dma_start3A_1958 = tpu.memref_slice %arg6[%dma_start3A_1951, %dma_start3A_1957] : memref<26x128xi32, #tpu.memory_space<vmem>> -> memref<1x128xi32, #tpu.memory_space<vmem>>
      %dma_start3A_1959 = tpu.memref_squeeze %dma_start3A_1958 : memref<1x128xi32, #tpu.memory_space<vmem>> -> memref<128xi32, #tpu.memory_space<vmem>>
      %dma_start3A_1960 = arith.constant 0 : i32
      %dma_start3A_1961 = arith.constant 0 : i32
      %dma_start3A_1962 = tpu.memref_slice %arg3[%dma_start3A_1950, %dma_start3A_1960, %dma_start3A_1961] : memref<26x100000x32xf32, #tpu.memory_space<hbm>> -> memref<1x100000x32xf32, #tpu.memory_space<hbm>>
      %dma_start3A_1963 = tpu.memref_squeeze %dma_start3A_1962 : memref<1x100000x32xf32, #tpu.memory_space<hbm>> -> memref<100000x32xf32, #tpu.memory_space<hbm>>
      %dma_start3A_1964 = arith.constant 0 : i32
      %dma_start3A_1965 = arith.constant 0 : i32
      %dma_start3A_1966 = tpu.memref_slice %dma_start3A_1963[%dma_start3A_1964, %dma_start3A_1965] : memref<100000x32xf32, #tpu.memory_space<hbm>> -> memref<100000x32xf32, #tpu.memory_space<hbm>>
      tpu.enqueue_indirect_dma source(%dma_start3A_1966 : memref<100000x32xf32, #tpu.memory_space<hbm>>) target(%dma_start3A_1956 : memref<128x32xf32, #tpu.memory_space<vmem>>) offsets(%dma_start3A_1959 : memref<128xi32, #tpu.memory_space<vmem>>) semaphore(%arg9 : memref<!tpu.dma_semaphore, #tpu.memory_space<semaphore_mem>>)
      %dma_start3A_1967 = arith.constant 2 : i32
      %dma_start3A_1968 = arith.constant 2 : i32
      %dma_start3A_1969 = arith.constant 2 : i32
      %dma_start3A_1970 = arith.constant 0 : i32
      %dma_start3A_1971 = arith.constant 0 : i32
      %dma_start3A_1972 = tpu.memref_slice %arg7[%dma_start3A_1969, %dma_start3A_1970, %dma_start3A_1971] : memref<26x128x32xf32, #tpu.memory_space<vmem>> -> memref<1x128x32xf32, #tpu.memory_space<vmem>>
      %dma_start3A_1973 = tpu.memref_squeeze %dma_start3A_1972 : memref<1x128x32xf32, #tpu.memory_space<vmem>> -> memref<128x32xf32, #tpu.memory_space<vmem>>
      %dma_start3A_1974 = arith.constant 0 : i32
      %dma_start3A_1975 = tpu.memref_slice %arg6[%dma_start3A_1968, %dma_start3A_1974] : memref<26x128xi32, #tpu.memory_space<vmem>> -> memref<1x128xi32, #tpu.memory_space<vmem>>
      %dma_start3A_1976 = tpu.memref_squeeze %dma_start3A_1975 : memref<1x128xi32, #tpu.memory_space<vmem>> -> memref<128xi32, #tpu.memory_space<vmem>>
      %dma_start3A_1977 = arith.constant 0 : i32
      %dma_start3A_1978 = arith.constant 0 : i32
      %dma_start3A_1979 = tpu.memref_slice %arg3[%dma_start3A_1967, %dma_start3A_1977, %dma_start3A_1978] : memref<26x100000x32xf32, #tpu.memory_space<hbm>> -> memref<1x100000x32xf32, #tpu.memory_space<hbm>>
      %dma_start3A_1980 = tpu.memref_squeeze %dma_start3A_1979 : memref<1x100000x32xf32, #tpu.memory_space<hbm>> -> memref<100000x32xf32, #tpu.memory_space<hbm>>
      %dma_start3A_1981 = arith.constant 0 : i32
      %dma_start3A_1982 = arith.constant 0 : i32
      %dma_start3A_1983 = tpu.memref_slice %dma_start3A_1980[%dma_start3A_1981, %dma_start3A_1982] : memref<100000x32xf32, #tpu.memory_space<hbm>> -> memref<100000x32xf32, #tpu.memory_space<hbm>>
      tpu.enqueue_indirect_dma source(%dma_start3A_1983 : memref<100000x32xf32, #tpu.memory_space<hbm>>) target(%dma_start3A_1973 : memref<128x32xf32, #tpu.memory_space<vmem>>) offsets(%dma_start3A_1976 : memref<128xi32, #tpu.memory_space<vmem>>) semaphore(%arg9 : memref<!tpu.dma_semaphore, #tpu.memory_space<semaphore_mem>>)
      %dma_start3A_1984 = arith.constant 3 : i32
      %dma_start3A_1985 = arith.constant 3 : i32
      %dma_start3A_1986 = arith.constant 3 : i32
      %dma_start3A_1987 = arith.constant 0 : i32
      %dma_start3A_1988 = arith.constant 0 : i32
      %dma_start3A_1989 = tpu.memref_slice %arg7[%dma_start3A_1986, %dma_start3A_1987, %dma_start3A_1988] : memref<26x128x32xf32, #tpu.memory_space<vmem>> -> memref<1x128x32xf32, #tpu.memory_space<vmem>>
      %dma_start3A_1990 = tpu.memref_squeeze %dma_start3A_1989 : memref<1x128x32xf32, #tpu.memory_space<vmem>> -> memref<128x32xf32, #tpu.memory_space<vmem>>
      %dma_start3A_1991 = arith.constant 0 : i32
      %dma_start3A_1992 = tpu.memref_slice %arg6[%dma_start3A_1985, %dma_start3A_1991] : memref<26x128xi32, #tpu.memory_space<vmem>> -> memref<1x128xi32, #tpu.memory_space<vmem>>
      %dma_start3A_1993 = tpu.memref_squeeze %dma_start3A_1992 : memref<1x128xi32, #tpu.memory_space<vmem>> -> memref<128xi32, #tpu.memory_space<vmem>>
      %dma_start3A_1994 = arith.constant 0 : i32
      %dma_start3A_1995 = arith.constant 0 : i32
      %dma_start3A_1996 = tpu.memref_slice %arg3[%dma_start3A_1984, %dma_start3A_1994, %dma_start3A_1995] : memref<26x100000x32xf32, #tpu.memory_space<hbm>> -> memref<1x100000x32xf32, #tpu.memory_space<hbm>>
      %dma_start3A_1997 = tpu.memref_squeeze %dma_start3A_1996 : memref<1x100000x32xf32, #tpu.memory_space<hbm>> -> memref<100000x32xf32, #tpu.memory_space<hbm>>
      %dma_start3A_1998 = arith.constant 0 : i32
      %dma_start3A_1999 = arith.constant 0 : i32
      %dma_start3A_2000 = tpu.memref_slice %dma_start3A_1997[%dma_start3A_1998, %dma_start3A_1999] : memref<100000x32xf32, #tpu.memory_space<hbm>> -> memref<100000x32xf32, #tpu.memory_space<hbm>>
      tpu.enqueue_indirect_dma source(%dma_start3A_2000 : memref<100000x32xf32, #tpu.memory_space<hbm>>) target(%dma_start3A_1990 : memref<128x32xf32, #tpu.memory_space<vmem>>) offsets(%dma_start3A_1993 : memref<128xi32, #tpu.memory_space<vmem>>) semaphore(%arg9 : memref<!tpu.dma_semaphore, #tpu.memory_space<semaphore_mem>>)
      %dma_start3A_2001 = arith.constant 4 : i32
      %dma_start3A_2002 = arith.constant 4 : i32
      %dma_start3A_2003 = arith.constant 4 : i32
      %dma_start3A_2004 = arith.constant 0 : i32
      %dma_start3A_2005 = arith.constant 0 : i32
      %dma_start3A_2006 = tpu.memref_slice %arg7[%dma_start3A_2003, %dma_start3A_2004, %dma_start3A_2005] : memref<26x128x32xf32, #tpu.memory_space<vmem>> -> memref<1x128x32xf32, #tpu.memory_space<vmem>>
      %dma_start3A_2007 = tpu.memref_squeeze %dma_start3A_2006 : memref<1x128x32xf32, #tpu.memory_space<vmem>> -> memref<128x32xf32, #tpu.memory_space<vmem>>
      %dma_start3A_2008 = arith.constant 0 : i32
      %dma_start3A_2009 = tpu.memref_slice %arg6[%dma_start3A_2002, %dma_start3A_2008] : memref<26x128xi32, #tpu.memory_space<vmem>> -> memref<1x128xi32, #tpu.memory_space<vmem>>
      %dma_start3A_2010 = tpu.memref_squeeze %dma_start3A_2009 : memref<1x128xi32, #tpu.memory_space<vmem>> -> memref<128xi32, #tpu.memory_space<vmem>>
      %dma_start3A_2011 = arith.constant 0 : i32
      %dma_start3A_2012 = arith.constant 0 : i32
      %dma_start3A_2013 = tpu.memref_slice %arg3[%dma_start3A_2001, %dma_start3A_2011, %dma_start3A_2012] : memref<26x100000x32xf32, #tpu.memory_space<hbm>> -> memref<1x100000x32xf32, #tpu.memory_space<hbm>>
      %dma_start3A_2014 = tpu.memref_squeeze %dma_start3A_2013 : memref<1x100000x32xf32, #tpu.memory_space<hbm>> -> memref<100000x32xf32, #tpu.memory_space<hbm>>
      %dma_start3A_2015 = arith.constant 0 : i32
      %dma_start3A_2016 = arith.constant 0 : i32
      %dma_start3A_2017 = tpu.memref_slice %dma_start3A_2014[%dma_start3A_2015, %dma_start3A_2016] : memref<100000x32xf32, #tpu.memory_space<hbm>> -> memref<100000x32xf32, #tpu.memory_space<hbm>>
      tpu.enqueue_indirect_dma source(%dma_start3A_2017 : memref<100000x32xf32, #tpu.memory_space<hbm>>) target(%dma_start3A_2007 : memref<128x32xf32, #tpu.memory_space<vmem>>) offsets(%dma_start3A_2010 : memref<128xi32, #tpu.memory_space<vmem>>) semaphore(%arg9 : memref<!tpu.dma_semaphore, #tpu.memory_space<semaphore_mem>>)
      %dma_start3A_2018 = arith.constant 5 : i32
      %dma_start3A_2019 = arith.constant 5 : i32
      %dma_start3A_2020 = arith.constant 5 : i32
      %dma_start3A_2021 = arith.constant 0 : i32
      %dma_start3A_2022 = arith.constant 0 : i32
      %dma_start3A_2023 = tpu.memref_slice %arg7[%dma_start3A_2020, %dma_start3A_2021, %dma_start3A_2022] : memref<26x128x32xf32, #tpu.memory_space<vmem>> -> memref<1x128x32xf32, #tpu.memory_space<vmem>>
      %dma_start3A_2024 = tpu.memref_squeeze %dma_start3A_2023 : memref<1x128x32xf32, #tpu.memory_space<vmem>> -> memref<128x32xf32, #tpu.memory_space<vmem>>
      %dma_start3A_2025 = arith.constant 0 : i32
      %dma_start3A_2026 = tpu.memref_slice %arg6[%dma_start3A_2019, %dma_start3A_2025] : memref<26x128xi32, #tpu.memory_space<vmem>> -> memref<1x128xi32, #tpu.memory_space<vmem>>
      %dma_start3A_2027 = tpu.memref_squeeze %dma_start3A_2026 : memref<1x128xi32, #tpu.memory_space<vmem>> -> memref<128xi32, #tpu.memory_space<vmem>>
      %dma_start3A_2028 = arith.constant 0 : i32
      %dma_start3A_2029 = arith.constant 0 : i32
      %dma_start3A_2030 = tpu.memref_slice %arg3[%dma_start3A_2018, %dma_start3A_2028, %dma_start3A_2029] : memref<26x100000x32xf32, #tpu.memory_space<hbm>> -> memref<1x100000x32xf32, #tpu.memory_space<hbm>>
      %dma_start3A_2031 = tpu.memref_squeeze %dma_start3A_2030 : memref<1x100000x32xf32, #tpu.memory_space<hbm>> -> memref<100000x32xf32, #tpu.memory_space<hbm>>
      %dma_start3A_2032 = arith.constant 0 : i32
      %dma_start3A_2033 = arith.constant 0 : i32
      %dma_start3A_2034 = tpu.memref_slice %dma_start3A_2031[%dma_start3A_2032, %dma_start3A_2033] : memref<100000x32xf32, #tpu.memory_space<hbm>> -> memref<100000x32xf32, #tpu.memory_space<hbm>>
      tpu.enqueue_indirect_dma source(%dma_start3A_2034 : memref<100000x32xf32, #tpu.memory_space<hbm>>) target(%dma_start3A_2024 : memref<128x32xf32, #tpu.memory_space<vmem>>) offsets(%dma_start3A_2027 : memref<128xi32, #tpu.memory_space<vmem>>) semaphore(%arg9 : memref<!tpu.dma_semaphore, #tpu.memory_space<semaphore_mem>>)
      %dma_start3A_2035 = arith.constant 6 : i32
      %dma_start3A_2036 = arith.constant 6 : i32
      %dma_start3A_2037 = arith.constant 6 : i32
      %dma_start3A_2038 = arith.constant 0 : i32
      %dma_start3A_2039 = arith.constant 0 : i32
      %dma_start3A_2040 = tpu.memref_slice %arg7[%dma_start3A_2037, %dma_start3A_2038, %dma_start3A_2039] : memref<26x128x32xf32, #tpu.memory_space<vmem>> -> memref<1x128x32xf32, #tpu.memory_space<vmem>>
      %dma_start3A_2041 = tpu.memref_squeeze %dma_start3A_2040 : memref<1x128x32xf32, #tpu.memory_space<vmem>> -> memref<128x32xf32, #tpu.memory_space<vmem>>
      %dma_start3A_2042 = arith.constant 0 : i32
      %dma_start3A_2043 = tpu.memref_slice %arg6[%dma_start3A_2036, %dma_start3A_2042] : memref<26x128xi32, #tpu.memory_space<vmem>> -> memref<1x128xi32, #tpu.memory_space<vmem>>
      %dma_start3A_2044 = tpu.memref_squeeze %dma_start3A_2043 : memref<1x128xi32, #tpu.memory_space<vmem>> -> memref<128xi32, #tpu.memory_space<vmem>>
      %dma_start3A_2045 = arith.constant 0 : i32
      %dma_start3A_2046 = arith.constant 0 : i32
      %dma_start3A_2047 = tpu.memref_slice %arg3[%dma_start3A_2035, %dma_start3A_2045, %dma_start3A_2046] : memref<26x100000x32xf32, #tpu.memory_space<hbm>> -> memref<1x100000x32xf32, #tpu.memory_space<hbm>>
      %dma_start3A_2048 = tpu.memref_squeeze %dma_start3A_2047 : memref<1x100000x32xf32, #tpu.memory_space<hbm>> -> memref<100000x32xf32, #tpu.memory_space<hbm>>
      %dma_start3A_2049 = arith.constant 0 : i32
      %dma_start3A_2050 = arith.constant 0 : i32
      %dma_start3A_2051 = tpu.memref_slice %dma_start3A_2048[%dma_start3A_2049, %dma_start3A_2050] : memref<100000x32xf32, #tpu.memory_space<hbm>> -> memref<100000x32xf32, #tpu.memory_space<hbm>>
      tpu.enqueue_indirect_dma source(%dma_start3A_2051 : memref<100000x32xf32, #tpu.memory_space<hbm>>) target(%dma_start3A_2041 : memref<128x32xf32, #tpu.memory_space<vmem>>) offsets(%dma_start3A_2044 : memref<128xi32, #tpu.memory_space<vmem>>) semaphore(%arg9 : memref<!tpu.dma_semaphore, #tpu.memory_space<semaphore_mem>>)
      %dma_start3A_2052 = arith.constant 7 : i32
      %dma_start3A_2053 = arith.constant 7 : i32
      %dma_start3A_2054 = arith.constant 7 : i32
      %dma_start3A_2055 = arith.constant 0 : i32
      %dma_start3A_2056 = arith.constant 0 : i32
      %dma_start3A_2057 = tpu.memref_slice %arg7[%dma_start3A_2054, %dma_start3A_2055, %dma_start3A_2056] : memref<26x128x32xf32, #tpu.memory_space<vmem>> -> memref<1x128x32xf32, #tpu.memory_space<vmem>>
      %dma_start3A_2058 = tpu.memref_squeeze %dma_start3A_2057 : memref<1x128x32xf32, #tpu.memory_space<vmem>> -> memref<128x32xf32, #tpu.memory_space<vmem>>
      %dma_start3A_2059 = arith.constant 0 : i32
      %dma_start3A_2060 = tpu.memref_slice %arg6[%dma_start3A_2053, %dma_start3A_2059] : memref<26x128xi32, #tpu.memory_space<vmem>> -> memref<1x128xi32, #tpu.memory_space<vmem>>
      %dma_start3A_2061 = tpu.memref_squeeze %dma_start3A_2060 : memref<1x128xi32, #tpu.memory_space<vmem>> -> memref<128xi32, #tpu.memory_space<vmem>>
      %dma_start3A_2062 = arith.constant 0 : i32
      %dma_start3A_2063 = arith.constant 0 : i32
      %dma_start3A_2064 = tpu.memref_slice %arg3[%dma_start3A_2052, %dma_start3A_2062, %dma_start3A_2063] : memref<26x100000x32xf32, #tpu.memory_space<hbm>> -> memref<1x100000x32xf32, #tpu.memory_space<hbm>>
      %dma_start3A_2065 = tpu.memref_squeeze %dma_start3A_2064 : memref<1x100000x32xf32, #tpu.memory_space<hbm>> -> memref<100000x32xf32, #tpu.memory_space<hbm>>
      %dma_start3A_2066 = arith.constant 0 : i32
      %dma_start3A_2067 = arith.constant 0 : i32
      %dma_start3A_2068 = tpu.memref_slice %dma_start3A_2065[%dma_start3A_2066, %dma_start3A_2067] : memref<100000x32xf32, #tpu.memory_space<hbm>> -> memref<100000x32xf32, #tpu.memory_space<hbm>>
      tpu.enqueue_indirect_dma source(%dma_start3A_2068 : memref<100000x32xf32, #tpu.memory_space<hbm>>) target(%dma_start3A_2058 : memref<128x32xf32, #tpu.memory_space<vmem>>) offsets(%dma_start3A_2061 : memref<128xi32, #tpu.memory_space<vmem>>) semaphore(%arg9 : memref<!tpu.dma_semaphore, #tpu.memory_space<semaphore_mem>>)
      %dma_start3A_2069 = arith.constant 8 : i32
      %dma_start3A_2070 = arith.constant 8 : i32
      %dma_start3A_2071 = arith.constant 8 : i32
      %dma_start3A_2072 = arith.constant 0 : i32
      %dma_start3A_2073 = arith.constant 0 : i32
      %dma_start3A_2074 = tpu.memref_slice %arg7[%dma_start3A_2071, %dma_start3A_2072, %dma_start3A_2073] : memref<26x128x32xf32, #tpu.memory_space<vmem>> -> memref<1x128x32xf32, #tpu.memory_space<vmem>>
      %dma_start3A_2075 = tpu.memref_squeeze %dma_start3A_2074 : memref<1x128x32xf32, #tpu.memory_space<vmem>> -> memref<128x32xf32, #tpu.memory_space<vmem>>
      %dma_start3A_2076 = arith.constant 0 : i32
      %dma_start3A_2077 = tpu.memref_slice %arg6[%dma_start3A_2070, %dma_start3A_2076] : memref<26x128xi32, #tpu.memory_space<vmem>> -> memref<1x128xi32, #tpu.memory_space<vmem>>
      %dma_start3A_2078 = tpu.memref_squeeze %dma_start3A_2077 : memref<1x128xi32, #tpu.memory_space<vmem>> -> memref<128xi32, #tpu.memory_space<vmem>>
      %dma_start3A_2079 = arith.constant 0 : i32
      %dma_start3A_2080 = arith.constant 0 : i32
      %dma_start3A_2081 = tpu.memref_slice %arg3[%dma_start3A_2069, %dma_start3A_2079, %dma_start3A_2080] : memref<26x100000x32xf32, #tpu.memory_space<hbm>> -> memref<1x100000x32xf32, #tpu.memory_space<hbm>>
      %dma_start3A_2082 = tpu.memref_squeeze %dma_start3A_2081 : memref<1x100000x32xf32, #tpu.memory_space<hbm>> -> memref<100000x32xf32, #tpu.memory_space<hbm>>
      %dma_start3A_2083 = arith.constant 0 : i32
      %dma_start3A_2084 = arith.constant 0 : i32
      %dma_start3A_2085 = tpu.memref_slice %dma_start3A_2082[%dma_start3A_2083, %dma_start3A_2084] : memref<100000x32xf32, #tpu.memory_space<hbm>> -> memref<100000x32xf32, #tpu.memory_space<hbm>>
      tpu.enqueue_indirect_dma source(%dma_start3A_2085 : memref<100000x32xf32, #tpu.memory_space<hbm>>) target(%dma_start3A_2075 : memref<128x32xf32, #tpu.memory_space<vmem>>) offsets(%dma_start3A_2078 : memref<128xi32, #tpu.memory_space<vmem>>) semaphore(%arg9 : memref<!tpu.dma_semaphore, #tpu.memory_space<semaphore_mem>>)
      %dma_start3A_2086 = arith.constant 9 : i32
      %dma_start3A_2087 = arith.constant 9 : i32
      %dma_start3A_2088 = arith.constant 9 : i32
      %dma_start3A_2089 = arith.constant 0 : i32
      %dma_start3A_2090 = arith.constant 0 : i32
      %dma_start3A_2091 = tpu.memref_slice %arg7[%dma_start3A_2088, %dma_start3A_2089, %dma_start3A_2090] : memref<26x128x32xf32, #tpu.memory_space<vmem>> -> memref<1x128x32xf32, #tpu.memory_space<vmem>>
      %dma_start3A_2092 = tpu.memref_squeeze %dma_start3A_2091 : memref<1x128x32xf32, #tpu.memory_space<vmem>> -> memref<128x32xf32, #tpu.memory_space<vmem>>
      %dma_start3A_2093 = arith.constant 0 : i32
      %dma_start3A_2094 = tpu.memref_slice %arg6[%dma_start3A_2087, %dma_start3A_2093] : memref<26x128xi32, #tpu.memory_space<vmem>> -> memref<1x128xi32, #tpu.memory_space<vmem>>
      %dma_start3A_2095 = tpu.memref_squeeze %dma_start3A_2094 : memref<1x128xi32, #tpu.memory_space<vmem>> -> memref<128xi32, #tpu.memory_space<vmem>>
      %dma_start3A_2096 = arith.constant 0 : i32
      %dma_start3A_2097 = arith.constant 0 : i32
      %dma_start3A_2098 = tpu.memref_slice %arg3[%dma_start3A_2086, %dma_start3A_2096, %dma_start3A_2097] : memref<26x100000x32xf32, #tpu.memory_space<hbm>> -> memref<1x100000x32xf32, #tpu.memory_space<hbm>>
      %dma_start3A_2099 = tpu.memref_squeeze %dma_start3A_2098 : memref<1x100000x32xf32, #tpu.memory_space<hbm>> -> memref<100000x32xf32, #tpu.memory_space<hbm>>
      %dma_start3A_2100 = arith.constant 0 : i32
      %dma_start3A_2101 = arith.constant 0 : i32
      %dma_start3A_2102 = tpu.memref_slice %dma_start3A_2099[%dma_start3A_2100, %dma_start3A_2101] : memref<100000x32xf32, #tpu.memory_space<hbm>> -> memref<100000x32xf32, #tpu.memory_space<hbm>>
      tpu.enqueue_indirect_dma source(%dma_start3A_2102 : memref<100000x32xf32, #tpu.memory_space<hbm>>) target(%dma_start3A_2092 : memref<128x32xf32, #tpu.memory_space<vmem>>) offsets(%dma_start3A_2095 : memref<128xi32, #tpu.memory_space<vmem>>) semaphore(%arg9 : memref<!tpu.dma_semaphore, #tpu.memory_space<semaphore_mem>>)
      %dma_start3A_2103 = arith.constant 10 : i32
      %dma_start3A_2104 = arith.constant 10 : i32
      %dma_start3A_2105 = arith.constant 10 : i32
      %dma_start3A_2106 = arith.constant 0 : i32
      %dma_start3A_2107 = arith.constant 0 : i32
      %dma_start3A_2108 = tpu.memref_slice %arg7[%dma_start3A_2105, %dma_start3A_2106, %dma_start3A_2107] : memref<26x128x32xf32, #tpu.memory_space<vmem>> -> memref<1x128x32xf32, #tpu.memory_space<vmem>>
      %dma_start3A_2109 = tpu.memref_squeeze %dma_start3A_2108 : memref<1x128x32xf32, #tpu.memory_space<vmem>> -> memref<128x32xf32, #tpu.memory_space<vmem>>
      %dma_start3A_2110 = arith.constant 0 : i32
      %dma_start3A_2111 = tpu.memref_slice %arg6[%dma_start3A_2104, %dma_start3A_2110] : memref<26x128xi32, #tpu.memory_space<vmem>> -> memref<1x128xi32, #tpu.memory_space<vmem>>
      %dma_start3A_2112 = tpu.memref_squeeze %dma_start3A_2111 : memref<1x128xi32, #tpu.memory_space<vmem>> -> memref<128xi32, #tpu.memory_space<vmem>>
      %dma_start3A_2113 = arith.constant 0 : i32
      %dma_start3A_2114 = arith.constant 0 : i32
      %dma_start3A_2115 = tpu.memref_slice %arg3[%dma_start3A_2103, %dma_start3A_2113, %dma_start3A_2114] : memref<26x100000x32xf32, #tpu.memory_space<hbm>> -> memref<1x100000x32xf32, #tpu.memory_space<hbm>>
      %dma_start3A_2116 = tpu.memref_squeeze %dma_start3A_2115 : memref<1x100000x32xf32, #tpu.memory_space<hbm>> -> memref<100000x32xf32, #tpu.memory_space<hbm>>
      %dma_start3A_2117 = arith.constant 0 : i32
      %dma_start3A_2118 = arith.constant 0 : i32
      %dma_start3A_2119 = tpu.memref_slice %dma_start3A_2116[%dma_start3A_2117, %dma_start3A_2118] : memref<100000x32xf32, #tpu.memory_space<hbm>> -> memref<100000x32xf32, #tpu.memory_space<hbm>>
      tpu.enqueue_indirect_dma source(%dma_start3A_2119 : memref<100000x32xf32, #tpu.memory_space<hbm>>) target(%dma_start3A_2109 : memref<128x32xf32, #tpu.memory_space<vmem>>) offsets(%dma_start3A_2112 : memref<128xi32, #tpu.memory_space<vmem>>) semaphore(%arg9 : memref<!tpu.dma_semaphore, #tpu.memory_space<semaphore_mem>>)
      %dma_start3A_2120 = arith.constant 11 : i32
      %dma_start3A_2121 = arith.constant 11 : i32
      %dma_start3A_2122 = arith.constant 11 : i32
      %dma_start3A_2123 = arith.constant 0 : i32
      %dma_start3A_2124 = arith.constant 0 : i32
      %dma_start3A_2125 = tpu.memref_slice %arg7[%dma_start3A_2122, %dma_start3A_2123, %dma_start3A_2124] : memref<26x128x32xf32, #tpu.memory_space<vmem>> -> memref<1x128x32xf32, #tpu.memory_space<vmem>>
      %dma_start3A_2126 = tpu.memref_squeeze %dma_start3A_2125 : memref<1x128x32xf32, #tpu.memory_space<vmem>> -> memref<128x32xf32, #tpu.memory_space<vmem>>
      %dma_start3A_2127 = arith.constant 0 : i32
      %dma_start3A_2128 = tpu.memref_slice %arg6[%dma_start3A_2121, %dma_start3A_2127] : memref<26x128xi32, #tpu.memory_space<vmem>> -> memref<1x128xi32, #tpu.memory_space<vmem>>
      %dma_start3A_2129 = tpu.memref_squeeze %dma_start3A_2128 : memref<1x128xi32, #tpu.memory_space<vmem>> -> memref<128xi32, #tpu.memory_space<vmem>>
      %dma_start3A_2130 = arith.constant 0 : i32
      %dma_start3A_2131 = arith.constant 0 : i32
      %dma_start3A_2132 = tpu.memref_slice %arg3[%dma_start3A_2120, %dma_start3A_2130, %dma_start3A_2131] : memref<26x100000x32xf32, #tpu.memory_space<hbm>> -> memref<1x100000x32xf32, #tpu.memory_space<hbm>>
      %dma_start3A_2133 = tpu.memref_squeeze %dma_start3A_2132 : memref<1x100000x32xf32, #tpu.memory_space<hbm>> -> memref<100000x32xf32, #tpu.memory_space<hbm>>
      %dma_start3A_2134 = arith.constant 0 : i32
      %dma_start3A_2135 = arith.constant 0 : i32
      %dma_start3A_2136 = tpu.memref_slice %dma_start3A_2133[%dma_start3A_2134, %dma_start3A_2135] : memref<100000x32xf32, #tpu.memory_space<hbm>> -> memref<100000x32xf32, #tpu.memory_space<hbm>>
      tpu.enqueue_indirect_dma source(%dma_start3A_2136 : memref<100000x32xf32, #tpu.memory_space<hbm>>) target(%dma_start3A_2126 : memref<128x32xf32, #tpu.memory_space<vmem>>) offsets(%dma_start3A_2129 : memref<128xi32, #tpu.memory_space<vmem>>) semaphore(%arg9 : memref<!tpu.dma_semaphore, #tpu.memory_space<semaphore_mem>>)
      %dma_start3A_2137 = arith.constant 12 : i32
      %dma_start3A_2138 = arith.constant 12 : i32
      %dma_start3A_2139 = arith.constant 12 : i32
      %dma_start3A_2140 = arith.constant 0 : i32
      %dma_start3A_2141 = arith.constant 0 : i32
      %dma_start3A_2142 = tpu.memref_slice %arg7[%dma_start3A_2139, %dma_start3A_2140, %dma_start3A_2141] : memref<26x128x32xf32, #tpu.memory_space<vmem>> -> memref<1x128x32xf32, #tpu.memory_space<vmem>>
      %dma_start3A_2143 = tpu.memref_squeeze %dma_start3A_2142 : memref<1x128x32xf32, #tpu.memory_space<vmem>> -> memref<128x32xf32, #tpu.memory_space<vmem>>
      %dma_start3A_2144 = arith.constant 0 : i32
      %dma_start3A_2145 = tpu.memref_slice %arg6[%dma_start3A_2138, %dma_start3A_2144] : memref<26x128xi32, #tpu.memory_space<vmem>> -> memref<1x128xi32, #tpu.memory_space<vmem>>
      %dma_start3A_2146 = tpu.memref_squeeze %dma_start3A_2145 : memref<1x128xi32, #tpu.memory_space<vmem>> -> memref<128xi32, #tpu.memory_space<vmem>>
      %dma_start3A_2147 = arith.constant 0 : i32
      %dma_start3A_2148 = arith.constant 0 : i32
      %dma_start3A_2149 = tpu.memref_slice %arg3[%dma_start3A_2137, %dma_start3A_2147, %dma_start3A_2148] : memref<26x100000x32xf32, #tpu.memory_space<hbm>> -> memref<1x100000x32xf32, #tpu.memory_space<hbm>>
      %dma_start3A_2150 = tpu.memref_squeeze %dma_start3A_2149 : memref<1x100000x32xf32, #tpu.memory_space<hbm>> -> memref<100000x32xf32, #tpu.memory_space<hbm>>
      %dma_start3A_2151 = arith.constant 0 : i32
      %dma_start3A_2152 = arith.constant 0 : i32
      %dma_start3A_2153 = tpu.memref_slice %dma_start3A_2150[%dma_start3A_2151, %dma_start3A_2152] : memref<100000x32xf32, #tpu.memory_space<hbm>> -> memref<100000x32xf32, #tpu.memory_space<hbm>>
      tpu.enqueue_indirect_dma source(%dma_start3A_2153 : memref<100000x32xf32, #tpu.memory_space<hbm>>) target(%dma_start3A_2143 : memref<128x32xf32, #tpu.memory_space<vmem>>) offsets(%dma_start3A_2146 : memref<128xi32, #tpu.memory_space<vmem>>) semaphore(%arg9 : memref<!tpu.dma_semaphore, #tpu.memory_space<semaphore_mem>>)
      %dma_start3A_2154 = arith.constant 13 : i32
      %dma_start3A_2155 = arith.constant 13 : i32
      %dma_start3A_2156 = arith.constant 13 : i32
      %dma_start3A_2157 = arith.constant 0 : i32
      %dma_start3A_2158 = arith.constant 0 : i32
      %dma_start3A_2159 = tpu.memref_slice %arg7[%dma_start3A_2156, %dma_start3A_2157, %dma_start3A_2158] : memref<26x128x32xf32, #tpu.memory_space<vmem>> -> memref<1x128x32xf32, #tpu.memory_space<vmem>>
      %dma_start3A_2160 = tpu.memref_squeeze %dma_start3A_2159 : memref<1x128x32xf32, #tpu.memory_space<vmem>> -> memref<128x32xf32, #tpu.memory_space<vmem>>
      %dma_start3A_2161 = arith.constant 0 : i32
      %dma_start3A_2162 = tpu.memref_slice %arg6[%dma_start3A_2155, %dma_start3A_2161] : memref<26x128xi32, #tpu.memory_space<vmem>> -> memref<1x128xi32, #tpu.memory_space<vmem>>
      %dma_start3A_2163 = tpu.memref_squeeze %dma_start3A_2162 : memref<1x128xi32, #tpu.memory_space<vmem>> -> memref<128xi32, #tpu.memory_space<vmem>>
      %dma_start3A_2164 = arith.constant 0 : i32
      %dma_start3A_2165 = arith.constant 0 : i32
      %dma_start3A_2166 = tpu.memref_slice %arg3[%dma_start3A_2154, %dma_start3A_2164, %dma_start3A_2165] : memref<26x100000x32xf32, #tpu.memory_space<hbm>> -> memref<1x100000x32xf32, #tpu.memory_space<hbm>>
      %dma_start3A_2167 = tpu.memref_squeeze %dma_start3A_2166 : memref<1x100000x32xf32, #tpu.memory_space<hbm>> -> memref<100000x32xf32, #tpu.memory_space<hbm>>
      %dma_start3A_2168 = arith.constant 0 : i32
      %dma_start3A_2169 = arith.constant 0 : i32
      %dma_start3A_2170 = tpu.memref_slice %dma_start3A_2167[%dma_start3A_2168, %dma_start3A_2169] : memref<100000x32xf32, #tpu.memory_space<hbm>> -> memref<100000x32xf32, #tpu.memory_space<hbm>>
      tpu.enqueue_indirect_dma source(%dma_start3A_2170 : memref<100000x32xf32, #tpu.memory_space<hbm>>) target(%dma_start3A_2160 : memref<128x32xf32, #tpu.memory_space<vmem>>) offsets(%dma_start3A_2163 : memref<128xi32, #tpu.memory_space<vmem>>) semaphore(%arg9 : memref<!tpu.dma_semaphore, #tpu.memory_space<semaphore_mem>>)
      %dma_start3A_2171 = arith.constant 14 : i32
      %dma_start3A_2172 = arith.constant 14 : i32
      %dma_start3A_2173 = arith.constant 14 : i32
      %dma_start3A_2174 = arith.constant 0 : i32
      %dma_start3A_2175 = arith.constant 0 : i32
      %dma_start3A_2176 = tpu.memref_slice %arg7[%dma_start3A_2173, %dma_start3A_2174, %dma_start3A_2175] : memref<26x128x32xf32, #tpu.memory_space<vmem>> -> memref<1x128x32xf32, #tpu.memory_space<vmem>>
      %dma_start3A_2177 = tpu.memref_squeeze %dma_start3A_2176 : memref<1x128x32xf32, #tpu.memory_space<vmem>> -> memref<128x32xf32, #tpu.memory_space<vmem>>
      %dma_start3A_2178 = arith.constant 0 : i32
      %dma_start3A_2179 = tpu.memref_slice %arg6[%dma_start3A_2172, %dma_start3A_2178] : memref<26x128xi32, #tpu.memory_space<vmem>> -> memref<1x128xi32, #tpu.memory_space<vmem>>
      %dma_start3A_2180 = tpu.memref_squeeze %dma_start3A_2179 : memref<1x128xi32, #tpu.memory_space<vmem>> -> memref<128xi32, #tpu.memory_space<vmem>>
      %dma_start3A_2181 = arith.constant 0 : i32
      %dma_start3A_2182 = arith.constant 0 : i32
      %dma_start3A_2183 = tpu.memref_slice %arg3[%dma_start3A_2171, %dma_start3A_2181, %dma_start3A_2182] : memref<26x100000x32xf32, #tpu.memory_space<hbm>> -> memref<1x100000x32xf32, #tpu.memory_space<hbm>>
      %dma_start3A_2184 = tpu.memref_squeeze %dma_start3A_2183 : memref<1x100000x32xf32, #tpu.memory_space<hbm>> -> memref<100000x32xf32, #tpu.memory_space<hbm>>
      %dma_start3A_2185 = arith.constant 0 : i32
      %dma_start3A_2186 = arith.constant 0 : i32
      %dma_start3A_2187 = tpu.memref_slice %dma_start3A_2184[%dma_start3A_2185, %dma_start3A_2186] : memref<100000x32xf32, #tpu.memory_space<hbm>> -> memref<100000x32xf32, #tpu.memory_space<hbm>>
      tpu.enqueue_indirect_dma source(%dma_start3A_2187 : memref<100000x32xf32, #tpu.memory_space<hbm>>) target(%dma_start3A_2177 : memref<128x32xf32, #tpu.memory_space<vmem>>) offsets(%dma_start3A_2180 : memref<128xi32, #tpu.memory_space<vmem>>) semaphore(%arg9 : memref<!tpu.dma_semaphore, #tpu.memory_space<semaphore_mem>>)
      %dma_start3A_2188 = arith.constant 15 : i32
      %dma_start3A_2189 = arith.constant 15 : i32
      %dma_start3A_2190 = arith.constant 15 : i32
      %dma_start3A_2191 = arith.constant 0 : i32
      %dma_start3A_2192 = arith.constant 0 : i32
      %dma_start3A_2193 = tpu.memref_slice %arg7[%dma_start3A_2190, %dma_start3A_2191, %dma_start3A_2192] : memref<26x128x32xf32, #tpu.memory_space<vmem>> -> memref<1x128x32xf32, #tpu.memory_space<vmem>>
      %dma_start3A_2194 = tpu.memref_squeeze %dma_start3A_2193 : memref<1x128x32xf32, #tpu.memory_space<vmem>> -> memref<128x32xf32, #tpu.memory_space<vmem>>
      %dma_start3A_2195 = arith.constant 0 : i32
      %dma_start3A_2196 = tpu.memref_slice %arg6[%dma_start3A_2189, %dma_start3A_2195] : memref<26x128xi32, #tpu.memory_space<vmem>> -> memref<1x128xi32, #tpu.memory_space<vmem>>
      %dma_start3A_2197 = tpu.memref_squeeze %dma_start3A_2196 : memref<1x128xi32, #tpu.memory_space<vmem>> -> memref<128xi32, #tpu.memory_space<vmem>>
      %dma_start3A_2198 = arith.constant 0 : i32
      %dma_start3A_2199 = arith.constant 0 : i32
      %dma_start3A_2200 = tpu.memref_slice %arg3[%dma_start3A_2188, %dma_start3A_2198, %dma_start3A_2199] : memref<26x100000x32xf32, #tpu.memory_space<hbm>> -> memref<1x100000x32xf32, #tpu.memory_space<hbm>>
      %dma_start3A_2201 = tpu.memref_squeeze %dma_start3A_2200 : memref<1x100000x32xf32, #tpu.memory_space<hbm>> -> memref<100000x32xf32, #tpu.memory_space<hbm>>
      %dma_start3A_2202 = arith.constant 0 : i32
      %dma_start3A_2203 = arith.constant 0 : i32
      %dma_start3A_2204 = tpu.memref_slice %dma_start3A_2201[%dma_start3A_2202, %dma_start3A_2203] : memref<100000x32xf32, #tpu.memory_space<hbm>> -> memref<100000x32xf32, #tpu.memory_space<hbm>>
      tpu.enqueue_indirect_dma source(%dma_start3A_2204 : memref<100000x32xf32, #tpu.memory_space<hbm>>) target(%dma_start3A_2194 : memref<128x32xf32, #tpu.memory_space<vmem>>) offsets(%dma_start3A_2197 : memref<128xi32, #tpu.memory_space<vmem>>) semaphore(%arg9 : memref<!tpu.dma_semaphore, #tpu.memory_space<semaphore_mem>>)
      %dma_start3A_2205 = arith.constant 16 : i32
      %dma_start3A_2206 = arith.constant 16 : i32
      %dma_start3A_2207 = arith.constant 16 : i32
      %dma_start3A_2208 = arith.constant 0 : i32
      %dma_start3A_2209 = arith.constant 0 : i32
      %dma_start3A_2210 = tpu.memref_slice %arg7[%dma_start3A_2207, %dma_start3A_2208, %dma_start3A_2209] : memref<26x128x32xf32, #tpu.memory_space<vmem>> -> memref<1x128x32xf32, #tpu.memory_space<vmem>>
      %dma_start3A_2211 = tpu.memref_squeeze %dma_start3A_2210 : memref<1x128x32xf32, #tpu.memory_space<vmem>> -> memref<128x32xf32, #tpu.memory_space<vmem>>
      %dma_start3A_2212 = arith.constant 0 : i32
      %dma_start3A_2213 = tpu.memref_slice %arg6[%dma_start3A_2206, %dma_start3A_2212] : memref<26x128xi32, #tpu.memory_space<vmem>> -> memref<1x128xi32, #tpu.memory_space<vmem>>
      %dma_start3A_2214 = tpu.memref_squeeze %dma_start3A_2213 : memref<1x128xi32, #tpu.memory_space<vmem>> -> memref<128xi32, #tpu.memory_space<vmem>>
      %dma_start3A_2215 = arith.constant 0 : i32
      %dma_start3A_2216 = arith.constant 0 : i32
      %dma_start3A_2217 = tpu.memref_slice %arg3[%dma_start3A_2205, %dma_start3A_2215, %dma_start3A_2216] : memref<26x100000x32xf32, #tpu.memory_space<hbm>> -> memref<1x100000x32xf32, #tpu.memory_space<hbm>>
      %dma_start3A_2218 = tpu.memref_squeeze %dma_start3A_2217 : memref<1x100000x32xf32, #tpu.memory_space<hbm>> -> memref<100000x32xf32, #tpu.memory_space<hbm>>
      %dma_start3A_2219 = arith.constant 0 : i32
      %dma_start3A_2220 = arith.constant 0 : i32
      %dma_start3A_2221 = tpu.memref_slice %dma_start3A_2218[%dma_start3A_2219, %dma_start3A_2220] : memref<100000x32xf32, #tpu.memory_space<hbm>> -> memref<100000x32xf32, #tpu.memory_space<hbm>>
      tpu.enqueue_indirect_dma source(%dma_start3A_2221 : memref<100000x32xf32, #tpu.memory_space<hbm>>) target(%dma_start3A_2211 : memref<128x32xf32, #tpu.memory_space<vmem>>) offsets(%dma_start3A_2214 : memref<128xi32, #tpu.memory_space<vmem>>) semaphore(%arg9 : memref<!tpu.dma_semaphore, #tpu.memory_space<semaphore_mem>>)
      %dma_start3A_2222 = arith.constant 17 : i32
      %dma_start3A_2223 = arith.constant 17 : i32
      %dma_start3A_2224 = arith.constant 17 : i32
      %dma_start3A_2225 = arith.constant 0 : i32
      %dma_start3A_2226 = arith.constant 0 : i32
      %dma_start3A_2227 = tpu.memref_slice %arg7[%dma_start3A_2224, %dma_start3A_2225, %dma_start3A_2226] : memref<26x128x32xf32, #tpu.memory_space<vmem>> -> memref<1x128x32xf32, #tpu.memory_space<vmem>>
      %dma_start3A_2228 = tpu.memref_squeeze %dma_start3A_2227 : memref<1x128x32xf32, #tpu.memory_space<vmem>> -> memref<128x32xf32, #tpu.memory_space<vmem>>
      %dma_start3A_2229 = arith.constant 0 : i32
      %dma_start3A_2230 = tpu.memref_slice %arg6[%dma_start3A_2223, %dma_start3A_2229] : memref<26x128xi32, #tpu.memory_space<vmem>> -> memref<1x128xi32, #tpu.memory_space<vmem>>
      %dma_start3A_2231 = tpu.memref_squeeze %dma_start3A_2230 : memref<1x128xi32, #tpu.memory_space<vmem>> -> memref<128xi32, #tpu.memory_space<vmem>>
      %dma_start3A_2232 = arith.constant 0 : i32
      %dma_start3A_2233 = arith.constant 0 : i32
      %dma_start3A_2234 = tpu.memref_slice %arg3[%dma_start3A_2222, %dma_start3A_2232, %dma_start3A_2233] : memref<26x100000x32xf32, #tpu.memory_space<hbm>> -> memref<1x100000x32xf32, #tpu.memory_space<hbm>>
      %dma_start3A_2235 = tpu.memref_squeeze %dma_start3A_2234 : memref<1x100000x32xf32, #tpu.memory_space<hbm>> -> memref<100000x32xf32, #tpu.memory_space<hbm>>
      %dma_start3A_2236 = arith.constant 0 : i32
      %dma_start3A_2237 = arith.constant 0 : i32
      %dma_start3A_2238 = tpu.memref_slice %dma_start3A_2235[%dma_start3A_2236, %dma_start3A_2237] : memref<100000x32xf32, #tpu.memory_space<hbm>> -> memref<100000x32xf32, #tpu.memory_space<hbm>>
      tpu.enqueue_indirect_dma source(%dma_start3A_2238 : memref<100000x32xf32, #tpu.memory_space<hbm>>) target(%dma_start3A_2228 : memref<128x32xf32, #tpu.memory_space<vmem>>) offsets(%dma_start3A_2231 : memref<128xi32, #tpu.memory_space<vmem>>) semaphore(%arg9 : memref<!tpu.dma_semaphore, #tpu.memory_space<semaphore_mem>>)
      %dma_start3A_2239 = arith.constant 18 : i32
      %dma_start3A_2240 = arith.constant 18 : i32
      %dma_start3A_2241 = arith.constant 18 : i32
      %dma_start3A_2242 = arith.constant 0 : i32
      %dma_start3A_2243 = arith.constant 0 : i32
      %dma_start3A_2244 = tpu.memref_slice %arg7[%dma_start3A_2241, %dma_start3A_2242, %dma_start3A_2243] : memref<26x128x32xf32, #tpu.memory_space<vmem>> -> memref<1x128x32xf32, #tpu.memory_space<vmem>>
      %dma_start3A_2245 = tpu.memref_squeeze %dma_start3A_2244 : memref<1x128x32xf32, #tpu.memory_space<vmem>> -> memref<128x32xf32, #tpu.memory_space<vmem>>
      %dma_start3A_2246 = arith.constant 0 : i32
      %dma_start3A_2247 = tpu.memref_slice %arg6[%dma_start3A_2240, %dma_start3A_2246] : memref<26x128xi32, #tpu.memory_space<vmem>> -> memref<1x128xi32, #tpu.memory_space<vmem>>
      %dma_start3A_2248 = tpu.memref_squeeze %dma_start3A_2247 : memref<1x128xi32, #tpu.memory_space<vmem>> -> memref<128xi32, #tpu.memory_space<vmem>>
      %dma_start3A_2249 = arith.constant 0 : i32
      %dma_start3A_2250 = arith.constant 0 : i32
      %dma_start3A_2251 = tpu.memref_slice %arg3[%dma_start3A_2239, %dma_start3A_2249, %dma_start3A_2250] : memref<26x100000x32xf32, #tpu.memory_space<hbm>> -> memref<1x100000x32xf32, #tpu.memory_space<hbm>>
      %dma_start3A_2252 = tpu.memref_squeeze %dma_start3A_2251 : memref<1x100000x32xf32, #tpu.memory_space<hbm>> -> memref<100000x32xf32, #tpu.memory_space<hbm>>
      %dma_start3A_2253 = arith.constant 0 : i32
      %dma_start3A_2254 = arith.constant 0 : i32
      %dma_start3A_2255 = tpu.memref_slice %dma_start3A_2252[%dma_start3A_2253, %dma_start3A_2254] : memref<100000x32xf32, #tpu.memory_space<hbm>> -> memref<100000x32xf32, #tpu.memory_space<hbm>>
      tpu.enqueue_indirect_dma source(%dma_start3A_2255 : memref<100000x32xf32, #tpu.memory_space<hbm>>) target(%dma_start3A_2245 : memref<128x32xf32, #tpu.memory_space<vmem>>) offsets(%dma_start3A_2248 : memref<128xi32, #tpu.memory_space<vmem>>) semaphore(%arg9 : memref<!tpu.dma_semaphore, #tpu.memory_space<semaphore_mem>>)
      %dma_start3A_2256 = arith.constant 19 : i32
      %dma_start3A_2257 = arith.constant 19 : i32
      %dma_start3A_2258 = arith.constant 19 : i32
      %dma_start3A_2259 = arith.constant 0 : i32
      %dma_start3A_2260 = arith.constant 0 : i32
      %dma_start3A_2261 = tpu.memref_slice %arg7[%dma_start3A_2258, %dma_start3A_2259, %dma_start3A_2260] : memref<26x128x32xf32, #tpu.memory_space<vmem>> -> memref<1x128x32xf32, #tpu.memory_space<vmem>>
      %dma_start3A_2262 = tpu.memref_squeeze %dma_start3A_2261 : memref<1x128x32xf32, #tpu.memory_space<vmem>> -> memref<128x32xf32, #tpu.memory_space<vmem>>
      %dma_start3A_2263 = arith.constant 0 : i32
      %dma_start3A_2264 = tpu.memref_slice %arg6[%dma_start3A_2257, %dma_start3A_2263] : memref<26x128xi32, #tpu.memory_space<vmem>> -> memref<1x128xi32, #tpu.memory_space<vmem>>
      %dma_start3A_2265 = tpu.memref_squeeze %dma_start3A_2264 : memref<1x128xi32, #tpu.memory_space<vmem>> -> memref<128xi32, #tpu.memory_space<vmem>>
      %dma_start3A_2266 = arith.constant 0 : i32
      %dma_start3A_2267 = arith.constant 0 : i32
      %dma_start3A_2268 = tpu.memref_slice %arg3[%dma_start3A_2256, %dma_start3A_2266, %dma_start3A_2267] : memref<26x100000x32xf32, #tpu.memory_space<hbm>> -> memref<1x100000x32xf32, #tpu.memory_space<hbm>>
      %dma_start3A_2269 = tpu.memref_squeeze %dma_start3A_2268 : memref<1x100000x32xf32, #tpu.memory_space<hbm>> -> memref<100000x32xf32, #tpu.memory_space<hbm>>
      %dma_start3A_2270 = arith.constant 0 : i32
      %dma_start3A_2271 = arith.constant 0 : i32
      %dma_start3A_2272 = tpu.memref_slice %dma_start3A_2269[%dma_start3A_2270, %dma_start3A_2271] : memref<100000x32xf32, #tpu.memory_space<hbm>> -> memref<100000x32xf32, #tpu.memory_space<hbm>>
      tpu.enqueue_indirect_dma source(%dma_start3A_2272 : memref<100000x32xf32, #tpu.memory_space<hbm>>) target(%dma_start3A_2262 : memref<128x32xf32, #tpu.memory_space<vmem>>) offsets(%dma_start3A_2265 : memref<128xi32, #tpu.memory_space<vmem>>) semaphore(%arg9 : memref<!tpu.dma_semaphore, #tpu.memory_space<semaphore_mem>>)
      %dma_start3A_2273 = arith.constant 20 : i32
      %dma_start3A_2274 = arith.constant 20 : i32
      %dma_start3A_2275 = arith.constant 20 : i32
      %dma_start3A_2276 = arith.constant 0 : i32
      %dma_start3A_2277 = arith.constant 0 : i32
      %dma_start3A_2278 = tpu.memref_slice %arg7[%dma_start3A_2275, %dma_start3A_2276, %dma_start3A_2277] : memref<26x128x32xf32, #tpu.memory_space<vmem>> -> memref<1x128x32xf32, #tpu.memory_space<vmem>>
      %dma_start3A_2279 = tpu.memref_squeeze %dma_start3A_2278 : memref<1x128x32xf32, #tpu.memory_space<vmem>> -> memref<128x32xf32, #tpu.memory_space<vmem>>
      %dma_start3A_2280 = arith.constant 0 : i32
      %dma_start3A_2281 = tpu.memref_slice %arg6[%dma_start3A_2274, %dma_start3A_2280] : memref<26x128xi32, #tpu.memory_space<vmem>> -> memref<1x128xi32, #tpu.memory_space<vmem>>
      %dma_start3A_2282 = tpu.memref_squeeze %dma_start3A_2281 : memref<1x128xi32, #tpu.memory_space<vmem>> -> memref<128xi32, #tpu.memory_space<vmem>>
      %dma_start3A_2283 = arith.constant 0 : i32
      %dma_start3A_2284 = arith.constant 0 : i32
      %dma_start3A_2285 = tpu.memref_slice %arg3[%dma_start3A_2273, %dma_start3A_2283, %dma_start3A_2284] : memref<26x100000x32xf32, #tpu.memory_space<hbm>> -> memref<1x100000x32xf32, #tpu.memory_space<hbm>>
      %dma_start3A_2286 = tpu.memref_squeeze %dma_start3A_2285 : memref<1x100000x32xf32, #tpu.memory_space<hbm>> -> memref<100000x32xf32, #tpu.memory_space<hbm>>
      %dma_start3A_2287 = arith.constant 0 : i32
      %dma_start3A_2288 = arith.constant 0 : i32
      %dma_start3A_2289 = tpu.memref_slice %dma_start3A_2286[%dma_start3A_2287, %dma_start3A_2288] : memref<100000x32xf32, #tpu.memory_space<hbm>> -> memref<100000x32xf32, #tpu.memory_space<hbm>>
      tpu.enqueue_indirect_dma source(%dma_start3A_2289 : memref<100000x32xf32, #tpu.memory_space<hbm>>) target(%dma_start3A_2279 : memref<128x32xf32, #tpu.memory_space<vmem>>) offsets(%dma_start3A_2282 : memref<128xi32, #tpu.memory_space<vmem>>) semaphore(%arg9 : memref<!tpu.dma_semaphore, #tpu.memory_space<semaphore_mem>>)
      %dma_start3A_2290 = arith.constant 21 : i32
      %dma_start3A_2291 = arith.constant 21 : i32
      %dma_start3A_2292 = arith.constant 21 : i32
      %dma_start3A_2293 = arith.constant 0 : i32
      %dma_start3A_2294 = arith.constant 0 : i32
      %dma_start3A_2295 = tpu.memref_slice %arg7[%dma_start3A_2292, %dma_start3A_2293, %dma_start3A_2294] : memref<26x128x32xf32, #tpu.memory_space<vmem>> -> memref<1x128x32xf32, #tpu.memory_space<vmem>>
      %dma_start3A_2296 = tpu.memref_squeeze %dma_start3A_2295 : memref<1x128x32xf32, #tpu.memory_space<vmem>> -> memref<128x32xf32, #tpu.memory_space<vmem>>
      %dma_start3A_2297 = arith.constant 0 : i32
      %dma_start3A_2298 = tpu.memref_slice %arg6[%dma_start3A_2291, %dma_start3A_2297] : memref<26x128xi32, #tpu.memory_space<vmem>> -> memref<1x128xi32, #tpu.memory_space<vmem>>
      %dma_start3A_2299 = tpu.memref_squeeze %dma_start3A_2298 : memref<1x128xi32, #tpu.memory_space<vmem>> -> memref<128xi32, #tpu.memory_space<vmem>>
      %dma_start3A_2300 = arith.constant 0 : i32
      %dma_start3A_2301 = arith.constant 0 : i32
      %dma_start3A_2302 = tpu.memref_slice %arg3[%dma_start3A_2290, %dma_start3A_2300, %dma_start3A_2301] : memref<26x100000x32xf32, #tpu.memory_space<hbm>> -> memref<1x100000x32xf32, #tpu.memory_space<hbm>>
      %dma_start3A_2303 = tpu.memref_squeeze %dma_start3A_2302 : memref<1x100000x32xf32, #tpu.memory_space<hbm>> -> memref<100000x32xf32, #tpu.memory_space<hbm>>
      %dma_start3A_2304 = arith.constant 0 : i32
      %dma_start3A_2305 = arith.constant 0 : i32
      %dma_start3A_2306 = tpu.memref_slice %dma_start3A_2303[%dma_start3A_2304, %dma_start3A_2305] : memref<100000x32xf32, #tpu.memory_space<hbm>> -> memref<100000x32xf32, #tpu.memory_space<hbm>>
      tpu.enqueue_indirect_dma source(%dma_start3A_2306 : memref<100000x32xf32, #tpu.memory_space<hbm>>) target(%dma_start3A_2296 : memref<128x32xf32, #tpu.memory_space<vmem>>) offsets(%dma_start3A_2299 : memref<128xi32, #tpu.memory_space<vmem>>) semaphore(%arg9 : memref<!tpu.dma_semaphore, #tpu.memory_space<semaphore_mem>>)
      %dma_start3A_2307 = arith.constant 22 : i32
      %dma_start3A_2308 = arith.constant 22 : i32
      %dma_start3A_2309 = arith.constant 22 : i32
      %dma_start3A_2310 = arith.constant 0 : i32
      %dma_start3A_2311 = arith.constant 0 : i32
      %dma_start3A_2312 = tpu.memref_slice %arg7[%dma_start3A_2309, %dma_start3A_2310, %dma_start3A_2311] : memref<26x128x32xf32, #tpu.memory_space<vmem>> -> memref<1x128x32xf32, #tpu.memory_space<vmem>>
      %dma_start3A_2313 = tpu.memref_squeeze %dma_start3A_2312 : memref<1x128x32xf32, #tpu.memory_space<vmem>> -> memref<128x32xf32, #tpu.memory_space<vmem>>
      %dma_start3A_2314 = arith.constant 0 : i32
      %dma_start3A_2315 = tpu.memref_slice %arg6[%dma_start3A_2308, %dma_start3A_2314] : memref<26x128xi32, #tpu.memory_space<vmem>> -> memref<1x128xi32, #tpu.memory_space<vmem>>
      %dma_start3A_2316 = tpu.memref_squeeze %dma_start3A_2315 : memref<1x128xi32, #tpu.memory_space<vmem>> -> memref<128xi32, #tpu.memory_space<vmem>>
      %dma_start3A_2317 = arith.constant 0 : i32
      %dma_start3A_2318 = arith.constant 0 : i32
      %dma_start3A_2319 = tpu.memref_slice %arg3[%dma_start3A_2307, %dma_start3A_2317, %dma_start3A_2318] : memref<26x100000x32xf32, #tpu.memory_space<hbm>> -> memref<1x100000x32xf32, #tpu.memory_space<hbm>>
      %dma_start3A_2320 = tpu.memref_squeeze %dma_start3A_2319 : memref<1x100000x32xf32, #tpu.memory_space<hbm>> -> memref<100000x32xf32, #tpu.memory_space<hbm>>
      %dma_start3A_2321 = arith.constant 0 : i32
      %dma_start3A_2322 = arith.constant 0 : i32
      %dma_start3A_2323 = tpu.memref_slice %dma_start3A_2320[%dma_start3A_2321, %dma_start3A_2322] : memref<100000x32xf32, #tpu.memory_space<hbm>> -> memref<100000x32xf32, #tpu.memory_space<hbm>>
      tpu.enqueue_indirect_dma source(%dma_start3A_2323 : memref<100000x32xf32, #tpu.memory_space<hbm>>) target(%dma_start3A_2313 : memref<128x32xf32, #tpu.memory_space<vmem>>) offsets(%dma_start3A_2316 : memref<128xi32, #tpu.memory_space<vmem>>) semaphore(%arg9 : memref<!tpu.dma_semaphore, #tpu.memory_space<semaphore_mem>>)
      %dma_start3A_2324 = arith.constant 23 : i32
      %dma_start3A_2325 = arith.constant 23 : i32
      %dma_start3A_2326 = arith.constant 23 : i32
      %dma_start3A_2327 = arith.constant 0 : i32
      %dma_start3A_2328 = arith.constant 0 : i32
      %dma_start3A_2329 = tpu.memref_slice %arg7[%dma_start3A_2326, %dma_start3A_2327, %dma_start3A_2328] : memref<26x128x32xf32, #tpu.memory_space<vmem>> -> memref<1x128x32xf32, #tpu.memory_space<vmem>>
      %dma_start3A_2330 = tpu.memref_squeeze %dma_start3A_2329 : memref<1x128x32xf32, #tpu.memory_space<vmem>> -> memref<128x32xf32, #tpu.memory_space<vmem>>
      %dma_start3A_2331 = arith.constant 0 : i32
      %dma_start3A_2332 = tpu.memref_slice %arg6[%dma_start3A_2325, %dma_start3A_2331] : memref<26x128xi32, #tpu.memory_space<vmem>> -> memref<1x128xi32, #tpu.memory_space<vmem>>
      %dma_start3A_2333 = tpu.memref_squeeze %dma_start3A_2332 : memref<1x128xi32, #tpu.memory_space<vmem>> -> memref<128xi32, #tpu.memory_space<vmem>>
      %dma_start3A_2334 = arith.constant 0 : i32
      %dma_start3A_2335 = arith.constant 0 : i32
      %dma_start3A_2336 = tpu.memref_slice %arg3[%dma_start3A_2324, %dma_start3A_2334, %dma_start3A_2335] : memref<26x100000x32xf32, #tpu.memory_space<hbm>> -> memref<1x100000x32xf32, #tpu.memory_space<hbm>>
      %dma_start3A_2337 = tpu.memref_squeeze %dma_start3A_2336 : memref<1x100000x32xf32, #tpu.memory_space<hbm>> -> memref<100000x32xf32, #tpu.memory_space<hbm>>
      %dma_start3A_2338 = arith.constant 0 : i32
      %dma_start3A_2339 = arith.constant 0 : i32
      %dma_start3A_2340 = tpu.memref_slice %dma_start3A_2337[%dma_start3A_2338, %dma_start3A_2339] : memref<100000x32xf32, #tpu.memory_space<hbm>> -> memref<100000x32xf32, #tpu.memory_space<hbm>>
      tpu.enqueue_indirect_dma source(%dma_start3A_2340 : memref<100000x32xf32, #tpu.memory_space<hbm>>) target(%dma_start3A_2330 : memref<128x32xf32, #tpu.memory_space<vmem>>) offsets(%dma_start3A_2333 : memref<128xi32, #tpu.memory_space<vmem>>) semaphore(%arg9 : memref<!tpu.dma_semaphore, #tpu.memory_space<semaphore_mem>>)
      %dma_start3A_2341 = arith.constant 24 : i32
      %dma_start3A_2342 = arith.constant 24 : i32
      %dma_start3A_2343 = arith.constant 24 : i32
      %dma_start3A_2344 = arith.constant 0 : i32
      %dma_start3A_2345 = arith.constant 0 : i32
      %dma_start3A_2346 = tpu.memref_slice %arg7[%dma_start3A_2343, %dma_start3A_2344, %dma_start3A_2345] : memref<26x128x32xf32, #tpu.memory_space<vmem>> -> memref<1x128x32xf32, #tpu.memory_space<vmem>>
      %dma_start3A_2347 = tpu.memref_squeeze %dma_start3A_2346 : memref<1x128x32xf32, #tpu.memory_space<vmem>> -> memref<128x32xf32, #tpu.memory_space<vmem>>
      %dma_start3A_2348 = arith.constant 0 : i32
      %dma_start3A_2349 = tpu.memref_slice %arg6[%dma_start3A_2342, %dma_start3A_2348] : memref<26x128xi32, #tpu.memory_space<vmem>> -> memref<1x128xi32, #tpu.memory_space<vmem>>
      %dma_start3A_2350 = tpu.memref_squeeze %dma_start3A_2349 : memref<1x128xi32, #tpu.memory_space<vmem>> -> memref<128xi32, #tpu.memory_space<vmem>>
      %dma_start3A_2351 = arith.constant 0 : i32
      %dma_start3A_2352 = arith.constant 0 : i32
      %dma_start3A_2353 = tpu.memref_slice %arg3[%dma_start3A_2341, %dma_start3A_2351, %dma_start3A_2352] : memref<26x100000x32xf32, #tpu.memory_space<hbm>> -> memref<1x100000x32xf32, #tpu.memory_space<hbm>>
      %dma_start3A_2354 = tpu.memref_squeeze %dma_start3A_2353 : memref<1x100000x32xf32, #tpu.memory_space<hbm>> -> memref<100000x32xf32, #tpu.memory_space<hbm>>
      %dma_start3A_2355 = arith.constant 0 : i32
      %dma_start3A_2356 = arith.constant 0 : i32
      %dma_start3A_2357 = tpu.memref_slice %dma_start3A_2354[%dma_start3A_2355, %dma_start3A_2356] : memref<100000x32xf32, #tpu.memory_space<hbm>> -> memref<100000x32xf32, #tpu.memory_space<hbm>>
      tpu.enqueue_indirect_dma source(%dma_start3A_2357 : memref<100000x32xf32, #tpu.memory_space<hbm>>) target(%dma_start3A_2347 : memref<128x32xf32, #tpu.memory_space<vmem>>) offsets(%dma_start3A_2350 : memref<128xi32, #tpu.memory_space<vmem>>) semaphore(%arg9 : memref<!tpu.dma_semaphore, #tpu.memory_space<semaphore_mem>>)
      %dma_start3A_2358 = arith.constant 25 : i32
      %dma_start3A_2359 = arith.constant 25 : i32
      %dma_start3A_2360 = arith.constant 25 : i32
      %dma_start3A_2361 = arith.constant 0 : i32
      %dma_start3A_2362 = arith.constant 0 : i32
      %dma_start3A_2363 = tpu.memref_slice %arg7[%dma_start3A_2360, %dma_start3A_2361, %dma_start3A_2362] : memref<26x128x32xf32, #tpu.memory_space<vmem>> -> memref<1x128x32xf32, #tpu.memory_space<vmem>>
      %dma_start3A_2364 = tpu.memref_squeeze %dma_start3A_2363 : memref<1x128x32xf32, #tpu.memory_space<vmem>> -> memref<128x32xf32, #tpu.memory_space<vmem>>
      %dma_start3A_2365 = arith.constant 0 : i32
      %dma_start3A_2366 = tpu.memref_slice %arg6[%dma_start3A_2359, %dma_start3A_2365] : memref<26x128xi32, #tpu.memory_space<vmem>> -> memref<1x128xi32, #tpu.memory_space<vmem>>
      %dma_start3A_2367 = tpu.memref_squeeze %dma_start3A_2366 : memref<1x128xi32, #tpu.memory_space<vmem>> -> memref<128xi32, #tpu.memory_space<vmem>>
      %dma_start3A_2368 = arith.constant 0 : i32
      %dma_start3A_2369 = arith.constant 0 : i32
      %dma_start3A_2370 = tpu.memref_slice %arg3[%dma_start3A_2358, %dma_start3A_2368, %dma_start3A_2369] : memref<26x100000x32xf32, #tpu.memory_space<hbm>> -> memref<1x100000x32xf32, #tpu.memory_space<hbm>>
      %dma_start3A_2371 = tpu.memref_squeeze %dma_start3A_2370 : memref<1x100000x32xf32, #tpu.memory_space<hbm>> -> memref<100000x32xf32, #tpu.memory_space<hbm>>
      %dma_start3A_2372 = arith.constant 0 : i32
      %dma_start3A_2373 = arith.constant 0 : i32
      %dma_start3A_2374 = tpu.memref_slice %dma_start3A_2371[%dma_start3A_2372, %dma_start3A_2373] : memref<100000x32xf32, #tpu.memory_space<hbm>> -> memref<100000x32xf32, #tpu.memory_space<hbm>>
      tpu.enqueue_indirect_dma source(%dma_start3A_2374 : memref<100000x32xf32, #tpu.memory_space<hbm>>) target(%dma_start3A_2364 : memref<128x32xf32, #tpu.memory_space<vmem>>) offsets(%dma_start3A_2367 : memref<128xi32, #tpu.memory_space<vmem>>) semaphore(%arg9 : memref<!tpu.dma_semaphore, #tpu.memory_space<semaphore_mem>>)
      %dma_wait3A = arith.constant 0 : i32
      %dma_wait3A_2375 = arith.constant 0 : i32
      %dma_wait3A_2376 = arith.constant 0 : i32
      %dma_wait3A_2377 = arith.constant 0 : i32
      %dma_wait3A_2378 = arith.constant 0 : i32
      %dma_wait3A_2379 = tpu.memref_slice %arg7[%dma_wait3A_2376, %dma_wait3A_2377, %dma_wait3A_2378] : memref<26x128x32xf32, #tpu.memory_space<vmem>> -> memref<1x128x32xf32, #tpu.memory_space<vmem>>
      %dma_wait3A_2380 = tpu.memref_squeeze %dma_wait3A_2379 : memref<1x128x32xf32, #tpu.memory_space<vmem>> -> memref<128x32xf32, #tpu.memory_space<vmem>>
      %dma_wait3A_2381 = arith.constant 0 : i32
      %dma_wait3A_2382 = tpu.memref_slice %arg6[%dma_wait3A_2375, %dma_wait3A_2381] : memref<26x128xi32, #tpu.memory_space<vmem>> -> memref<1x128xi32, #tpu.memory_space<vmem>>
      %dma_wait3A_2383 = tpu.memref_squeeze %dma_wait3A_2382 : memref<1x128xi32, #tpu.memory_space<vmem>> -> memref<128xi32, #tpu.memory_space<vmem>>
      %dma_wait3A_2384 = arith.constant 0 : i32
      %dma_wait3A_2385 = arith.constant 0 : i32
      %dma_wait3A_2386 = tpu.memref_slice %arg3[%dma_wait3A, %dma_wait3A_2384, %dma_wait3A_2385] : memref<26x100000x32xf32, #tpu.memory_space<hbm>> -> memref<1x100000x32xf32, #tpu.memory_space<hbm>>
      %dma_wait3A_2387 = tpu.memref_squeeze %dma_wait3A_2386 : memref<1x100000x32xf32, #tpu.memory_space<hbm>> -> memref<100000x32xf32, #tpu.memory_space<hbm>>
      %dma_wait3A_2388 = arith.constant 0 : i32
      %dma_wait3A_2389 = arith.constant 0 : i32
      %dma_wait3A_2390 = tpu.memref_slice %dma_wait3A_2387[%dma_wait3A_2388, %dma_wait3A_2389] : memref<100000x32xf32, #tpu.memory_space<hbm>> -> memref<100000x32xf32, #tpu.memory_space<hbm>>
      tpu.wait_indirect_dma semaphore(%arg9 : memref<!tpu.dma_semaphore, #tpu.memory_space<semaphore_mem>>) src(%dma_wait3A_2390 : memref<100000x32xf32, #tpu.memory_space<hbm>>) dst(%dma_wait3A_2380 : memref<128x32xf32, #tpu.memory_space<vmem>>)
      %dma_wait3A_2391 = arith.constant 1 : i32
      %dma_wait3A_2392 = arith.constant 1 : i32
      %dma_wait3A_2393 = arith.constant 1 : i32
      %dma_wait3A_2394 = arith.constant 0 : i32
      %dma_wait3A_2395 = arith.constant 0 : i32
      %dma_wait3A_2396 = tpu.memref_slice %arg7[%dma_wait3A_2393, %dma_wait3A_2394, %dma_wait3A_2395] : memref<26x128x32xf32, #tpu.memory_space<vmem>> -> memref<1x128x32xf32, #tpu.memory_space<vmem>>
      %dma_wait3A_2397 = tpu.memref_squeeze %dma_wait3A_2396 : memref<1x128x32xf32, #tpu.memory_space<vmem>> -> memref<128x32xf32, #tpu.memory_space<vmem>>
      %dma_wait3A_2398 = arith.constant 0 : i32
      %dma_wait3A_2399 = tpu.memref_slice %arg6[%dma_wait3A_2392, %dma_wait3A_2398] : memref<26x128xi32, #tpu.memory_space<vmem>> -> memref<1x128xi32, #tpu.memory_space<vmem>>
      %dma_wait3A_2400 = tpu.memref_squeeze %dma_wait3A_2399 : memref<1x128xi32, #tpu.memory_space<vmem>> -> memref<128xi32, #tpu.memory_space<vmem>>
      %dma_wait3A_2401 = arith.constant 0 : i32
      %dma_wait3A_2402 = arith.constant 0 : i32
      %dma_wait3A_2403 = tpu.memref_slice %arg3[%dma_wait3A_2391, %dma_wait3A_2401, %dma_wait3A_2402] : memref<26x100000x32xf32, #tpu.memory_space<hbm>> -> memref<1x100000x32xf32, #tpu.memory_space<hbm>>
      %dma_wait3A_2404 = tpu.memref_squeeze %dma_wait3A_2403 : memref<1x100000x32xf32, #tpu.memory_space<hbm>> -> memref<100000x32xf32, #tpu.memory_space<hbm>>
      %dma_wait3A_2405 = arith.constant 0 : i32
      %dma_wait3A_2406 = arith.constant 0 : i32
      %dma_wait3A_2407 = tpu.memref_slice %dma_wait3A_2404[%dma_wait3A_2405, %dma_wait3A_2406] : memref<100000x32xf32, #tpu.memory_space<hbm>> -> memref<100000x32xf32, #tpu.memory_space<hbm>>
      tpu.wait_indirect_dma semaphore(%arg9 : memref<!tpu.dma_semaphore, #tpu.memory_space<semaphore_mem>>) src(%dma_wait3A_2407 : memref<100000x32xf32, #tpu.memory_space<hbm>>) dst(%dma_wait3A_2397 : memref<128x32xf32, #tpu.memory_space<vmem>>)
      %dma_wait3A_2408 = arith.constant 2 : i32
      %dma_wait3A_2409 = arith.constant 2 : i32
      %dma_wait3A_2410 = arith.constant 2 : i32
      %dma_wait3A_2411 = arith.constant 0 : i32
      %dma_wait3A_2412 = arith.constant 0 : i32
      %dma_wait3A_2413 = tpu.memref_slice %arg7[%dma_wait3A_2410, %dma_wait3A_2411, %dma_wait3A_2412] : memref<26x128x32xf32, #tpu.memory_space<vmem>> -> memref<1x128x32xf32, #tpu.memory_space<vmem>>
      %dma_wait3A_2414 = tpu.memref_squeeze %dma_wait3A_2413 : memref<1x128x32xf32, #tpu.memory_space<vmem>> -> memref<128x32xf32, #tpu.memory_space<vmem>>
      %dma_wait3A_2415 = arith.constant 0 : i32
      %dma_wait3A_2416 = tpu.memref_slice %arg6[%dma_wait3A_2409, %dma_wait3A_2415] : memref<26x128xi32, #tpu.memory_space<vmem>> -> memref<1x128xi32, #tpu.memory_space<vmem>>
      %dma_wait3A_2417 = tpu.memref_squeeze %dma_wait3A_2416 : memref<1x128xi32, #tpu.memory_space<vmem>> -> memref<128xi32, #tpu.memory_space<vmem>>
      %dma_wait3A_2418 = arith.constant 0 : i32
      %dma_wait3A_2419 = arith.constant 0 : i32
      %dma_wait3A_2420 = tpu.memref_slice %arg3[%dma_wait3A_2408, %dma_wait3A_2418, %dma_wait3A_2419] : memref<26x100000x32xf32, #tpu.memory_space<hbm>> -> memref<1x100000x32xf32, #tpu.memory_space<hbm>>
      %dma_wait3A_2421 = tpu.memref_squeeze %dma_wait3A_2420 : memref<1x100000x32xf32, #tpu.memory_space<hbm>> -> memref<100000x32xf32, #tpu.memory_space<hbm>>
      %dma_wait3A_2422 = arith.constant 0 : i32
      %dma_wait3A_2423 = arith.constant 0 : i32
      %dma_wait3A_2424 = tpu.memref_slice %dma_wait3A_2421[%dma_wait3A_2422, %dma_wait3A_2423] : memref<100000x32xf32, #tpu.memory_space<hbm>> -> memref<100000x32xf32, #tpu.memory_space<hbm>>
      tpu.wait_indirect_dma semaphore(%arg9 : memref<!tpu.dma_semaphore, #tpu.memory_space<semaphore_mem>>) src(%dma_wait3A_2424 : memref<100000x32xf32, #tpu.memory_space<hbm>>) dst(%dma_wait3A_2414 : memref<128x32xf32, #tpu.memory_space<vmem>>)
      %dma_wait3A_2425 = arith.constant 3 : i32
      %dma_wait3A_2426 = arith.constant 3 : i32
      %dma_wait3A_2427 = arith.constant 3 : i32
      %dma_wait3A_2428 = arith.constant 0 : i32
      %dma_wait3A_2429 = arith.constant 0 : i32
      %dma_wait3A_2430 = tpu.memref_slice %arg7[%dma_wait3A_2427, %dma_wait3A_2428, %dma_wait3A_2429] : memref<26x128x32xf32, #tpu.memory_space<vmem>> -> memref<1x128x32xf32, #tpu.memory_space<vmem>>
      %dma_wait3A_2431 = tpu.memref_squeeze %dma_wait3A_2430 : memref<1x128x32xf32, #tpu.memory_space<vmem>> -> memref<128x32xf32, #tpu.memory_space<vmem>>
      %dma_wait3A_2432 = arith.constant 0 : i32
      %dma_wait3A_2433 = tpu.memref_slice %arg6[%dma_wait3A_2426, %dma_wait3A_2432] : memref<26x128xi32, #tpu.memory_space<vmem>> -> memref<1x128xi32, #tpu.memory_space<vmem>>
      %dma_wait3A_2434 = tpu.memref_squeeze %dma_wait3A_2433 : memref<1x128xi32, #tpu.memory_space<vmem>> -> memref<128xi32, #tpu.memory_space<vmem>>
      %dma_wait3A_2435 = arith.constant 0 : i32
      %dma_wait3A_2436 = arith.constant 0 : i32
      %dma_wait3A_2437 = tpu.memref_slice %arg3[%dma_wait3A_2425, %dma_wait3A_2435, %dma_wait3A_2436] : memref<26x100000x32xf32, #tpu.memory_space<hbm>> -> memref<1x100000x32xf32, #tpu.memory_space<hbm>>
      %dma_wait3A_2438 = tpu.memref_squeeze %dma_wait3A_2437 : memref<1x100000x32xf32, #tpu.memory_space<hbm>> -> memref<100000x32xf32, #tpu.memory_space<hbm>>
      %dma_wait3A_2439 = arith.constant 0 : i32
      %dma_wait3A_2440 = arith.constant 0 : i32
      %dma_wait3A_2441 = tpu.memref_slice %dma_wait3A_2438[%dma_wait3A_2439, %dma_wait3A_2440] : memref<100000x32xf32, #tpu.memory_space<hbm>> -> memref<100000x32xf32, #tpu.memory_space<hbm>>
      tpu.wait_indirect_dma semaphore(%arg9 : memref<!tpu.dma_semaphore, #tpu.memory_space<semaphore_mem>>) src(%dma_wait3A_2441 : memref<100000x32xf32, #tpu.memory_space<hbm>>) dst(%dma_wait3A_2431 : memref<128x32xf32, #tpu.memory_space<vmem>>)
      %dma_wait3A_2442 = arith.constant 4 : i32
      %dma_wait3A_2443 = arith.constant 4 : i32
      %dma_wait3A_2444 = arith.constant 4 : i32
      %dma_wait3A_2445 = arith.constant 0 : i32
      %dma_wait3A_2446 = arith.constant 0 : i32
      %dma_wait3A_2447 = tpu.memref_slice %arg7[%dma_wait3A_2444, %dma_wait3A_2445, %dma_wait3A_2446] : memref<26x128x32xf32, #tpu.memory_space<vmem>> -> memref<1x128x32xf32, #tpu.memory_space<vmem>>
      %dma_wait3A_2448 = tpu.memref_squeeze %dma_wait3A_2447 : memref<1x128x32xf32, #tpu.memory_space<vmem>> -> memref<128x32xf32, #tpu.memory_space<vmem>>
      %dma_wait3A_2449 = arith.constant 0 : i32
      %dma_wait3A_2450 = tpu.memref_slice %arg6[%dma_wait3A_2443, %dma_wait3A_2449] : memref<26x128xi32, #tpu.memory_space<vmem>> -> memref<1x128xi32, #tpu.memory_space<vmem>>
      %dma_wait3A_2451 = tpu.memref_squeeze %dma_wait3A_2450 : memref<1x128xi32, #tpu.memory_space<vmem>> -> memref<128xi32, #tpu.memory_space<vmem>>
      %dma_wait3A_2452 = arith.constant 0 : i32
      %dma_wait3A_2453 = arith.constant 0 : i32
      %dma_wait3A_2454 = tpu.memref_slice %arg3[%dma_wait3A_2442, %dma_wait3A_2452, %dma_wait3A_2453] : memref<26x100000x32xf32, #tpu.memory_space<hbm>> -> memref<1x100000x32xf32, #tpu.memory_space<hbm>>
      %dma_wait3A_2455 = tpu.memref_squeeze %dma_wait3A_2454 : memref<1x100000x32xf32, #tpu.memory_space<hbm>> -> memref<100000x32xf32, #tpu.memory_space<hbm>>
      %dma_wait3A_2456 = arith.constant 0 : i32
      %dma_wait3A_2457 = arith.constant 0 : i32
      %dma_wait3A_2458 = tpu.memref_slice %dma_wait3A_2455[%dma_wait3A_2456, %dma_wait3A_2457] : memref<100000x32xf32, #tpu.memory_space<hbm>> -> memref<100000x32xf32, #tpu.memory_space<hbm>>
      tpu.wait_indirect_dma semaphore(%arg9 : memref<!tpu.dma_semaphore, #tpu.memory_space<semaphore_mem>>) src(%dma_wait3A_2458 : memref<100000x32xf32, #tpu.memory_space<hbm>>) dst(%dma_wait3A_2448 : memref<128x32xf32, #tpu.memory_space<vmem>>)
      %dma_wait3A_2459 = arith.constant 5 : i32
      %dma_wait3A_2460 = arith.constant 5 : i32
      %dma_wait3A_2461 = arith.constant 5 : i32
      %dma_wait3A_2462 = arith.constant 0 : i32
      %dma_wait3A_2463 = arith.constant 0 : i32
      %dma_wait3A_2464 = tpu.memref_slice %arg7[%dma_wait3A_2461, %dma_wait3A_2462, %dma_wait3A_2463] : memref<26x128x32xf32, #tpu.memory_space<vmem>> -> memref<1x128x32xf32, #tpu.memory_space<vmem>>
      %dma_wait3A_2465 = tpu.memref_squeeze %dma_wait3A_2464 : memref<1x128x32xf32, #tpu.memory_space<vmem>> -> memref<128x32xf32, #tpu.memory_space<vmem>>
      %dma_wait3A_2466 = arith.constant 0 : i32
      %dma_wait3A_2467 = tpu.memref_slice %arg6[%dma_wait3A_2460, %dma_wait3A_2466] : memref<26x128xi32, #tpu.memory_space<vmem>> -> memref<1x128xi32, #tpu.memory_space<vmem>>
      %dma_wait3A_2468 = tpu.memref_squeeze %dma_wait3A_2467 : memref<1x128xi32, #tpu.memory_space<vmem>> -> memref<128xi32, #tpu.memory_space<vmem>>
      %dma_wait3A_2469 = arith.constant 0 : i32
      %dma_wait3A_2470 = arith.constant 0 : i32
      %dma_wait3A_2471 = tpu.memref_slice %arg3[%dma_wait3A_2459, %dma_wait3A_2469, %dma_wait3A_2470] : memref<26x100000x32xf32, #tpu.memory_space<hbm>> -> memref<1x100000x32xf32, #tpu.memory_space<hbm>>
      %dma_wait3A_2472 = tpu.memref_squeeze %dma_wait3A_2471 : memref<1x100000x32xf32, #tpu.memory_space<hbm>> -> memref<100000x32xf32, #tpu.memory_space<hbm>>
      %dma_wait3A_2473 = arith.constant 0 : i32
      %dma_wait3A_2474 = arith.constant 0 : i32
      %dma_wait3A_2475 = tpu.memref_slice %dma_wait3A_2472[%dma_wait3A_2473, %dma_wait3A_2474] : memref<100000x32xf32, #tpu.memory_space<hbm>> -> memref<100000x32xf32, #tpu.memory_space<hbm>>
      tpu.wait_indirect_dma semaphore(%arg9 : memref<!tpu.dma_semaphore, #tpu.memory_space<semaphore_mem>>) src(%dma_wait3A_2475 : memref<100000x32xf32, #tpu.memory_space<hbm>>) dst(%dma_wait3A_2465 : memref<128x32xf32, #tpu.memory_space<vmem>>)
      %dma_wait3A_2476 = arith.constant 6 : i32
      %dma_wait3A_2477 = arith.constant 6 : i32
      %dma_wait3A_2478 = arith.constant 6 : i32
      %dma_wait3A_2479 = arith.constant 0 : i32
      %dma_wait3A_2480 = arith.constant 0 : i32
      %dma_wait3A_2481 = tpu.memref_slice %arg7[%dma_wait3A_2478, %dma_wait3A_2479, %dma_wait3A_2480] : memref<26x128x32xf32, #tpu.memory_space<vmem>> -> memref<1x128x32xf32, #tpu.memory_space<vmem>>
      %dma_wait3A_2482 = tpu.memref_squeeze %dma_wait3A_2481 : memref<1x128x32xf32, #tpu.memory_space<vmem>> -> memref<128x32xf32, #tpu.memory_space<vmem>>
      %dma_wait3A_2483 = arith.constant 0 : i32
      %dma_wait3A_2484 = tpu.memref_slice %arg6[%dma_wait3A_2477, %dma_wait3A_2483] : memref<26x128xi32, #tpu.memory_space<vmem>> -> memref<1x128xi32, #tpu.memory_space<vmem>>
      %dma_wait3A_2485 = tpu.memref_squeeze %dma_wait3A_2484 : memref<1x128xi32, #tpu.memory_space<vmem>> -> memref<128xi32, #tpu.memory_space<vmem>>
      %dma_wait3A_2486 = arith.constant 0 : i32
      %dma_wait3A_2487 = arith.constant 0 : i32
      %dma_wait3A_2488 = tpu.memref_slice %arg3[%dma_wait3A_2476, %dma_wait3A_2486, %dma_wait3A_2487] : memref<26x100000x32xf32, #tpu.memory_space<hbm>> -> memref<1x100000x32xf32, #tpu.memory_space<hbm>>
      %dma_wait3A_2489 = tpu.memref_squeeze %dma_wait3A_2488 : memref<1x100000x32xf32, #tpu.memory_space<hbm>> -> memref<100000x32xf32, #tpu.memory_space<hbm>>
      %dma_wait3A_2490 = arith.constant 0 : i32
      %dma_wait3A_2491 = arith.constant 0 : i32
      %dma_wait3A_2492 = tpu.memref_slice %dma_wait3A_2489[%dma_wait3A_2490, %dma_wait3A_2491] : memref<100000x32xf32, #tpu.memory_space<hbm>> -> memref<100000x32xf32, #tpu.memory_space<hbm>>
      tpu.wait_indirect_dma semaphore(%arg9 : memref<!tpu.dma_semaphore, #tpu.memory_space<semaphore_mem>>) src(%dma_wait3A_2492 : memref<100000x32xf32, #tpu.memory_space<hbm>>) dst(%dma_wait3A_2482 : memref<128x32xf32, #tpu.memory_space<vmem>>)
      %dma_wait3A_2493 = arith.constant 7 : i32
      %dma_wait3A_2494 = arith.constant 7 : i32
      %dma_wait3A_2495 = arith.constant 7 : i32
      %dma_wait3A_2496 = arith.constant 0 : i32
      %dma_wait3A_2497 = arith.constant 0 : i32
      %dma_wait3A_2498 = tpu.memref_slice %arg7[%dma_wait3A_2495, %dma_wait3A_2496, %dma_wait3A_2497] : memref<26x128x32xf32, #tpu.memory_space<vmem>> -> memref<1x128x32xf32, #tpu.memory_space<vmem>>
      %dma_wait3A_2499 = tpu.memref_squeeze %dma_wait3A_2498 : memref<1x128x32xf32, #tpu.memory_space<vmem>> -> memref<128x32xf32, #tpu.memory_space<vmem>>
      %dma_wait3A_2500 = arith.constant 0 : i32
      %dma_wait3A_2501 = tpu.memref_slice %arg6[%dma_wait3A_2494, %dma_wait3A_2500] : memref<26x128xi32, #tpu.memory_space<vmem>> -> memref<1x128xi32, #tpu.memory_space<vmem>>
      %dma_wait3A_2502 = tpu.memref_squeeze %dma_wait3A_2501 : memref<1x128xi32, #tpu.memory_space<vmem>> -> memref<128xi32, #tpu.memory_space<vmem>>
      %dma_wait3A_2503 = arith.constant 0 : i32
      %dma_wait3A_2504 = arith.constant 0 : i32
      %dma_wait3A_2505 = tpu.memref_slice %arg3[%dma_wait3A_2493, %dma_wait3A_2503, %dma_wait3A_2504] : memref<26x100000x32xf32, #tpu.memory_space<hbm>> -> memref<1x100000x32xf32, #tpu.memory_space<hbm>>
      %dma_wait3A_2506 = tpu.memref_squeeze %dma_wait3A_2505 : memref<1x100000x32xf32, #tpu.memory_space<hbm>> -> memref<100000x32xf32, #tpu.memory_space<hbm>>
      %dma_wait3A_2507 = arith.constant 0 : i32
      %dma_wait3A_2508 = arith.constant 0 : i32
      %dma_wait3A_2509 = tpu.memref_slice %dma_wait3A_2506[%dma_wait3A_2507, %dma_wait3A_2508] : memref<100000x32xf32, #tpu.memory_space<hbm>> -> memref<100000x32xf32, #tpu.memory_space<hbm>>
      tpu.wait_indirect_dma semaphore(%arg9 : memref<!tpu.dma_semaphore, #tpu.memory_space<semaphore_mem>>) src(%dma_wait3A_2509 : memref<100000x32xf32, #tpu.memory_space<hbm>>) dst(%dma_wait3A_2499 : memref<128x32xf32, #tpu.memory_space<vmem>>)
      %dma_wait3A_2510 = arith.constant 8 : i32
      %dma_wait3A_2511 = arith.constant 8 : i32
      %dma_wait3A_2512 = arith.constant 8 : i32
      %dma_wait3A_2513 = arith.constant 0 : i32
      %dma_wait3A_2514 = arith.constant 0 : i32
      %dma_wait3A_2515 = tpu.memref_slice %arg7[%dma_wait3A_2512, %dma_wait3A_2513, %dma_wait3A_2514] : memref<26x128x32xf32, #tpu.memory_space<vmem>> -> memref<1x128x32xf32, #tpu.memory_space<vmem>>
      %dma_wait3A_2516 = tpu.memref_squeeze %dma_wait3A_2515 : memref<1x128x32xf32, #tpu.memory_space<vmem>> -> memref<128x32xf32, #tpu.memory_space<vmem>>
      %dma_wait3A_2517 = arith.constant 0 : i32
      %dma_wait3A_2518 = tpu.memref_slice %arg6[%dma_wait3A_2511, %dma_wait3A_2517] : memref<26x128xi32, #tpu.memory_space<vmem>> -> memref<1x128xi32, #tpu.memory_space<vmem>>
      %dma_wait3A_2519 = tpu.memref_squeeze %dma_wait3A_2518 : memref<1x128xi32, #tpu.memory_space<vmem>> -> memref<128xi32, #tpu.memory_space<vmem>>
      %dma_wait3A_2520 = arith.constant 0 : i32
      %dma_wait3A_2521 = arith.constant 0 : i32
      %dma_wait3A_2522 = tpu.memref_slice %arg3[%dma_wait3A_2510, %dma_wait3A_2520, %dma_wait3A_2521] : memref<26x100000x32xf32, #tpu.memory_space<hbm>> -> memref<1x100000x32xf32, #tpu.memory_space<hbm>>
      %dma_wait3A_2523 = tpu.memref_squeeze %dma_wait3A_2522 : memref<1x100000x32xf32, #tpu.memory_space<hbm>> -> memref<100000x32xf32, #tpu.memory_space<hbm>>
      %dma_wait3A_2524 = arith.constant 0 : i32
      %dma_wait3A_2525 = arith.constant 0 : i32
      %dma_wait3A_2526 = tpu.memref_slice %dma_wait3A_2523[%dma_wait3A_2524, %dma_wait3A_2525] : memref<100000x32xf32, #tpu.memory_space<hbm>> -> memref<100000x32xf32, #tpu.memory_space<hbm>>
      tpu.wait_indirect_dma semaphore(%arg9 : memref<!tpu.dma_semaphore, #tpu.memory_space<semaphore_mem>>) src(%dma_wait3A_2526 : memref<100000x32xf32, #tpu.memory_space<hbm>>) dst(%dma_wait3A_2516 : memref<128x32xf32, #tpu.memory_space<vmem>>)
      %dma_wait3A_2527 = arith.constant 9 : i32
      %dma_wait3A_2528 = arith.constant 9 : i32
      %dma_wait3A_2529 = arith.constant 9 : i32
      %dma_wait3A_2530 = arith.constant 0 : i32
      %dma_wait3A_2531 = arith.constant 0 : i32
      %dma_wait3A_2532 = tpu.memref_slice %arg7[%dma_wait3A_2529, %dma_wait3A_2530, %dma_wait3A_2531] : memref<26x128x32xf32, #tpu.memory_space<vmem>> -> memref<1x128x32xf32, #tpu.memory_space<vmem>>
      %dma_wait3A_2533 = tpu.memref_squeeze %dma_wait3A_2532 : memref<1x128x32xf32, #tpu.memory_space<vmem>> -> memref<128x32xf32, #tpu.memory_space<vmem>>
      %dma_wait3A_2534 = arith.constant 0 : i32
      %dma_wait3A_2535 = tpu.memref_slice %arg6[%dma_wait3A_2528, %dma_wait3A_2534] : memref<26x128xi32, #tpu.memory_space<vmem>> -> memref<1x128xi32, #tpu.memory_space<vmem>>
      %dma_wait3A_2536 = tpu.memref_squeeze %dma_wait3A_2535 : memref<1x128xi32, #tpu.memory_space<vmem>> -> memref<128xi32, #tpu.memory_space<vmem>>
      %dma_wait3A_2537 = arith.constant 0 : i32
      %dma_wait3A_2538 = arith.constant 0 : i32
      %dma_wait3A_2539 = tpu.memref_slice %arg3[%dma_wait3A_2527, %dma_wait3A_2537, %dma_wait3A_2538] : memref<26x100000x32xf32, #tpu.memory_space<hbm>> -> memref<1x100000x32xf32, #tpu.memory_space<hbm>>
      %dma_wait3A_2540 = tpu.memref_squeeze %dma_wait3A_2539 : memref<1x100000x32xf32, #tpu.memory_space<hbm>> -> memref<100000x32xf32, #tpu.memory_space<hbm>>
      %dma_wait3A_2541 = arith.constant 0 : i32
      %dma_wait3A_2542 = arith.constant 0 : i32
      %dma_wait3A_2543 = tpu.memref_slice %dma_wait3A_2540[%dma_wait3A_2541, %dma_wait3A_2542] : memref<100000x32xf32, #tpu.memory_space<hbm>> -> memref<100000x32xf32, #tpu.memory_space<hbm>>
      tpu.wait_indirect_dma semaphore(%arg9 : memref<!tpu.dma_semaphore, #tpu.memory_space<semaphore_mem>>) src(%dma_wait3A_2543 : memref<100000x32xf32, #tpu.memory_space<hbm>>) dst(%dma_wait3A_2533 : memref<128x32xf32, #tpu.memory_space<vmem>>)
      %dma_wait3A_2544 = arith.constant 10 : i32
      %dma_wait3A_2545 = arith.constant 10 : i32
      %dma_wait3A_2546 = arith.constant 10 : i32
      %dma_wait3A_2547 = arith.constant 0 : i32
      %dma_wait3A_2548 = arith.constant 0 : i32
      %dma_wait3A_2549 = tpu.memref_slice %arg7[%dma_wait3A_2546, %dma_wait3A_2547, %dma_wait3A_2548] : memref<26x128x32xf32, #tpu.memory_space<vmem>> -> memref<1x128x32xf32, #tpu.memory_space<vmem>>
      %dma_wait3A_2550 = tpu.memref_squeeze %dma_wait3A_2549 : memref<1x128x32xf32, #tpu.memory_space<vmem>> -> memref<128x32xf32, #tpu.memory_space<vmem>>
      %dma_wait3A_2551 = arith.constant 0 : i32
      %dma_wait3A_2552 = tpu.memref_slice %arg6[%dma_wait3A_2545, %dma_wait3A_2551] : memref<26x128xi32, #tpu.memory_space<vmem>> -> memref<1x128xi32, #tpu.memory_space<vmem>>
      %dma_wait3A_2553 = tpu.memref_squeeze %dma_wait3A_2552 : memref<1x128xi32, #tpu.memory_space<vmem>> -> memref<128xi32, #tpu.memory_space<vmem>>
      %dma_wait3A_2554 = arith.constant 0 : i32
      %dma_wait3A_2555 = arith.constant 0 : i32
      %dma_wait3A_2556 = tpu.memref_slice %arg3[%dma_wait3A_2544, %dma_wait3A_2554, %dma_wait3A_2555] : memref<26x100000x32xf32, #tpu.memory_space<hbm>> -> memref<1x100000x32xf32, #tpu.memory_space<hbm>>
      %dma_wait3A_2557 = tpu.memref_squeeze %dma_wait3A_2556 : memref<1x100000x32xf32, #tpu.memory_space<hbm>> -> memref<100000x32xf32, #tpu.memory_space<hbm>>
      %dma_wait3A_2558 = arith.constant 0 : i32
      %dma_wait3A_2559 = arith.constant 0 : i32
      %dma_wait3A_2560 = tpu.memref_slice %dma_wait3A_2557[%dma_wait3A_2558, %dma_wait3A_2559] : memref<100000x32xf32, #tpu.memory_space<hbm>> -> memref<100000x32xf32, #tpu.memory_space<hbm>>
      tpu.wait_indirect_dma semaphore(%arg9 : memref<!tpu.dma_semaphore, #tpu.memory_space<semaphore_mem>>) src(%dma_wait3A_2560 : memref<100000x32xf32, #tpu.memory_space<hbm>>) dst(%dma_wait3A_2550 : memref<128x32xf32, #tpu.memory_space<vmem>>)
      %dma_wait3A_2561 = arith.constant 11 : i32
      %dma_wait3A_2562 = arith.constant 11 : i32
      %dma_wait3A_2563 = arith.constant 11 : i32
      %dma_wait3A_2564 = arith.constant 0 : i32
      %dma_wait3A_2565 = arith.constant 0 : i32
      %dma_wait3A_2566 = tpu.memref_slice %arg7[%dma_wait3A_2563, %dma_wait3A_2564, %dma_wait3A_2565] : memref<26x128x32xf32, #tpu.memory_space<vmem>> -> memref<1x128x32xf32, #tpu.memory_space<vmem>>
      %dma_wait3A_2567 = tpu.memref_squeeze %dma_wait3A_2566 : memref<1x128x32xf32, #tpu.memory_space<vmem>> -> memref<128x32xf32, #tpu.memory_space<vmem>>
      %dma_wait3A_2568 = arith.constant 0 : i32
      %dma_wait3A_2569 = tpu.memref_slice %arg6[%dma_wait3A_2562, %dma_wait3A_2568] : memref<26x128xi32, #tpu.memory_space<vmem>> -> memref<1x128xi32, #tpu.memory_space<vmem>>
      %dma_wait3A_2570 = tpu.memref_squeeze %dma_wait3A_2569 : memref<1x128xi32, #tpu.memory_space<vmem>> -> memref<128xi32, #tpu.memory_space<vmem>>
      %dma_wait3A_2571 = arith.constant 0 : i32
      %dma_wait3A_2572 = arith.constant 0 : i32
      %dma_wait3A_2573 = tpu.memref_slice %arg3[%dma_wait3A_2561, %dma_wait3A_2571, %dma_wait3A_2572] : memref<26x100000x32xf32, #tpu.memory_space<hbm>> -> memref<1x100000x32xf32, #tpu.memory_space<hbm>>
      %dma_wait3A_2574 = tpu.memref_squeeze %dma_wait3A_2573 : memref<1x100000x32xf32, #tpu.memory_space<hbm>> -> memref<100000x32xf32, #tpu.memory_space<hbm>>
      %dma_wait3A_2575 = arith.constant 0 : i32
      %dma_wait3A_2576 = arith.constant 0 : i32
      %dma_wait3A_2577 = tpu.memref_slice %dma_wait3A_2574[%dma_wait3A_2575, %dma_wait3A_2576] : memref<100000x32xf32, #tpu.memory_space<hbm>> -> memref<100000x32xf32, #tpu.memory_space<hbm>>
      tpu.wait_indirect_dma semaphore(%arg9 : memref<!tpu.dma_semaphore, #tpu.memory_space<semaphore_mem>>) src(%dma_wait3A_2577 : memref<100000x32xf32, #tpu.memory_space<hbm>>) dst(%dma_wait3A_2567 : memref<128x32xf32, #tpu.memory_space<vmem>>)
      %dma_wait3A_2578 = arith.constant 12 : i32
      %dma_wait3A_2579 = arith.constant 12 : i32
      %dma_wait3A_2580 = arith.constant 12 : i32
      %dma_wait3A_2581 = arith.constant 0 : i32
      %dma_wait3A_2582 = arith.constant 0 : i32
      %dma_wait3A_2583 = tpu.memref_slice %arg7[%dma_wait3A_2580, %dma_wait3A_2581, %dma_wait3A_2582] : memref<26x128x32xf32, #tpu.memory_space<vmem>> -> memref<1x128x32xf32, #tpu.memory_space<vmem>>
      %dma_wait3A_2584 = tpu.memref_squeeze %dma_wait3A_2583 : memref<1x128x32xf32, #tpu.memory_space<vmem>> -> memref<128x32xf32, #tpu.memory_space<vmem>>
      %dma_wait3A_2585 = arith.constant 0 : i32
      %dma_wait3A_2586 = tpu.memref_slice %arg6[%dma_wait3A_2579, %dma_wait3A_2585] : memref<26x128xi32, #tpu.memory_space<vmem>> -> memref<1x128xi32, #tpu.memory_space<vmem>>
      %dma_wait3A_2587 = tpu.memref_squeeze %dma_wait3A_2586 : memref<1x128xi32, #tpu.memory_space<vmem>> -> memref<128xi32, #tpu.memory_space<vmem>>
      %dma_wait3A_2588 = arith.constant 0 : i32
      %dma_wait3A_2589 = arith.constant 0 : i32
      %dma_wait3A_2590 = tpu.memref_slice %arg3[%dma_wait3A_2578, %dma_wait3A_2588, %dma_wait3A_2589] : memref<26x100000x32xf32, #tpu.memory_space<hbm>> -> memref<1x100000x32xf32, #tpu.memory_space<hbm>>
      %dma_wait3A_2591 = tpu.memref_squeeze %dma_wait3A_2590 : memref<1x100000x32xf32, #tpu.memory_space<hbm>> -> memref<100000x32xf32, #tpu.memory_space<hbm>>
      %dma_wait3A_2592 = arith.constant 0 : i32
      %dma_wait3A_2593 = arith.constant 0 : i32
      %dma_wait3A_2594 = tpu.memref_slice %dma_wait3A_2591[%dma_wait3A_2592, %dma_wait3A_2593] : memref<100000x32xf32, #tpu.memory_space<hbm>> -> memref<100000x32xf32, #tpu.memory_space<hbm>>
      tpu.wait_indirect_dma semaphore(%arg9 : memref<!tpu.dma_semaphore, #tpu.memory_space<semaphore_mem>>) src(%dma_wait3A_2594 : memref<100000x32xf32, #tpu.memory_space<hbm>>) dst(%dma_wait3A_2584 : memref<128x32xf32, #tpu.memory_space<vmem>>)
      %dma_wait3A_2595 = arith.constant 13 : i32
      %dma_wait3A_2596 = arith.constant 13 : i32
      %dma_wait3A_2597 = arith.constant 13 : i32
      %dma_wait3A_2598 = arith.constant 0 : i32
      %dma_wait3A_2599 = arith.constant 0 : i32
      %dma_wait3A_2600 = tpu.memref_slice %arg7[%dma_wait3A_2597, %dma_wait3A_2598, %dma_wait3A_2599] : memref<26x128x32xf32, #tpu.memory_space<vmem>> -> memref<1x128x32xf32, #tpu.memory_space<vmem>>
      %dma_wait3A_2601 = tpu.memref_squeeze %dma_wait3A_2600 : memref<1x128x32xf32, #tpu.memory_space<vmem>> -> memref<128x32xf32, #tpu.memory_space<vmem>>
      %dma_wait3A_2602 = arith.constant 0 : i32
      %dma_wait3A_2603 = tpu.memref_slice %arg6[%dma_wait3A_2596, %dma_wait3A_2602] : memref<26x128xi32, #tpu.memory_space<vmem>> -> memref<1x128xi32, #tpu.memory_space<vmem>>
      %dma_wait3A_2604 = tpu.memref_squeeze %dma_wait3A_2603 : memref<1x128xi32, #tpu.memory_space<vmem>> -> memref<128xi32, #tpu.memory_space<vmem>>
      %dma_wait3A_2605 = arith.constant 0 : i32
      %dma_wait3A_2606 = arith.constant 0 : i32
      %dma_wait3A_2607 = tpu.memref_slice %arg3[%dma_wait3A_2595, %dma_wait3A_2605, %dma_wait3A_2606] : memref<26x100000x32xf32, #tpu.memory_space<hbm>> -> memref<1x100000x32xf32, #tpu.memory_space<hbm>>
      %dma_wait3A_2608 = tpu.memref_squeeze %dma_wait3A_2607 : memref<1x100000x32xf32, #tpu.memory_space<hbm>> -> memref<100000x32xf32, #tpu.memory_space<hbm>>
      %dma_wait3A_2609 = arith.constant 0 : i32
      %dma_wait3A_2610 = arith.constant 0 : i32
      %dma_wait3A_2611 = tpu.memref_slice %dma_wait3A_2608[%dma_wait3A_2609, %dma_wait3A_2610] : memref<100000x32xf32, #tpu.memory_space<hbm>> -> memref<100000x32xf32, #tpu.memory_space<hbm>>
      tpu.wait_indirect_dma semaphore(%arg9 : memref<!tpu.dma_semaphore, #tpu.memory_space<semaphore_mem>>) src(%dma_wait3A_2611 : memref<100000x32xf32, #tpu.memory_space<hbm>>) dst(%dma_wait3A_2601 : memref<128x32xf32, #tpu.memory_space<vmem>>)
      %dma_wait3A_2612 = arith.constant 14 : i32
      %dma_wait3A_2613 = arith.constant 14 : i32
      %dma_wait3A_2614 = arith.constant 14 : i32
      %dma_wait3A_2615 = arith.constant 0 : i32
      %dma_wait3A_2616 = arith.constant 0 : i32
      %dma_wait3A_2617 = tpu.memref_slice %arg7[%dma_wait3A_2614, %dma_wait3A_2615, %dma_wait3A_2616] : memref<26x128x32xf32, #tpu.memory_space<vmem>> -> memref<1x128x32xf32, #tpu.memory_space<vmem>>
      %dma_wait3A_2618 = tpu.memref_squeeze %dma_wait3A_2617 : memref<1x128x32xf32, #tpu.memory_space<vmem>> -> memref<128x32xf32, #tpu.memory_space<vmem>>
      %dma_wait3A_2619 = arith.constant 0 : i32
      %dma_wait3A_2620 = tpu.memref_slice %arg6[%dma_wait3A_2613, %dma_wait3A_2619] : memref<26x128xi32, #tpu.memory_space<vmem>> -> memref<1x128xi32, #tpu.memory_space<vmem>>
      %dma_wait3A_2621 = tpu.memref_squeeze %dma_wait3A_2620 : memref<1x128xi32, #tpu.memory_space<vmem>> -> memref<128xi32, #tpu.memory_space<vmem>>
      %dma_wait3A_2622 = arith.constant 0 : i32
      %dma_wait3A_2623 = arith.constant 0 : i32
      %dma_wait3A_2624 = tpu.memref_slice %arg3[%dma_wait3A_2612, %dma_wait3A_2622, %dma_wait3A_2623] : memref<26x100000x32xf32, #tpu.memory_space<hbm>> -> memref<1x100000x32xf32, #tpu.memory_space<hbm>>
      %dma_wait3A_2625 = tpu.memref_squeeze %dma_wait3A_2624 : memref<1x100000x32xf32, #tpu.memory_space<hbm>> -> memref<100000x32xf32, #tpu.memory_space<hbm>>
      %dma_wait3A_2626 = arith.constant 0 : i32
      %dma_wait3A_2627 = arith.constant 0 : i32
      %dma_wait3A_2628 = tpu.memref_slice %dma_wait3A_2625[%dma_wait3A_2626, %dma_wait3A_2627] : memref<100000x32xf32, #tpu.memory_space<hbm>> -> memref<100000x32xf32, #tpu.memory_space<hbm>>
      tpu.wait_indirect_dma semaphore(%arg9 : memref<!tpu.dma_semaphore, #tpu.memory_space<semaphore_mem>>) src(%dma_wait3A_2628 : memref<100000x32xf32, #tpu.memory_space<hbm>>) dst(%dma_wait3A_2618 : memref<128x32xf32, #tpu.memory_space<vmem>>)
      %dma_wait3A_2629 = arith.constant 15 : i32
      %dma_wait3A_2630 = arith.constant 15 : i32
      %dma_wait3A_2631 = arith.constant 15 : i32
      %dma_wait3A_2632 = arith.constant 0 : i32
      %dma_wait3A_2633 = arith.constant 0 : i32
      %dma_wait3A_2634 = tpu.memref_slice %arg7[%dma_wait3A_2631, %dma_wait3A_2632, %dma_wait3A_2633] : memref<26x128x32xf32, #tpu.memory_space<vmem>> -> memref<1x128x32xf32, #tpu.memory_space<vmem>>
      %dma_wait3A_2635 = tpu.memref_squeeze %dma_wait3A_2634 : memref<1x128x32xf32, #tpu.memory_space<vmem>> -> memref<128x32xf32, #tpu.memory_space<vmem>>
      %dma_wait3A_2636 = arith.constant 0 : i32
      %dma_wait3A_2637 = tpu.memref_slice %arg6[%dma_wait3A_2630, %dma_wait3A_2636] : memref<26x128xi32, #tpu.memory_space<vmem>> -> memref<1x128xi32, #tpu.memory_space<vmem>>
      %dma_wait3A_2638 = tpu.memref_squeeze %dma_wait3A_2637 : memref<1x128xi32, #tpu.memory_space<vmem>> -> memref<128xi32, #tpu.memory_space<vmem>>
      %dma_wait3A_2639 = arith.constant 0 : i32
      %dma_wait3A_2640 = arith.constant 0 : i32
      %dma_wait3A_2641 = tpu.memref_slice %arg3[%dma_wait3A_2629, %dma_wait3A_2639, %dma_wait3A_2640] : memref<26x100000x32xf32, #tpu.memory_space<hbm>> -> memref<1x100000x32xf32, #tpu.memory_space<hbm>>
      %dma_wait3A_2642 = tpu.memref_squeeze %dma_wait3A_2641 : memref<1x100000x32xf32, #tpu.memory_space<hbm>> -> memref<100000x32xf32, #tpu.memory_space<hbm>>
      %dma_wait3A_2643 = arith.constant 0 : i32
      %dma_wait3A_2644 = arith.constant 0 : i32
      %dma_wait3A_2645 = tpu.memref_slice %dma_wait3A_2642[%dma_wait3A_2643, %dma_wait3A_2644] : memref<100000x32xf32, #tpu.memory_space<hbm>> -> memref<100000x32xf32, #tpu.memory_space<hbm>>
      tpu.wait_indirect_dma semaphore(%arg9 : memref<!tpu.dma_semaphore, #tpu.memory_space<semaphore_mem>>) src(%dma_wait3A_2645 : memref<100000x32xf32, #tpu.memory_space<hbm>>) dst(%dma_wait3A_2635 : memref<128x32xf32, #tpu.memory_space<vmem>>)
      %dma_wait3A_2646 = arith.constant 16 : i32
      %dma_wait3A_2647 = arith.constant 16 : i32
      %dma_wait3A_2648 = arith.constant 16 : i32
      %dma_wait3A_2649 = arith.constant 0 : i32
      %dma_wait3A_2650 = arith.constant 0 : i32
      %dma_wait3A_2651 = tpu.memref_slice %arg7[%dma_wait3A_2648, %dma_wait3A_2649, %dma_wait3A_2650] : memref<26x128x32xf32, #tpu.memory_space<vmem>> -> memref<1x128x32xf32, #tpu.memory_space<vmem>>
      %dma_wait3A_2652 = tpu.memref_squeeze %dma_wait3A_2651 : memref<1x128x32xf32, #tpu.memory_space<vmem>> -> memref<128x32xf32, #tpu.memory_space<vmem>>
      %dma_wait3A_2653 = arith.constant 0 : i32
      %dma_wait3A_2654 = tpu.memref_slice %arg6[%dma_wait3A_2647, %dma_wait3A_2653] : memref<26x128xi32, #tpu.memory_space<vmem>> -> memref<1x128xi32, #tpu.memory_space<vmem>>
      %dma_wait3A_2655 = tpu.memref_squeeze %dma_wait3A_2654 : memref<1x128xi32, #tpu.memory_space<vmem>> -> memref<128xi32, #tpu.memory_space<vmem>>
      %dma_wait3A_2656 = arith.constant 0 : i32
      %dma_wait3A_2657 = arith.constant 0 : i32
      %dma_wait3A_2658 = tpu.memref_slice %arg3[%dma_wait3A_2646, %dma_wait3A_2656, %dma_wait3A_2657] : memref<26x100000x32xf32, #tpu.memory_space<hbm>> -> memref<1x100000x32xf32, #tpu.memory_space<hbm>>
      %dma_wait3A_2659 = tpu.memref_squeeze %dma_wait3A_2658 : memref<1x100000x32xf32, #tpu.memory_space<hbm>> -> memref<100000x32xf32, #tpu.memory_space<hbm>>
      %dma_wait3A_2660 = arith.constant 0 : i32
      %dma_wait3A_2661 = arith.constant 0 : i32
      %dma_wait3A_2662 = tpu.memref_slice %dma_wait3A_2659[%dma_wait3A_2660, %dma_wait3A_2661] : memref<100000x32xf32, #tpu.memory_space<hbm>> -> memref<100000x32xf32, #tpu.memory_space<hbm>>
      tpu.wait_indirect_dma semaphore(%arg9 : memref<!tpu.dma_semaphore, #tpu.memory_space<semaphore_mem>>) src(%dma_wait3A_2662 : memref<100000x32xf32, #tpu.memory_space<hbm>>) dst(%dma_wait3A_2652 : memref<128x32xf32, #tpu.memory_space<vmem>>)
      %dma_wait3A_2663 = arith.constant 17 : i32
      %dma_wait3A_2664 = arith.constant 17 : i32
      %dma_wait3A_2665 = arith.constant 17 : i32
      %dma_wait3A_2666 = arith.constant 0 : i32
      %dma_wait3A_2667 = arith.constant 0 : i32
      %dma_wait3A_2668 = tpu.memref_slice %arg7[%dma_wait3A_2665, %dma_wait3A_2666, %dma_wait3A_2667] : memref<26x128x32xf32, #tpu.memory_space<vmem>> -> memref<1x128x32xf32, #tpu.memory_space<vmem>>
      %dma_wait3A_2669 = tpu.memref_squeeze %dma_wait3A_2668 : memref<1x128x32xf32, #tpu.memory_space<vmem>> -> memref<128x32xf32, #tpu.memory_space<vmem>>
      %dma_wait3A_2670 = arith.constant 0 : i32
      %dma_wait3A_2671 = tpu.memref_slice %arg6[%dma_wait3A_2664, %dma_wait3A_2670] : memref<26x128xi32, #tpu.memory_space<vmem>> -> memref<1x128xi32, #tpu.memory_space<vmem>>
      %dma_wait3A_2672 = tpu.memref_squeeze %dma_wait3A_2671 : memref<1x128xi32, #tpu.memory_space<vmem>> -> memref<128xi32, #tpu.memory_space<vmem>>
      %dma_wait3A_2673 = arith.constant 0 : i32
      %dma_wait3A_2674 = arith.constant 0 : i32
      %dma_wait3A_2675 = tpu.memref_slice %arg3[%dma_wait3A_2663, %dma_wait3A_2673, %dma_wait3A_2674] : memref<26x100000x32xf32, #tpu.memory_space<hbm>> -> memref<1x100000x32xf32, #tpu.memory_space<hbm>>
      %dma_wait3A_2676 = tpu.memref_squeeze %dma_wait3A_2675 : memref<1x100000x32xf32, #tpu.memory_space<hbm>> -> memref<100000x32xf32, #tpu.memory_space<hbm>>
      %dma_wait3A_2677 = arith.constant 0 : i32
      %dma_wait3A_2678 = arith.constant 0 : i32
      %dma_wait3A_2679 = tpu.memref_slice %dma_wait3A_2676[%dma_wait3A_2677, %dma_wait3A_2678] : memref<100000x32xf32, #tpu.memory_space<hbm>> -> memref<100000x32xf32, #tpu.memory_space<hbm>>
      tpu.wait_indirect_dma semaphore(%arg9 : memref<!tpu.dma_semaphore, #tpu.memory_space<semaphore_mem>>) src(%dma_wait3A_2679 : memref<100000x32xf32, #tpu.memory_space<hbm>>) dst(%dma_wait3A_2669 : memref<128x32xf32, #tpu.memory_space<vmem>>)
      %dma_wait3A_2680 = arith.constant 18 : i32
      %dma_wait3A_2681 = arith.constant 18 : i32
      %dma_wait3A_2682 = arith.constant 18 : i32
      %dma_wait3A_2683 = arith.constant 0 : i32
      %dma_wait3A_2684 = arith.constant 0 : i32
      %dma_wait3A_2685 = tpu.memref_slice %arg7[%dma_wait3A_2682, %dma_wait3A_2683, %dma_wait3A_2684] : memref<26x128x32xf32, #tpu.memory_space<vmem>> -> memref<1x128x32xf32, #tpu.memory_space<vmem>>
      %dma_wait3A_2686 = tpu.memref_squeeze %dma_wait3A_2685 : memref<1x128x32xf32, #tpu.memory_space<vmem>> -> memref<128x32xf32, #tpu.memory_space<vmem>>
      %dma_wait3A_2687 = arith.constant 0 : i32
      %dma_wait3A_2688 = tpu.memref_slice %arg6[%dma_wait3A_2681, %dma_wait3A_2687] : memref<26x128xi32, #tpu.memory_space<vmem>> -> memref<1x128xi32, #tpu.memory_space<vmem>>
      %dma_wait3A_2689 = tpu.memref_squeeze %dma_wait3A_2688 : memref<1x128xi32, #tpu.memory_space<vmem>> -> memref<128xi32, #tpu.memory_space<vmem>>
      %dma_wait3A_2690 = arith.constant 0 : i32
      %dma_wait3A_2691 = arith.constant 0 : i32
      %dma_wait3A_2692 = tpu.memref_slice %arg3[%dma_wait3A_2680, %dma_wait3A_2690, %dma_wait3A_2691] : memref<26x100000x32xf32, #tpu.memory_space<hbm>> -> memref<1x100000x32xf32, #tpu.memory_space<hbm>>
      %dma_wait3A_2693 = tpu.memref_squeeze %dma_wait3A_2692 : memref<1x100000x32xf32, #tpu.memory_space<hbm>> -> memref<100000x32xf32, #tpu.memory_space<hbm>>
      %dma_wait3A_2694 = arith.constant 0 : i32
      %dma_wait3A_2695 = arith.constant 0 : i32
      %dma_wait3A_2696 = tpu.memref_slice %dma_wait3A_2693[%dma_wait3A_2694, %dma_wait3A_2695] : memref<100000x32xf32, #tpu.memory_space<hbm>> -> memref<100000x32xf32, #tpu.memory_space<hbm>>
      tpu.wait_indirect_dma semaphore(%arg9 : memref<!tpu.dma_semaphore, #tpu.memory_space<semaphore_mem>>) src(%dma_wait3A_2696 : memref<100000x32xf32, #tpu.memory_space<hbm>>) dst(%dma_wait3A_2686 : memref<128x32xf32, #tpu.memory_space<vmem>>)
      %dma_wait3A_2697 = arith.constant 19 : i32
      %dma_wait3A_2698 = arith.constant 19 : i32
      %dma_wait3A_2699 = arith.constant 19 : i32
      %dma_wait3A_2700 = arith.constant 0 : i32
      %dma_wait3A_2701 = arith.constant 0 : i32
      %dma_wait3A_2702 = tpu.memref_slice %arg7[%dma_wait3A_2699, %dma_wait3A_2700, %dma_wait3A_2701] : memref<26x128x32xf32, #tpu.memory_space<vmem>> -> memref<1x128x32xf32, #tpu.memory_space<vmem>>
      %dma_wait3A_2703 = tpu.memref_squeeze %dma_wait3A_2702 : memref<1x128x32xf32, #tpu.memory_space<vmem>> -> memref<128x32xf32, #tpu.memory_space<vmem>>
      %dma_wait3A_2704 = arith.constant 0 : i32
      %dma_wait3A_2705 = tpu.memref_slice %arg6[%dma_wait3A_2698, %dma_wait3A_2704] : memref<26x128xi32, #tpu.memory_space<vmem>> -> memref<1x128xi32, #tpu.memory_space<vmem>>
      %dma_wait3A_2706 = tpu.memref_squeeze %dma_wait3A_2705 : memref<1x128xi32, #tpu.memory_space<vmem>> -> memref<128xi32, #tpu.memory_space<vmem>>
      %dma_wait3A_2707 = arith.constant 0 : i32
      %dma_wait3A_2708 = arith.constant 0 : i32
      %dma_wait3A_2709 = tpu.memref_slice %arg3[%dma_wait3A_2697, %dma_wait3A_2707, %dma_wait3A_2708] : memref<26x100000x32xf32, #tpu.memory_space<hbm>> -> memref<1x100000x32xf32, #tpu.memory_space<hbm>>
      %dma_wait3A_2710 = tpu.memref_squeeze %dma_wait3A_2709 : memref<1x100000x32xf32, #tpu.memory_space<hbm>> -> memref<100000x32xf32, #tpu.memory_space<hbm>>
      %dma_wait3A_2711 = arith.constant 0 : i32
      %dma_wait3A_2712 = arith.constant 0 : i32
      %dma_wait3A_2713 = tpu.memref_slice %dma_wait3A_2710[%dma_wait3A_2711, %dma_wait3A_2712] : memref<100000x32xf32, #tpu.memory_space<hbm>> -> memref<100000x32xf32, #tpu.memory_space<hbm>>
      tpu.wait_indirect_dma semaphore(%arg9 : memref<!tpu.dma_semaphore, #tpu.memory_space<semaphore_mem>>) src(%dma_wait3A_2713 : memref<100000x32xf32, #tpu.memory_space<hbm>>) dst(%dma_wait3A_2703 : memref<128x32xf32, #tpu.memory_space<vmem>>)
      %dma_wait3A_2714 = arith.constant 20 : i32
      %dma_wait3A_2715 = arith.constant 20 : i32
      %dma_wait3A_2716 = arith.constant 20 : i32
      %dma_wait3A_2717 = arith.constant 0 : i32
      %dma_wait3A_2718 = arith.constant 0 : i32
      %dma_wait3A_2719 = tpu.memref_slice %arg7[%dma_wait3A_2716, %dma_wait3A_2717, %dma_wait3A_2718] : memref<26x128x32xf32, #tpu.memory_space<vmem>> -> memref<1x128x32xf32, #tpu.memory_space<vmem>>
      %dma_wait3A_2720 = tpu.memref_squeeze %dma_wait3A_2719 : memref<1x128x32xf32, #tpu.memory_space<vmem>> -> memref<128x32xf32, #tpu.memory_space<vmem>>
      %dma_wait3A_2721 = arith.constant 0 : i32
      %dma_wait3A_2722 = tpu.memref_slice %arg6[%dma_wait3A_2715, %dma_wait3A_2721] : memref<26x128xi32, #tpu.memory_space<vmem>> -> memref<1x128xi32, #tpu.memory_space<vmem>>
      %dma_wait3A_2723 = tpu.memref_squeeze %dma_wait3A_2722 : memref<1x128xi32, #tpu.memory_space<vmem>> -> memref<128xi32, #tpu.memory_space<vmem>>
      %dma_wait3A_2724 = arith.constant 0 : i32
      %dma_wait3A_2725 = arith.constant 0 : i32
      %dma_wait3A_2726 = tpu.memref_slice %arg3[%dma_wait3A_2714, %dma_wait3A_2724, %dma_wait3A_2725] : memref<26x100000x32xf32, #tpu.memory_space<hbm>> -> memref<1x100000x32xf32, #tpu.memory_space<hbm>>
      %dma_wait3A_2727 = tpu.memref_squeeze %dma_wait3A_2726 : memref<1x100000x32xf32, #tpu.memory_space<hbm>> -> memref<100000x32xf32, #tpu.memory_space<hbm>>
      %dma_wait3A_2728 = arith.constant 0 : i32
      %dma_wait3A_2729 = arith.constant 0 : i32
      %dma_wait3A_2730 = tpu.memref_slice %dma_wait3A_2727[%dma_wait3A_2728, %dma_wait3A_2729] : memref<100000x32xf32, #tpu.memory_space<hbm>> -> memref<100000x32xf32, #tpu.memory_space<hbm>>
      tpu.wait_indirect_dma semaphore(%arg9 : memref<!tpu.dma_semaphore, #tpu.memory_space<semaphore_mem>>) src(%dma_wait3A_2730 : memref<100000x32xf32, #tpu.memory_space<hbm>>) dst(%dma_wait3A_2720 : memref<128x32xf32, #tpu.memory_space<vmem>>)
      %dma_wait3A_2731 = arith.constant 21 : i32
      %dma_wait3A_2732 = arith.constant 21 : i32
      %dma_wait3A_2733 = arith.constant 21 : i32
      %dma_wait3A_2734 = arith.constant 0 : i32
      %dma_wait3A_2735 = arith.constant 0 : i32
      %dma_wait3A_2736 = tpu.memref_slice %arg7[%dma_wait3A_2733, %dma_wait3A_2734, %dma_wait3A_2735] : memref<26x128x32xf32, #tpu.memory_space<vmem>> -> memref<1x128x32xf32, #tpu.memory_space<vmem>>
      %dma_wait3A_2737 = tpu.memref_squeeze %dma_wait3A_2736 : memref<1x128x32xf32, #tpu.memory_space<vmem>> -> memref<128x32xf32, #tpu.memory_space<vmem>>
      %dma_wait3A_2738 = arith.constant 0 : i32
      %dma_wait3A_2739 = tpu.memref_slice %arg6[%dma_wait3A_2732, %dma_wait3A_2738] : memref<26x128xi32, #tpu.memory_space<vmem>> -> memref<1x128xi32, #tpu.memory_space<vmem>>
      %dma_wait3A_2740 = tpu.memref_squeeze %dma_wait3A_2739 : memref<1x128xi32, #tpu.memory_space<vmem>> -> memref<128xi32, #tpu.memory_space<vmem>>
      %dma_wait3A_2741 = arith.constant 0 : i32
      %dma_wait3A_2742 = arith.constant 0 : i32
      %dma_wait3A_2743 = tpu.memref_slice %arg3[%dma_wait3A_2731, %dma_wait3A_2741, %dma_wait3A_2742] : memref<26x100000x32xf32, #tpu.memory_space<hbm>> -> memref<1x100000x32xf32, #tpu.memory_space<hbm>>
      %dma_wait3A_2744 = tpu.memref_squeeze %dma_wait3A_2743 : memref<1x100000x32xf32, #tpu.memory_space<hbm>> -> memref<100000x32xf32, #tpu.memory_space<hbm>>
      %dma_wait3A_2745 = arith.constant 0 : i32
      %dma_wait3A_2746 = arith.constant 0 : i32
      %dma_wait3A_2747 = tpu.memref_slice %dma_wait3A_2744[%dma_wait3A_2745, %dma_wait3A_2746] : memref<100000x32xf32, #tpu.memory_space<hbm>> -> memref<100000x32xf32, #tpu.memory_space<hbm>>
      tpu.wait_indirect_dma semaphore(%arg9 : memref<!tpu.dma_semaphore, #tpu.memory_space<semaphore_mem>>) src(%dma_wait3A_2747 : memref<100000x32xf32, #tpu.memory_space<hbm>>) dst(%dma_wait3A_2737 : memref<128x32xf32, #tpu.memory_space<vmem>>)
      %dma_wait3A_2748 = arith.constant 22 : i32
      %dma_wait3A_2749 = arith.constant 22 : i32
      %dma_wait3A_2750 = arith.constant 22 : i32
      %dma_wait3A_2751 = arith.constant 0 : i32
      %dma_wait3A_2752 = arith.constant 0 : i32
      %dma_wait3A_2753 = tpu.memref_slice %arg7[%dma_wait3A_2750, %dma_wait3A_2751, %dma_wait3A_2752] : memref<26x128x32xf32, #tpu.memory_space<vmem>> -> memref<1x128x32xf32, #tpu.memory_space<vmem>>
      %dma_wait3A_2754 = tpu.memref_squeeze %dma_wait3A_2753 : memref<1x128x32xf32, #tpu.memory_space<vmem>> -> memref<128x32xf32, #tpu.memory_space<vmem>>
      %dma_wait3A_2755 = arith.constant 0 : i32
      %dma_wait3A_2756 = tpu.memref_slice %arg6[%dma_wait3A_2749, %dma_wait3A_2755] : memref<26x128xi32, #tpu.memory_space<vmem>> -> memref<1x128xi32, #tpu.memory_space<vmem>>
      %dma_wait3A_2757 = tpu.memref_squeeze %dma_wait3A_2756 : memref<1x128xi32, #tpu.memory_space<vmem>> -> memref<128xi32, #tpu.memory_space<vmem>>
      %dma_wait3A_2758 = arith.constant 0 : i32
      %dma_wait3A_2759 = arith.constant 0 : i32
      %dma_wait3A_2760 = tpu.memref_slice %arg3[%dma_wait3A_2748, %dma_wait3A_2758, %dma_wait3A_2759] : memref<26x100000x32xf32, #tpu.memory_space<hbm>> -> memref<1x100000x32xf32, #tpu.memory_space<hbm>>
      %dma_wait3A_2761 = tpu.memref_squeeze %dma_wait3A_2760 : memref<1x100000x32xf32, #tpu.memory_space<hbm>> -> memref<100000x32xf32, #tpu.memory_space<hbm>>
      %dma_wait3A_2762 = arith.constant 0 : i32
      %dma_wait3A_2763 = arith.constant 0 : i32
      %dma_wait3A_2764 = tpu.memref_slice %dma_wait3A_2761[%dma_wait3A_2762, %dma_wait3A_2763] : memref<100000x32xf32, #tpu.memory_space<hbm>> -> memref<100000x32xf32, #tpu.memory_space<hbm>>
      tpu.wait_indirect_dma semaphore(%arg9 : memref<!tpu.dma_semaphore, #tpu.memory_space<semaphore_mem>>) src(%dma_wait3A_2764 : memref<100000x32xf32, #tpu.memory_space<hbm>>) dst(%dma_wait3A_2754 : memref<128x32xf32, #tpu.memory_space<vmem>>)
      %dma_wait3A_2765 = arith.constant 23 : i32
      %dma_wait3A_2766 = arith.constant 23 : i32
      %dma_wait3A_2767 = arith.constant 23 : i32
      %dma_wait3A_2768 = arith.constant 0 : i32
      %dma_wait3A_2769 = arith.constant 0 : i32
      %dma_wait3A_2770 = tpu.memref_slice %arg7[%dma_wait3A_2767, %dma_wait3A_2768, %dma_wait3A_2769] : memref<26x128x32xf32, #tpu.memory_space<vmem>> -> memref<1x128x32xf32, #tpu.memory_space<vmem>>
      %dma_wait3A_2771 = tpu.memref_squeeze %dma_wait3A_2770 : memref<1x128x32xf32, #tpu.memory_space<vmem>> -> memref<128x32xf32, #tpu.memory_space<vmem>>
      %dma_wait3A_2772 = arith.constant 0 : i32
      %dma_wait3A_2773 = tpu.memref_slice %arg6[%dma_wait3A_2766, %dma_wait3A_2772] : memref<26x128xi32, #tpu.memory_space<vmem>> -> memref<1x128xi32, #tpu.memory_space<vmem>>
      %dma_wait3A_2774 = tpu.memref_squeeze %dma_wait3A_2773 : memref<1x128xi32, #tpu.memory_space<vmem>> -> memref<128xi32, #tpu.memory_space<vmem>>
      %dma_wait3A_2775 = arith.constant 0 : i32
      %dma_wait3A_2776 = arith.constant 0 : i32
      %dma_wait3A_2777 = tpu.memref_slice %arg3[%dma_wait3A_2765, %dma_wait3A_2775, %dma_wait3A_2776] : memref<26x100000x32xf32, #tpu.memory_space<hbm>> -> memref<1x100000x32xf32, #tpu.memory_space<hbm>>
      %dma_wait3A_2778 = tpu.memref_squeeze %dma_wait3A_2777 : memref<1x100000x32xf32, #tpu.memory_space<hbm>> -> memref<100000x32xf32, #tpu.memory_space<hbm>>
      %dma_wait3A_2779 = arith.constant 0 : i32
      %dma_wait3A_2780 = arith.constant 0 : i32
      %dma_wait3A_2781 = tpu.memref_slice %dma_wait3A_2778[%dma_wait3A_2779, %dma_wait3A_2780] : memref<100000x32xf32, #tpu.memory_space<hbm>> -> memref<100000x32xf32, #tpu.memory_space<hbm>>
      tpu.wait_indirect_dma semaphore(%arg9 : memref<!tpu.dma_semaphore, #tpu.memory_space<semaphore_mem>>) src(%dma_wait3A_2781 : memref<100000x32xf32, #tpu.memory_space<hbm>>) dst(%dma_wait3A_2771 : memref<128x32xf32, #tpu.memory_space<vmem>>)
      %dma_wait3A_2782 = arith.constant 24 : i32
      %dma_wait3A_2783 = arith.constant 24 : i32
      %dma_wait3A_2784 = arith.constant 24 : i32
      %dma_wait3A_2785 = arith.constant 0 : i32
      %dma_wait3A_2786 = arith.constant 0 : i32
      %dma_wait3A_2787 = tpu.memref_slice %arg7[%dma_wait3A_2784, %dma_wait3A_2785, %dma_wait3A_2786] : memref<26x128x32xf32, #tpu.memory_space<vmem>> -> memref<1x128x32xf32, #tpu.memory_space<vmem>>
      %dma_wait3A_2788 = tpu.memref_squeeze %dma_wait3A_2787 : memref<1x128x32xf32, #tpu.memory_space<vmem>> -> memref<128x32xf32, #tpu.memory_space<vmem>>
      %dma_wait3A_2789 = arith.constant 0 : i32
      %dma_wait3A_2790 = tpu.memref_slice %arg6[%dma_wait3A_2783, %dma_wait3A_2789] : memref<26x128xi32, #tpu.memory_space<vmem>> -> memref<1x128xi32, #tpu.memory_space<vmem>>
      %dma_wait3A_2791 = tpu.memref_squeeze %dma_wait3A_2790 : memref<1x128xi32, #tpu.memory_space<vmem>> -> memref<128xi32, #tpu.memory_space<vmem>>
      %dma_wait3A_2792 = arith.constant 0 : i32
      %dma_wait3A_2793 = arith.constant 0 : i32
      %dma_wait3A_2794 = tpu.memref_slice %arg3[%dma_wait3A_2782, %dma_wait3A_2792, %dma_wait3A_2793] : memref<26x100000x32xf32, #tpu.memory_space<hbm>> -> memref<1x100000x32xf32, #tpu.memory_space<hbm>>
      %dma_wait3A_2795 = tpu.memref_squeeze %dma_wait3A_2794 : memref<1x100000x32xf32, #tpu.memory_space<hbm>> -> memref<100000x32xf32, #tpu.memory_space<hbm>>
      %dma_wait3A_2796 = arith.constant 0 : i32
      %dma_wait3A_2797 = arith.constant 0 : i32
      %dma_wait3A_2798 = tpu.memref_slice %dma_wait3A_2795[%dma_wait3A_2796, %dma_wait3A_2797] : memref<100000x32xf32, #tpu.memory_space<hbm>> -> memref<100000x32xf32, #tpu.memory_space<hbm>>
      tpu.wait_indirect_dma semaphore(%arg9 : memref<!tpu.dma_semaphore, #tpu.memory_space<semaphore_mem>>) src(%dma_wait3A_2798 : memref<100000x32xf32, #tpu.memory_space<hbm>>) dst(%dma_wait3A_2788 : memref<128x32xf32, #tpu.memory_space<vmem>>)
      %dma_wait3A_2799 = arith.constant 25 : i32
      %dma_wait3A_2800 = arith.constant 25 : i32
      %dma_wait3A_2801 = arith.constant 25 : i32
      %dma_wait3A_2802 = arith.constant 0 : i32
      %dma_wait3A_2803 = arith.constant 0 : i32
      %dma_wait3A_2804 = tpu.memref_slice %arg7[%dma_wait3A_2801, %dma_wait3A_2802, %dma_wait3A_2803] : memref<26x128x32xf32, #tpu.memory_space<vmem>> -> memref<1x128x32xf32, #tpu.memory_space<vmem>>
      %dma_wait3A_2805 = tpu.memref_squeeze %dma_wait3A_2804 : memref<1x128x32xf32, #tpu.memory_space<vmem>> -> memref<128x32xf32, #tpu.memory_space<vmem>>
      %dma_wait3A_2806 = arith.constant 0 : i32
      %dma_wait3A_2807 = tpu.memref_slice %arg6[%dma_wait3A_2800, %dma_wait3A_2806] : memref<26x128xi32, #tpu.memory_space<vmem>> -> memref<1x128xi32, #tpu.memory_space<vmem>>
      %dma_wait3A_2808 = tpu.memref_squeeze %dma_wait3A_2807 : memref<1x128xi32, #tpu.memory_space<vmem>> -> memref<128xi32, #tpu.memory_space<vmem>>
      %dma_wait3A_2809 = arith.constant 0 : i32
      %dma_wait3A_2810 = arith.constant 0 : i32
      %dma_wait3A_2811 = tpu.memref_slice %arg3[%dma_wait3A_2799, %dma_wait3A_2809, %dma_wait3A_2810] : memref<26x100000x32xf32, #tpu.memory_space<hbm>> -> memref<1x100000x32xf32, #tpu.memory_space<hbm>>
      %dma_wait3A_2812 = tpu.memref_squeeze %dma_wait3A_2811 : memref<1x100000x32xf32, #tpu.memory_space<hbm>> -> memref<100000x32xf32, #tpu.memory_space<hbm>>
      %dma_wait3A_2813 = arith.constant 0 : i32
      %dma_wait3A_2814 = arith.constant 0 : i32
      %dma_wait3A_2815 = tpu.memref_slice %dma_wait3A_2812[%dma_wait3A_2813, %dma_wait3A_2814] : memref<100000x32xf32, #tpu.memory_space<hbm>> -> memref<100000x32xf32, #tpu.memory_space<hbm>>
      tpu.wait_indirect_dma semaphore(%arg9 : memref<!tpu.dma_semaphore, #tpu.memory_space<semaphore_mem>>) src(%dma_wait3A_2815 : memref<100000x32xf32, #tpu.memory_space<hbm>>) dst(%dma_wait3A_2805 : memref<128x32xf32, #tpu.memory_space<vmem>>)
      %scan3A_2816 = arith.constant 0 : i32
      %scan3A_2817 = arith.constant 0 : i32
      %scan3A_2818 = arith.constant 128 : i32
      %scan3A_2819 = arith.addi %scan3A_2817, %scan3A_2818 : i32
      %scan3A_2820 = arith.constant 1 : i32
      %scan3A_2821 = scf.for %scan3A_2824 = %scan3A_2817 to %scan3A_2819 step %scan3A_2820 iter_args(%scan3A_2825 = %scan3A_2816) -> (i32)  : i32 {
        %get3A = arith.constant 0 : i32
        %get3A_2826 = arith.index_cast %get3A : i32 to index
        %get3A_2827 = arith.index_cast %scan3A_2824 : i32 to index
        %get3A_2828 = arith.constant 0 : index
        %get3A_2829 = tpu.vector_load %arg7[%get3A_2826, %get3A_2827, %get3A_2828] {strides = array<i32>} : memref<26x128x32xf32, #tpu.memory_space<vmem>>, vector<16xf32>,
        %get3A_2830 = arith.constant 0 : i32
        %get3A_2831 = arith.index_cast %get3A_2830 : i32 to index
        %get3A_2832 = arith.index_cast %scan3A_2824 : i32 to index
        %get3A_2833 = arith.constant 16 : index
        %get3A_2834 = tpu.vector_load %arg7[%get3A_2831, %get3A_2832, %get3A_2833] {strides = array<i32>} : memref<26x128x32xf32, #tpu.memory_space<vmem>>, vector<16xf32>,
        %get3A_2835 = arith.constant 1 : i32
        %get3A_2836 = arith.index_cast %get3A_2835 : i32 to index
        %get3A_2837 = arith.index_cast %scan3A_2824 : i32 to index
        %get3A_2838 = arith.constant 0 : index
        %get3A_2839 = tpu.vector_load %arg7[%get3A_2836, %get3A_2837, %get3A_2838] {strides = array<i32>} : memref<26x128x32xf32, #tpu.memory_space<vmem>>, vector<16xf32>,
        %add3A_2840 = arith.addf %get3A_2829, %get3A_2839 : vector<16xf32>
        %get3A_2841 = arith.constant 1 : i32
        %get3A_2842 = arith.index_cast %get3A_2841 : i32 to index
        %get3A_2843 = arith.index_cast %scan3A_2824 : i32 to index
        %get3A_2844 = arith.constant 16 : index
        %get3A_2845 = tpu.vector_load %arg7[%get3A_2842, %get3A_2843, %get3A_2844] {strides = array<i32>} : memref<26x128x32xf32, #tpu.memory_space<vmem>>, vector<16xf32>,
        %add3A_2846 = arith.addf %get3A_2834, %get3A_2845 : vector<16xf32>
        %get3A_2847 = arith.constant 2 : i32
        %get3A_2848 = arith.index_cast %get3A_2847 : i32 to index
        %get3A_2849 = arith.index_cast %scan3A_2824 : i32 to index
        %get3A_2850 = arith.constant 0 : index
        %get3A_2851 = tpu.vector_load %arg7[%get3A_2848, %get3A_2849, %get3A_2850] {strides = array<i32>} : memref<26x128x32xf32, #tpu.memory_space<vmem>>, vector<16xf32>,
        %add3A_2852 = arith.addf %add3A_2840, %get3A_2851 : vector<16xf32>
        %get3A_2853 = arith.constant 2 : i32
        %get3A_2854 = arith.index_cast %get3A_2853 : i32 to index
        %get3A_2855 = arith.index_cast %scan3A_2824 : i32 to index
        %get3A_2856 = arith.constant 16 : index
        %get3A_2857 = tpu.vector_load %arg7[%get3A_2854, %get3A_2855, %get3A_2856] {strides = array<i32>} : memref<26x128x32xf32, #tpu.memory_space<vmem>>, vector<16xf32>,
        %add3A_2858 = arith.addf %add3A_2846, %get3A_2857 : vector<16xf32>
        %get3A_2859 = arith.constant 3 : i32
        %get3A_2860 = arith.index_cast %get3A_2859 : i32 to index
        %get3A_2861 = arith.index_cast %scan3A_2824 : i32 to index
        %get3A_2862 = arith.constant 0 : index
        %get3A_2863 = tpu.vector_load %arg7[%get3A_2860, %get3A_2861, %get3A_2862] {strides = array<i32>} : memref<26x128x32xf32, #tpu.memory_space<vmem>>, vector<16xf32>,
        %add3A_2864 = arith.addf %add3A_2852, %get3A_2863 : vector<16xf32>
        %get3A_2865 = arith.constant 3 : i32
        %get3A_2866 = arith.index_cast %get3A_2865 : i32 to index
        %get3A_2867 = arith.index_cast %scan3A_2824 : i32 to index
        %get3A_2868 = arith.constant 16 : index
        %get3A_2869 = tpu.vector_load %arg7[%get3A_2866, %get3A_2867, %get3A_2868] {strides = array<i32>} : memref<26x128x32xf32, #tpu.memory_space<vmem>>, vector<16xf32>,
        %add3A_2870 = arith.addf %add3A_2858, %get3A_2869 : vector<16xf32>
        %get3A_2871 = arith.constant 4 : i32
        %get3A_2872 = arith.index_cast %get3A_2871 : i32 to index
        %get3A_2873 = arith.index_cast %scan3A_2824 : i32 to index
        %get3A_2874 = arith.constant 0 : index
        %get3A_2875 = tpu.vector_load %arg7[%get3A_2872, %get3A_2873, %get3A_2874] {strides = array<i32>} : memref<26x128x32xf32, #tpu.memory_space<vmem>>, vector<16xf32>,
        %add3A_2876 = arith.addf %add3A_2864, %get3A_2875 : vector<16xf32>
        %get3A_2877 = arith.constant 4 : i32
        %get3A_2878 = arith.index_cast %get3A_2877 : i32 to index
        %get3A_2879 = arith.index_cast %scan3A_2824 : i32 to index
        %get3A_2880 = arith.constant 16 : index
        %get3A_2881 = tpu.vector_load %arg7[%get3A_2878, %get3A_2879, %get3A_2880] {strides = array<i32>} : memref<26x128x32xf32, #tpu.memory_space<vmem>>, vector<16xf32>,
        %add3A_2882 = arith.addf %add3A_2870, %get3A_2881 : vector<16xf32>
        %get3A_2883 = arith.constant 5 : i32
        %get3A_2884 = arith.index_cast %get3A_2883 : i32 to index
        %get3A_2885 = arith.index_cast %scan3A_2824 : i32 to index
        %get3A_2886 = arith.constant 0 : index
        %get3A_2887 = tpu.vector_load %arg7[%get3A_2884, %get3A_2885, %get3A_2886] {strides = array<i32>} : memref<26x128x32xf32, #tpu.memory_space<vmem>>, vector<16xf32>,
        %add3A_2888 = arith.addf %add3A_2876, %get3A_2887 : vector<16xf32>
        %get3A_2889 = arith.constant 5 : i32
        %get3A_2890 = arith.index_cast %get3A_2889 : i32 to index
        %get3A_2891 = arith.index_cast %scan3A_2824 : i32 to index
        %get3A_2892 = arith.constant 16 : index
        %get3A_2893 = tpu.vector_load %arg7[%get3A_2890, %get3A_2891, %get3A_2892] {strides = array<i32>} : memref<26x128x32xf32, #tpu.memory_space<vmem>>, vector<16xf32>,
        %add3A_2894 = arith.addf %add3A_2882, %get3A_2893 : vector<16xf32>
        %get3A_2895 = arith.constant 6 : i32
        %get3A_2896 = arith.index_cast %get3A_2895 : i32 to index
        %get3A_2897 = arith.index_cast %scan3A_2824 : i32 to index
        %get3A_2898 = arith.constant 0 : index
        %get3A_2899 = tpu.vector_load %arg7[%get3A_2896, %get3A_2897, %get3A_2898] {strides = array<i32>} : memref<26x128x32xf32, #tpu.memory_space<vmem>>, vector<16xf32>,
        %add3A_2900 = arith.addf %add3A_2888, %get3A_2899 : vector<16xf32>
        %get3A_2901 = arith.constant 6 : i32
        %get3A_2902 = arith.index_cast %get3A_2901 : i32 to index
        %get3A_2903 = arith.index_cast %scan3A_2824 : i32 to index
        %get3A_2904 = arith.constant 16 : index
        %get3A_2905 = tpu.vector_load %arg7[%get3A_2902, %get3A_2903, %get3A_2904] {strides = array<i32>} : memref<26x128x32xf32, #tpu.memory_space<vmem>>, vector<16xf32>,
        %add3A_2906 = arith.addf %add3A_2894, %get3A_2905 : vector<16xf32>
        %get3A_2907 = arith.constant 7 : i32
        %get3A_2908 = arith.index_cast %get3A_2907 : i32 to index
        %get3A_2909 = arith.index_cast %scan3A_2824 : i32 to index
        %get3A_2910 = arith.constant 0 : index
        %get3A_2911 = tpu.vector_load %arg7[%get3A_2908, %get3A_2909, %get3A_2910] {strides = array<i32>} : memref<26x128x32xf32, #tpu.memory_space<vmem>>, vector<16xf32>,
        %add3A_2912 = arith.addf %add3A_2900, %get3A_2911 : vector<16xf32>
        %get3A_2913 = arith.constant 7 : i32
        %get3A_2914 = arith.index_cast %get3A_2913 : i32 to index
        %get3A_2915 = arith.index_cast %scan3A_2824 : i32 to index
        %get3A_2916 = arith.constant 16 : index
        %get3A_2917 = tpu.vector_load %arg7[%get3A_2914, %get3A_2915, %get3A_2916] {strides = array<i32>} : memref<26x128x32xf32, #tpu.memory_space<vmem>>, vector<16xf32>,
        %add3A_2918 = arith.addf %add3A_2906, %get3A_2917 : vector<16xf32>
        %get3A_2919 = arith.constant 8 : i32
        %get3A_2920 = arith.index_cast %get3A_2919 : i32 to index
        %get3A_2921 = arith.index_cast %scan3A_2824 : i32 to index
        %get3A_2922 = arith.constant 0 : index
        %get3A_2923 = tpu.vector_load %arg7[%get3A_2920, %get3A_2921, %get3A_2922] {strides = array<i32>} : memref<26x128x32xf32, #tpu.memory_space<vmem>>, vector<16xf32>,
        %add3A_2924 = arith.addf %add3A_2912, %get3A_2923 : vector<16xf32>
        %get3A_2925 = arith.constant 8 : i32
        %get3A_2926 = arith.index_cast %get3A_2925 : i32 to index
        %get3A_2927 = arith.index_cast %scan3A_2824 : i32 to index
        %get3A_2928 = arith.constant 16 : index
        %get3A_2929 = tpu.vector_load %arg7[%get3A_2926, %get3A_2927, %get3A_2928] {strides = array<i32>} : memref<26x128x32xf32, #tpu.memory_space<vmem>>, vector<16xf32>,
        %add3A_2930 = arith.addf %add3A_2918, %get3A_2929 : vector<16xf32>
        %get3A_2931 = arith.constant 9 : i32
        %get3A_2932 = arith.index_cast %get3A_2931 : i32 to index
        %get3A_2933 = arith.index_cast %scan3A_2824 : i32 to index
        %get3A_2934 = arith.constant 0 : index
        %get3A_2935 = tpu.vector_load %arg7[%get3A_2932, %get3A_2933, %get3A_2934] {strides = array<i32>} : memref<26x128x32xf32, #tpu.memory_space<vmem>>, vector<16xf32>,
        %add3A_2936 = arith.addf %add3A_2924, %get3A_2935 : vector<16xf32>
        %get3A_2937 = arith.constant 9 : i32
        %get3A_2938 = arith.index_cast %get3A_2937 : i32 to index
        %get3A_2939 = arith.index_cast %scan3A_2824 : i32 to index
        %get3A_2940 = arith.constant 16 : index
        %get3A_2941 = tpu.vector_load %arg7[%get3A_2938, %get3A_2939, %get3A_2940] {strides = array<i32>} : memref<26x128x32xf32, #tpu.memory_space<vmem>>, vector<16xf32>,
        %add3A_2942 = arith.addf %add3A_2930, %get3A_2941 : vector<16xf32>
        %get3A_2943 = arith.constant 10 : i32
        %get3A_2944 = arith.index_cast %get3A_2943 : i32 to index
        %get3A_2945 = arith.index_cast %scan3A_2824 : i32 to index
        %get3A_2946 = arith.constant 0 : index
        %get3A_2947 = tpu.vector_load %arg7[%get3A_2944, %get3A_2945, %get3A_2946] {strides = array<i32>} : memref<26x128x32xf32, #tpu.memory_space<vmem>>, vector<16xf32>,
        %add3A_2948 = arith.addf %add3A_2936, %get3A_2947 : vector<16xf32>
        %get3A_2949 = arith.constant 10 : i32
        %get3A_2950 = arith.index_cast %get3A_2949 : i32 to index
        %get3A_2951 = arith.index_cast %scan3A_2824 : i32 to index
        %get3A_2952 = arith.constant 16 : index
        %get3A_2953 = tpu.vector_load %arg7[%get3A_2950, %get3A_2951, %get3A_2952] {strides = array<i32>} : memref<26x128x32xf32, #tpu.memory_space<vmem>>, vector<16xf32>,
        %add3A_2954 = arith.addf %add3A_2942, %get3A_2953 : vector<16xf32>
        %get3A_2955 = arith.constant 11 : i32
        %get3A_2956 = arith.index_cast %get3A_2955 : i32 to index
        %get3A_2957 = arith.index_cast %scan3A_2824 : i32 to index
        %get3A_2958 = arith.constant 0 : index
        %get3A_2959 = tpu.vector_load %arg7[%get3A_2956, %get3A_2957, %get3A_2958] {strides = array<i32>} : memref<26x128x32xf32, #tpu.memory_space<vmem>>, vector<16xf32>,
        %add3A_2960 = arith.addf %add3A_2948, %get3A_2959 : vector<16xf32>
        %get3A_2961 = arith.constant 11 : i32
        %get3A_2962 = arith.index_cast %get3A_2961 : i32 to index
        %get3A_2963 = arith.index_cast %scan3A_2824 : i32 to index
        %get3A_2964 = arith.constant 16 : index
        %get3A_2965 = tpu.vector_load %arg7[%get3A_2962, %get3A_2963, %get3A_2964] {strides = array<i32>} : memref<26x128x32xf32, #tpu.memory_space<vmem>>, vector<16xf32>,
        %add3A_2966 = arith.addf %add3A_2954, %get3A_2965 : vector<16xf32>
        %get3A_2967 = arith.constant 12 : i32
        %get3A_2968 = arith.index_cast %get3A_2967 : i32 to index
        %get3A_2969 = arith.index_cast %scan3A_2824 : i32 to index
        %get3A_2970 = arith.constant 0 : index
        %get3A_2971 = tpu.vector_load %arg7[%get3A_2968, %get3A_2969, %get3A_2970] {strides = array<i32>} : memref<26x128x32xf32, #tpu.memory_space<vmem>>, vector<16xf32>,
        %add3A_2972 = arith.addf %add3A_2960, %get3A_2971 : vector<16xf32>
        %get3A_2973 = arith.constant 12 : i32
        %get3A_2974 = arith.index_cast %get3A_2973 : i32 to index
        %get3A_2975 = arith.index_cast %scan3A_2824 : i32 to index
        %get3A_2976 = arith.constant 16 : index
        %get3A_2977 = tpu.vector_load %arg7[%get3A_2974, %get3A_2975, %get3A_2976] {strides = array<i32>} : memref<26x128x32xf32, #tpu.memory_space<vmem>>, vector<16xf32>,
        %add3A_2978 = arith.addf %add3A_2966, %get3A_2977 : vector<16xf32>
        %get3A_2979 = arith.constant 13 : i32
        %get3A_2980 = arith.index_cast %get3A_2979 : i32 to index
        %get3A_2981 = arith.index_cast %scan3A_2824 : i32 to index
        %get3A_2982 = arith.constant 0 : index
        %get3A_2983 = tpu.vector_load %arg7[%get3A_2980, %get3A_2981, %get3A_2982] {strides = array<i32>} : memref<26x128x32xf32, #tpu.memory_space<vmem>>, vector<16xf32>,
        %add3A_2984 = arith.addf %add3A_2972, %get3A_2983 : vector<16xf32>
        %get3A_2985 = arith.constant 13 : i32
        %get3A_2986 = arith.index_cast %get3A_2985 : i32 to index
        %get3A_2987 = arith.index_cast %scan3A_2824 : i32 to index
        %get3A_2988 = arith.constant 16 : index
        %get3A_2989 = tpu.vector_load %arg7[%get3A_2986, %get3A_2987, %get3A_2988] {strides = array<i32>} : memref<26x128x32xf32, #tpu.memory_space<vmem>>, vector<16xf32>,
        %add3A_2990 = arith.addf %add3A_2978, %get3A_2989 : vector<16xf32>
        %get3A_2991 = arith.constant 14 : i32
        %get3A_2992 = arith.index_cast %get3A_2991 : i32 to index
        %get3A_2993 = arith.index_cast %scan3A_2824 : i32 to index
        %get3A_2994 = arith.constant 0 : index
        %get3A_2995 = tpu.vector_load %arg7[%get3A_2992, %get3A_2993, %get3A_2994] {strides = array<i32>} : memref<26x128x32xf32, #tpu.memory_space<vmem>>, vector<16xf32>,
        %add3A_2996 = arith.addf %add3A_2984, %get3A_2995 : vector<16xf32>
        %get3A_2997 = arith.constant 14 : i32
        %get3A_2998 = arith.index_cast %get3A_2997 : i32 to index
        %get3A_2999 = arith.index_cast %scan3A_2824 : i32 to index
        %get3A_3000 = arith.constant 16 : index
        %get3A_3001 = tpu.vector_load %arg7[%get3A_2998, %get3A_2999, %get3A_3000] {strides = array<i32>} : memref<26x128x32xf32, #tpu.memory_space<vmem>>, vector<16xf32>,
        %add3A_3002 = arith.addf %add3A_2990, %get3A_3001 : vector<16xf32>
        %get3A_3003 = arith.constant 15 : i32
        %get3A_3004 = arith.index_cast %get3A_3003 : i32 to index
        %get3A_3005 = arith.index_cast %scan3A_2824 : i32 to index
        %get3A_3006 = arith.constant 0 : index
        %get3A_3007 = tpu.vector_load %arg7[%get3A_3004, %get3A_3005, %get3A_3006] {strides = array<i32>} : memref<26x128x32xf32, #tpu.memory_space<vmem>>, vector<16xf32>,
        %add3A_3008 = arith.addf %add3A_2996, %get3A_3007 : vector<16xf32>
        %get3A_3009 = arith.constant 15 : i32
        %get3A_3010 = arith.index_cast %get3A_3009 : i32 to index
        %get3A_3011 = arith.index_cast %scan3A_2824 : i32 to index
        %get3A_3012 = arith.constant 16 : index
        %get3A_3013 = tpu.vector_load %arg7[%get3A_3010, %get3A_3011, %get3A_3012] {strides = array<i32>} : memref<26x128x32xf32, #tpu.memory_space<vmem>>, vector<16xf32>,
        %add3A_3014 = arith.addf %add3A_3002, %get3A_3013 : vector<16xf32>
        %get3A_3015 = arith.constant 16 : i32
        %get3A_3016 = arith.index_cast %get3A_3015 : i32 to index
        %get3A_3017 = arith.index_cast %scan3A_2824 : i32 to index
        %get3A_3018 = arith.constant 0 : index
        %get3A_3019 = tpu.vector_load %arg7[%get3A_3016, %get3A_3017, %get3A_3018] {strides = array<i32>} : memref<26x128x32xf32, #tpu.memory_space<vmem>>, vector<16xf32>,
        %add3A_3020 = arith.addf %add3A_3008, %get3A_3019 : vector<16xf32>
        %get3A_3021 = arith.constant 16 : i32
        %get3A_3022 = arith.index_cast %get3A_3021 : i32 to index
        %get3A_3023 = arith.index_cast %scan3A_2824 : i32 to index
        %get3A_3024 = arith.constant 16 : index
        %get3A_3025 = tpu.vector_load %arg7[%get3A_3022, %get3A_3023, %get3A_3024] {strides = array<i32>} : memref<26x128x32xf32, #tpu.memory_space<vmem>>, vector<16xf32>,
        %add3A_3026 = arith.addf %add3A_3014, %get3A_3025 : vector<16xf32>
        %get3A_3027 = arith.constant 17 : i32
        %get3A_3028 = arith.index_cast %get3A_3027 : i32 to index
        %get3A_3029 = arith.index_cast %scan3A_2824 : i32 to index
        %get3A_3030 = arith.constant 0 : index
        %get3A_3031 = tpu.vector_load %arg7[%get3A_3028, %get3A_3029, %get3A_3030] {strides = array<i32>} : memref<26x128x32xf32, #tpu.memory_space<vmem>>, vector<16xf32>,
        %add3A_3032 = arith.addf %add3A_3020, %get3A_3031 : vector<16xf32>
        %get3A_3033 = arith.constant 17 : i32
        %get3A_3034 = arith.index_cast %get3A_3033 : i32 to index
        %get3A_3035 = arith.index_cast %scan3A_2824 : i32 to index
        %get3A_3036 = arith.constant 16 : index
        %get3A_3037 = tpu.vector_load %arg7[%get3A_3034, %get3A_3035, %get3A_3036] {strides = array<i32>} : memref<26x128x32xf32, #tpu.memory_space<vmem>>, vector<16xf32>,
        %add3A_3038 = arith.addf %add3A_3026, %get3A_3037 : vector<16xf32>
        %get3A_3039 = arith.constant 18 : i32
        %get3A_3040 = arith.index_cast %get3A_3039 : i32 to index
        %get3A_3041 = arith.index_cast %scan3A_2824 : i32 to index
        %get3A_3042 = arith.constant 0 : index
        %get3A_3043 = tpu.vector_load %arg7[%get3A_3040, %get3A_3041, %get3A_3042] {strides = array<i32>} : memref<26x128x32xf32, #tpu.memory_space<vmem>>, vector<16xf32>,
        %add3A_3044 = arith.addf %add3A_3032, %get3A_3043 : vector<16xf32>
        %get3A_3045 = arith.constant 18 : i32
        %get3A_3046 = arith.index_cast %get3A_3045 : i32 to index
        %get3A_3047 = arith.index_cast %scan3A_2824 : i32 to index
        %get3A_3048 = arith.constant 16 : index
        %get3A_3049 = tpu.vector_load %arg7[%get3A_3046, %get3A_3047, %get3A_3048] {strides = array<i32>} : memref<26x128x32xf32, #tpu.memory_space<vmem>>, vector<16xf32>,
        %add3A_3050 = arith.addf %add3A_3038, %get3A_3049 : vector<16xf32>
        %get3A_3051 = arith.constant 19 : i32
        %get3A_3052 = arith.index_cast %get3A_3051 : i32 to index
        %get3A_3053 = arith.index_cast %scan3A_2824 : i32 to index
        %get3A_3054 = arith.constant 0 : index
        %get3A_3055 = tpu.vector_load %arg7[%get3A_3052, %get3A_3053, %get3A_3054] {strides = array<i32>} : memref<26x128x32xf32, #tpu.memory_space<vmem>>, vector<16xf32>,
        %add3A_3056 = arith.addf %add3A_3044, %get3A_3055 : vector<16xf32>
        %get3A_3057 = arith.constant 19 : i32
        %get3A_3058 = arith.index_cast %get3A_3057 : i32 to index
        %get3A_3059 = arith.index_cast %scan3A_2824 : i32 to index
        %get3A_3060 = arith.constant 16 : index
        %get3A_3061 = tpu.vector_load %arg7[%get3A_3058, %get3A_3059, %get3A_3060] {strides = array<i32>} : memref<26x128x32xf32, #tpu.memory_space<vmem>>, vector<16xf32>,
        %add3A_3062 = arith.addf %add3A_3050, %get3A_3061 : vector<16xf32>
        %get3A_3063 = arith.constant 20 : i32
        %get3A_3064 = arith.index_cast %get3A_3063 : i32 to index
        %get3A_3065 = arith.index_cast %scan3A_2824 : i32 to index
        %get3A_3066 = arith.constant 0 : index
        %get3A_3067 = tpu.vector_load %arg7[%get3A_3064, %get3A_3065, %get3A_3066] {strides = array<i32>} : memref<26x128x32xf32, #tpu.memory_space<vmem>>, vector<16xf32>,
        %add3A_3068 = arith.addf %add3A_3056, %get3A_3067 : vector<16xf32>
        %get3A_3069 = arith.constant 20 : i32
        %get3A_3070 = arith.index_cast %get3A_3069 : i32 to index
        %get3A_3071 = arith.index_cast %scan3A_2824 : i32 to index
        %get3A_3072 = arith.constant 16 : index
        %get3A_3073 = tpu.vector_load %arg7[%get3A_3070, %get3A_3071, %get3A_3072] {strides = array<i32>} : memref<26x128x32xf32, #tpu.memory_space<vmem>>, vector<16xf32>,
        %add3A_3074 = arith.addf %add3A_3062, %get3A_3073 : vector<16xf32>
        %get3A_3075 = arith.constant 21 : i32
        %get3A_3076 = arith.index_cast %get3A_3075 : i32 to index
        %get3A_3077 = arith.index_cast %scan3A_2824 : i32 to index
        %get3A_3078 = arith.constant 0 : index
        %get3A_3079 = tpu.vector_load %arg7[%get3A_3076, %get3A_3077, %get3A_3078] {strides = array<i32>} : memref<26x128x32xf32, #tpu.memory_space<vmem>>, vector<16xf32>,
        %add3A_3080 = arith.addf %add3A_3068, %get3A_3079 : vector<16xf32>
        %get3A_3081 = arith.constant 21 : i32
        %get3A_3082 = arith.index_cast %get3A_3081 : i32 to index
        %get3A_3083 = arith.index_cast %scan3A_2824 : i32 to index
        %get3A_3084 = arith.constant 16 : index
        %get3A_3085 = tpu.vector_load %arg7[%get3A_3082, %get3A_3083, %get3A_3084] {strides = array<i32>} : memref<26x128x32xf32, #tpu.memory_space<vmem>>, vector<16xf32>,
        %add3A_3086 = arith.addf %add3A_3074, %get3A_3085 : vector<16xf32>
        %get3A_3087 = arith.constant 22 : i32
        %get3A_3088 = arith.index_cast %get3A_3087 : i32 to index
        %get3A_3089 = arith.index_cast %scan3A_2824 : i32 to index
        %get3A_3090 = arith.constant 0 : index
        %get3A_3091 = tpu.vector_load %arg7[%get3A_3088, %get3A_3089, %get3A_3090] {strides = array<i32>} : memref<26x128x32xf32, #tpu.memory_space<vmem>>, vector<16xf32>,
        %add3A_3092 = arith.addf %add3A_3080, %get3A_3091 : vector<16xf32>
        %get3A_3093 = arith.constant 22 : i32
        %get3A_3094 = arith.index_cast %get3A_3093 : i32 to index
        %get3A_3095 = arith.index_cast %scan3A_2824 : i32 to index
        %get3A_3096 = arith.constant 16 : index
        %get3A_3097 = tpu.vector_load %arg7[%get3A_3094, %get3A_3095, %get3A_3096] {strides = array<i32>} : memref<26x128x32xf32, #tpu.memory_space<vmem>>, vector<16xf32>,
        %add3A_3098 = arith.addf %add3A_3086, %get3A_3097 : vector<16xf32>
        %get3A_3099 = arith.constant 23 : i32
        %get3A_3100 = arith.index_cast %get3A_3099 : i32 to index
        %get3A_3101 = arith.index_cast %scan3A_2824 : i32 to index
        %get3A_3102 = arith.constant 0 : index
        %get3A_3103 = tpu.vector_load %arg7[%get3A_3100, %get3A_3101, %get3A_3102] {strides = array<i32>} : memref<26x128x32xf32, #tpu.memory_space<vmem>>, vector<16xf32>,
        %add3A_3104 = arith.addf %add3A_3092, %get3A_3103 : vector<16xf32>
        %get3A_3105 = arith.constant 23 : i32
        %get3A_3106 = arith.index_cast %get3A_3105 : i32 to index
        %get3A_3107 = arith.index_cast %scan3A_2824 : i32 to index
        %get3A_3108 = arith.constant 16 : index
        %get3A_3109 = tpu.vector_load %arg7[%get3A_3106, %get3A_3107, %get3A_3108] {strides = array<i32>} : memref<26x128x32xf32, #tpu.memory_space<vmem>>, vector<16xf32>,
        %add3A_3110 = arith.addf %add3A_3098, %get3A_3109 : vector<16xf32>
        %get3A_3111 = arith.constant 24 : i32
        %get3A_3112 = arith.index_cast %get3A_3111 : i32 to index
        %get3A_3113 = arith.index_cast %scan3A_2824 : i32 to index
        %get3A_3114 = arith.constant 0 : index
        %get3A_3115 = tpu.vector_load %arg7[%get3A_3112, %get3A_3113, %get3A_3114] {strides = array<i32>} : memref<26x128x32xf32, #tpu.memory_space<vmem>>, vector<16xf32>,
        %add3A_3116 = arith.addf %add3A_3104, %get3A_3115 : vector<16xf32>
        %get3A_3117 = arith.constant 24 : i32
        %get3A_3118 = arith.index_cast %get3A_3117 : i32 to index
        %get3A_3119 = arith.index_cast %scan3A_2824 : i32 to index
        %get3A_3120 = arith.constant 16 : index
        %get3A_3121 = tpu.vector_load %arg7[%get3A_3118, %get3A_3119, %get3A_3120] {strides = array<i32>} : memref<26x128x32xf32, #tpu.memory_space<vmem>>, vector<16xf32>,
        %add3A_3122 = arith.addf %add3A_3110, %get3A_3121 : vector<16xf32>
        %get3A_3123 = arith.constant 25 : i32
        %get3A_3124 = arith.index_cast %get3A_3123 : i32 to index
        %get3A_3125 = arith.index_cast %scan3A_2824 : i32 to index
        %get3A_3126 = arith.constant 0 : index
        %get3A_3127 = tpu.vector_load %arg7[%get3A_3124, %get3A_3125, %get3A_3126] {strides = array<i32>} : memref<26x128x32xf32, #tpu.memory_space<vmem>>, vector<16xf32>,
        %add3A_3128 = arith.addf %add3A_3116, %get3A_3127 : vector<16xf32>
        %get3A_3129 = arith.constant 25 : i32
        %get3A_3130 = arith.index_cast %get3A_3129 : i32 to index
        %get3A_3131 = arith.index_cast %scan3A_2824 : i32 to index
        %get3A_3132 = arith.constant 16 : index
        %get3A_3133 = tpu.vector_load %arg7[%get3A_3130, %get3A_3131, %get3A_3132] {strides = array<i32>} : memref<26x128x32xf32, #tpu.memory_space<vmem>>, vector<16xf32>,
        %add3A_3134 = arith.addf %add3A_3122, %get3A_3133 : vector<16xf32>
        %swap3A_3135 = arith.index_cast %scan3A_2824 : i32 to index
        %swap3A_3136 = arith.constant 0 : index
        %swap3A_3137 = tpu.vector_load %arg8[%swap3A_3135, %swap3A_3136] {strides = array<i32>} : memref<128x32xf32, #tpu.memory_space<vmem>>, vector<16xf32>,
        tpu.vector_store %arg8[%swap3A_3135, %swap3A_3136], %add3A_3128 {strides = array<i32>} : memref<128x32xf32, #tpu.memory_space<vmem>>, vector<16xf32>,
        %swap3A_3138 = arith.index_cast %scan3A_2824 : i32 to index
        %swap3A_3139 = arith.constant 16 : index
        %swap3A_3140 = tpu.vector_load %arg8[%swap3A_3138, %swap3A_3139] {strides = array<i32>} : memref<128x32xf32, #tpu.memory_space<vmem>>, vector<16xf32>,
        tpu.vector_store %arg8[%swap3A_3138, %swap3A_3139], %add3A_3134 {strides = array<i32>} : memref<128x32xf32, #tpu.memory_space<vmem>>, vector<16xf32>,
        %scan3A_3141 = arith.constant 0 : i32
        scf.yield %scan3A_3141 : i32
      }
      %scan3A_2822 = arith.constant 128 : i32
      "tpu.region"() ({
        %run_scoped3A = tpu.sem_alloc : memref<!tpu.dma_semaphore, #tpu.memory_space<semaphore_mem>>
        %dma_start3A_2824 = arith.constant 0 : i32
        %dma_start3A_2825 = tpu.memref_slice %arg4[%add3A_13, %dma_start3A_2824] : memref<16384x32xf32, #tpu.memory_space<hbm>> -> memref<128x32xf32, #tpu.memory_space<hbm>>
        %dma_start3A_2826 = arith.constant 0 : i32
        %dma_start3A_2827 = tpu.memref_slice %arg4[%add3A_13, %dma_start3A_2826] : memref<16384x32xf32, #tpu.memory_space<hbm>> -> memref<128x32xf32, #tpu.memory_space<hbm>>
        tpu.enqueue_dma source(%arg8 : memref<128x32xf32, #tpu.memory_space<vmem>>) target(%dma_start3A_2827 : memref<128x32xf32, #tpu.memory_space<hbm>>) target_semaphore(%run_scoped3A : memref<!tpu.dma_semaphore, #tpu.memory_space<semaphore_mem>>)
        %dma_wait3A_2828 = arith.constant 0 : i32
        %dma_wait3A_2829 = tpu.memref_slice %arg4[%add3A_13, %dma_wait3A_2828] : memref<16384x32xf32, #tpu.memory_space<hbm>> -> memref<128x32xf32, #tpu.memory_space<hbm>>
        %dma_wait3A_2830 = arith.constant 0 : i32
        %dma_wait3A_2831 = tpu.memref_slice %arg4[%add3A_13, %dma_wait3A_2830] : memref<16384x32xf32, #tpu.memory_space<hbm>> -> memref<128x32xf32, #tpu.memory_space<hbm>>
        tpu.wait_dma2 semaphore(%run_scoped3A : memref<!tpu.dma_semaphore, #tpu.memory_space<semaphore_mem>>) src(%arg8 : memref<128x32xf32, #tpu.memory_space<vmem>>) dst(%dma_wait3A_2831 : memref<128x32xf32, #tpu.memory_space<hbm>>)
        tpu.yield
      }) : () -> ()
      %scan3A_2823 = arith.constant 0 : i32
      scf.yield %scan3A_2823 : i32
    }
    %scan3A_6 = arith.constant 4 : i32
    return
  }
}

module attributes {stable_mosaic.version = 14 : i64} {
  func.func @_tc_body(%arg0: i32, %arg1: memref<4096x13xf32, #tpu.memory_space<vmem>>, %arg2: memref<13x32xf32, #tpu.memory_space<vmem>>, %arg3: memref<13x32xf32, #tpu.memory_space<vmem>>, %arg4: memref<4096x32xf32, #tpu.memory_space<vmem>>, %arg5: memref<4096x32xf32, #tpu.memory_space<vmem>>) attributes {dimension_semantics = [#tpu.dimension_semantics<arbitrary>], iteration_bounds = array<i64: 4>, scalar_prefetch = 0 : i64, scratch_operands = 0 : i64, tpu.core_type = #tpu.core_type<tc>, window_params = [{transform_indices = @transform_0, window_bounds = array<i64: 4096, 13>}, {pipeline_mode = #tpu.pipeline_mode<synchronous>, transform_indices = @transform_1, window_bounds = array<i64: 13, 32>}, {pipeline_mode = #tpu.pipeline_mode<synchronous>, transform_indices = @transform_2, window_bounds = array<i64: 13, 32>}, {transform_indices = @transform_3, window_bounds = array<i64: 4096, 32>}, {transform_indices = @transform_4, window_bounds = array<i64: 4096, 32>}]} {
    %get3A = arith.constant 0 : index
    %get3A_0 = arith.constant 0 : index
    %get3A_1 = vector.load %arg1[%get3A, %get3A_0] : memref<4096x13xf32, #tpu.memory_space<vmem>>, vector<4096x13xf32>
    %get3A_2 = arith.constant 0 : index
    %get3A_3 = arith.constant 0 : index
    %get3A_4 = vector.load %arg2[%get3A_2, %get3A_3] : memref<13x32xf32, #tpu.memory_space<vmem>>, vector<13x32xf32>
    %get3A_5 = arith.constant 0 : index
    %get3A_6 = arith.constant 0 : index
    %get3A_7 = vector.load %arg3[%get3A_5, %get3A_6] : memref<13x32xf32, #tpu.memory_space<vmem>>, vector<13x32xf32>
    %reduce_sum3A = arith.constant dense<0.000000e+00> : vector<32xf32>
    %reduce_sum3A_8 = vector.multi_reduction <add>, %get3A_7, %reduce_sum3A [0] : vector<13x32xf32> to vector<32xf32>
    %broadcast_in_dim3A = vector.shape_cast %reduce_sum3A_8 : vector<32xf32> to vector<1x32xf32>
    %dot_general3A = arith.constant dense<0.000000e+00> : vector<4096x32xf32>
    %dot_general3A_9 = tpu.matmul %get3A_1, %get3A_4, %dot_general3A {dimension_numbers = #tpu.dot_dimension_numbers<[1], [0], [0], [1], [0, 0, 1, 1], [], []>, transpose_lhs_hint = false} : vector<4096x13xf32>, vector<13x32xf32>, vector<4096x32xf32> -> vector<4096x32xf32>
    %add3A = vector.broadcast %broadcast_in_dim3A : vector<1x32xf32> to vector<4096x32xf32>
    %add3A_10 = arith.addf %dot_general3A_9, %add3A : vector<4096x32xf32>
    %get3A_11 = arith.constant 0 : index
    %get3A_12 = arith.constant 0 : index
    %get3A_13 = vector.load %arg4[%get3A_11, %get3A_12] : memref<4096x32xf32, #tpu.memory_space<vmem>>, vector<4096x32xf32>
    %add3A_14 = arith.addf %add3A_10, %get3A_13 : vector<4096x32xf32>
    %mul3A = arith.constant 0.025641026 : f32
    %mul3A_15 = vector.broadcast %mul3A : f32 to vector<4096x32xf32>
    %mul3A_16 = arith.mulf %add3A_14, %mul3A_15 : vector<4096x32xf32>
    %swap3A = arith.constant 0 : index
    %swap3A_17 = arith.constant 0 : index
    %swap3A_18 = vector.load %arg5[%swap3A, %swap3A_17] : memref<4096x32xf32, #tpu.memory_space<vmem>>, vector<4096x32xf32>
    tpu.vector_store %arg5[%swap3A, %swap3A_17], %mul3A_16 {strides = array<i32>} : memref<4096x32xf32, #tpu.memory_space<vmem>>, vector<4096x32xf32>,
    return
  }
  func.func @transform_0(%arg0: i32) -> (i32, i32) {
    %c0_i32 = arith.constant 0 : i32
    %c0_i32_0 = arith.constant 0 : i32
    return %arg0, %c0_i32 : i32, i32
  }
  func.func @transform_1(%arg0: i32) -> (i32, i32) {
    %c0_i32 = arith.constant 0 : i32
    %c0_i32_0 = arith.constant 0 : i32
    %c0_i32_1 = arith.constant 0 : i32
    return %c0_i32, %c0_i32_0 : i32, i32
  }
  func.func @transform_2(%arg0: i32) -> (i32, i32) {
    %c0_i32 = arith.constant 0 : i32
    %c0_i32_0 = arith.constant 0 : i32
    %c0_i32_1 = arith.constant 0 : i32
    return %c0_i32, %c0_i32_0 : i32, i32
  }
  func.func @transform_3(%arg0: i32) -> (i32, i32) {
    %c0_i32 = arith.constant 0 : i32
    %c0_i32_0 = arith.constant 0 : i32
    return %arg0, %c0_i32 : i32, i32
  }
  func.func @transform_4(%arg0: i32) -> (i32, i32) {
    %c0_i32 = arith.constant 0 : i32
    %c0_i32_0 = arith.constant 0 : i32
    return %arg0, %c0_i32 : i32, i32
  }
}

</mosaic_0001>

<sc_bundles>
// kernel: kernel.4.cloned.1.call-start
scs
__scs_entry_jumppad:
0x0: {  	(pc) =	sbr.rel $0x88, $3  }
0x1: {  	(tag) =	ssettag $0x0;
	lr =	simm.s32 $0x1  }
0x2: {  	[smem:$0x3F9D] =	sst lr;
	_ =	strace $0xD0000000  }
0x3: {  	_ = 	snop  }
0x4: {  	_ = 	snop  }
0x5: {  	_ = 	snop  }
0x6: {  	_ = 	snop  }
0x7: {  	_ = 	snop  }
__scs_overlays_trampoline_lowered:
0x8: {  	[smem:$0x3FAC] =	sst s0  }
0x9: {  	[smem:$0x3FAD] =	sst s1  }
0xa: {  	[smem:$0x3FAE] =	sst s2  }
0xb: {  	[smem:$0x3FAF] =	sst s3  }
0xc: {  	[smem:$0x3FB0] =	sst s4  }
0xd: {  	[smem:$0x3FB1] =	sst s5  }
0xe: {  	[smem:$0x3FB2] =	sst s6  }
0xf: {  	[smem:$0x3FB3] =	sst s7  }
0x10: {  	[smem:$0x3FB4] =	sst s8  }
0x11: {  	[smem:$0x3FB5] =	sst s9;
	s0 =	simm.s32 @!p0 $0x0  }
0x12: {  	s1 =	sld [smem:$0x3F9B];
	s0 =	simm.s32 @p0 $0x1  }
0x13: {  	[smem:$0x3FB6] =	sst s0;
	s0 =	simm.s32 @!p1 $0x0  }
0x14: {  	s2 =	sld [smem:$0x3F9A];
	s0 =	simm.s32 @p1 $0x1  }
0x15: {  	[smem:$0x3FB7] =	sst s0;
	s0 =	simm.s32 @!p2 $0x0  }
0x16: {  	s3 =	sld [smem:$0x3FDB];
	s0 =	simm.s32 @p2 $0x1  }
0x17: {  	s4 =	simm.s32 $0x1BF5;
	[smem:$0x3FB9] =	sst s0  }
0x18: {  	s0 =	sld [smem:$0x3F9C];
	_ =	swait.ge [sflag:s4], $0x0  }
0x19: {  	s7 =	sld [smem:$0x3F9D]  }
0x1a: {  	s8 =	sadd.s32 $0xFFFFE003, lr  }
0x1b: {  	s9 =	sadd.s32 $0xFFFFFEF7, lr;
	s5 =	simm.s32 $0xFFFFFFFF;
	p2 =	slt.u32 s8, $0xFFFFF086  }
0x1c: {  	p1 =	slt.u32 s9, $0xF7A;
	s5 =	simm.s32 @!p2 $0x0  }
0x1d: {  	s5 =	simm.s32 @p1 $0x1;
	p0 =	seq.s32 s7, s2  }
0x1e: {  	s7 =	smul.u32 @!p0 $0xF7A, s2;
	p2 =	seq.s32 @!p0 s5, $0x0  }
0x1f: {  	s9 =	smul.u32 $0xF7A, s1;
	s8 =	simm.s32 @!p0 $0x1BF5;
	p2 =	por !p2, p0  }
0x20: {  	[sflag:s8] =	ssyncset.s32 @!p0 $0xFFFFF086;
	s6 =	sadd.s32 @!p0 s3, s7;
	s7 =	simm.s32 @!p0 $0x108  }
0x21: {  	s3 =	sadd.s32 s3, s9;
	s6 =	sadd.s32 @!p0 $0x88, s6;
	s7 =	simm.s32 @p2 $0x1082  }
0x22: {  	[simem:s7], [sflag:s8] =	dma.local @!p0 [hbm:s6], $0xF7A  }
0x23: {  	s9 =	sor.u32 $0xD0000000, s2;
	s6 =	simm.s32 $0x108;
	_ =	swait.ge @!p0 [sflag:s8], $0x0  }
0x24: {  	s3 =	sadd.s32 $0x88, s3;
	s6 =	simm.s32 @!p1 $0x1082;
	[sflag:s4] =	ssyncset.s32 $0xFFFFF086  }
0x25: {  	[simem:s6], [sflag:s4] =	dma.local [hbm:s3], $0xF7A  }
0x26: {  	[smem:$0x3F9D] =	sst s1;
	(tag) =	ssettag s2;
	_ =	strace s9  }
0x27: {  	s1 =	sld [smem:$0x3FAD]  }
0x28: {  	s2 =	sld [smem:$0x3FAE]  }
0x29: {  	s4 =	sld [smem:$0x3FB0]  }
0x2a: {  	p0 =	seq.s32 s5, $0x0;
	s5 =	sld [smem:$0x3FB1]  }
0x2b: {  	s6 =	sld [smem:$0x3FB2]  }
0x2c: {  	s7 =	sld [smem:$0x3FB3]  }
0x2d: {  	s3 =	simm.s32 $0x108;
	s8 =	sld [smem:$0x3FB4]  }
0x2e: {  	s3 =	simm.s32 @!p0 $0x1082;
	s9 =	sld [smem:$0x3FB5]  }
0x2f: {  	lr =	sadd.s32 s0, s3;
	s0 =	sld [smem:$0x3FAC]  }
0x30: {  	s3 =	sld [smem:$0x3FAF]  }
0x31: {  	[smem:$0x3FB8] =	sst s10  }
0x32: {  	s10 =	sld [smem:$0x3FB6];
	_ =	sdelay $0x3  }
0x33: {  	p0 =	seq.s32 s10, $0x1;
	s10 =	sld [smem:$0x3FB8];
	_ =	sdelay $0x3  }
0x34: {  	[smem:$0x3FB8] =	sst s10  }
0x35: {  	s10 =	sld [smem:$0x3FB7];
	_ =	sdelay $0x3  }
0x36: {  	p1 =	seq.s32 s10, $0x1;
	s10 =	sld [smem:$0x3FB8];
	_ =	sdelay $0x3  }
0x37: {  	[smem:$0x3FB8] =	sst s10  }
0x38: {  	s10 =	sld [smem:$0x3FB9]  }
0x39: {  	_ = 	snop;
	(pc) =	sbr.ind lr, $3  }
0x3a: {  	_ = 	snop  }
0x3b: {  	_ = 	snop  }
0x3c: {  	p2 =	seq.s32 s10, $0x1;
	s10 =	sld [smem:$0x3FB8]  }
0x3d: {  	_ =	shalt  }
0x3e: {  	_ =	shalt  }
0x3f: {  	_ =	shalt  }
0x40: {  	_ =	shalt  }
0x41: {  	_ =	shalt  }
0x42: {  	_ =	shalt  }
0x43: {  	_ =	shalt  }
0x44: {  	_ =	shalt  }
0x45: {  	_ =	shalt  }
0x46: {  	_ =	shalt  }
0x47: {  	_ =	shalt  }
0x48: {  	_ =	shalt  }
0x49: {  	_ =	shalt  }
0x4a: {  	_ =	shalt  }
0x4b: {  	_ =	shalt  }
0x4c: {  	_ =	shalt  }
0x4d: {  	_ =	shalt  }
0x4e: {  	_ =	shalt  }
0x4f: {  	_ =	shalt  }
0x50: {  	_ =	shalt  }
0x51: {  	_ =	shalt  }
0x52: {  	_ =	shalt  }
0x53: {  	_ =	shalt  }
0x54: {  	_ =	shalt  }
0x55: {  	_ =	shalt  }
0x56: {  	_ =	shalt  }
0x57: {  	_ =	shalt  }
0x58: {  	_ =	shalt  }
0x59: {  	_ =	shalt  }
0x5a: {  	_ =	shalt  }
0x5b: {  	_ =	shalt  }
0x5c: {  	_ =	shalt  }
0x5d: {  	_ =	shalt  }
0x5e: {  	_ =	shalt  }
0x5f: {  	_ =	shalt  }
0x60: {  	_ =	shalt  }
0x61: {  	_ =	shalt  }
0x62: {  	_ =	shalt  }
0x63: {  	_ =	shalt  }
0x64: {  	_ =	shalt  }
0x65: {  	_ =	shalt  }
0x66: {  	_ =	shalt  }
0x67: {  	_ =	shalt  }
0x68: {  	_ =	shalt  }
0x69: {  	_ =	shalt  }
0x6a: {  	_ =	shalt  }
0x6b: {  	_ =	shalt  }
0x6c: {  	_ =	shalt  }
0x6d: {  	_ =	shalt  }
0x6e: {  	_ =	shalt  }
0x6f: {  	_ =	shalt  }
0x70: {  	_ =	shalt  }
0x71: {  	_ =	shalt  }
0x72: {  	_ =	shalt  }
0x73: {  	_ =	shalt  }
0x74: {  	_ =	shalt  }
0x75: {  	_ =	shalt  }
0x76: {  	_ =	shalt  }
0x77: {  	_ =	shalt  }
0x78: {  	_ =	shalt  }
0x79: {  	_ =	shalt  }
0x7a: {  	_ =	shalt  }
0x7b: {  	_ =	shalt  }
0x7c: {  	_ =	shalt  }
0x7d: {  	_ =	shalt  }
0x7e: {  	_ =	shalt  }
0x7f: {  	_ =	shalt  }
0x80: {  	_ =	shalt  }
0x81: {  	_ =	shalt  }
0x82: {  	_ =	shalt  }
0x83: {  	_ =	shalt  }
0x84: {  	_ =	shalt  }
0x85: {  	_ =	shalt  }
0x86: {  	_ =	shalt  }
0x87: {  	_ =	shalt  }
.Lfunc_end0:
.L_simem_size_0:
called_computation_lowered:
.L_overlay_start_0:
0x88: {  	s2 =	sld [smem:$0x3FD9]  }
0x89: {  	s3 =	sld [smem:$0x3FFE];
	_ =	sdelay $0x1  }
0x8a: {  	s1 =	srdreg.scid  }
0x8b: {  	s0 =	sand.u32 $0x1, s1  }
0x8c: {  	s17 =	sshll.u32 s0, $0xA;
	s2 =	sadd.s32 s3, s2  }
0x8d: {  	s2 =	sadd.s32 s2, s17  }
0x8e: {  	[smem:$0x3FC4] =	sst s2  }
0x8f: {  	_ = 	snop  }
0x90: {  	s2 =	sld [smem:$0x3FD0];
	(tm) =	ssettm $0x1  }
0x91: {  	s18 =	sld [smem:$0x3FFB];
	_ =	sdelay $0x3  }
0x92: {  	_ =	strace s18  }
0x93: {  	s3 =	sld [smem:$0x3FFC];
	_ =	sdelay $0x3  }
0x94: {  	_ =	strace s3  }
0x95: {  	s3 =	sld [smem:$0x3FFD];
	_ =	sdelay $0x3  }
0x96: {  	_ =	strace s3  }
0x97: {  	_ =	strace $0x8FFFFFFF  }
0x98: {  	s19 =	sld [smem:$0x3FDB];
	_ =	sdelay $0x1  }
0x99: {  	s4 =	simm.s32 $_scs_section_size  }
0x9a: {  	s5 =	simm.s32 $_size__tile_overlayer_lowered;
	s6 =	simm.s32 $_tile_overlayer_lowered  }
0x9b: {  	s22 =	simm.s32 $0x1BFF;
	s21 =	sshll.u32 s6, $0x1;
	s3 =	sadd.s32 s4, s19  }
0x9c: {  	s7 =	simm.s32 $0x0;
	s20 =	sshll.u32 s5, $0x1;
	s5 =	sadd.s32 s21, s3  }
0x9d: {  	[timem:s7], [sflag:s22] =	dma.local [hbm:s5], s20  }
0x9e: {  	_ =	swait.ge [sflag:s22], s20  }
0x9f: {  	s4 =	ssub.s32 $0x0, s20;
	[sflag:s22] =	ssyncset.done $0x0  }
0xa0: {  	[sflag:s22] =	ssyncadd.s32 s4;
	_ =	sdelay $0x1  }
0xa1: {  	s23 =	simm.s32 $0x1B8B  }
0xa2: {  	_ =	swait.ge [sflag:s23], $0x1  }
0xa3: {  	[sflag:s23] =	ssyncset.done $0x0  }
0xa4: {  	s25 =	simm.s32 $0x1B8E;
	s24 =	sld [smem:$0x3FFE];
	[sflag:s23] =	ssyncadd.s32 $0xFFFFFFFF  }
0xa5: {  	s26 =	simm.s32 $execute0_lowered;
	[smem:$0x3FD2] =	sst s25  }
0xa6: {  	s5 =	sshll.u32 s26, $0x1;
	_ =	strace $0x80000046;
	[dreg:$0x1] =	wrdreg $0xFFFFFFFF  }
0xa7: {  	s28 =	simm.s32 $_size_execute0_lowered;
	s3 =	sadd.s32 s3, s5;
	[dreg:$0x0] =	wrdreg $0x0  }
0xa8: {  	s5 =	sshll.u32 s28, $0x1;
	[dreg:$0x2] =	wrdreg s3  }
0xa9: {  	[dreg:$0x3] =	wrdreg s5  }
0xaa: {  	[dreg:$0x4] =	wrdreg $0xC0  }
0xab: {  	_ =	task [dreg:s7], $0x5FFFF  }
0xac: {  	[dreg:$0x1] =	wrdreg $0xFFFFFFFF  }
0xad: {  	[dreg:$0x0] =	wrdreg $0x60  }
0xae: {  	[dreg:$0x2] =	wrdreg s24  }
0xaf: {  	[dreg:$0x3] =	wrdreg s2  }
0xb0: {  	[dreg:$0x4] =	wrdreg $0x9  }
0xb1: {  	_ =	task.clear_ibuf [dreg:s7], $0x5FFFF;
	_ =	strace $0x90000046  }
0xb2: {  	s29 =	simm.s32 $0x9;
	_ =	strace $0x80000048  }
0xb3: {  	_ =	swait.ge [sflag:s29], $0x1  }
0xb4: {  	[sflag:s29] =	ssyncadd.s32 $0xFFFFFFFF  }
0xb5: {  	_ =	strace $0x90000048  }
0xb6: {  	_ =	sfence  }
0xb7: {  	s30 =	sld [smem:$0x0];
	_ =	sdelay $0x2  }
0xb8: {  	s31 =	sshll.u32 s1, $0xD;
	s1 =	sshrl.u32 s1, $0x2  }
0xb9: {  	s3 =	sand.u32 $0x4000, s31;
	s1 =	sadd.s32 s1, s30  }
0xba: {  	s0 =	sor.u32 s3, s0;
	s1 =	sshll.u32 s1, $0x11  }
0xbb: {  	s0 =	sor.u32 s1, s0  }
0xbc: {  	s0 =	sadd.s32 $0x8F2B, s0  }
0xbd: {  	[sflag:s0] =	ssyncadd.remote.s32 $0x1  }
0xbe: {  	_ =	sfence.sel $0xFFFF  }
0xbf: {  	[dreg:$0x0] =	wrdreg $0xFFFFFFFF;
	(pc) =	sbr.abs _section_cstart, $3  }
0xc0: {  	[dreg:$0x1] =	wrdreg $0xFFFFFFFF  }
0xc1: {  	_ =	task.clear_ibuf [dreg:s7], $0x2FFFF;
	_ =	strace $0x9FFFFFFF  }
0xc2: {  	(tm) =	ssettm $0x7FFFFFFF  }
0xc3: {  	_ =	shalt  }
tec
execute0_lowered:
.L_overlay_start_1:
0x0: {  	(tag) =	ssettag $0x1  }
0x1: {  	s0 =	rddreg [dreg:$0x0]  }
0x2: {  	s4 =	sadd.s32 $0x2862A80, s0  }
0x3: {  	v0 =	vlaneseq.u32;
	s23 =	sadd.s32 $0x28C4500, s0;
	s24 =	sadd.s32 $0x2925F80, s0  }
0x4: {  	s25 =	sadd.s32 $0x2987A00, s0;
	s9 =	sadd.s32 $0x29E9480, s0;
	v0 =	vmul.u32 $0x28, v0  }
0x5: {  	s10 =	sadd.s32 $0x2A4AF00, s0;
	s11 =	sadd.s32 $0x2AAC980, s0  }
0x6: {  	s12 =	sadd.s32 $0x2B0E400, s0;
	v1 =	vadd.s32 $0xD, v0;
	v11 =	vadd.s32 $0x50E, v0;
	v12 =	vadd.s32 $0x78E, v0  }
0x7: {  	s13 =	sadd.s32 $0x2B6FE80, s0;
	v13 =	vadd.s32 $0xA0E, v0;
	v14 =	vadd.s32 $0xC8E, v0;
	v15 =	vadd.s32 $0xF0E, v0  }
0x8: {  	s14 =	sadd.s32 $0x2BD1900, s0;
	v16 =	vadd.s32 $0x118E, v0;
	v17 =	vadd.s32 $0xF, v0;
	v18 =	vadd.s32 $0x28F, v0  }
0x9: {  	s15 =	sadd.s32 $0x2C33380, s0;
	v19 =	vadd.s32 $0x50F, v0;
	v20 =	vadd.s32 $0x78F, v0;
	v21 =	vadd.s32 $0xA0F, v0  }
0xa: {  	s16 =	sadd.s32 $0x2C94E00, s0;
	v22 =	vadd.s32 $0xC8F, v0;
	v23 =	vadd.s32 $0xF0F, v0;
	v24 =	vadd.s32 $0x118F, v0  }
0xb: {  	s17 =	sadd.s32 $0x2CF6880, s0;
	v25 =	vadd.s32 $0x10, v0;
	v26 =	vadd.s32 $0x290, v0;
	v27 =	vadd.s32 $0x510, v0  }
0xc: {  	s18 =	sadd.s32 $0x2D58300, s0;
	v28 =	vadd.s32 $0x790, v0;
	v29 =	vadd.s32 $0xA10, v0;
	v30 =	vadd.s32 $0xC90, v0  }
0xd: {  	s1 =	simm.s32 $0x0;
	s19 =	sadd.s32 $0x2DB9D80, s0;
	v31 =	vadd.s32 $0xF10, v0;
	v32 =	vadd.s32 $0x1190, v0;
	v33 =	vadd.s32 $0x11, v0  }
0xe: {  	[smem:$0x7FF] =	sst s1;
	s20 =	sadd.s32 $0x2E1B800, s0;
	v34 =	vadd.s32 $0x291, v0;
	v35 =	vadd.s32 $0x511, v0;
	v36 =	vadd.s32 $0x791, v0  }
0xf: {  	s2 =	stileid.u32;
	s3 =	sadd.s32 $0x40C00, s0;
	s21 =	sadd.s32 $0x2E7D280, s0;
	v37 =	vadd.s32 $0xA11, v0;
	v38 =	vadd.s32 $0xC91, v0;
	v39 =	vadd.s32 $0xF11, v0  }
0x10: {  	s2 =	sshll.u32 s2, $0xA;
	s22 =	sadd.s32 $0x2EDED00, s0;
	v40 =	vadd.s32 $0x1191, v0;
	v41 =	vadd.s32 $0x12, v0;
	v42 =	vadd.s32 $0x292, v0  }
0x11: {  	_ =	strace $0x80000047;
	v43 =	vadd.s32 $0x512, v0;
	v44 =	vadd.s32 $0x792, v0;
	[tilespmem:$0x1FF60] =	vst v1;
	v1 =	vadd.s32 $0x28D, v0  }
0x12: {  	s7 =	srdreg.scid;
	s29 =	sadd.s32 $0x30C7180, s0;
	v45 =	vadd.s32 $0xA12, v0;
	v46 =	vadd.s32 $0xC92, v0;
	[tilespmem:$0x1FF70] =	vst v1;
	v1 =	vadd.s32 $0x50D, v0  }
0x13: {  	s1 =	sand.u32 $0x1, s7;
	s30 =	sadd.s32 $0x3128C00, s0;
	[dreg:$0x3] =	wrdreg s3;
	v47 =	vadd.s32 $0xF12, v0;
	v48 =	vadd.s32 $0x1192, v0;
	[tilespmem:$0x1FF80] =	vst v1;
	v1 =	vadd.s32 $0x78D, v0  }
0x14: {  	s31 =	sadd.s32 $0x2801000, s0;
	s8 =	sshll.u32 s1, $0x9;
	[dreg:$0x4] =	wrdreg s4;
	v49 =	vadd.s32 $0x13, v0;
	v50 =	vadd.s32 $0x293, v0;
	[tilespmem:$0x1FF90] =	vst v1;
	v1 =	vadd.s32 $0xA0D, v0  }
0x15: {  	s5 =	simm.s32 $0x0;
	[dreg:$0x5] =	wrdreg s23;
	s23 =	sadd.s32 $0x2F40780, s0;
	v51 =	vadd.s32 $0x513, v0;
	v52 =	vadd.s32 $0x793, v0;
	[tilespmem:$0x1FFA0] =	vst v1;
	v1 =	vadd.s32 $0xC8D, v0  }
0x16: {  	[dreg:$0x6] =	wrdreg s24;
	s1 =	ssub.s32 $0x2, s1;
	s24 =	sadd.s32 $0x2FA2200, s0;
	v53 =	vadd.s32 $0xA13, v0;
	v54 =	vadd.s32 $0xC93, v0;
	[tilespmem:$0x1FFB0] =	vst v1;
	v1 =	vadd.s32 $0xF0D, v0  }
0x17: {  	[dreg:$0x7] =	wrdreg s25;
	s25 =	sadd.s32 $0x3003C80, s0;
	s26 =	sshrl.u32 s1, $0x1;
	v55 =	vadd.s32 $0xF13, v0;
	v56 =	vadd.s32 $0x1193, v0;
	[tilespmem:$0x1FFC0] =	vst v1;
	v1 =	vadd.s32 $0x118D, v0  }
0x18: {  	s3 =	simm.s32 $0x1;
	s28 =	sor.u32 s8, s2;
	v57 =	vadd.s32 $0x14, v0;
	v58 =	vadd.s32 $0x294, v0;
	s1 =	ssub.s32 s1, s26;
	[tilespmem:$0x1FFD0] =	vst v1;
	v1 =	vadd.s32 $0xE, v0  }
0x19: {  	s2 =	simm.s32 $0x2;
	v59 =	vadd.s32 $0x514, v0;
	v60 =	vadd.s32 $0x794, v0;
	s26 =	sadd.s32 $0x3065700, s0;
	s1 =	smax.u32 s1, $0x1;
	[tilespmem:$0x1FFE0] =	vst v1;
	v1 =	vadd.s32 $0x28E, v0  }
0x1a: {  	v61 =	vadd.s32 $0xA14, v0;
	v62 =	vadd.s32 $0xC94, v0;
	v63 =	vadd.s32 $0xF14, v0;
	s0 =	sadd.s32 $0x318A680, s0;
	[dreg:$0x8] =	wrdreg s1;
	s1 =	simm.s32 $0x80;
	[tilespmem:$0x1FFF0] =	vst v1  }
.LBB2_1:
0x1b: {  	[dreg:$0x9] =	wrdreg s5;
	s4 =	simm.s32 $0x0  }
.LBB2_2:
0x1c: {  	s5 =	sshll.u32 s4, $0x7  }
0x1d: {  	s5 =	sadd.s32 s28, s5  }
0x1e: {  	s6 =	smul.u32 $0x5, s5  }
0x1f: {  	s7 =	rddreg [dreg:$0x3]  }
0x20: {  	s8 =	simm.s32 $0x0;
	s7 =	sadd.s32 s7, s6  }
0x21: {  	[tilespmem:s8], [sflag:$0x2] =	stream.linear.gather [hbm4b:s7+s8], $0x1400, $0x38;
	[tilespmem:$0x1D100] =	vst v63  }
0x22: {  	_ =	swait.ge [sflag:s2], $0x1400  }
0x23: {  	v1 =	vld [tilespmem:$0x1FF60];
	_ =	sdelay $0x5  }
0x24: {  	[sflag:s2] =	ssyncset.done $0x0  }
0x25: {  	[sflag:s2] =	ssyncadd.s32 $0xFFFFEC00  }
0x26: {  	v1 =	vld.idx.msk [tilespmem:v1+s8+$0x0], $0xffff;
	_ =	sdelay $0x4  }
0x27: {  	v1 =	vtrunc.f32 v1  }
0x28: {  	v1 =	vcvt.f32.s32 v1;
	_ =	sdelay $0x1  }
0x29: {  	[tilespmem:$0x1400] =	vst v1;
	v1 =	vld [tilespmem:$0x1FF70];
	_ =	sdelay $0x7  }
0x2a: {  	v1 =	vld.idx.msk [tilespmem:v1+s8+$0x0], $0xffff;
	_ =	sdelay $0x4  }
0x2b: {  	v1 =	vtrunc.f32 v1  }
0x2c: {  	v1 =	vcvt.f32.s32 v1;
	_ =	sdelay $0x1  }
0x2d: {  	[tilespmem:$0x1410] =	vst v1;
	v1 =	vld [tilespmem:$0x1FF80];
	_ =	sdelay $0x7  }
0x2e: {  	v1 =	vld.idx.msk [tilespmem:v1+s8+$0x0], $0xffff;
	_ =	sdelay $0x4  }
0x2f: {  	v1 =	vtrunc.f32 v1  }
0x30: {  	v1 =	vcvt.f32.s32 v1;
	_ =	sdelay $0x1  }
0x31: {  	[tilespmem:$0x1420] =	vst v1;
	v1 =	vld [tilespmem:$0x1FF90];
	_ =	sdelay $0x7  }
0x32: {  	v1 =	vld.idx.msk [tilespmem:v1+s8+$0x0], $0xffff;
	_ =	sdelay $0x4  }
0x33: {  	v1 =	vtrunc.f32 v1  }
0x34: {  	v1 =	vcvt.f32.s32 v1;
	_ =	sdelay $0x1  }
0x35: {  	[tilespmem:$0x1430] =	vst v1;
	v1 =	vld [tilespmem:$0x1FFA0];
	_ =	sdelay $0x7  }
0x36: {  	v1 =	vld.idx.msk [tilespmem:v1+s8+$0x0], $0xffff;
	_ =	sdelay $0x4  }
0x37: {  	v1 =	vtrunc.f32 v1  }
0x38: {  	v1 =	vcvt.f32.s32 v1;
	_ =	sdelay $0x1  }
0x39: {  	[tilespmem:$0x1440] =	vst v1;
	v1 =	vld [tilespmem:$0x1FFB0];
	_ =	sdelay $0x7  }
0x3a: {  	v1 =	vld.idx.msk [tilespmem:v1+s8+$0x0], $0xffff;
	_ =	sdelay $0x4  }
0x3b: {  	v1 =	vtrunc.f32 v1  }
0x3c: {  	v1 =	vcvt.f32.s32 v1;
	_ =	sdelay $0x1  }
0x3d: {  	[tilespmem:$0x1450] =	vst v1;
	v1 =	vld [tilespmem:$0x1FFC0];
	_ =	sdelay $0x7  }
0x3e: {  	v1 =	vld.idx.msk [tilespmem:v1+s8+$0x0], $0xffff;
	_ =	sdelay $0x4  }
0x3f: {  	v1 =	vtrunc.f32 v1  }
0x40: {  	v1 =	vcvt.f32.s32 v1;
	_ =	sdelay $0x1  }
0x41: {  	[tilespmem:$0x1460] =	vst v1;
	v1 =	vld [tilespmem:$0x1FFD0];
	_ =	sdelay $0x7  }
0x42: {  	v1 =	vld.idx.msk [tilespmem:v1+s8+$0x0], $0xffff;
	_ =	sdelay $0x4  }
0x43: {  	v1 =	vtrunc.f32 v1  }
0x44: {  	v1 =	vcvt.f32.s32 v1;
	_ =	sdelay $0x1  }
0x45: {  	[tilespmem:$0x1470] =	vst v1;
	v1 =	vld [tilespmem:$0x1FFE0];
	_ =	sdelay $0x7  }
0x46: {  	v1 =	vld.idx.msk [tilespmem:v1+s8+$0x0], $0xffff;
	_ =	sdelay $0x4  }
0x47: {  	v1 =	vtrunc.f32 v1  }
0x48: {  	v1 =	vcvt.f32.s32 v1;
	_ =	sdelay $0x1  }
0x49: {  	[tilespmem:$0x1480] =	vst v1;
	v1 =	vld [tilespmem:$0x1FFF0];
	_ =	sdelay $0x7  }
0x4a: {  	v1 =	vld.idx.msk [tilespmem:v1+s8+$0x0], $0xffff;
	_ =	sdelay $0x4  }
0x4b: {  	v1 =	vtrunc.f32 v1  }
0x4c: {  	v1 =	vcvt.f32.s32 v1;
	_ =	sdelay $0x1  }
0x4d: {  	[tilespmem:$0x1490] =	vst v1  }
0x4e: {  	v1 =	vld.idx.msk [tilespmem:v11+s8+$0x0], $0xffff;
	_ =	sdelay $0x4  }
0x4f: {  	v1 =	vtrunc.f32 v1  }
0x50: {  	v1 =	vcvt.f32.s32 v1;
	_ =	sdelay $0x1  }
0x51: {  	[tilespmem:$0x14A0] =	vst v1  }
0x52: {  	v1 =	vld.idx.msk [tilespmem:v12+s8+$0x0], $0xffff;
	_ =	sdelay $0x4  }
0x53: {  	v1 =	vtrunc.f32 v1  }
0x54: {  	v1 =	vcvt.f32.s32 v1;
	_ =	sdelay $0x1  }
0x55: {  	[tilespmem:$0x14B0] =	vst v1  }
0x56: {  	v1 =	vld.idx.msk [tilespmem:v13+s8+$0x0], $0xffff;
	_ =	sdelay $0x4  }
0x57: {  	v1 =	vtrunc.f32 v1  }
0x58: {  	v1 =	vcvt.f32.s32 v1;
	_ =	sdelay $0x1  }
0x59: {  	[tilespmem:$0x14C0] =	vst v1  }
0x5a: {  	v1 =	vld.idx.msk [tilespmem:v14+s8+$0x0], $0xffff;
	_ =	sdelay $0x4  }
0x5b: {  	v1 =	vtrunc.f32 v1  }
0x5c: {  	v1 =	vcvt.f32.s32 v1;
	_ =	sdelay $0x1  }
0x5d: {  	[tilespmem:$0x14D0] =	vst v1  }
0x5e: {  	v1 =	vld.idx.msk [tilespmem:v15+s8+$0x0], $0xffff;
	_ =	sdelay $0x4  }
0x5f: {  	v1 =	vtrunc.f32 v1  }
0x60: {  	v1 =	vcvt.f32.s32 v1;
	_ =	sdelay $0x1  }
0x61: {  	[tilespmem:$0x14E0] =	vst v1  }
0x62: {  	v1 =	vld.idx.msk [tilespmem:v16+s8+$0x0], $0xffff;
	_ =	sdelay $0x4  }
0x63: {  	v1 =	vtrunc.f32 v1  }
0x64: {  	v1 =	vcvt.f32.s32 v1;
	_ =	sdelay $0x1  }
0x65: {  	[tilespmem:$0x14F0] =	vst v1  }
0x66: {  	v1 =	vld.idx.msk [tilespmem:v17+s8+$0x0], $0xffff;
	_ =	sdelay $0x4  }
0x67: {  	v1 =	vtrunc.f32 v1  }
0x68: {  	v1 =	vcvt.f32.s32 v1;
	_ =	sdelay $0x1  }
0x69: {  	[tilespmem:$0x1500] =	vst v1  }
0x6a: {  	v1 =	vld.idx.msk [tilespmem:v18+s8+$0x0], $0xffff;
	_ =	sdelay $0x4  }
0x6b: {  	v1 =	vtrunc.f32 v1  }
0x6c: {  	v1 =	vcvt.f32.s32 v1;
	_ =	sdelay $0x1  }
0x6d: {  	[tilespmem:$0x1510] =	vst v1  }
0x6e: {  	v1 =	vld.idx.msk [tilespmem:v19+s8+$0x0], $0xffff;
	_ =	sdelay $0x4  }
0x6f: {  	v1 =	vtrunc.f32 v1  }
0x70: {  	v1 =	vcvt.f32.s32 v1;
	_ =	sdelay $0x1  }
0x71: {  	[tilespmem:$0x1520] =	vst v1  }
0x72: {  	v1 =	vld.idx.msk [tilespmem:v20+s8+$0x0], $0xffff;
	_ =	sdelay $0x4  }
0x73: {  	v1 =	vtrunc.f32 v1  }
0x74: {  	v1 =	vcvt.f32.s32 v1;
	_ =	sdelay $0x1  }
0x75: {  	[tilespmem:$0x1530] =	vst v1  }
0x76: {  	v1 =	vld.idx.msk [tilespmem:v21+s8+$0x0], $0xffff;
	_ =	sdelay $0x4  }
0x77: {  	v1 =	vtrunc.f32 v1  }
0x78: {  	v1 =	vcvt.f32.s32 v1;
	_ =	sdelay $0x1  }
0x79: {  	[tilespmem:$0x1540] =	vst v1  }
0x7a: {  	v1 =	vld.idx.msk [tilespmem:v22+s8+$0x0], $0xffff;
	_ =	sdelay $0x4  }
0x7b: {  	v1 =	vtrunc.f32 v1  }
0x7c: {  	v1 =	vcvt.f32.s32 v1;
	_ =	sdelay $0x1  }
0x7d: {  	[tilespmem:$0x1550] =	vst v1  }
0x7e: {  	v1 =	vld.idx.msk [tilespmem:v23+s8+$0x0], $0xffff;
	_ =	sdelay $0x4  }
0x7f: {  	v1 =	vtrunc.f32 v1  }
0x80: {  	v1 =	vcvt.f32.s32 v1;
	_ =	sdelay $0x1  }
0x81: {  	[tilespmem:$0x1560] =	vst v1  }
0x82: {  	v1 =	vld.idx.msk [tilespmem:v24+s8+$0x0], $0xffff;
	_ =	sdelay $0x4  }
0x83: {  	v1 =	vtrunc.f32 v1  }
0x84: {  	v1 =	vcvt.f32.s32 v1;
	_ =	sdelay $0x1  }
0x85: {  	[tilespmem:$0x1570] =	vst v1  }
0x86: {  	v1 =	vld.idx.msk [tilespmem:v25+s8+$0x0], $0xffff;
	_ =	sdelay $0x4  }
0x87: {  	v1 =	vtrunc.f32 v1  }
0x88: {  	v1 =	vcvt.f32.s32 v1;
	_ =	sdelay $0x1  }
0x89: {  	[tilespmem:$0x1580] =	vst v1  }
0x8a: {  	v1 =	vld.idx.msk [tilespmem:v26+s8+$0x0], $0xffff;
	_ =	sdelay $0x4  }
0x8b: {  	v1 =	vtrunc.f32 v1  }
0x8c: {  	v1 =	vcvt.f32.s32 v1;
	_ =	sdelay $0x1  }
0x8d: {  	[tilespmem:$0x1590] =	vst v1  }
0x8e: {  	v1 =	vld.idx.msk [tilespmem:v27+s8+$0x0], $0xffff;
	_ =	sdelay $0x4  }
0x8f: {  	v1 =	vtrunc.f32 v1  }
0x90: {  	v1 =	vcvt.f32.s32 v1;
	_ =	sdelay $0x1  }
0x91: {  	[tilespmem:$0x15A0] =	vst v1  }
0x92: {  	v1 =	vld.idx.msk [tilespmem:v28+s8+$0x0], $0xffff;
	_ =	sdelay $0x4  }
0x93: {  	v1 =	vtrunc.f32 v1  }
0x94: {  	v1 =	vcvt.f32.s32 v1;
	_ =	sdelay $0x1  }
0x95: {  	[tilespmem:$0x15B0] =	vst v1  }
0x96: {  	v1 =	vld.idx.msk [tilespmem:v29+s8+$0x0], $0xffff;
	_ =	sdelay $0x4  }
0x97: {  	v1 =	vtrunc.f32 v1  }
0x98: {  	v1 =	vcvt.f32.s32 v1;
	_ =	sdelay $0x1  }
0x99: {  	[tilespmem:$0x15C0] =	vst v1  }
0x9a: {  	v1 =	vld.idx.msk [tilespmem:v30+s8+$0x0], $0xffff;
	_ =	sdelay $0x4  }
0x9b: {  	v1 =	vtrunc.f32 v1  }
0x9c: {  	v1 =	vcvt.f32.s32 v1;
	_ =	sdelay $0x1  }
0x9d: {  	[tilespmem:$0x15D0] =	vst v1  }
0x9e: {  	v1 =	vld.idx.msk [tilespmem:v31+s8+$0x0], $0xffff;
	_ =	sdelay $0x4  }
0x9f: {  	v1 =	vtrunc.f32 v1  }
0xa0: {  	v1 =	vcvt.f32.s32 v1;
	_ =	sdelay $0x1  }
0xa1: {  	[tilespmem:$0x15E0] =	vst v1  }
0xa2: {  	v1 =	vld.idx.msk [tilespmem:v32+s8+$0x0], $0xffff;
	_ =	sdelay $0x4  }
0xa3: {  	v1 =	vtrunc.f32 v1  }
0xa4: {  	v1 =	vcvt.f32.s32 v1;
	_ =	sdelay $0x1  }
0xa5: {  	[tilespmem:$0x15F0] =	vst v1  }
0xa6: {  	v1 =	vld.idx.msk [tilespmem:v33+s8+$0x0], $0xffff;
	_ =	sdelay $0x4  }
0xa7: {  	v1 =	vtrunc.f32 v1  }
0xa8: {  	v1 =	vcvt.f32.s32 v1;
	_ =	sdelay $0x1  }
0xa9: {  	[tilespmem:$0x1600] =	vst v1  }
0xaa: {  	v1 =	vld.idx.msk [tilespmem:v34+s8+$0x0], $0xffff;
	_ =	sdelay $0x4  }
0xab: {  	v1 =	vtrunc.f32 v1  }
0xac: {  	v1 =	vcvt.f32.s32 v1;
	_ =	sdelay $0x1  }
0xad: {  	[tilespmem:$0x1610] =	vst v1  }
0xae: {  	v1 =	vld.idx.msk [tilespmem:v35+s8+$0x0], $0xffff;
	_ =	sdelay $0x4  }
0xaf: {  	v1 =	vtrunc.f32 v1  }
0xb0: {  	v1 =	vcvt.f32.s32 v1;
	_ =	sdelay $0x1  }
0xb1: {  	[tilespmem:$0x1620] =	vst v1  }
0xb2: {  	v1 =	vld.idx.msk [tilespmem:v36+s8+$0x0], $0xffff;
	_ =	sdelay $0x4  }
0xb3: {  	v1 =	vtrunc.f32 v1  }
0xb4: {  	v1 =	vcvt.f32.s32 v1;
	_ =	sdelay $0x1  }
0xb5: {  	[tilespmem:$0x1630] =	vst v1  }
0xb6: {  	v1 =	vld.idx.msk [tilespmem:v37+s8+$0x0], $0xffff;
	_ =	sdelay $0x4  }
0xb7: {  	v1 =	vtrunc.f32 v1  }
0xb8: {  	v1 =	vcvt.f32.s32 v1;
	_ =	sdelay $0x1  }
0xb9: {  	[tilespmem:$0x1640] =	vst v1  }
0xba: {  	v1 =	vld.idx.msk [tilespmem:v38+s8+$0x0], $0xffff;
	_ =	sdelay $0x4  }
0xbb: {  	v1 =	vtrunc.f32 v1  }
0xbc: {  	v1 =	vcvt.f32.s32 v1;
	_ =	sdelay $0x1  }
0xbd: {  	[tilespmem:$0x1650] =	vst v1  }
0xbe: {  	v1 =	vld.idx.msk [tilespmem:v39+s8+$0x0], $0xffff;
	_ =	sdelay $0x4  }
0xbf: {  	v1 =	vtrunc.f32 v1  }
0xc0: {  	v1 =	vcvt.f32.s32 v1;
	_ =	sdelay $0x1  }
0xc1: {  	[tilespmem:$0x1660] =	vst v1  }
0xc2: {  	v1 =	vld.idx.msk [tilespmem:v40+s8+$0x0], $0xffff;
	_ =	sdelay $0x4  }
0xc3: {  	v1 =	vtrunc.f32 v1  }
0xc4: {  	v1 =	vcvt.f32.s32 v1;
	_ =	sdelay $0x1  }
0xc5: {  	[tilespmem:$0x1670] =	vst v1  }
0xc6: {  	v1 =	vld.idx.msk [tilespmem:v41+s8+$0x0], $0xffff;
	_ =	sdelay $0x4  }
0xc7: {  	v1 =	vtrunc.f32 v1  }
0xc8: {  	v1 =	vcvt.f32.s32 v1;
	_ =	sdelay $0x1  }
0xc9: {  	[tilespmem:$0x1680] =	vst v1  }
0xca: {  	v1 =	vld.idx.msk [tilespmem:v42+s8+$0x0], $0xffff;
	_ =	sdelay $0x4  }
0xcb: {  	v1 =	vtrunc.f32 v1  }
0xcc: {  	v1 =	vcvt.f32.s32 v1;
	_ =	sdelay $0x1  }
0xcd: {  	[tilespmem:$0x1690] =	vst v1  }
0xce: {  	v1 =	vld.idx.msk [tilespmem:v43+s8+$0x0], $0xffff;
	_ =	sdelay $0x4  }
0xcf: {  	v1 =	vtrunc.f32 v1  }
0xd0: {  	v1 =	vcvt.f32.s32 v1;
	_ =	sdelay $0x1  }
0xd1: {  	[tilespmem:$0x16A0] =	vst v1  }
0xd2: {  	v1 =	vld.idx.msk [tilespmem:v44+s8+$0x0], $0xffff;
	_ =	sdelay $0x4  }
0xd3: {  	v1 =	vtrunc.f32 v1  }
0xd4: {  	v1 =	vcvt.f32.s32 v1;
	_ =	sdelay $0x1  }
0xd5: {  	[tilespmem:$0x16B0] =	vst v1  }
0xd6: {  	v1 =	vld.idx.msk [tilespmem:v45+s8+$0x0], $0xffff;
	_ =	sdelay $0x4  }
0xd7: {  	v1 =	vtrunc.f32 v1  }
0xd8: {  	v1 =	vcvt.f32.s32 v1;
	_ =	sdelay $0x1  }
0xd9: {  	[tilespmem:$0x16C0] =	vst v1  }
0xda: {  	v1 =	vld.idx.msk [tilespmem:v46+s8+$0x0], $0xffff;
	_ =	sdelay $0x4  }
0xdb: {  	v1 =	vtrunc.f32 v1  }
0xdc: {  	v1 =	vcvt.f32.s32 v1;
	_ =	sdelay $0x1  }
0xdd: {  	[tilespmem:$0x16D0] =	vst v1  }
0xde: {  	v1 =	vld.idx.msk [tilespmem:v47+s8+$0x0], $0xffff;
	_ =	sdelay $0x4  }
0xdf: {  	v1 =	vtrunc.f32 v1  }
0xe0: {  	v1 =	vcvt.f32.s32 v1;
	_ =	sdelay $0x1  }
0xe1: {  	[tilespmem:$0x16E0] =	vst v1  }
0xe2: {  	v1 =	vld.idx.msk [tilespmem:v48+s8+$0x0], $0xffff;
	_ =	sdelay $0x4  }
0xe3: {  	v1 =	vtrunc.f32 v1  }
0xe4: {  	v1 =	vcvt.f32.s32 v1;
	_ =	sdelay $0x1  }
0xe5: {  	[tilespmem:$0x16F0] =	vst v1  }
0xe6: {  	v1 =	vld.idx.msk [tilespmem:v49+s8+$0x0], $0xffff;
	_ =	sdelay $0x4  }
0xe7: {  	v1 =	vtrunc.f32 v1  }
0xe8: {  	v1 =	vcvt.f32.s32 v1;
	_ =	sdelay $0x1  }
0xe9: {  	[tilespmem:$0x1700] =	vst v1  }
0xea: {  	v1 =	vld.idx.msk [tilespmem:v50+s8+$0x0], $0xffff;
	_ =	sdelay $0x4  }
0xeb: {  	v1 =	vtrunc.f32 v1  }
0xec: {  	v1 =	vcvt.f32.s32 v1;
	_ =	sdelay $0x1  }
0xed: {  	[tilespmem:$0x1710] =	vst v1  }
0xee: {  	v1 =	vld.idx.msk [tilespmem:v51+s8+$0x0], $0xffff;
	_ =	sdelay $0x4  }
0xef: {  	v1 =	vtrunc.f32 v1  }
0xf0: {  	v1 =	vcvt.f32.s32 v1;
	_ =	sdelay $0x1  }
0xf1: {  	[tilespmem:$0x1720] =	vst v1  }
0xf2: {  	v1 =	vld.idx.msk [tilespmem:v52+s8+$0x0], $0xffff;
	_ =	sdelay $0x4  }
0xf3: {  	v1 =	vtrunc.f32 v1  }
0xf4: {  	v1 =	vcvt.f32.s32 v1;
	_ =	sdelay $0x1  }
0xf5: {  	[tilespmem:$0x1730] =	vst v1  }
0xf6: {  	v1 =	vld.idx.msk [tilespmem:v53+s8+$0x0], $0xffff;
	_ =	sdelay $0x4  }
0xf7: {  	v1 =	vtrunc.f32 v1  }
0xf8: {  	v1 =	vcvt.f32.s32 v1;
	_ =	sdelay $0x1  }
0xf9: {  	[tilespmem:$0x1740] =	vst v1  }
0xfa: {  	v1 =	vld.idx.msk [tilespmem:v54+s8+$0x0], $0xffff;
	_ =	sdelay $0x4  }
0xfb: {  	v1 =	vtrunc.f32 v1  }
0xfc: {  	v1 =	vcvt.f32.s32 v1;
	_ =	sdelay $0x1  }
0xfd: {  	[tilespmem:$0x1750] =	vst v1  }
0xfe: {  	v1 =	vld.idx.msk [tilespmem:v55+s8+$0x0], $0xffff;
	_ =	sdelay $0x4  }
0xff: {  	v1 =	vtrunc.f32 v1  }
0x100: {  	v1 =	vcvt.f32.s32 v1;
	_ =	sdelay $0x1  }
0x101: {  	[tilespmem:$0x1760] =	vst v1  }
0x102: {  	v1 =	vld.idx.msk [tilespmem:v56+s8+$0x0], $0xffff;
	_ =	sdelay $0x4  }
0x103: {  	v1 =	vtrunc.f32 v1  }
0x104: {  	v1 =	vcvt.f32.s32 v1;
	_ =	sdelay $0x1  }
0x105: {  	[tilespmem:$0x1770] =	vst v1  }
0x106: {  	v1 =	vld.idx.msk [tilespmem:v57+s8+$0x0], $0xffff;
	_ =	sdelay $0x4  }
0x107: {  	v1 =	vtrunc.f32 v1  }
0x108: {  	v1 =	vcvt.f32.s32 v1;
	_ =	sdelay $0x1  }
0x109: {  	[tilespmem:$0x1780] =	vst v1  }
0x10a: {  	v1 =	vld.idx.msk [tilespmem:v58+s8+$0x0], $0xffff;
	_ =	sdelay $0x4  }
0x10b: {  	v1 =	vtrunc.f32 v1  }
0x10c: {  	v1 =	vcvt.f32.s32 v1;
	_ =	sdelay $0x1  }
0x10d: {  	[tilespmem:$0x1790] =	vst v1  }
0x10e: {  	v1 =	vld.idx.msk [tilespmem:v59+s8+$0x0], $0xffff;
	_ =	sdelay $0x4  }
0x10f: {  	v1 =	vtrunc.f32 v1  }
0x110: {  	v1 =	vcvt.f32.s32 v1;
	_ =	sdelay $0x1  }
0x111: {  	[tilespmem:$0x17A0] =	vst v1  }
0x112: {  	v1 =	vld.idx.msk [tilespmem:v60+s8+$0x0], $0xffff;
	_ =	sdelay $0x4  }
0x113: {  	v1 =	vtrunc.f32 v1  }
0x114: {  	v1 =	vcvt.f32.s32 v1;
	_ =	sdelay $0x1  }
0x115: {  	[tilespmem:$0x17B0] =	vst v1  }
0x116: {  	v1 =	vld.idx.msk [tilespmem:v61+s8+$0x0], $0xffff;
	_ =	sdelay $0x4  }
0x117: {  	v1 =	vtrunc.f32 v1  }
0x118: {  	v1 =	vcvt.f32.s32 v1;
	_ =	sdelay $0x1  }
0x119: {  	[tilespmem:$0x17C0] =	vst v1  }
0x11a: {  	v1 =	vld.idx.msk [tilespmem:v62+s8+$0x0], $0xffff;
	_ =	sdelay $0x4  }
0x11b: {  	v1 =	vtrunc.f32 v1  }
0x11c: {  	v1 =	vcvt.f32.s32 v1;
	_ =	sdelay $0x1  }
0x11d: {  	[tilespmem:$0x17D0] =	vst v1  }
0x11e: {  	v1 =	vld.idx.msk [tilespmem:v63+s8+$0x0], $0xffff;
	_ =	sdelay $0x3  }
0x11f: {  	v2 =	vadd.s32 $0x1194, v0  }
0x120: {  	v1 =	vtrunc.f32 v1  }
0x121: {  	v1 =	vcvt.f32.s32 v1;
	_ =	sdelay $0x1  }
0x122: {  	[tilespmem:$0x17E0] =	vst v1  }
0x123: {  	v1 =	vld.idx.msk [tilespmem:v2+s8+$0x0], $0xffff;
	_ =	sdelay $0x3  }
0x124: {  	v2 =	vadd.s32 $0x15, v0  }
0x125: {  	v1 =	vtrunc.f32 v1  }
0x126: {  	v1 =	vcvt.f32.s32 v1;
	_ =	sdelay $0x1  }
0x127: {  	[tilespmem:$0x17F0] =	vst v1  }
0x128: {  	v1 =	vld.idx.msk [tilespmem:v2+s8+$0x0], $0xffff;
	_ =	sdelay $0x3  }
0x129: {  	v2 =	vadd.s32 $0x295, v0  }
0x12a: {  	v1 =	vtrunc.f32 v1  }
0x12b: {  	v1 =	vcvt.f32.s32 v1;
	_ =	sdelay $0x1  }
0x12c: {  	[tilespmem:$0x1800] =	vst v1  }
0x12d: {  	v1 =	vld.idx.msk [tilespmem:v2+s8+$0x0], $0xffff;
	_ =	sdelay $0x3  }
0x12e: {  	v2 =	vadd.s32 $0x515, v0  }
0x12f: {  	v1 =	vtrunc.f32 v1  }
0x130: {  	v1 =	vcvt.f32.s32 v1;
	_ =	sdelay $0x1  }
0x131: {  	[tilespmem:$0x1810] =	vst v1  }
0x132: {  	v1 =	vld.idx.msk [tilespmem:v2+s8+$0x0], $0xffff;
	_ =	sdelay $0x3  }
0x133: {  	v2 =	vadd.s32 $0x795, v0  }
0x134: {  	v1 =	vtrunc.f32 v1  }
0x135: {  	v1 =	vcvt.f32.s32 v1;
	_ =	sdelay $0x1  }
0x136: {  	[tilespmem:$0x1820] =	vst v1  }
0x137: {  	v1 =	vld.idx.msk [tilespmem:v2+s8+$0x0], $0xffff;
	_ =	sdelay $0x3  }
0x138: {  	v2 =	vadd.s32 $0xA15, v0  }
0x139: {  	v1 =	vtrunc.f32 v1  }
0x13a: {  	v1 =	vcvt.f32.s32 v1;
	_ =	sdelay $0x1  }
0x13b: {  	[tilespmem:$0x1830] =	vst v1  }
0x13c: {  	v1 =	vld.idx.msk [tilespmem:v2+s8+$0x0], $0xffff;
	_ =	sdelay $0x3  }
0x13d: {  	v2 =	vadd.s32 $0xC95, v0  }
0x13e: {  	v1 =	vtrunc.f32 v1  }
0x13f: {  	v1 =	vcvt.f32.s32 v1;
	_ =	sdelay $0x1  }
0x140: {  	[tilespmem:$0x1840] =	vst v1  }
0x141: {  	v1 =	vld.idx.msk [tilespmem:v2+s8+$0x0], $0xffff;
	_ =	sdelay $0x3  }
0x142: {  	v2 =	vadd.s32 $0xF15, v0  }
0x143: {  	v1 =	vtrunc.f32 v1  }
0x144: {  	v1 =	vcvt.f32.s32 v1;
	_ =	sdelay $0x1  }
0x145: {  	[tilespmem:$0x1850] =	vst v1  }
0x146: {  	v1 =	vld.idx.msk [tilespmem:v2+s8+$0x0], $0xffff;
	_ =	sdelay $0x3  }
0x147: {  	v2 =	vadd.s32 $0x1195, v0  }
0x148: {  	v1 =	vtrunc.f32 v1  }
0x149: {  	v1 =	vcvt.f32.s32 v1;
	_ =	sdelay $0x1  }
0x14a: {  	[tilespmem:$0x1860] =	vst v1  }
0x14b: {  	v1 =	vld.idx.msk [tilespmem:v2+s8+$0x0], $0xffff;
	_ =	sdelay $0x3  }
0x14c: {  	v2 =	vadd.s32 $0x16, v0  }
0x14d: {  	v1 =	vtrunc.f32 v1  }
0x14e: {  	v1 =	vcvt.f32.s32 v1;
	_ =	sdelay $0x1  }
0x14f: {  	[tilespmem:$0x1870] =	vst v1  }
0x150: {  	v1 =	vld.idx.msk [tilespmem:v2+s8+$0x0], $0xffff;
	_ =	sdelay $0x3  }
0x151: {  	v2 =	vadd.s32 $0x296, v0  }
0x152: {  	v1 =	vtrunc.f32 v1  }
0x153: {  	v1 =	vcvt.f32.s32 v1;
	_ =	sdelay $0x1  }
0x154: {  	[tilespmem:$0x1880] =	vst v1  }
0x155: {  	v1 =	vld.idx.msk [tilespmem:v2+s8+$0x0], $0xffff;
	_ =	sdelay $0x3  }
0x156: {  	v2 =	vadd.s32 $0x516, v0  }
0x157: {  	v1 =	vtrunc.f32 v1  }
0x158: {  	v1 =	vcvt.f32.s32 v1;
	_ =	sdelay $0x1  }
0x159: {  	[tilespmem:$0x1890] =	vst v1  }
0x15a: {  	v1 =	vld.idx.msk [tilespmem:v2+s8+$0x0], $0xffff;
	_ =	sdelay $0x3  }
0x15b: {  	v2 =	vadd.s32 $0x796, v0  }
0x15c: {  	v1 =	vtrunc.f32 v1  }
0x15d: {  	v1 =	vcvt.f32.s32 v1;
	_ =	sdelay $0x1  }
0x15e: {  	[tilespmem:$0x18A0] =	vst v1  }
0x15f: {  	v1 =	vld.idx.msk [tilespmem:v2+s8+$0x0], $0xffff;
	_ =	sdelay $0x3  }
0x160: {  	v2 =	vadd.s32 $0xA16, v0  }
0x161: {  	v1 =	vtrunc.f32 v1  }
0x162: {  	v1 =	vcvt.f32.s32 v1;
	_ =	sdelay $0x1  }
0x163: {  	[tilespmem:$0x18B0] =	vst v1  }
0x164: {  	v1 =	vld.idx.msk [tilespmem:v2+s8+$0x0], $0xffff;
	_ =	sdelay $0x3  }
0x165: {  	v2 =	vadd.s32 $0xC96, v0  }
0x166: {  	v1 =	vtrunc.f32 v1  }
0x167: {  	v1 =	vcvt.f32.s32 v1;
	_ =	sdelay $0x1  }
0x168: {  	[tilespmem:$0x18C0] =	vst v1  }
0x169: {  	v1 =	vld.idx.msk [tilespmem:v2+s8+$0x0], $0xffff;
	_ =	sdelay $0x3  }
0x16a: {  	v2 =	vadd.s32 $0xF16, v0  }
0x16b: {  	v1 =	vtrunc.f32 v1  }
0x16c: {  	v1 =	vcvt.f32.s32 v1;
	_ =	sdelay $0x1  }
0x16d: {  	[tilespmem:$0x18D0] =	vst v1  }
0x16e: {  	v1 =	vld.idx.msk [tilespmem:v2+s8+$0x0], $0xffff;
	_ =	sdelay $0x3  }
0x16f: {  	v2 =	vadd.s32 $0x1196, v0  }
0x170: {  	v1 =	vtrunc.f32 v1  }
0x171: {  	v1 =	vcvt.f32.s32 v1;
	_ =	sdelay $0x1  }
0x172: {  	[tilespmem:$0x18E0] =	vst v1  }
0x173: {  	v1 =	vld.idx.msk [tilespmem:v2+s8+$0x0], $0xffff;
	_ =	sdelay $0x3  }
0x174: {  	v2 =	vadd.s32 $0x17, v0  }
0x175: {  	v1 =	vtrunc.f32 v1  }
0x176: {  	v1 =	vcvt.f32.s32 v1;
	_ =	sdelay $0x1  }
0x177: {  	[tilespmem:$0x18F0] =	vst v1  }
0x178: {  	v1 =	vld.idx.msk [tilespmem:v2+s8+$0x0], $0xffff;
	_ =	sdelay $0x3  }
0x179: {  	v2 =	vadd.s32 $0x297, v0  }
0x17a: {  	v1 =	vtrunc.f32 v1  }
0x17b: {  	v1 =	vcvt.f32.s32 v1;
	_ =	sdelay $0x1  }
0x17c: {  	[tilespmem:$0x1900] =	vst v1  }
0x17d: {  	v1 =	vld.idx.msk [tilespmem:v2+s8+$0x0], $0xffff;
	_ =	sdelay $0x3  }
0x17e: {  	v2 =	vadd.s32 $0x517, v0  }
0x17f: {  	v1 =	vtrunc.f32 v1  }
0x180: {  	v1 =	vcvt.f32.s32 v1;
	_ =	sdelay $0x1  }
0x181: {  	[tilespmem:$0x1910] =	vst v1  }
0x182: {  	v1 =	vld.idx.msk [tilespmem:v2+s8+$0x0], $0xffff;
	_ =	sdelay $0x3  }
0x183: {  	v2 =	vadd.s32 $0x797, v0  }
0x184: {  	v1 =	vtrunc.f32 v1  }
0x185: {  	v1 =	vcvt.f32.s32 v1;
	_ =	sdelay $0x1  }
0x186: {  	[tilespmem:$0x1920] =	vst v1  }
0x187: {  	v1 =	vld.idx.msk [tilespmem:v2+s8+$0x0], $0xffff;
	_ =	sdelay $0x3  }
0x188: {  	v2 =	vadd.s32 $0xA17, v0  }
0x189: {  	v1 =	vtrunc.f32 v1  }
0x18a: {  	v1 =	vcvt.f32.s32 v1;
	_ =	sdelay $0x1  }
0x18b: {  	[tilespmem:$0x1930] =	vst v1  }
0x18c: {  	v1 =	vld.idx.msk [tilespmem:v2+s8+$0x0], $0xffff;
	_ =	sdelay $0x3  }
0x18d: {  	v2 =	vadd.s32 $0xC97, v0  }
0x18e: {  	v1 =	vtrunc.f32 v1  }
0x18f: {  	v1 =	vcvt.f32.s32 v1;
	_ =	sdelay $0x1  }
0x190: {  	[tilespmem:$0x1940] =	vst v1  }
0x191: {  	v1 =	vld.idx.msk [tilespmem:v2+s8+$0x0], $0xffff;
	_ =	sdelay $0x3  }
0x192: {  	v2 =	vadd.s32 $0xF17, v0  }
0x193: {  	v1 =	vtrunc.f32 v1  }
0x194: {  	v1 =	vcvt.f32.s32 v1;
	_ =	sdelay $0x1  }
0x195: {  	[tilespmem:$0x1950] =	vst v1  }
0x196: {  	v1 =	vld.idx.msk [tilespmem:v2+s8+$0x0], $0xffff;
	_ =	sdelay $0x3  }
0x197: {  	v2 =	vadd.s32 $0x1197, v0  }
0x198: {  	v1 =	vtrunc.f32 v1  }
0x199: {  	v1 =	vcvt.f32.s32 v1;
	_ =	sdelay $0x1  }
0x19a: {  	[tilespmem:$0x1960] =	vst v1  }
0x19b: {  	v1 =	vld.idx.msk [tilespmem:v2+s8+$0x0], $0xffff;
	_ =	sdelay $0x3  }
0x19c: {  	v2 =	vadd.s32 $0x18, v0  }
0x19d: {  	v1 =	vtrunc.f32 v1  }
0x19e: {  	v1 =	vcvt.f32.s32 v1;
	_ =	sdelay $0x1  }
0x19f: {  	[tilespmem:$0x1970] =	vst v1  }
0x1a0: {  	v1 =	vld.idx.msk [tilespmem:v2+s8+$0x0], $0xffff;
	_ =	sdelay $0x3  }
0x1a1: {  	v2 =	vadd.s32 $0x298, v0  }
0x1a2: {  	v1 =	vtrunc.f32 v1  }
0x1a3: {  	v1 =	vcvt.f32.s32 v1;
	_ =	sdelay $0x1  }
0x1a4: {  	[tilespmem:$0x1980] =	vst v1  }
0x1a5: {  	v1 =	vld.idx.msk [tilespmem:v2+s8+$0x0], $0xffff;
	_ =	sdelay $0x3  }
0x1a6: {  	v2 =	vadd.s32 $0x518, v0  }
0x1a7: {  	v1 =	vtrunc.f32 v1  }
0x1a8: {  	v1 =	vcvt.f32.s32 v1;
	_ =	sdelay $0x1  }
0x1a9: {  	[tilespmem:$0x1990] =	vst v1  }
0x1aa: {  	v1 =	vld.idx.msk [tilespmem:v2+s8+$0x0], $0xffff;
	_ =	sdelay $0x3  }
0x1ab: {  	v2 =	vadd.s32 $0x798, v0  }
0x1ac: {  	v1 =	vtrunc.f32 v1  }
0x1ad: {  	v1 =	vcvt.f32.s32 v1;
	_ =	sdelay $0x1  }
0x1ae: {  	[tilespmem:$0x19A0] =	vst v1  }
0x1af: {  	v1 =	vld.idx.msk [tilespmem:v2+s8+$0x0], $0xffff;
	_ =	sdelay $0x3  }
0x1b0: {  	v2 =	vadd.s32 $0xA18, v0  }
0x1b1: {  	v1 =	vtrunc.f32 v1  }
0x1b2: {  	v1 =	vcvt.f32.s32 v1;
	_ =	sdelay $0x1  }
0x1b3: {  	[tilespmem:$0x19B0] =	vst v1  }
0x1b4: {  	v1 =	vld.idx.msk [tilespmem:v2+s8+$0x0], $0xffff;
	_ =	sdelay $0x3  }
0x1b5: {  	v2 =	vadd.s32 $0xC98, v0  }
0x1b6: {  	v1 =	vtrunc.f32 v1  }
0x1b7: {  	v1 =	vcvt.f32.s32 v1;
	_ =	sdelay $0x1  }
0x1b8: {  	[tilespmem:$0x19C0] =	vst v1  }
0x1b9: {  	v1 =	vld.idx.msk [tilespmem:v2+s8+$0x0], $0xffff;
	_ =	sdelay $0x3  }
0x1ba: {  	v2 =	vadd.s32 $0xF18, v0  }
0x1bb: {  	v1 =	vtrunc.f32 v1  }
0x1bc: {  	v1 =	vcvt.f32.s32 v1;
	_ =	sdelay $0x1  }
0x1bd: {  	[tilespmem:$0x19D0] =	vst v1  }
0x1be: {  	v1 =	vld.idx.msk [tilespmem:v2+s8+$0x0], $0xffff;
	_ =	sdelay $0x3  }
0x1bf: {  	v2 =	vadd.s32 $0x1198, v0  }
0x1c0: {  	v1 =	vtrunc.f32 v1  }
0x1c1: {  	v1 =	vcvt.f32.s32 v1;
	_ =	sdelay $0x1  }
0x1c2: {  	[tilespmem:$0x19E0] =	vst v1  }
0x1c3: {  	v1 =	vld.idx.msk [tilespmem:v2+s8+$0x0], $0xffff;
	_ =	sdelay $0x3  }
0x1c4: {  	v2 =	vadd.s32 $0x19, v0  }
0x1c5: {  	v1 =	vtrunc.f32 v1  }
0x1c6: {  	v1 =	vcvt.f32.s32 v1;
	_ =	sdelay $0x1  }
0x1c7: {  	[tilespmem:$0x19F0] =	vst v1  }
0x1c8: {  	v1 =	vld.idx.msk [tilespmem:v2+s8+$0x0], $0xffff;
	_ =	sdelay $0x3  }
0x1c9: {  	v2 =	vadd.s32 $0x299, v0  }
0x1ca: {  	v1 =	vtrunc.f32 v1  }
0x1cb: {  	v1 =	vcvt.f32.s32 v1;
	_ =	sdelay $0x1  }
0x1cc: {  	[tilespmem:$0x1A00] =	vst v1  }
0x1cd: {  	v1 =	vld.idx.msk [tilespmem:v2+s8+$0x0], $0xffff;
	_ =	sdelay $0x3  }
0x1ce: {  	v2 =	vadd.s32 $0x519, v0  }
0x1cf: {  	v1 =	vtrunc.f32 v1  }
0x1d0: {  	v1 =	vcvt.f32.s32 v1;
	_ =	sdelay $0x1  }
0x1d1: {  	[tilespmem:$0x1A10] =	vst v1  }
0x1d2: {  	v1 =	vld.idx.msk [tilespmem:v2+s8+$0x0], $0xffff;
	_ =	sdelay $0x3  }
0x1d3: {  	v2 =	vadd.s32 $0x799, v0  }
0x1d4: {  	v1 =	vtrunc.f32 v1  }
0x1d5: {  	v1 =	vcvt.f32.s32 v1;
	_ =	sdelay $0x1  }
0x1d6: {  	[tilespmem:$0x1A20] =	vst v1  }
0x1d7: {  	v1 =	vld.idx.msk [tilespmem:v2+s8+$0x0], $0xffff;
	_ =	sdelay $0x3  }
0x1d8: {  	v2 =	vadd.s32 $0xA19, v0  }
0x1d9: {  	v1 =	vtrunc.f32 v1  }
0x1da: {  	v1 =	vcvt.f32.s32 v1;
	_ =	sdelay $0x1  }
0x1db: {  	[tilespmem:$0x1A30] =	vst v1  }
0x1dc: {  	v1 =	vld.idx.msk [tilespmem:v2+s8+$0x0], $0xffff;
	_ =	sdelay $0x3  }
0x1dd: {  	v2 =	vadd.s32 $0xC99, v0  }
0x1de: {  	v1 =	vtrunc.f32 v1  }
0x1df: {  	v1 =	vcvt.f32.s32 v1;
	_ =	sdelay $0x1  }
0x1e0: {  	[tilespmem:$0x1A40] =	vst v1  }
0x1e1: {  	v1 =	vld.idx.msk [tilespmem:v2+s8+$0x0], $0xffff;
	_ =	sdelay $0x3  }
0x1e2: {  	v2 =	vadd.s32 $0xF19, v0  }
0x1e3: {  	v1 =	vtrunc.f32 v1  }
0x1e4: {  	v1 =	vcvt.f32.s32 v1;
	_ =	sdelay $0x1  }
0x1e5: {  	[tilespmem:$0x1A50] =	vst v1  }
0x1e6: {  	v1 =	vld.idx.msk [tilespmem:v2+s8+$0x0], $0xffff;
	_ =	sdelay $0x3  }
0x1e7: {  	v2 =	vadd.s32 $0x1199, v0  }
0x1e8: {  	v1 =	vtrunc.f32 v1  }
0x1e9: {  	v1 =	vcvt.f32.s32 v1;
	_ =	sdelay $0x1  }
0x1ea: {  	[tilespmem:$0x1A60] =	vst v1  }
0x1eb: {  	v1 =	vld.idx.msk [tilespmem:v2+s8+$0x0], $0xffff;
	_ =	sdelay $0x3  }
0x1ec: {  	v2 =	vadd.s32 $0x1A, v0  }
0x1ed: {  	v1 =	vtrunc.f32 v1  }
0x1ee: {  	v1 =	vcvt.f32.s32 v1;
	_ =	sdelay $0x1  }
0x1ef: {  	[tilespmem:$0x1A70] =	vst v1  }
0x1f0: {  	v1 =	vld.idx.msk [tilespmem:v2+s8+$0x0], $0xffff;
	_ =	sdelay $0x3  }
0x1f1: {  	v2 =	vadd.s32 $0x29A, v0  }
0x1f2: {  	v1 =	vtrunc.f32 v1  }
0x1f3: {  	v1 =	vcvt.f32.s32 v1;
	_ =	sdelay $0x1  }
0x1f4: {  	[tilespmem:$0x1A80] =	vst v1  }
0x1f5: {  	v1 =	vld.idx.msk [tilespmem:v2+s8+$0x0], $0xffff;
	_ =	sdelay $0x3  }
0x1f6: {  	v2 =	vadd.s32 $0x51A, v0  }
0x1f7: {  	v1 =	vtrunc.f32 v1  }
0x1f8: {  	v1 =	vcvt.f32.s32 v1;
	_ =	sdelay $0x1  }
0x1f9: {  	[tilespmem:$0x1A90] =	vst v1  }
0x1fa: {  	v1 =	vld.idx.msk [tilespmem:v2+s8+$0x0], $0xffff;
	_ =	sdelay $0x3  }
0x1fb: {  	v2 =	vadd.s32 $0x79A, v0  }
0x1fc: {  	v1 =	vtrunc.f32 v1  }
0x1fd: {  	v1 =	vcvt.f32.s32 v1;
	_ =	sdelay $0x1  }
0x1fe: {  	[tilespmem:$0x1AA0] =	vst v1  }
0x1ff: {  	v1 =	vld.idx.msk [tilespmem:v2+s8+$0x0], $0xffff;
	_ =	sdelay $0x3  }
0x200: {  	v2 =	vadd.s32 $0xA1A, v0  }
0x201: {  	v1 =	vtrunc.f32 v1  }
0x202: {  	v1 =	vcvt.f32.s32 v1;
	_ =	sdelay $0x1  }
0x203: {  	[tilespmem:$0x1AB0] =	vst v1  }
0x204: {  	v1 =	vld.idx.msk [tilespmem:v2+s8+$0x0], $0xffff;
	_ =	sdelay $0x3  }
0x205: {  	v2 =	vadd.s32 $0xC9A, v0  }
0x206: {  	v1 =	vtrunc.f32 v1  }
0x207: {  	v1 =	vcvt.f32.s32 v1;
	_ =	sdelay $0x1  }
0x208: {  	[tilespmem:$0x1AC0] =	vst v1  }
0x209: {  	v1 =	vld.idx.msk [tilespmem:v2+s8+$0x0], $0xffff;
	_ =	sdelay $0x3  }
0x20a: {  	v2 =	vadd.s32 $0xF1A, v0  }
0x20b: {  	v1 =	vtrunc.f32 v1  }
0x20c: {  	v1 =	vcvt.f32.s32 v1;
	_ =	sdelay $0x1  }
0x20d: {  	[tilespmem:$0x1AD0] =	vst v1  }
0x20e: {  	v1 =	vld.idx.msk [tilespmem:v2+s8+$0x0], $0xffff;
	_ =	sdelay $0x3  }
0x20f: {  	v2 =	vadd.s32 $0x119A, v0  }
0x210: {  	v1 =	vtrunc.f32 v1  }
0x211: {  	v1 =	vcvt.f32.s32 v1;
	_ =	sdelay $0x1  }
0x212: {  	[tilespmem:$0x1AE0] =	vst v1  }
0x213: {  	v1 =	vld.idx.msk [tilespmem:v2+s8+$0x0], $0xffff;
	_ =	sdelay $0x3  }
0x214: {  	v2 =	vadd.s32 $0x1B, v0  }
0x215: {  	v1 =	vtrunc.f32 v1  }
0x216: {  	v1 =	vcvt.f32.s32 v1;
	_ =	sdelay $0x1  }
0x217: {  	[tilespmem:$0x1AF0] =	vst v1  }
0x218: {  	v1 =	vld.idx.msk [tilespmem:v2+s8+$0x0], $0xffff;
	_ =	sdelay $0x3  }
0x219: {  	v2 =	vadd.s32 $0x29B, v0  }
0x21a: {  	v1 =	vtrunc.f32 v1  }
0x21b: {  	v1 =	vcvt.f32.s32 v1;
	_ =	sdelay $0x1  }
0x21c: {  	[tilespmem:$0x1B00] =	vst v1  }
0x21d: {  	v1 =	vld.idx.msk [tilespmem:v2+s8+$0x0], $0xffff;
	_ =	sdelay $0x3  }
0x21e: {  	v2 =	vadd.s32 $0x51B, v0  }
0x21f: {  	v1 =	vtrunc.f32 v1  }
0x220: {  	v1 =	vcvt.f32.s32 v1;
	_ =	sdelay $0x1  }
0x221: {  	[tilespmem:$0x1B10] =	vst v1  }
0x222: {  	v1 =	vld.idx.msk [tilespmem:v2+s8+$0x0], $0xffff;
	_ =	sdelay $0x3  }
0x223: {  	v2 =	vadd.s32 $0x79B, v0  }
0x224: {  	v1 =	vtrunc.f32 v1  }
0x225: {  	v1 =	vcvt.f32.s32 v1;
	_ =	sdelay $0x1  }
0x226: {  	[tilespmem:$0x1B20] =	vst v1  }
0x227: {  	v1 =	vld.idx.msk [tilespmem:v2+s8+$0x0], $0xffff;
	_ =	sdelay $0x3  }
0x228: {  	v2 =	vadd.s32 $0xA1B, v0  }
0x229: {  	v1 =	vtrunc.f32 v1  }
0x22a: {  	v1 =	vcvt.f32.s32 v1;
	_ =	sdelay $0x1  }
0x22b: {  	[tilespmem:$0x1B30] =	vst v1  }
0x22c: {  	v1 =	vld.idx.msk [tilespmem:v2+s8+$0x0], $0xffff;
	_ =	sdelay $0x3  }
0x22d: {  	v2 =	vadd.s32 $0xC9B, v0  }
0x22e: {  	v1 =	vtrunc.f32 v1  }
0x22f: {  	v1 =	vcvt.f32.s32 v1;
	_ =	sdelay $0x1  }
0x230: {  	[tilespmem:$0x1B40] =	vst v1  }
0x231: {  	v1 =	vld.idx.msk [tilespmem:v2+s8+$0x0], $0xffff;
	_ =	sdelay $0x3  }
0x232: {  	v2 =	vadd.s32 $0xF1B, v0  }
0x233: {  	v1 =	vtrunc.f32 v1  }
0x234: {  	v1 =	vcvt.f32.s32 v1;
	_ =	sdelay $0x1  }
0x235: {  	[tilespmem:$0x1B50] =	vst v1  }
0x236: {  	v1 =	vld.idx.msk [tilespmem:v2+s8+$0x0], $0xffff;
	_ =	sdelay $0x3  }
0x237: {  	v2 =	vadd.s32 $0x119B, v0  }
0x238: {  	v1 =	vtrunc.f32 v1  }
0x239: {  	v1 =	vcvt.f32.s32 v1;
	_ =	sdelay $0x1  }
0x23a: {  	[tilespmem:$0x1B60] =	vst v1  }
0x23b: {  	v1 =	vld.idx.msk [tilespmem:v2+s8+$0x0], $0xffff;
	_ =	sdelay $0x3  }
0x23c: {  	v2 =	vadd.s32 $0x1C, v0  }
0x23d: {  	v1 =	vtrunc.f32 v1  }
0x23e: {  	v1 =	vcvt.f32.s32 v1;
	_ =	sdelay $0x1  }
0x23f: {  	[tilespmem:$0x1B70] =	vst v1  }
0x240: {  	v1 =	vld.idx.msk [tilespmem:v2+s8+$0x0], $0xffff;
	_ =	sdelay $0x3  }
0x241: {  	v2 =	vadd.s32 $0x29C, v0  }
0x242: {  	v1 =	vtrunc.f32 v1  }
0x243: {  	v1 =	vcvt.f32.s32 v1;
	_ =	sdelay $0x1  }
0x244: {  	[tilespmem:$0x1B80] =	vst v1  }
0x245: {  	v1 =	vld.idx.msk [tilespmem:v2+s8+$0x0], $0xffff;
	_ =	sdelay $0x3  }
0x246: {  	v2 =	vadd.s32 $0x51C, v0  }
0x247: {  	v1 =	vtrunc.f32 v1  }
0x248: {  	v1 =	vcvt.f32.s32 v1;
	_ =	sdelay $0x1  }
0x249: {  	[tilespmem:$0x1B90] =	vst v1  }
0x24a: {  	v1 =	vld.idx.msk [tilespmem:v2+s8+$0x0], $0xffff;
	_ =	sdelay $0x3  }
0x24b: {  	v2 =	vadd.s32 $0x79C, v0  }
0x24c: {  	v1 =	vtrunc.f32 v1  }
0x24d: {  	v1 =	vcvt.f32.s32 v1;
	_ =	sdelay $0x1  }
0x24e: {  	[tilespmem:$0x1BA0] =	vst v1  }
0x24f: {  	v1 =	vld.idx.msk [tilespmem:v2+s8+$0x0], $0xffff;
	_ =	sdelay $0x3  }
0x250: {  	v2 =	vadd.s32 $0xA1C, v0  }
0x251: {  	v1 =	vtrunc.f32 v1  }
0x252: {  	v1 =	vcvt.f32.s32 v1;
	_ =	sdelay $0x1  }
0x253: {  	[tilespmem:$0x1BB0] =	vst v1  }
0x254: {  	v1 =	vld.idx.msk [tilespmem:v2+s8+$0x0], $0xffff;
	_ =	sdelay $0x3  }
0x255: {  	v2 =	vadd.s32 $0xC9C, v0  }
0x256: {  	v1 =	vtrunc.f32 v1  }
0x257: {  	v1 =	vcvt.f32.s32 v1;
	_ =	sdelay $0x1  }
0x258: {  	[tilespmem:$0x1BC0] =	vst v1  }
0x259: {  	v1 =	vld.idx.msk [tilespmem:v2+s8+$0x0], $0xffff;
	_ =	sdelay $0x3  }
0x25a: {  	v2 =	vadd.s32 $0xF1C, v0  }
0x25b: {  	v1 =	vtrunc.f32 v1  }
0x25c: {  	v1 =	vcvt.f32.s32 v1;
	_ =	sdelay $0x1  }
0x25d: {  	[tilespmem:$0x1BD0] =	vst v1  }
0x25e: {  	v1 =	vld.idx.msk [tilespmem:v2+s8+$0x0], $0xffff;
	_ =	sdelay $0x3  }
0x25f: {  	v2 =	vadd.s32 $0x119C, v0  }
0x260: {  	v1 =	vtrunc.f32 v1  }
0x261: {  	v1 =	vcvt.f32.s32 v1;
	_ =	sdelay $0x1  }
0x262: {  	[tilespmem:$0x1BE0] =	vst v1  }
0x263: {  	v1 =	vld.idx.msk [tilespmem:v2+s8+$0x0], $0xffff;
	_ =	sdelay $0x3  }
0x264: {  	v2 =	vadd.s32 $0x1D, v0  }
0x265: {  	v1 =	vtrunc.f32 v1  }
0x266: {  	v1 =	vcvt.f32.s32 v1;
	_ =	sdelay $0x1  }
0x267: {  	[tilespmem:$0x1BF0] =	vst v1  }
0x268: {  	v1 =	vld.idx.msk [tilespmem:v2+s8+$0x0], $0xffff;
	_ =	sdelay $0x3  }
0x269: {  	v2 =	vadd.s32 $0x29D, v0  }
0x26a: {  	v1 =	vtrunc.f32 v1  }
0x26b: {  	v1 =	vcvt.f32.s32 v1;
	_ =	sdelay $0x1  }
0x26c: {  	[tilespmem:$0x1C00] =	vst v1  }
0x26d: {  	v1 =	vld.idx.msk [tilespmem:v2+s8+$0x0], $0xffff;
	_ =	sdelay $0x3  }
0x26e: {  	v2 =	vadd.s32 $0x51D, v0  }
0x26f: {  	v1 =	vtrunc.f32 v1  }
0x270: {  	v1 =	vcvt.f32.s32 v1;
	_ =	sdelay $0x1  }
0x271: {  	[tilespmem:$0x1C10] =	vst v1  }
0x272: {  	v1 =	vld.idx.msk [tilespmem:v2+s8+$0x0], $0xffff;
	_ =	sdelay $0x3  }
0x273: {  	v2 =	vadd.s32 $0x79D, v0  }
0x274: {  	v1 =	vtrunc.f32 v1  }
0x275: {  	v1 =	vcvt.f32.s32 v1;
	_ =	sdelay $0x1  }
0x276: {  	[tilespmem:$0x1C20] =	vst v1  }
0x277: {  	v1 =	vld.idx.msk [tilespmem:v2+s8+$0x0], $0xffff;
	_ =	sdelay $0x3  }
0x278: {  	v2 =	vadd.s32 $0xA1D, v0  }
0x279: {  	v1 =	vtrunc.f32 v1  }
0x27a: {  	v1 =	vcvt.f32.s32 v1;
	_ =	sdelay $0x1  }
0x27b: {  	[tilespmem:$0x1C30] =	vst v1  }
0x27c: {  	v1 =	vld.idx.msk [tilespmem:v2+s8+$0x0], $0xffff;
	_ =	sdelay $0x3  }
0x27d: {  	v2 =	vadd.s32 $0xC9D, v0  }
0x27e: {  	v1 =	vtrunc.f32 v1  }
0x27f: {  	v1 =	vcvt.f32.s32 v1;
	_ =	sdelay $0x1  }
0x280: {  	[tilespmem:$0x1C40] =	vst v1  }
0x281: {  	v1 =	vld.idx.msk [tilespmem:v2+s8+$0x0], $0xffff;
	_ =	sdelay $0x3  }
0x282: {  	v2 =	vadd.s32 $0xF1D, v0  }
0x283: {  	v1 =	vtrunc.f32 v1  }
0x284: {  	v1 =	vcvt.f32.s32 v1;
	_ =	sdelay $0x1  }
0x285: {  	[tilespmem:$0x1C50] =	vst v1  }
0x286: {  	v1 =	vld.idx.msk [tilespmem:v2+s8+$0x0], $0xffff;
	_ =	sdelay $0x3  }
0x287: {  	v2 =	vadd.s32 $0x119D, v0  }
0x288: {  	v1 =	vtrunc.f32 v1  }
0x289: {  	v1 =	vcvt.f32.s32 v1;
	_ =	sdelay $0x1  }
0x28a: {  	[tilespmem:$0x1C60] =	vst v1  }
0x28b: {  	v1 =	vld.idx.msk [tilespmem:v2+s8+$0x0], $0xffff;
	_ =	sdelay $0x3  }
0x28c: {  	v2 =	vadd.s32 $0x1E, v0  }
0x28d: {  	v1 =	vtrunc.f32 v1  }
0x28e: {  	v1 =	vcvt.f32.s32 v1;
	_ =	sdelay $0x1  }
0x28f: {  	[tilespmem:$0x1C70] =	vst v1  }
0x290: {  	v1 =	vld.idx.msk [tilespmem:v2+s8+$0x0], $0xffff;
	_ =	sdelay $0x3  }
0x291: {  	v2 =	vadd.s32 $0x29E, v0  }
0x292: {  	v1 =	vtrunc.f32 v1  }
0x293: {  	v1 =	vcvt.f32.s32 v1;
	_ =	sdelay $0x1  }
0x294: {  	[tilespmem:$0x1C80] =	vst v1  }
0x295: {  	v1 =	vld.idx.msk [tilespmem:v2+s8+$0x0], $0xffff;
	_ =	sdelay $0x3  }
0x296: {  	v2 =	vadd.s32 $0x51E, v0  }
0x297: {  	v1 =	vtrunc.f32 v1  }
0x298: {  	v1 =	vcvt.f32.s32 v1;
	_ =	sdelay $0x1  }
0x299: {  	[tilespmem:$0x1C90] =	vst v1  }
0x29a: {  	v1 =	vld.idx.msk [tilespmem:v2+s8+$0x0], $0xffff;
	_ =	sdelay $0x3  }
0x29b: {  	v2 =	vadd.s32 $0x79E, v0  }
0x29c: {  	v1 =	vtrunc.f32 v1  }
0x29d: {  	v1 =	vcvt.f32.s32 v1;
	_ =	sdelay $0x1  }
0x29e: {  	[tilespmem:$0x1CA0] =	vst v1  }
0x29f: {  	v1 =	vld.idx.msk [tilespmem:v2+s8+$0x0], $0xffff;
	_ =	sdelay $0x3  }
0x2a0: {  	v2 =	vadd.s32 $0xA1E, v0  }
0x2a1: {  	v1 =	vtrunc.f32 v1  }
0x2a2: {  	v1 =	vcvt.f32.s32 v1;
	_ =	sdelay $0x1  }
0x2a3: {  	[tilespmem:$0x1CB0] =	vst v1  }
0x2a4: {  	v1 =	vld.idx.msk [tilespmem:v2+s8+$0x0], $0xffff;
	_ =	sdelay $0x3  }
0x2a5: {  	v2 =	vadd.s32 $0xC9E, v0  }
0x2a6: {  	v1 =	vtrunc.f32 v1  }
0x2a7: {  	v1 =	vcvt.f32.s32 v1;
	_ =	sdelay $0x1  }
0x2a8: {  	[tilespmem:$0x1CC0] =	vst v1  }
0x2a9: {  	v1 =	vld.idx.msk [tilespmem:v2+s8+$0x0], $0xffff;
	_ =	sdelay $0x3  }
0x2aa: {  	v2 =	vadd.s32 $0xF1E, v0  }
0x2ab: {  	v1 =	vtrunc.f32 v1  }
0x2ac: {  	v1 =	vcvt.f32.s32 v1;
	_ =	sdelay $0x1  }
0x2ad: {  	[tilespmem:$0x1CD0] =	vst v1  }
0x2ae: {  	v1 =	vld.idx.msk [tilespmem:v2+s8+$0x0], $0xffff;
	_ =	sdelay $0x3  }
0x2af: {  	v2 =	vadd.s32 $0x119E, v0  }
0x2b0: {  	v1 =	vtrunc.f32 v1  }
0x2b1: {  	v1 =	vcvt.f32.s32 v1;
	_ =	sdelay $0x1  }
0x2b2: {  	[tilespmem:$0x1CE0] =	vst v1  }
0x2b3: {  	v1 =	vld.idx.msk [tilespmem:v2+s8+$0x0], $0xffff;
	_ =	sdelay $0x3  }
0x2b4: {  	v2 =	vadd.s32 $0x1F, v0  }
0x2b5: {  	v1 =	vtrunc.f32 v1  }
0x2b6: {  	v1 =	vcvt.f32.s32 v1;
	_ =	sdelay $0x1  }
0x2b7: {  	[tilespmem:$0x1CF0] =	vst v1  }
0x2b8: {  	v1 =	vld.idx.msk [tilespmem:v2+s8+$0x0], $0xffff;
	_ =	sdelay $0x3  }
0x2b9: {  	v2 =	vadd.s32 $0x29F, v0  }
0x2ba: {  	v1 =	vtrunc.f32 v1  }
0x2bb: {  	v1 =	vcvt.f32.s32 v1;
	_ =	sdelay $0x1  }
0x2bc: {  	[tilespmem:$0x1D00] =	vst v1  }
0x2bd: {  	v1 =	vld.idx.msk [tilespmem:v2+s8+$0x0], $0xffff;
	_ =	sdelay $0x3  }
0x2be: {  	v2 =	vadd.s32 $0x51F, v0  }
0x2bf: {  	v1 =	vtrunc.f32 v1  }
0x2c0: {  	v1 =	vcvt.f32.s32 v1;
	_ =	sdelay $0x1  }
0x2c1: {  	[tilespmem:$0x1D10] =	vst v1  }
0x2c2: {  	v1 =	vld.idx.msk [tilespmem:v2+s8+$0x0], $0xffff;
	_ =	sdelay $0x3  }
0x2c3: {  	v2 =	vadd.s32 $0x79F, v0  }
0x2c4: {  	v1 =	vtrunc.f32 v1  }
0x2c5: {  	v1 =	vcvt.f32.s32 v1;
	_ =	sdelay $0x1  }
0x2c6: {  	[tilespmem:$0x1D20] =	vst v1  }
0x2c7: {  	v1 =	vld.idx.msk [tilespmem:v2+s8+$0x0], $0xffff;
	_ =	sdelay $0x3  }
0x2c8: {  	v2 =	vadd.s32 $0xA1F, v0  }
0x2c9: {  	v1 =	vtrunc.f32 v1  }
0x2ca: {  	v1 =	vcvt.f32.s32 v1;
	_ =	sdelay $0x1  }
0x2cb: {  	[tilespmem:$0x1D30] =	vst v1  }
0x2cc: {  	v1 =	vld.idx.msk [tilespmem:v2+s8+$0x0], $0xffff;
	_ =	sdelay $0x3  }
0x2cd: {  	v2 =	vadd.s32 $0xC9F, v0  }
0x2ce: {  	v1 =	vtrunc.f32 v1  }
0x2cf: {  	v1 =	vcvt.f32.s32 v1;
	_ =	sdelay $0x1  }
0x2d0: {  	[tilespmem:$0x1D40] =	vst v1  }
0x2d1: {  	v1 =	vld.idx.msk [tilespmem:v2+s8+$0x0], $0xffff;
	_ =	sdelay $0x3  }
0x2d2: {  	v2 =	vadd.s32 $0xF1F, v0  }
0x2d3: {  	v1 =	vtrunc.f32 v1  }
0x2d4: {  	v1 =	vcvt.f32.s32 v1;
	_ =	sdelay $0x1  }
0x2d5: {  	[tilespmem:$0x1D50] =	vst v1  }
0x2d6: {  	v1 =	vld.idx.msk [tilespmem:v2+s8+$0x0], $0xffff;
	_ =	sdelay $0x3  }
0x2d7: {  	v2 =	vadd.s32 $0x119F, v0  }
0x2d8: {  	v1 =	vtrunc.f32 v1  }
0x2d9: {  	v1 =	vcvt.f32.s32 v1;
	_ =	sdelay $0x1  }
0x2da: {  	[tilespmem:$0x1D60] =	vst v1  }
0x2db: {  	v1 =	vld.idx.msk [tilespmem:v2+s8+$0x0], $0xffff;
	_ =	sdelay $0x3  }
0x2dc: {  	v2 =	vadd.s32 $0x20, v0  }
0x2dd: {  	v1 =	vtrunc.f32 v1  }
0x2de: {  	v1 =	vcvt.f32.s32 v1;
	_ =	sdelay $0x1  }
0x2df: {  	[tilespmem:$0x1D70] =	vst v1  }
0x2e0: {  	v1 =	vld.idx.msk [tilespmem:v2+s8+$0x0], $0xffff;
	_ =	sdelay $0x3  }
0x2e1: {  	v2 =	vadd.s32 $0x2A0, v0  }
0x2e2: {  	v1 =	vtrunc.f32 v1  }
0x2e3: {  	v1 =	vcvt.f32.s32 v1;
	_ =	sdelay $0x1  }
0x2e4: {  	[tilespmem:$0x1D80] =	vst v1  }
0x2e5: {  	v1 =	vld.idx.msk [tilespmem:v2+s8+$0x0], $0xffff;
	_ =	sdelay $0x3  }
0x2e6: {  	v2 =	vadd.s32 $0x520, v0  }
0x2e7: {  	v1 =	vtrunc.f32 v1  }
0x2e8: {  	v1 =	vcvt.f32.s32 v1;
	_ =	sdelay $0x1  }
0x2e9: {  	[tilespmem:$0x1D90] =	vst v1  }
0x2ea: {  	v1 =	vld.idx.msk [tilespmem:v2+s8+$0x0], $0xffff;
	_ =	sdelay $0x3  }
0x2eb: {  	v2 =	vadd.s32 $0x7A0, v0  }
0x2ec: {  	v1 =	vtrunc.f32 v1  }
0x2ed: {  	v1 =	vcvt.f32.s32 v1;
	_ =	sdelay $0x1  }
0x2ee: {  	[tilespmem:$0x1DA0] =	vst v1  }
0x2ef: {  	v1 =	vld.idx.msk [tilespmem:v2+s8+$0x0], $0xffff;
	_ =	sdelay $0x3  }
0x2f0: {  	v2 =	vadd.s32 $0xA20, v0  }
0x2f1: {  	v1 =	vtrunc.f32 v1  }
0x2f2: {  	v1 =	vcvt.f32.s32 v1;
	_ =	sdelay $0x1  }
0x2f3: {  	[tilespmem:$0x1DB0] =	vst v1  }
0x2f4: {  	v1 =	vld.idx.msk [tilespmem:v2+s8+$0x0], $0xffff;
	_ =	sdelay $0x3  }
0x2f5: {  	v2 =	vadd.s32 $0xCA0, v0  }
0x2f6: {  	v1 =	vtrunc.f32 v1  }
0x2f7: {  	v1 =	vcvt.f32.s32 v1;
	_ =	sdelay $0x1  }
0x2f8: {  	[tilespmem:$0x1DC0] =	vst v1  }
0x2f9: {  	v1 =	vld.idx.msk [tilespmem:v2+s8+$0x0], $0xffff;
	_ =	sdelay $0x3  }
0x2fa: {  	v2 =	vadd.s32 $0xF20, v0  }
0x2fb: {  	v1 =	vtrunc.f32 v1  }
0x2fc: {  	v1 =	vcvt.f32.s32 v1;
	_ =	sdelay $0x1  }
0x2fd: {  	[tilespmem:$0x1DD0] =	vst v1  }
0x2fe: {  	v1 =	vld.idx.msk [tilespmem:v2+s8+$0x0], $0xffff;
	_ =	sdelay $0x3  }
0x2ff: {  	v2 =	vadd.s32 $0x11A0, v0  }
0x300: {  	v1 =	vtrunc.f32 v1  }
0x301: {  	v1 =	vcvt.f32.s32 v1;
	_ =	sdelay $0x1  }
0x302: {  	[tilespmem:$0x1DE0] =	vst v1  }
0x303: {  	v1 =	vld.idx.msk [tilespmem:v2+s8+$0x0], $0xffff;
	_ =	sdelay $0x3  }
0x304: {  	v2 =	vadd.s32 $0x21, v0  }
0x305: {  	v1 =	vtrunc.f32 v1  }
0x306: {  	v1 =	vcvt.f32.s32 v1;
	_ =	sdelay $0x1  }
0x307: {  	[tilespmem:$0x1DF0] =	vst v1  }
0x308: {  	v1 =	vld.idx.msk [tilespmem:v2+s8+$0x0], $0xffff;
	_ =	sdelay $0x3  }
0x309: {  	v2 =	vadd.s32 $0x2A1, v0  }
0x30a: {  	v1 =	vtrunc.f32 v1  }
0x30b: {  	v1 =	vcvt.f32.s32 v1;
	_ =	sdelay $0x1  }
0x30c: {  	[tilespmem:$0x1E00] =	vst v1  }
0x30d: {  	v1 =	vld.idx.msk [tilespmem:v2+s8+$0x0], $0xffff;
	_ =	sdelay $0x3  }
0x30e: {  	v2 =	vadd.s32 $0x521, v0  }
0x30f: {  	v1 =	vtrunc.f32 v1  }
0x310: {  	v1 =	vcvt.f32.s32 v1;
	_ =	sdelay $0x1  }
0x311: {  	[tilespmem:$0x1E10] =	vst v1  }
0x312: {  	v1 =	vld.idx.msk [tilespmem:v2+s8+$0x0], $0xffff;
	_ =	sdelay $0x3  }
0x313: {  	v2 =	vadd.s32 $0x7A1, v0  }
0x314: {  	v1 =	vtrunc.f32 v1  }
0x315: {  	v1 =	vcvt.f32.s32 v1;
	_ =	sdelay $0x1  }
0x316: {  	[tilespmem:$0x1E20] =	vst v1  }
0x317: {  	v1 =	vld.idx.msk [tilespmem:v2+s8+$0x0], $0xffff;
	_ =	sdelay $0x3  }
0x318: {  	v2 =	vadd.s32 $0xA21, v0  }
0x319: {  	v1 =	vtrunc.f32 v1  }
0x31a: {  	v1 =	vcvt.f32.s32 v1;
	_ =	sdelay $0x1  }
0x31b: {  	[tilespmem:$0x1E30] =	vst v1  }
0x31c: {  	v1 =	vld.idx.msk [tilespmem:v2+s8+$0x0], $0xffff;
	_ =	sdelay $0x3  }
0x31d: {  	v2 =	vadd.s32 $0xCA1, v0  }
0x31e: {  	v1 =	vtrunc.f32 v1  }
0x31f: {  	v1 =	vcvt.f32.s32 v1;
	_ =	sdelay $0x1  }
0x320: {  	[tilespmem:$0x1E40] =	vst v1  }
0x321: {  	v1 =	vld.idx.msk [tilespmem:v2+s8+$0x0], $0xffff;
	_ =	sdelay $0x3  }
0x322: {  	v2 =	vadd.s32 $0xF21, v0  }
0x323: {  	v1 =	vtrunc.f32 v1  }
0x324: {  	v1 =	vcvt.f32.s32 v1;
	_ =	sdelay $0x1  }
0x325: {  	[tilespmem:$0x1E50] =	vst v1  }
0x326: {  	v1 =	vld.idx.msk [tilespmem:v2+s8+$0x0], $0xffff;
	_ =	sdelay $0x3  }
0x327: {  	v2 =	vadd.s32 $0x11A1, v0  }
0x328: {  	v1 =	vtrunc.f32 v1  }
0x329: {  	v1 =	vcvt.f32.s32 v1;
	_ =	sdelay $0x1  }
0x32a: {  	[tilespmem:$0x1E60] =	vst v1  }
0x32b: {  	v1 =	vld.idx.msk [tilespmem:v2+s8+$0x0], $0xffff;
	_ =	sdelay $0x3  }
0x32c: {  	v2 =	vadd.s32 $0x22, v0  }
0x32d: {  	v1 =	vtrunc.f32 v1  }
0x32e: {  	v1 =	vcvt.f32.s32 v1;
	_ =	sdelay $0x1  }
0x32f: {  	[tilespmem:$0x1E70] =	vst v1  }
0x330: {  	v1 =	vld.idx.msk [tilespmem:v2+s8+$0x0], $0xffff;
	_ =	sdelay $0x3  }
0x331: {  	v2 =	vadd.s32 $0x2A2, v0  }
0x332: {  	v1 =	vtrunc.f32 v1  }
0x333: {  	v1 =	vcvt.f32.s32 v1;
	_ =	sdelay $0x1  }
0x334: {  	[tilespmem:$0x1E80] =	vst v1  }
0x335: {  	v1 =	vld.idx.msk [tilespmem:v2+s8+$0x0], $0xffff;
	_ =	sdelay $0x3  }
0x336: {  	v2 =	vadd.s32 $0x522, v0  }
0x337: {  	v1 =	vtrunc.f32 v1  }
0x338: {  	v1 =	vcvt.f32.s32 v1;
	_ =	sdelay $0x1  }
0x339: {  	[tilespmem:$0x1E90] =	vst v1  }
0x33a: {  	v1 =	vld.idx.msk [tilespmem:v2+s8+$0x0], $0xffff;
	_ =	sdelay $0x3  }
0x33b: {  	v2 =	vadd.s32 $0x7A2, v0  }
0x33c: {  	v1 =	vtrunc.f32 v1  }
0x33d: {  	v1 =	vcvt.f32.s32 v1;
	_ =	sdelay $0x1  }
0x33e: {  	[tilespmem:$0x1EA0] =	vst v1  }
0x33f: {  	v1 =	vld.idx.msk [tilespmem:v2+s8+$0x0], $0xffff;
	_ =	sdelay $0x3  }
0x340: {  	v2 =	vadd.s32 $0xA22, v0  }
0x341: {  	v1 =	vtrunc.f32 v1  }
0x342: {  	v1 =	vcvt.f32.s32 v1;
	_ =	sdelay $0x1  }
0x343: {  	[tilespmem:$0x1EB0] =	vst v1  }
0x344: {  	v1 =	vld.idx.msk [tilespmem:v2+s8+$0x0], $0xffff;
	_ =	sdelay $0x3  }
0x345: {  	v2 =	vadd.s32 $0xCA2, v0  }
0x346: {  	v1 =	vtrunc.f32 v1  }
0x347: {  	v1 =	vcvt.f32.s32 v1;
	_ =	sdelay $0x1  }
0x348: {  	[tilespmem:$0x1EC0] =	vst v1  }
0x349: {  	v1 =	vld.idx.msk [tilespmem:v2+s8+$0x0], $0xffff;
	_ =	sdelay $0x3  }
0x34a: {  	v2 =	vadd.s32 $0xF22, v0  }
0x34b: {  	v1 =	vtrunc.f32 v1  }
0x34c: {  	v1 =	vcvt.f32.s32 v1;
	_ =	sdelay $0x1  }
0x34d: {  	[tilespmem:$0x1ED0] =	vst v1  }
0x34e: {  	v1 =	vld.idx.msk [tilespmem:v2+s8+$0x0], $0xffff;
	_ =	sdelay $0x3  }
0x34f: {  	v2 =	vadd.s32 $0x11A2, v0  }
0x350: {  	v1 =	vtrunc.f32 v1  }
0x351: {  	v1 =	vcvt.f32.s32 v1;
	_ =	sdelay $0x1  }
0x352: {  	[tilespmem:$0x1EE0] =	vst v1  }
0x353: {  	v1 =	vld.idx.msk [tilespmem:v2+s8+$0x0], $0xffff;
	_ =	sdelay $0x3  }
0x354: {  	v2 =	vadd.s32 $0x23, v0  }
0x355: {  	v1 =	vtrunc.f32 v1  }
0x356: {  	v1 =	vcvt.f32.s32 v1;
	_ =	sdelay $0x1  }
0x357: {  	[tilespmem:$0x1EF0] =	vst v1  }
0x358: {  	v1 =	vld.idx.msk [tilespmem:v2+s8+$0x0], $0xffff;
	_ =	sdelay $0x3  }
0x359: {  	v2 =	vadd.s32 $0x2A3, v0  }
0x35a: {  	v1 =	vtrunc.f32 v1  }
0x35b: {  	v1 =	vcvt.f32.s32 v1;
	_ =	sdelay $0x1  }
0x35c: {  	[tilespmem:$0x1F00] =	vst v1  }
0x35d: {  	v1 =	vld.idx.msk [tilespmem:v2+s8+$0x0], $0xffff;
	_ =	sdelay $0x3  }
0x35e: {  	v2 =	vadd.s32 $0x523, v0  }
0x35f: {  	v1 =	vtrunc.f32 v1  }
0x360: {  	v1 =	vcvt.f32.s32 v1;
	_ =	sdelay $0x1  }
0x361: {  	[tilespmem:$0x1F10] =	vst v1  }
0x362: {  	v1 =	vld.idx.msk [tilespmem:v2+s8+$0x0], $0xffff;
	_ =	sdelay $0x3  }
0x363: {  	v2 =	vadd.s32 $0x7A3, v0  }
0x364: {  	v1 =	vtrunc.f32 v1  }
0x365: {  	v1 =	vcvt.f32.s32 v1;
	_ =	sdelay $0x1  }
0x366: {  	[tilespmem:$0x1F20] =	vst v1  }
0x367: {  	v1 =	vld.idx.msk [tilespmem:v2+s8+$0x0], $0xffff;
	_ =	sdelay $0x3  }
0x368: {  	v2 =	vadd.s32 $0xA23, v0  }
0x369: {  	v1 =	vtrunc.f32 v1  }
0x36a: {  	v1 =	vcvt.f32.s32 v1;
	_ =	sdelay $0x1  }
0x36b: {  	[tilespmem:$0x1F30] =	vst v1  }
0x36c: {  	v1 =	vld.idx.msk [tilespmem:v2+s8+$0x0], $0xffff;
	_ =	sdelay $0x3  }
0x36d: {  	v2 =	vadd.s32 $0xCA3, v0  }
0x36e: {  	v1 =	vtrunc.f32 v1  }
0x36f: {  	v1 =	vcvt.f32.s32 v1;
	_ =	sdelay $0x1  }
0x370: {  	[tilespmem:$0x1F40] =	vst v1  }
0x371: {  	v1 =	vld.idx.msk [tilespmem:v2+s8+$0x0], $0xffff;
	_ =	sdelay $0x3  }
0x372: {  	v2 =	vadd.s32 $0xF23, v0  }
0x373: {  	v1 =	vtrunc.f32 v1  }
0x374: {  	v1 =	vcvt.f32.s32 v1;
	_ =	sdelay $0x1  }
0x375: {  	[tilespmem:$0x1F50] =	vst v1  }
0x376: {  	v1 =	vld.idx.msk [tilespmem:v2+s8+$0x0], $0xffff;
	_ =	sdelay $0x3  }
0x377: {  	v2 =	vadd.s32 $0x11A3, v0  }
0x378: {  	v1 =	vtrunc.f32 v1  }
0x379: {  	v1 =	vcvt.f32.s32 v1;
	_ =	sdelay $0x1  }
0x37a: {  	[tilespmem:$0x1F60] =	vst v1  }
0x37b: {  	v1 =	vld.idx.msk [tilespmem:v2+s8+$0x0], $0xffff;
	_ =	sdelay $0x3  }
0x37c: {  	v2 =	vadd.s32 $0x24, v0  }
0x37d: {  	v1 =	vtrunc.f32 v1  }
0x37e: {  	v1 =	vcvt.f32.s32 v1;
	_ =	sdelay $0x1  }
0x37f: {  	[tilespmem:$0x1F70] =	vst v1  }
0x380: {  	v1 =	vld.idx.msk [tilespmem:v2+s8+$0x0], $0xffff;
	_ =	sdelay $0x3  }
0x381: {  	v2 =	vadd.s32 $0x2A4, v0  }
0x382: {  	v1 =	vtrunc.f32 v1  }
0x383: {  	v1 =	vcvt.f32.s32 v1;
	_ =	sdelay $0x1  }
0x384: {  	[tilespmem:$0x1F80] =	vst v1  }
0x385: {  	v1 =	vld.idx.msk [tilespmem:v2+s8+$0x0], $0xffff;
	_ =	sdelay $0x3  }
0x386: {  	v2 =	vadd.s32 $0x524, v0  }
0x387: {  	v1 =	vtrunc.f32 v1  }
0x388: {  	v1 =	vcvt.f32.s32 v1;
	_ =	sdelay $0x1  }
0x389: {  	[tilespmem:$0x1F90] =	vst v1  }
0x38a: {  	v1 =	vld.idx.msk [tilespmem:v2+s8+$0x0], $0xffff;
	_ =	sdelay $0x3  }
0x38b: {  	v2 =	vadd.s32 $0x7A4, v0  }
0x38c: {  	v1 =	vtrunc.f32 v1  }
0x38d: {  	v1 =	vcvt.f32.s32 v1;
	_ =	sdelay $0x1  }
0x38e: {  	[tilespmem:$0x1FA0] =	vst v1  }
0x38f: {  	v1 =	vld.idx.msk [tilespmem:v2+s8+$0x0], $0xffff;
	_ =	sdelay $0x3  }
0x390: {  	v2 =	vadd.s32 $0xA24, v0  }
0x391: {  	v1 =	vtrunc.f32 v1  }
0x392: {  	v1 =	vcvt.f32.s32 v1;
	_ =	sdelay $0x1  }
0x393: {  	[tilespmem:$0x1FB0] =	vst v1  }
0x394: {  	v1 =	vld.idx.msk [tilespmem:v2+s8+$0x0], $0xffff;
	_ =	sdelay $0x3  }
0x395: {  	v2 =	vadd.s32 $0xCA4, v0  }
0x396: {  	v1 =	vtrunc.f32 v1  }
0x397: {  	v1 =	vcvt.f32.s32 v1;
	_ =	sdelay $0x1  }
0x398: {  	[tilespmem:$0x1FC0] =	vst v1  }
0x399: {  	v1 =	vld.idx.msk [tilespmem:v2+s8+$0x0], $0xffff;
	_ =	sdelay $0x3  }
0x39a: {  	v2 =	vadd.s32 $0xF24, v0  }
0x39b: {  	v1 =	vtrunc.f32 v1  }
0x39c: {  	v1 =	vcvt.f32.s32 v1;
	_ =	sdelay $0x1  }
0x39d: {  	[tilespmem:$0x1FD0] =	vst v1  }
0x39e: {  	v1 =	vld.idx.msk [tilespmem:v2+s8+$0x0], $0xffff;
	_ =	sdelay $0x3  }
0x39f: {  	v2 =	vadd.s32 $0x11A4, v0  }
0x3a0: {  	v1 =	vtrunc.f32 v1  }
0x3a1: {  	v1 =	vcvt.f32.s32 v1;
	_ =	sdelay $0x1  }
0x3a2: {  	[tilespmem:$0x1FE0] =	vst v1  }
0x3a3: {  	v1 =	vld.idx.msk [tilespmem:v2+s8+$0x0], $0xffff;
	_ =	sdelay $0x3  }
0x3a4: {  	v2 =	vadd.s32 $0x25, v0  }
0x3a5: {  	v1 =	vtrunc.f32 v1  }
0x3a6: {  	v1 =	vcvt.f32.s32 v1;
	_ =	sdelay $0x1  }
0x3a7: {  	[tilespmem:$0x1FF0] =	vst v1  }
0x3a8: {  	v1 =	vld.idx.msk [tilespmem:v2+s8+$0x0], $0xffff;
	_ =	sdelay $0x3  }
0x3a9: {  	v2 =	vadd.s32 $0x2A5, v0  }
0x3aa: {  	v1 =	vtrunc.f32 v1  }
0x3ab: {  	v1 =	vcvt.f32.s32 v1;
	_ =	sdelay $0x1  }
0x3ac: {  	[tilespmem:$0x2000] =	vst v1  }
0x3ad: {  	v1 =	vld.idx.msk [tilespmem:v2+s8+$0x0], $0xffff;
	_ =	sdelay $0x3  }
0x3ae: {  	v2 =	vadd.s32 $0x525, v0  }
0x3af: {  	v1 =	vtrunc.f32 v1  }
0x3b0: {  	v1 =	vcvt.f32.s32 v1;
	_ =	sdelay $0x1  }
0x3b1: {  	[tilespmem:$0x2010] =	vst v1  }
0x3b2: {  	v1 =	vld.idx.msk [tilespmem:v2+s8+$0x0], $0xffff;
	_ =	sdelay $0x3  }
0x3b3: {  	v2 =	vadd.s32 $0x7A5, v0  }
0x3b4: {  	v1 =	vtrunc.f32 v1  }
0x3b5: {  	v1 =	vcvt.f32.s32 v1;
	_ =	sdelay $0x1  }
0x3b6: {  	[tilespmem:$0x2020] =	vst v1  }
0x3b7: {  	v1 =	vld.idx.msk [tilespmem:v2+s8+$0x0], $0xffff;
	_ =	sdelay $0x3  }
0x3b8: {  	v2 =	vadd.s32 $0xA25, v0  }
0x3b9: {  	v1 =	vtrunc.f32 v1  }
0x3ba: {  	v1 =	vcvt.f32.s32 v1;
	_ =	sdelay $0x1  }
0x3bb: {  	[tilespmem:$0x2030] =	vst v1  }
0x3bc: {  	v1 =	vld.idx.msk [tilespmem:v2+s8+$0x0], $0xffff;
	_ =	sdelay $0x3  }
0x3bd: {  	v2 =	vadd.s32 $0xCA5, v0  }
0x3be: {  	v1 =	vtrunc.f32 v1  }
0x3bf: {  	v1 =	vcvt.f32.s32 v1;
	_ =	sdelay $0x1  }
0x3c0: {  	[tilespmem:$0x2040] =	vst v1  }
0x3c1: {  	v1 =	vld.idx.msk [tilespmem:v2+s8+$0x0], $0xffff;
	_ =	sdelay $0x3  }
0x3c2: {  	v2 =	vadd.s32 $0xF25, v0  }
0x3c3: {  	v1 =	vtrunc.f32 v1  }
0x3c4: {  	v1 =	vcvt.f32.s32 v1;
	_ =	sdelay $0x1  }
0x3c5: {  	[tilespmem:$0x2050] =	vst v1  }
0x3c6: {  	v1 =	vld.idx.msk [tilespmem:v2+s8+$0x0], $0xffff;
	_ =	sdelay $0x3  }
0x3c7: {  	v2 =	vadd.s32 $0x11A5, v0  }
0x3c8: {  	v1 =	vtrunc.f32 v1  }
0x3c9: {  	v1 =	vcvt.f32.s32 v1;
	_ =	sdelay $0x1  }
0x3ca: {  	[tilespmem:$0x2060] =	vst v1  }
0x3cb: {  	v1 =	vld.idx.msk [tilespmem:v2+s8+$0x0], $0xffff;
	_ =	sdelay $0x3  }
0x3cc: {  	v2 =	vadd.s32 $0x26, v0  }
0x3cd: {  	v1 =	vtrunc.f32 v1  }
0x3ce: {  	v1 =	vcvt.f32.s32 v1;
	_ =	sdelay $0x1  }
0x3cf: {  	[tilespmem:$0x2070] =	vst v1  }
0x3d0: {  	v1 =	vld.idx.msk [tilespmem:v2+s8+$0x0], $0xffff;
	_ =	sdelay $0x3  }
0x3d1: {  	v2 =	vadd.s32 $0x2A6, v0  }
0x3d2: {  	v1 =	vtrunc.f32 v1  }
0x3d3: {  	v1 =	vcvt.f32.s32 v1;
	_ =	sdelay $0x1  }
0x3d4: {  	[tilespmem:$0x2080] =	vst v1  }
0x3d5: {  	v1 =	vld.idx.msk [tilespmem:v2+s8+$0x0], $0xffff;
	_ =	sdelay $0x3  }
0x3d6: {  	v2 =	vadd.s32 $0x526, v0  }
0x3d7: {  	v1 =	vtrunc.f32 v1  }
0x3d8: {  	v1 =	vcvt.f32.s32 v1;
	_ =	sdelay $0x1  }
0x3d9: {  	[tilespmem:$0x2090] =	vst v1  }
0x3da: {  	v1 =	vld.idx.msk [tilespmem:v2+s8+$0x0], $0xffff;
	_ =	sdelay $0x3  }
0x3db: {  	v2 =	vadd.s32 $0x7A6, v0  }
0x3dc: {  	v1 =	vtrunc.f32 v1  }
0x3dd: {  	v1 =	vcvt.f32.s32 v1;
	_ =	sdelay $0x1  }
0x3de: {  	[tilespmem:$0x20A0] =	vst v1  }
0x3df: {  	v1 =	vld.idx.msk [tilespmem:v2+s8+$0x0], $0xffff;
	_ =	sdelay $0x3  }
0x3e0: {  	v2 =	vadd.s32 $0xA26, v0  }
0x3e1: {  	v1 =	vtrunc.f32 v1  }
0x3e2: {  	v1 =	vcvt.f32.s32 v1;
	_ =	sdelay $0x1  }
0x3e3: {  	[tilespmem:$0x20B0] =	vst v1  }
0x3e4: {  	v1 =	vld.idx.msk [tilespmem:v2+s8+$0x0], $0xffff;
	_ =	sdelay $0x3  }
0x3e5: {  	v2 =	vadd.s32 $0xCA6, v0  }
0x3e6: {  	v1 =	vtrunc.f32 v1  }
0x3e7: {  	v1 =	vcvt.f32.s32 v1;
	_ =	sdelay $0x1  }
0x3e8: {  	[tilespmem:$0x20C0] =	vst v1  }
0x3e9: {  	v1 =	vld.idx.msk [tilespmem:v2+s8+$0x0], $0xffff;
	_ =	sdelay $0x3  }
0x3ea: {  	v2 =	vadd.s32 $0xF26, v0  }
0x3eb: {  	v1 =	vtrunc.f32 v1  }
0x3ec: {  	v1 =	vcvt.f32.s32 v1;
	_ =	sdelay $0x1  }
0x3ed: {  	[tilespmem:$0x20D0] =	vst v1  }
0x3ee: {  	v1 =	vld.idx.msk [tilespmem:v2+s8+$0x0], $0xffff;
	_ =	sdelay $0x3  }
0x3ef: {  	v2 =	vadd.s32 $0x11A6, v0  }
0x3f0: {  	v1 =	vtrunc.f32 v1  }
0x3f1: {  	v1 =	vcvt.f32.s32 v1;
	_ =	sdelay $0x1  }
0x3f2: {  	[tilespmem:$0x20E0] =	vst v1  }
0x3f3: {  	v1 =	vld.idx.msk [tilespmem:v2+s8+$0x0], $0xffff;
	_ =	sdelay $0x4  }
0x3f4: {  	v1 =	vtrunc.f32 v1  }
0x3f5: {  	v1 =	vcvt.f32.s32 v1;
	_ =	sdelay $0x1  }
0x3f6: {  	s7 =	simm.s32 $0x1400;
	s8 =	simm.s32 $0x2100;
	[tilespmem:$0x20F0] =	vst v1  }
0x3f7: {  	[tilespmem:s8], [sflag:$0x1] =	stream.indirect.gather [hbm4b:s31+s1], $0x20, s7, s1, $0xb8;
	[tilespmem:$0x1D100] =	vst v63  }
0x3f8: {  	s6 =	rddreg [dreg:$0x4];
	s7 =	simm.s32 $0x1480;
	s8 =	simm.s32 $0x3100  }
0x3f9: {  	[tilespmem:s8], [sflag:$0x1] =	stream.indirect.gather [hbm4b:s6+s1], $0x20, s7, s1, $0xb8;
	[tilespmem:$0x1D100] =	vst v63  }
0x3fa: {  	s6 =	rddreg [dreg:$0x5];
	s7 =	simm.s32 $0x1500;
	s8 =	simm.s32 $0x4100  }
0x3fb: {  	[tilespmem:s8], [sflag:$0x1] =	stream.indirect.gather [hbm4b:s6+s1], $0x20, s7, s1, $0xb8;
	[tilespmem:$0x1D100] =	vst v63  }
0x3fc: {  	s6 =	rddreg [dreg:$0x6];
	s7 =	simm.s32 $0x1580;
	s8 =	simm.s32 $0x5100  }
0x3fd: {  	[tilespmem:s8], [sflag:$0x1] =	stream.indirect.gather [hbm4b:s6+s1], $0x20, s7, s1, $0xb8;
	[tilespmem:$0x1D100] =	vst v63  }
0x3fe: {  	s6 =	rddreg [dreg:$0x7];
	s7 =	simm.s32 $0x1600;
	s8 =	simm.s32 $0x6100  }
0x3ff: {  	[tilespmem:s8], [sflag:$0x1] =	stream.indirect.gather [hbm4b:s6+s1], $0x20, s7, s1, $0xb8;
	[tilespmem:$0x1D100] =	vst v63  }
0x400: {  	s7 =	simm.s32 $0x1680;
	s8 =	simm.s32 $0x7100  }
0x401: {  	[tilespmem:s8], [sflag:$0x1] =	stream.indirect.gather [hbm4b:s9+s1], $0x20, s7, s1, $0xb8;
	[tilespmem:$0x1D100] =	vst v63  }
0x402: {  	s7 =	simm.s32 $0x1700;
	s8 =	simm.s32 $0x8100  }
0x403: {  	[tilespmem:s8], [sflag:$0x1] =	stream.indirect.gather [hbm4b:s10+s1], $0x20, s7, s1, $0xb8;
	[tilespmem:$0x1D100] =	vst v63  }
0x404: {  	s7 =	simm.s32 $0x1780;
	s8 =	simm.s32 $0x9100  }
0x405: {  	[tilespmem:s8], [sflag:$0x1] =	stream.indirect.gather [hbm4b:s11+s1], $0x20, s7, s1, $0xb8;
	[tilespmem:$0x1D100] =	vst v63  }
0x406: {  	s7 =	simm.s32 $0x1800;
	s8 =	simm.s32 $0xA100  }
0x407: {  	[tilespmem:s8], [sflag:$0x1] =	stream.indirect.gather [hbm4b:s12+s1], $0x20, s7, s1, $0xb8;
	[tilespmem:$0x1D100] =	vst v63  }
0x408: {  	s7 =	simm.s32 $0x1880;
	s8 =	simm.s32 $0xB100  }
0x409: {  	[tilespmem:s8], [sflag:$0x1] =	stream.indirect.gather [hbm4b:s13+s1], $0x20, s7, s1, $0xb8;
	[tilespmem:$0x1D100] =	vst v63  }
0x40a: {  	s7 =	simm.s32 $0x1900;
	s8 =	simm.s32 $0xC100  }
0x40b: {  	[tilespmem:s8], [sflag:$0x1] =	stream.indirect.gather [hbm4b:s14+s1], $0x20, s7, s1, $0xb8;
	[tilespmem:$0x1D100] =	vst v63  }
0x40c: {  	s7 =	simm.s32 $0x1980;
	s8 =	simm.s32 $0xD100  }
0x40d: {  	[tilespmem:s8], [sflag:$0x1] =	stream.indirect.gather [hbm4b:s15+s1], $0x20, s7, s1, $0xb8;
	[tilespmem:$0x1D100] =	vst v63  }
0x40e: {  	s7 =	simm.s32 $0x1A00;
	s8 =	simm.s32 $0xE100  }
0x40f: {  	[tilespmem:s8], [sflag:$0x1] =	stream.indirect.gather [hbm4b:s16+s1], $0x20, s7, s1, $0xb8;
	[tilespmem:$0x1D100] =	vst v63  }
0x410: {  	s7 =	simm.s32 $0x1A80;
	s8 =	simm.s32 $0xF100  }
0x411: {  	[tilespmem:s8], [sflag:$0x1] =	stream.indirect.gather [hbm4b:s17+s1], $0x20, s7, s1, $0xb8;
	[tilespmem:$0x1D100] =	vst v63  }
0x412: {  	s7 =	simm.s32 $0x1B00;
	s8 =	simm.s32 $0x10100  }
0x413: {  	[tilespmem:s8], [sflag:$0x1] =	stream.indirect.gather [hbm4b:s18+s1], $0x20, s7, s1, $0xb8;
	[tilespmem:$0x1D100] =	vst v63  }
0x414: {  	s7 =	simm.s32 $0x1B80;
	s8 =	simm.s32 $0x11100  }
0x415: {  	[tilespmem:s8], [sflag:$0x1] =	stream.indirect.gather [hbm4b:s19+s1], $0x20, s7, s1, $0xb8;
	[tilespmem:$0x1D100] =	vst v63  }
0x416: {  	s7 =	simm.s32 $0x1C00;
	s8 =	simm.s32 $0x12100  }
0x417: {  	[tilespmem:s8], [sflag:$0x1] =	stream.indirect.gather [hbm4b:s20+s1], $0x20, s7, s1, $0xb8;
	[tilespmem:$0x1D100] =	vst v63  }
0x418: {  	s7 =	simm.s32 $0x1C80;
	s8 =	simm.s32 $0x13100  }
0x419: {  	[tilespmem:s8], [sflag:$0x1] =	stream.indirect.gather [hbm4b:s21+s1], $0x20, s7, s1, $0xb8;
	[tilespmem:$0x1D100] =	vst v63  }
0x41a: {  	s7 =	simm.s32 $0x1D00;
	s8 =	simm.s32 $0x14100  }
0x41b: {  	[tilespmem:s8], [sflag:$0x1] =	stream.indirect.gather [hbm4b:s22+s1], $0x20, s7, s1, $0xb8;
	[tilespmem:$0x1D100] =	vst v63  }
0x41c: {  	s7 =	simm.s32 $0x1D80;
	s8 =	simm.s32 $0x15100  }
0x41d: {  	[tilespmem:s8], [sflag:$0x1] =	stream.indirect.gather [hbm4b:s23+s1], $0x20, s7, s1, $0xb8;
	[tilespmem:$0x1D100] =	vst v63  }
0x41e: {  	s7 =	simm.s32 $0x1E00;
	s8 =	simm.s32 $0x16100  }
0x41f: {  	[tilespmem:s8], [sflag:$0x1] =	stream.indirect.gather [hbm4b:s24+s1], $0x20, s7, s1, $0xb8;
	[tilespmem:$0x1D100] =	vst v63  }
0x420: {  	s7 =	simm.s32 $0x1E80;
	s8 =	simm.s32 $0x17100  }
0x421: {  	[tilespmem:s8], [sflag:$0x1] =	stream.indirect.gather [hbm4b:s25+s1], $0x20, s7, s1, $0xb8;
	[tilespmem:$0x1D100] =	vst v63  }
0x422: {  	s7 =	simm.s32 $0x1F00;
	s8 =	simm.s32 $0x18100  }
0x423: {  	[tilespmem:s8], [sflag:$0x1] =	stream.indirect.gather [hbm4b:s26+s1], $0x20, s7, s1, $0xb8;
	[tilespmem:$0x1D100] =	vst v63  }
0x424: {  	s7 =	simm.s32 $0x1F80;
	s8 =	simm.s32 $0x19100  }
0x425: {  	[tilespmem:s8], [sflag:$0x1] =	stream.indirect.gather [hbm4b:s29+s1], $0x20, s7, s1, $0xb8;
	[tilespmem:$0x1D100] =	vst v63  }
0x426: {  	s7 =	simm.s32 $0x2000;
	s8 =	simm.s32 $0x1A100  }
0x427: {  	[tilespmem:s8], [sflag:$0x1] =	stream.indirect.gather [hbm4b:s30+s1], $0x20, s7, s1, $0xb8;
	[tilespmem:$0x1D100] =	vst v63  }
0x428: {  	s7 =	simm.s32 $0x2080;
	s8 =	simm.s32 $0x1B100  }
0x429: {  	[tilespmem:s8], [sflag:$0x1] =	stream.indirect.gather [hbm4b:s0+s1], $0x20, s7, s1, $0xb8;
	[tilespmem:$0x1D100] =	vst v63  }
0x42a: {  	_ =	swait.ge [sflag:s3], $0x1000  }
0x42b: {  	[sflag:s3] =	ssyncset.done $0x0  }
0x42c: {  	[sflag:s3] =	ssyncadd.s32 $0xFFFFF000  }
0x42d: {  	_ =	swait.ge [sflag:s3], $0x1000  }
0x42e: {  	[sflag:s3] =	ssyncset.done $0x0  }
0x42f: {  	[sflag:s3] =	ssyncadd.s32 $0xFFFFF000  }
0x430: {  	_ =	swait.ge [sflag:s3], $0x1000  }
0x431: {  	[sflag:s3] =	ssyncset.done $0x0  }
0x432: {  	[sflag:s3] =	ssyncadd.s32 $0xFFFFF000  }
0x433: {  	_ =	swait.ge [sflag:s3], $0x1000  }
0x434: {  	[sflag:s3] =	ssyncset.done $0x0  }
0x435: {  	[sflag:s3] =	ssyncadd.s32 $0xFFFFF000  }
0x436: {  	_ =	swait.ge [sflag:s3], $0x1000  }
0x437: {  	[sflag:s3] =	ssyncset.done $0x0  }
0x438: {  	[sflag:s3] =	ssyncadd.s32 $0xFFFFF000  }
0x439: {  	_ =	swait.ge [sflag:s3], $0x1000  }
0x43a: {  	[sflag:s3] =	ssyncset.done $0x0  }
0x43b: {  	[sflag:s3] =	ssyncadd.s32 $0xFFFFF000  }
0x43c: {  	_ =	swait.ge [sflag:s3], $0x1000  }
0x43d: {  	[sflag:s3] =	ssyncset.done $0x0  }
0x43e: {  	[sflag:s3] =	ssyncadd.s32 $0xFFFFF000  }
0x43f: {  	_ =	swait.ge [sflag:s3], $0x1000  }
0x440: {  	[sflag:s3] =	ssyncset.done $0x0  }
0x441: {  	[sflag:s3] =	ssyncadd.s32 $0xFFFFF000  }
0x442: {  	_ =	swait.ge [sflag:s3], $0x1000  }
0x443: {  	[sflag:s3] =	ssyncset.done $0x0  }
0x444: {  	[sflag:s3] =	ssyncadd.s32 $0xFFFFF000  }
0x445: {  	_ =	swait.ge [sflag:s3], $0x1000  }
0x446: {  	[sflag:s3] =	ssyncset.done $0x0  }
0x447: {  	[sflag:s3] =	ssyncadd.s32 $0xFFFFF000  }
0x448: {  	_ =	swait.ge [sflag:s3], $0x1000  }
0x449: {  	[sflag:s3] =	ssyncset.done $0x0  }
0x44a: {  	[sflag:s3] =	ssyncadd.s32 $0xFFFFF000  }
0x44b: {  	_ =	swait.ge [sflag:s3], $0x1000  }
0x44c: {  	[sflag:s3] =	ssyncset.done $0x0  }
0x44d: {  	[sflag:s3] =	ssyncadd.s32 $0xFFFFF000  }
0x44e: {  	_ =	swait.ge [sflag:s3], $0x1000  }
0x44f: {  	[sflag:s3] =	ssyncset.done $0x0  }
0x450: {  	[sflag:s3] =	ssyncadd.s32 $0xFFFFF000  }
0x451: {  	_ =	swait.ge [sflag:s3], $0x1000  }
0x452: {  	[sflag:s3] =	ssyncset.done $0x0  }
0x453: {  	[sflag:s3] =	ssyncadd.s32 $0xFFFFF000  }
0x454: {  	_ =	swait.ge [sflag:s3], $0x1000  }
0x455: {  	[sflag:s3] =	ssyncset.done $0x0  }
0x456: {  	[sflag:s3] =	ssyncadd.s32 $0xFFFFF000  }
0x457: {  	_ =	swait.ge [sflag:s3], $0x1000  }
0x458: {  	[sflag:s3] =	ssyncset.done $0x0  }
0x459: {  	[sflag:s3] =	ssyncadd.s32 $0xFFFFF000  }
0x45a: {  	_ =	swait.ge [sflag:s3], $0x1000  }
0x45b: {  	[sflag:s3] =	ssyncset.done $0x0  }
0x45c: {  	[sflag:s3] =	ssyncadd.s32 $0xFFFFF000  }
0x45d: {  	_ =	swait.ge [sflag:s3], $0x1000  }
0x45e: {  	[sflag:s3] =	ssyncset.done $0x0  }
0x45f: {  	[sflag:s3] =	ssyncadd.s32 $0xFFFFF000  }
0x460: {  	_ =	swait.ge [sflag:s3], $0x1000  }
0x461: {  	[sflag:s3] =	ssyncset.done $0x0  }
0x462: {  	[sflag:s3] =	ssyncadd.s32 $0xFFFFF000  }
0x463: {  	_ =	swait.ge [sflag:s3], $0x1000  }
0x464: {  	[sflag:s3] =	ssyncset.done $0x0  }
0x465: {  	[sflag:s3] =	ssyncadd.s32 $0xFFFFF000  }
0x466: {  	_ =	swait.ge [sflag:s3], $0x1000  }
0x467: {  	[sflag:s3] =	ssyncset.done $0x0  }
0x468: {  	[sflag:s3] =	ssyncadd.s32 $0xFFFFF000  }
0x469: {  	_ =	swait.ge [sflag:s3], $0x1000  }
0x46a: {  	[sflag:s3] =	ssyncset.done $0x0  }
0x46b: {  	[sflag:s3] =	ssyncadd.s32 $0xFFFFF000  }
0x46c: {  	_ =	swait.ge [sflag:s3], $0x1000  }
0x46d: {  	[sflag:s3] =	ssyncset.done $0x0  }
0x46e: {  	[sflag:s3] =	ssyncadd.s32 $0xFFFFF000  }
0x46f: {  	_ =	swait.ge [sflag:s3], $0x1000  }
0x470: {  	[sflag:s3] =	ssyncset.done $0x0  }
0x471: {  	[sflag:s3] =	ssyncadd.s32 $0xFFFFF000  }
0x472: {  	_ =	swait.ge [sflag:s3], $0x1000  }
0x473: {  	[sflag:s3] =	ssyncset.done $0x0  }
0x474: {  	[sflag:s3] =	ssyncadd.s32 $0xFFFFF000  }
0x475: {  	_ =	swait.ge [sflag:s3], $0x1000  }
0x476: {  	[sflag:s3] =	ssyncset.done $0x0  }
0x477: {  	s6 =	simm.s32 $0x0;
	[sflag:s3] =	ssyncadd.s32 $0xFFFFF000  }
0x478: {  	v1 =	vld [tilespmem:s6+$0x2110]  }
0x479: {  	v2 =	vld [tilespmem:s6+$0x3110]  }
0x47a: {  	v3 =	vld [tilespmem:s6+$0x2100]  }
0x47b: {  	v4 =	vld [tilespmem:s6+$0x4110]  }
0x47c: {  	v5 =	vld [tilespmem:s6+$0x3100]  }
0x47d: {  	v6 =	vld [tilespmem:s6+$0x5110]  }
0x47e: {  	v1 =	vadd.f32 v2, v1;
	v2 =	vld [tilespmem:s6+$0x4100]  }
0x47f: {  	v7 =	vld [tilespmem:s6+$0x6110]  }
0x480: {  	v1 =	vadd.f32 v4, v1;
	v4 =	vld [tilespmem:s6+$0x5100]  }
0x481: {  	v8 =	vld [tilespmem:s6+$0x7110];
	v3 =	vadd.f32 v5, v3  }
0x482: {  	v5 =	vld [tilespmem:s6+$0x6100];
	v1 =	vadd.f32 v6, v1  }
0x483: {  	v6 =	vld [tilespmem:s6+$0x8110];
	v2 =	vadd.f32 v2, v3  }
0x484: {  	v3 =	vld [tilespmem:s6+$0x7100];
	v1 =	vadd.f32 v7, v1  }
0x485: {  	v7 =	vld [tilespmem:s6+$0x9110];
	v2 =	vadd.f32 v4, v2  }
0x486: {  	v4 =	vld [tilespmem:s6+$0x8100];
	v1 =	vadd.f32 v8, v1  }
0x487: {  	v8 =	vld [tilespmem:s6+$0xA110];
	v2 =	vadd.f32 v5, v2  }
0x488: {  	v5 =	vld [tilespmem:s6+$0x9100];
	v1 =	vadd.f32 v6, v1  }
0x489: {  	v6 =	vld [tilespmem:s6+$0xB110];
	v2 =	vadd.f32 v3, v2  }
0x48a: {  	v3 =	vld [tilespmem:s6+$0xA100];
	v1 =	vadd.f32 v7, v1  }
0x48b: {  	v7 =	vld [tilespmem:s6+$0xC110];
	v2 =	vadd.f32 v4, v2  }
0x48c: {  	v4 =	vld [tilespmem:s6+$0xB100];
	v1 =	vadd.f32 v8, v1  }
0x48d: {  	v8 =	vld [tilespmem:s6+$0xD110];
	v2 =	vadd.f32 v5, v2  }
0x48e: {  	v5 =	vld [tilespmem:s6+$0xC100];
	v1 =	vadd.f32 v6, v1  }
0x48f: {  	v6 =	vld [tilespmem:s6+$0xE110];
	v2 =	vadd.f32 v3, v2  }
0x490: {  	v3 =	vld [tilespmem:s6+$0xD100];
	v1 =	vadd.f32 v7, v1  }
0x491: {  	v7 =	vld [tilespmem:s6+$0xF110];
	v2 =	vadd.f32 v4, v2  }
0x492: {  	v4 =	vld [tilespmem:s6+$0xE100];
	v1 =	vadd.f32 v8, v1  }
0x493: {  	v8 =	vld [tilespmem:s6+$0x10110];
	v2 =	vadd.f32 v5, v2  }
0x494: {  	v5 =	vld [tilespmem:s6+$0xF100];
	v1 =	vadd.f32 v6, v1  }
0x495: {  	v6 =	vld [tilespmem:s6+$0x11110];
	v2 =	vadd.f32 v3, v2  }
0x496: {  	v3 =	vld [tilespmem:s6+$0x10100];
	v1 =	vadd.f32 v7, v1  }
0x497: {  	v7 =	vld [tilespmem:s6+$0x12110];
	v2 =	vadd.f32 v4, v2  }
0x498: {  	v4 =	vld [tilespmem:s6+$0x11100];
	v1 =	vadd.f32 v8, v1  }
0x499: {  	v8 =	vld [tilespmem:s6+$0x13110];
	v2 =	vadd.f32 v5, v2  }
0x49a: {  	v5 =	vld [tilespmem:s6+$0x12100];
	v1 =	vadd.f32 v6, v1  }
0x49b: {  	v6 =	vld [tilespmem:s6+$0x14110];
	v2 =	vadd.f32 v3, v2  }
0x49c: {  	v3 =	vld [tilespmem:s6+$0x13100];
	v1 =	vadd.f32 v7, v1  }
0x49d: {  	v7 =	vld [tilespmem:s6+$0x15110];
	v2 =	vadd.f32 v4, v2  }
0x49e: {  	v4 =	vld [tilespmem:s6+$0x14100];
	v1 =	vadd.f32 v8, v1  }
0x49f: {  	v8 =	vld [tilespmem:s6+$0x16110];
	v2 =	vadd.f32 v5, v2  }
0x4a0: {  	v5 =	vld [tilespmem:s6+$0x15100];
	v1 =	vadd.f32 v6, v1  }
0x4a1: {  	v6 =	vld [tilespmem:s6+$0x17110];
	v2 =	vadd.f32 v3, v2  }
0x4a2: {  	v3 =	vld [tilespmem:s6+$0x16100];
	v1 =	vadd.f32 v7, v1  }
0x4a3: {  	v7 =	vld [tilespmem:s6+$0x18110];
	v2 =	vadd.f32 v4, v2  }
0x4a4: {  	v1 =	vadd.f32 v8, v1;
	v8 =	vld [tilespmem:s6+$0x17100]  }
0x4a5: {  	v9 =	vld [tilespmem:s6+$0x19110];
	v2 =	vadd.f32 v5, v2  }
0x4a6: {  	v1 =	vadd.f32 v6, v1;
	v6 =	vld [tilespmem:s6+$0x18100]  }
0x4a7: {  	v10 =	vld [tilespmem:s6+$0x1A110];
	v2 =	vadd.f32 v3, v2  }
0x4a8: {  	v3 =	vld [tilespmem:s6+$0x19100];
	v1 =	vadd.f32 v7, v1  }
0x4a9: {  	v4 =	vld [tilespmem:s6+$0x1B110];
	v7 =	vadd.f32 v8, v2  }
0x4aa: {  	v5 =	vld [tilespmem:s6+$0x1A100];
	v1 =	vadd.f32 v9, v1  }
0x4ab: {  	s8 =	simm.s32 $0x20;
	v2 =	vld [tilespmem:s6+$0x1B100];
	v6 =	vadd.f32 v6, v7  }
0x4ac: {  	s7 =	simm.s32 $0x100;
	v7 =	vadd.f32 v10, v1;
	v1 =	vld [tilespmem:s8+$0x2110]  }
.LBB2_3:
0x4ad: {  	p0 =	sne.s32 s7, $0x3F80;
	v8 =	vld [tilespmem:s8+$0x3110];
	v3 =	vadd.f32 v3, v6  }
0x4ae: {  	v6 =	vld [tilespmem:s8+$0x2100];
	v4 =	vadd.f32 v4, v7  }
0x4af: {  	v7 =	vld [tilespmem:s8+$0x4110];
	v3 =	vadd.f32 v5, v3  }
0x4b0: {  	v5 =	vld [tilespmem:s8+$0x3100];
	[tilespmem:s6+$0x1C110] =	vst v4  }
0x4b1: {  	v4 =	vld [tilespmem:s8+$0x5110];
	v2 =	vadd.f32 v2, v3  }
0x4b2: {  	v1 =	vadd.f32 v8, v1;
	v3 =	vld [tilespmem:s8+$0x4100]  }
0x4b3: {  	v8 =	vld [tilespmem:s8+$0x6110];
	[tilespmem:s6+$0x1C100] =	vst v2;
	s6 =	smov.u32 s8  }
0x4b4: {  	v1 =	vadd.f32 v7, v1;
	v2 =	vld [tilespmem:s6+$0x5100]  }
0x4b5: {  	v5 =	vadd.f32 v5, v6;
	v6 =	vld [tilespmem:s6+$0x7110]  }
0x4b6: {  	v1 =	vadd.f32 v4, v1;
	v4 =	vld [tilespmem:s6+$0x6100]  }
0x4b7: {  	v3 =	vadd.f32 v3, v5;
	v5 =	vld [tilespmem:s6+$0x8110]  }
0x4b8: {  	v1 =	vadd.f32 v8, v1;
	v7 =	vld [tilespmem:s6+$0x7100]  }
0x4b9: {  	v2 =	vadd.f32 v2, v3;
	v3 =	vld [tilespmem:s6+$0x9110]  }
0x4ba: {  	v1 =	vadd.f32 v6, v1;
	v6 =	vld [tilespmem:s6+$0x8100]  }
0x4bb: {  	v2 =	vadd.f32 v4, v2;
	v4 =	vld [tilespmem:s6+$0xA110]  }
0x4bc: {  	v1 =	vadd.f32 v5, v1;
	v5 =	vld [tilespmem:s6+$0x9100]  }
0x4bd: {  	v2 =	vadd.f32 v7, v2;
	v7 =	vld [tilespmem:s6+$0xB110]  }
0x4be: {  	v1 =	vadd.f32 v3, v1;
	v3 =	vld [tilespmem:s6+$0xA100]  }
0x4bf: {  	v2 =	vadd.f32 v6, v2;
	v6 =	vld [tilespmem:s6+$0xC110]  }
0x4c0: {  	v1 =	vadd.f32 v4, v1;
	v4 =	vld [tilespmem:s6+$0xB100]  }
0x4c1: {  	v2 =	vadd.f32 v5, v2;
	v5 =	vld [tilespmem:s6+$0xD110]  }
0x4c2: {  	v1 =	vadd.f32 v7, v1;
	v7 =	vld [tilespmem:s6+$0xC100]  }
0x4c3: {  	v2 =	vadd.f32 v3, v2;
	v3 =	vld [tilespmem:s6+$0xE110]  }
0x4c4: {  	v1 =	vadd.f32 v6, v1;
	v6 =	vld [tilespmem:s6+$0xD100]  }
0x4c5: {  	v2 =	vadd.f32 v4, v2;
	v4 =	vld [tilespmem:s6+$0xF110]  }
0x4c6: {  	v1 =	vadd.f32 v5, v1;
	v5 =	vld [tilespmem:s6+$0xE100]  }
0x4c7: {  	v2 =	vadd.f32 v7, v2;
	v7 =	vld [tilespmem:s6+$0x10110]  }
0x4c8: {  	v1 =	vadd.f32 v3, v1;
	v3 =	vld [tilespmem:s6+$0xF100]  }
0x4c9: {  	v2 =	vadd.f32 v6, v2;
	v6 =	vld [tilespmem:s6+$0x11110]  }
0x4ca: {  	v1 =	vadd.f32 v4, v1;
	v4 =	vld [tilespmem:s6+$0x10100]  }
0x4cb: {  	v2 =	vadd.f32 v5, v2;
	v5 =	vld [tilespmem:s6+$0x12110]  }
0x4cc: {  	v1 =	vadd.f32 v7, v1;
	v7 =	vld [tilespmem:s6+$0x11100]  }
0x4cd: {  	v2 =	vadd.f32 v3, v2;
	v3 =	vld [tilespmem:s6+$0x13110]  }
0x4ce: {  	v1 =	vadd.f32 v6, v1;
	v6 =	vld [tilespmem:s6+$0x12100]  }
0x4cf: {  	v2 =	vadd.f32 v4, v2;
	v4 =	vld [tilespmem:s6+$0x14110]  }
0x4d0: {  	v1 =	vadd.f32 v5, v1;
	v5 =	vld [tilespmem:s6+$0x13100]  }
0x4d1: {  	v2 =	vadd.f32 v7, v2;
	v7 =	vld [tilespmem:s6+$0x15110]  }
0x4d2: {  	v1 =	vadd.f32 v3, v1;
	v3 =	vld [tilespmem:s6+$0x14100]  }
0x4d3: {  	v2 =	vadd.f32 v6, v2;
	v6 =	vld [tilespmem:s6+$0x16110]  }
0x4d4: {  	v1 =	vadd.f32 v4, v1;
	v4 =	vld [tilespmem:s6+$0x15100]  }
0x4d5: {  	v2 =	vadd.f32 v5, v2;
	v5 =	vld [tilespmem:s6+$0x17110]  }
0x4d6: {  	v1 =	vadd.f32 v7, v1;
	v7 =	vld [tilespmem:s6+$0x16100]  }
0x4d7: {  	v2 =	vadd.f32 v3, v2;
	v3 =	vld [tilespmem:s6+$0x18110]  }
0x4d8: {  	v1 =	vadd.f32 v6, v1;
	v6 =	vld [tilespmem:s6+$0x17100]  }
0x4d9: {  	v2 =	vadd.f32 v4, v2;
	v8 =	vld [tilespmem:s6+$0x19110]  }
0x4da: {  	v1 =	vadd.f32 v5, v1;
	v9 =	vld [tilespmem:s6+$0x18100]  }
0x4db: {  	v2 =	vadd.f32 v7, v2;
	v7 =	vld [tilespmem:s6+$0x1A110]  }
.Ltmp0:
0x4dc: {  	v1 =	vadd.f32 v3, v1;
	v3 =	vld [tilespmem:s6+$0x19100];
	(pc) =	sbr.rel @p0 .LBB2_3-.Ltmp0, $4  }
0x4dd: {  	v2 =	vadd.f32 v6, v2;
	v4 =	vld [tilespmem:s6+$0x1B110]  }
0x4de: {  	v8 =	vadd.f32 v8, v1;
	v5 =	vld [tilespmem:s6+$0x1A100]  }
0x4df: {  	s8 =	sshra.s32 s7, $0x2;
	v6 =	vadd.f32 v9, v2;
	v2 =	vld [tilespmem:s6+$0x1B100]  }
0x4e0: {  	s7 =	sadd.s32 $0x80, s7;
	v1 =	vld [tilespmem:s8+$0x2110];
	v7 =	vadd.f32 v7, v8  }
0x4e1: {  	v8 =	vld [tilespmem:s8+$0x3110];
	v3 =	vadd.f32 v3, v6  }
0x4e2: {  	v9 =	vld [tilespmem:s8+$0x2100];
	v4 =	vadd.f32 v4, v7  }
0x4e3: {  	v6 =	vld [tilespmem:s8+$0x4110];
	v3 =	vadd.f32 v5, v3  }
0x4e4: {  	v7 =	vld [tilespmem:s8+$0x3100];
	[tilespmem:s6+$0x1C110] =	vst v4  }
0x4e5: {  	v4 =	vld [tilespmem:s8+$0x5110];
	v2 =	vadd.f32 v2, v3  }
0x4e6: {  	v3 =	vld [tilespmem:s8+$0x4100]  }
0x4e7: {  	v5 =	vld [tilespmem:s8+$0x6110];
	[tilespmem:s6+$0x1C100] =	vst v2  }
0x4e8: {  	v1 =	vadd.f32 v8, v1;
	v2 =	vld [tilespmem:s8+$0x5100]  }
0x4e9: {  	v7 =	vadd.f32 v7, v9  }
0x4ea: {  	v1 =	vadd.f32 v6, v1;
	v6 =	vld [tilespmem:s8+$0x6100]  }
0x4eb: {  	v8 =	vld [tilespmem:s8+$0x7110];
	v3 =	vadd.f32 v3, v7  }
0x4ec: {  	v1 =	vadd.f32 v4, v1;
	v4 =	vld [tilespmem:s8+$0x7100]  }
0x4ed: {  	v7 =	vld [tilespmem:s8+$0x8110];
	v2 =	vadd.f32 v2, v3  }
0x4ee: {  	v1 =	vadd.f32 v5, v1;
	v3 =	vld [tilespmem:s8+$0x8100]  }
0x4ef: {  	v5 =	vld [tilespmem:s8+$0x9110];
	v2 =	vadd.f32 v6, v2  }
0x4f0: {  	v1 =	vadd.f32 v8, v1;
	v6 =	vld [tilespmem:s8+$0x9100]  }
0x4f1: {  	v8 =	vld [tilespmem:s8+$0xA110];
	v2 =	vadd.f32 v4, v2  }
0x4f2: {  	v1 =	vadd.f32 v7, v1;
	v4 =	vld [tilespmem:s8+$0xA100]  }
0x4f3: {  	v7 =	vld [tilespmem:s8+$0xB110];
	v2 =	vadd.f32 v3, v2  }
0x4f4: {  	v1 =	vadd.f32 v5, v1;
	v3 =	vld [tilespmem:s8+$0xB100]  }
0x4f5: {  	v5 =	vld [tilespmem:s8+$0xC110];
	v2 =	vadd.f32 v6, v2  }
0x4f6: {  	v1 =	vadd.f32 v8, v1;
	v6 =	vld [tilespmem:s8+$0xC100]  }
0x4f7: {  	v8 =	vld [tilespmem:s8+$0xD110];
	v2 =	vadd.f32 v4, v2  }
0x4f8: {  	v1 =	vadd.f32 v7, v1;
	v4 =	vld [tilespmem:s8+$0xD100]  }
0x4f9: {  	v7 =	vld [tilespmem:s8+$0xE110];
	v2 =	vadd.f32 v3, v2  }
0x4fa: {  	v1 =	vadd.f32 v5, v1;
	v3 =	vld [tilespmem:s8+$0xE100]  }
0x4fb: {  	v5 =	vld [tilespmem:s8+$0xF110];
	v2 =	vadd.f32 v6, v2  }
0x4fc: {  	v1 =	vadd.f32 v8, v1;
	v6 =	vld [tilespmem:s8+$0xF100]  }
0x4fd: {  	v8 =	vld [tilespmem:s8+$0x10110];
	v2 =	vadd.f32 v4, v2  }
0x4fe: {  	v1 =	vadd.f32 v7, v1;
	v4 =	vld [tilespmem:s8+$0x10100]  }
0x4ff: {  	v7 =	vld [tilespmem:s8+$0x11110];
	v2 =	vadd.f32 v3, v2  }
0x500: {  	v1 =	vadd.f32 v5, v1;
	v3 =	vld [tilespmem:s8+$0x11100]  }
0x501: {  	v5 =	vld [tilespmem:s8+$0x12110];
	v2 =	vadd.f32 v6, v2  }
0x502: {  	v1 =	vadd.f32 v8, v1;
	v6 =	vld [tilespmem:s8+$0x12100]  }
0x503: {  	v8 =	vld [tilespmem:s8+$0x13110];
	v2 =	vadd.f32 v4, v2  }
0x504: {  	v1 =	vadd.f32 v7, v1;
	v4 =	vld [tilespmem:s8+$0x13100]  }
0x505: {  	v7 =	vld [tilespmem:s8+$0x14110];
	v2 =	vadd.f32 v3, v2  }
0x506: {  	v1 =	vadd.f32 v5, v1;
	v3 =	vld [tilespmem:s8+$0x14100]  }
0x507: {  	v5 =	vld [tilespmem:s8+$0x15110];
	v2 =	vadd.f32 v6, v2  }
0x508: {  	v1 =	vadd.f32 v8, v1;
	v6 =	vld [tilespmem:s8+$0x15100]  }
0x509: {  	v8 =	vld [tilespmem:s8+$0x16110];
	v2 =	vadd.f32 v4, v2  }
0x50a: {  	v1 =	vadd.f32 v7, v1;
	v4 =	vld [tilespmem:s8+$0x16100]  }
0x50b: {  	v7 =	vld [tilespmem:s8+$0x17110];
	v2 =	vadd.f32 v3, v2  }
0x50c: {  	v1 =	vadd.f32 v5, v1;
	v3 =	vld [tilespmem:s8+$0x17100]  }
0x50d: {  	v5 =	vld [tilespmem:s8+$0x18110];
	v2 =	vadd.f32 v6, v2  }
0x50e: {  	v1 =	vadd.f32 v8, v1;
	v6 =	vld [tilespmem:s8+$0x18100]  }
0x50f: {  	v8 =	vld [tilespmem:s8+$0x19110];
	v2 =	vadd.f32 v4, v2  }
0x510: {  	v1 =	vadd.f32 v7, v1;
	v4 =	vld [tilespmem:s8+$0x19100]  }
0x511: {  	v7 =	vld [tilespmem:s8+$0x1A110];
	v2 =	vadd.f32 v3, v2  }
0x512: {  	v1 =	vadd.f32 v5, v1;
	v3 =	vld [tilespmem:s8+$0x1A100]  }
0x513: {  	v5 =	vld [tilespmem:s8+$0x1B110];
	v2 =	vadd.f32 v6, v2  }
0x514: {  	v1 =	vadd.f32 v8, v1;
	v6 =	vld [tilespmem:s8+$0x1B100]  }
0x515: {  	v2 =	vadd.f32 v4, v2  }
0x516: {  	v1 =	vadd.f32 v7, v1  }
0x517: {  	v2 =	vadd.f32 v3, v2  }
0x518: {  	v1 =	vadd.f32 v5, v1  }
0x519: {  	s5 =	sshll.u32 s5, $0x2;
	s7 =	rddreg [dreg:$0x1];
	s4 =	sadd.s32 $0x1, s4;
	v2 =	vadd.f32 v6, v2  }
0x51a: {  	s5 =	sadd.s32 s7, s5;
	p0 =	sne.s32 s4, $0x4;
	[tilespmem:s8+$0x1C110] =	vst v1  }
.Ltmp1:
0x51b: {  	s7 =	simm.s32 $0x1C100;
	[tilespmem:s8+$0x1C100] =	vst v2;
	s8 =	simm.s32 $0x0;
	(pc) =	sbr.rel @p0 .LBB2_2-.Ltmp1, $4  }
0x51c: {  	[hbm4b:s5+s8] =	stream.linear.scatter [tilespmem:s7], [sflag:$0x2], $0x1000, $0x38;
	[tilespmem:$0x1D100] =	vst v63  }
0x51d: {  	_ =	swait.ge [sflag:s2], $0x1000  }
0x51e: {  	[sflag:s2] =	ssyncset.done $0x0  }
0x51f: {  	[sflag:s2] =	ssyncadd.s32 $0xFFFFF000  }
0x520: {  	s5 =	rddreg [dreg:$0x9]  }
0x521: {  	s4 =	rddreg [dreg:$0x8];
	s5 =	sadd.s32 $0x1, s5  }
0x522: {  	p0 =	sne.s32 s5, s4  }
.Ltmp2:
0x523: {  	_ = 	snop;
	(pc) =	sbr.rel @p0 .LBB2_1-.Ltmp2, $1  }
0x524: {  	_ =	sdelay $0x3  }
0x525: {  	_ =	sfence.sel $0x180000  }
0x526: {  	[bflag:$0x0] =	sbarrier.arrive $0xFFFF  }
0x527: {  	_ =	strace $0x90000047  }
0x528: {  	s0 =	stileid.u32;
	[bflag:$0x2] =	sbarrier.arrive $0xFFFF  }
0x529: {  	p0 =	sne.s32 s0, $0x0;
	s0 =	rddreg [dreg:$0x2]  }
0x52a: {  	s0 =	sadd.s32 @!p0 $0x100000, s0  }
0x52b: {  	[sflag:s0] =	ssyncadd.tile.s32 @!p0 $0x1;
	_ =	shalt  }
.Lfunc_end2:
_tile_overlayer_lowered:
.L_overlay_start_2:
0x52c: {  	(tag) =	ssettag $0x2  }
0x52d: {  	s0 =	rddreg [dreg:$0x0];
	s2 =	stileid.u32  }
0x52e: {  	s1 =	rddreg [dreg:$0x1];
	p0 =	sne.s32 s2, $0x0  }
0x52f: {  	s3 =	rddreg [dreg:$0x2];
	[bflag:$0x3] =	sbarrier.arrive $0xFFFF;
	s2 =	simm.s32 @!p0 $0x1C02  }
0x530: {  	[timem:s3], [sflag:s2] =	dma.local @!p0 [hbm:s0], s1  }
0x531: {  	s0 =	simm.s32 @!p0 $0x2  }
0x532: {  	_ =	swait.ge @!p0 [sflag:s0], s1  }
0x533: {  	s1 =	ssub.s32 @!p0 $0x0, s1;
	[sflag:s0] =	ssyncset.done @!p0 $0x0  }
0x534: {  	[sflag:s0] =	ssyncadd.s32 @!p0 s1  }
0x535: {  	[bflag:$0x3] =	sbarrier.arrive $0xFFFF  }
0x536: {  	_ =	shalt  }

</sc_bundles>
